<compile_context>
chip_gen: v7x
topology: tpu7x:2x2x1
jax: 0.10.2.dev20260603
libtpu: 0.0.44.dev20260713+nightly
codegen_flags: <defaults>
</compile_context>

<pallas_src>
import functools

import jax
import jax.numpy as jnp
from jax import lax
from jax.experimental import pallas as pl
from jax.experimental.pallas import tpu as pltpu
from jax.experimental.pallas import tpu_sc as plsc

N = 10000
E = 320000
D = 128

NC = 2
NS = 16
NW = NC * NS
EB = 128
NBLK = 160
EPS = NBLK * EB
E_PAD = NS * EPS
NBUF = 5
NQUAD = NBLK // NBUF
DEG_BLK = NBLK // NC
NPAD = 10240
ROWS_PER_TILE = NPAD // NS
ZROWS = 64
DEG_PER_TILE = NPAD // NS

RB = 1000
NB = N // RB

_MESH = dict(core_axis_name="c", subcore_axis_name="s",
             num_cores=NC, num_subcores=NS)
_SC_PARAMS = pltpu.CompilerParams(use_tc_tiling_on_sc=False)



def _deg_body(eidx_hbm, out_hbm, sidx_v, ones_v, stage_v, acc_sh):
    c = lax.axis_index("c")
    s = lax.axis_index("s")
    pltpu.sync_copy(eidx_hbm.at[0, s, pl.ds(c * DEG_BLK, DEG_BLK)], sidx_v)
    for j in range(128 // 16):
        ones_v[pl.ds(j * 16, 16)] = jnp.ones((16,), jnp.float32)
    for j in range(DEG_PER_TILE // 16):
        stage_v[pl.ds(j * 16, 16)] = jnp.zeros((16,), jnp.float32)
    pltpu.sync_copy(stage_v, acc_sh.at[pl.ds(s * DEG_PER_TILE, DEG_PER_TILE)])
    plsc.subcore_barrier()

    def step(j, carry):
        pltpu.sync_copy(ones_v, acc_sh.at[sidx_v.at[j]], add=True)
        return carry

    lax.fori_loop(0, DEG_BLK, step, 0)
    plsc.subcore_barrier()
    pltpu.sync_copy(acc_sh.at[pl.ds(s * DEG_PER_TILE, DEG_PER_TILE)], stage_v)
    pltpu.sync_copy(stage_v, out_hbm.at[c, pl.ds(s * DEG_PER_TILE, DEG_PER_TILE)])


_deg_call = pl.kernel(
    _deg_body,
    out_type=jax.ShapeDtypeStruct((NC, NPAD), jnp.float32),
    mesh=plsc.VectorSubcoreMesh(**_MESH),
    scratch_types=[
        pltpu.VMEM((DEG_BLK, EB), jnp.int32),
        pltpu.VMEM((EB,), jnp.float32),
        pltpu.VMEM((DEG_PER_TILE,), jnp.float32),
        pltpu.VMEM_SHARED((NPAD,), jnp.float32),
    ],
    compiler_params=_SC_PARAMS,
)


DH = D // 2


def _spmm_body(feat_hbm, eidx_hbm, out_hbm,
               sidx_v, didx_v, rows_v, zbuf_v, acc_sh, *sems):
    gsem = sems[:NBUF]
    ssem = sems[NBUF:]
    c = lax.axis_index("c")
    s = lax.axis_index("s")
    pltpu.sync_copy(eidx_hbm.at[0, s], sidx_v)
    pltpu.sync_copy(eidx_hbm.at[1, s], didx_v)
    feat_c = feat_hbm.at[c]

    def gissue(j, b):
        pltpu.async_copy(feat_c.at[sidx_v.at[j]], rows_v.at[b], gsem[b])

    def zrow(i, carry):
        for j in range(DH // 16):
            zbuf_v[i, pl.ds(j * 16, 16)] = jnp.zeros((16,), jnp.float32)
        return carry

    lax.fori_loop(0, ZROWS, zrow, 0)
    for k in range(ROWS_PER_TILE // ZROWS):
        pltpu.sync_copy(
            zbuf_v, acc_sh.at[pl.ds(s * ROWS_PER_TILE + k * ZROWS, ZROWS)])
    plsc.subcore_barrier()

    for b in range(NBUF):
        gissue(b, b)

    def quad(j4, carry):
        j = j4 * NBUF
        sdesc = []
        for b in range(NBUF):
            pltpu.make_async_copy(
                feat_c.at[sidx_v.at[j + b]], rows_v.at[b],
                gsem[b]).wait()
            sdesc.append(pltpu.async_copy(
                rows_v.at[b], acc_sh.at[didx_v.at[j + b]], ssem[b],
                add=True))
        for b in range(NBUF):
            sdesc[b].wait()

            @pl.when(j4 < NQUAD - 1)
            def _(b=b):
                gissue(j + NBUF + b, b)
        return carry

    lax.fori_loop(0, NQUAD, quad, 0)
    plsc.subcore_barrier()
    for k in range(ROWS_PER_TILE // ZROWS):
        r0 = s * ROWS_PER_TILE + k * ZROWS
        pltpu.sync_copy(acc_sh.at[pl.ds(r0, ZROWS)], zbuf_v)
        pltpu.sync_copy(zbuf_v, out_hbm.at[c, pl.ds(r0, ZROWS)])


_spmm_call = pl.kernel(
    _spmm_body,
    out_type=jax.ShapeDtypeStruct((NC, NPAD, DH), jnp.float32),
    mesh=plsc.VectorSubcoreMesh(**_MESH),
    scratch_types=[
        pltpu.VMEM((NBLK, EB), jnp.int32),
        pltpu.VMEM((NBLK, EB), jnp.int32),
        pltpu.VMEM((NBUF, EB, DH), jnp.float32),
        pltpu.VMEM((ZROWS, DH), jnp.float32),
        pltpu.VMEM_SHARED((NPAD, DH), jnp.float32),
    ] + [pltpu.SemaphoreType.DMA] * (2 * NBUF),
    compiler_params=_SC_PARAMS,
)


def _mid1_body(u_ref, dis_ref, zin_ref, w_ref, z_ref, stats_ref, ssum, ssq):
    i = pl.program_id(0)
    t = -dis_ref[...] * jnp.concatenate([u_ref[0], u_ref[1]], axis=1)
    z = zin_ref[...] + _dot(t, w_ref[...])
    z_ref[...] = z

    @pl.when(i == 0)
    def _():
        ssum[...] = jnp.zeros_like(ssum)
        ssq[...] = jnp.zeros_like(ssq)

    ssum[...] += jnp.sum(z, axis=0, keepdims=True)
    ssq[...] += jnp.sum(z * z, axis=0, keepdims=True)

    @pl.when(i == NB - 1)
    def _():
        stats_ref[...] = jnp.concatenate([ssum[...], ssq[...]], axis=0)


def _mid1_call(u, dis, zin, W1_1):
    return pl.pallas_call(
        _mid1_body,
        grid=(NB,),
        in_specs=[
            pl.BlockSpec((NC, RB, DH), lambda i: (0, i, 0)),
            pl.BlockSpec((RB, 1), lambda i: (i, 0)),
            pl.BlockSpec((RB, D), lambda i: (i, 0)),
            pl.BlockSpec((D, D), lambda i: (0, 0)),
        ],
        out_specs=[
            pl.BlockSpec((RB, D), lambda i: (i, 0)),
            pl.BlockSpec((2, D), lambda i: (0, 0)),
        ],
        out_shape=[
            jax.ShapeDtypeStruct((N, D), jnp.float32),
            jax.ShapeDtypeStruct((2, D), jnp.float32),
        ],
        scratch_shapes=[
            pltpu.VMEM((1, D), jnp.float32),
            pltpu.VMEM((1, D), jnp.float32),
        ],
        compiler_params=pltpu.CompilerParams(
            dimension_semantics=("arbitrary",)),
    )(u, dis, zin, W1_1)


def _fin_body(v_ref, dis_ref, hw_ref, w_ref, mu_ref, ls_ref):
    t = -dis_ref[...] * jnp.concatenate([v_ref[0], v_ref[1]], axis=1)
    cat = hw_ref[...] + _dot(t, w_ref[...])
    mu_ref[...] = cat[:, :DH]
    ls_ref[...] = cat[:, DH:]


def _fin_call(v, dis, hW, Wcat2):
    return pl.pallas_call(
        _fin_body,
        grid=(NB,),
        in_specs=[
            pl.BlockSpec((NC, RB, DH), lambda i: (0, i, 0)),
            pl.BlockSpec((RB, 1), lambda i: (i, 0)),
            pl.BlockSpec((RB, D), lambda i: (i, 0)),
            pl.BlockSpec((D, D), lambda i: (0, 0)),
        ],
        out_specs=[
            pl.BlockSpec((RB, DH), lambda i: (i, 0)),
            pl.BlockSpec((RB, DH), lambda i: (i, 0)),
        ],
        out_shape=[
            jax.ShapeDtypeStruct((N, DH), jnp.float32),
            jax.ShapeDtypeStruct((N, DH), jnp.float32),
        ],
    )(v, dis, hW, Wcat2)



def _dot(a, b):
    return jnp.dot(a, b, preferred_element_type=jnp.float32)


def _prep_body(deg_ref, x_ref, dis_ref, xp_ref):
    degb = deg_ref[0, 0] + deg_ref[1, 0]
    pos = degb > 0.0
    dis = jnp.where(pos, lax.rsqrt(jnp.where(pos, degb, 1.0)), 0.0)
    dis_ref[...] = dis
    xp = dis * x_ref[...]
    xp_ref[0] = xp[:, :DH]
    xp_ref[1] = xp[:, DH:]


def _prep_call(degp, x):
    deg4 = degp[:, :N].reshape(NC, NB, RB, 1)
    return pl.pallas_call(
        _prep_body,
        grid=(NB,),
        in_specs=[
            pl.BlockSpec((NC, 1, RB, 1), lambda i: (0, i, 0, 0)),
            pl.BlockSpec((RB, D), lambda i: (i, 0)),
        ],
        out_specs=[
            pl.BlockSpec((RB, 1), lambda i: (i, 0)),
            pl.BlockSpec((NC, RB, DH), lambda i: (0, i, 0)),
        ],
        out_shape=[
            jax.ShapeDtypeStruct((N, 1), jnp.float32),
            jax.ShapeDtypeStruct((NC, NPAD, DH), jnp.float32),
        ],
    )(deg4, x)


def _xw0_body(x_ref, w_ref, b_ref, z_ref):
    z_ref[...] = _dot(x_ref[...], w_ref[...]) + b_ref[...]


def _xw0_call(x, W1_0, b1r):
    return pl.pallas_call(
        _xw0_body,
        grid=(NB,),
        in_specs=[
            pl.BlockSpec((RB, D), lambda i: (i, 0)),
            pl.BlockSpec((D, D), lambda i: (0, 0)),
            pl.BlockSpec((1, D), lambda i: (0, 0)),
        ],
        out_specs=pl.BlockSpec((RB, D), lambda i: (i, 0)),
        out_shape=jax.ShapeDtypeStruct((N, D), jnp.float32),
    )(x, W1_0, b1r)


def _bn_h(z_ref, stats_ref, g_ref, bt_ref):
    inv_n = jnp.float32(1.0 / N)
    mean = stats_ref[0:1, :] * inv_n
    var = stats_ref[1:2, :] * inv_n - mean * mean
    inv = lax.rsqrt(var + 1e-5)
    h = (z_ref[...] - mean) * inv * g_ref[...] + bt_ref[...]
    return jnp.maximum(h, 0.0)


def _bn_body(z_ref, stats_ref, dis_ref, g_ref, bt_ref, hp_ref):
    hp = dis_ref[...] * _bn_h(z_ref, stats_ref, g_ref, bt_ref)
    hp_ref[0] = hp[:, :DH]
    hp_ref[1] = hp[:, DH:]


def _bn_call(z, stats, dis, gamma2, beta2):
    return pl.pallas_call(
        _bn_body,
        grid=(NB,),
        in_specs=[
            pl.BlockSpec((RB, D), lambda i: (i, 0)),
            pl.BlockSpec((2, D), lambda i: (0, 0)),
            pl.BlockSpec((RB, 1), lambda i: (i, 0)),
            pl.BlockSpec((1, D), lambda i: (0, 0)),
            pl.BlockSpec((1, D), lambda i: (0, 0)),
        ],
        out_specs=pl.BlockSpec((NC, RB, DH), lambda i: (0, i, 0)),
        out_shape=jax.ShapeDtypeStruct((NC, NPAD, DH), jnp.float32),
    )(z, stats, dis, gamma2, beta2)


def _hw_body(z_ref, stats_ref, g_ref, bt_ref, wcat_ref, bcat_ref, hw_ref):
    h = _bn_h(z_ref, stats_ref, g_ref, bt_ref)
    hw_ref[...] = _dot(h, wcat_ref[...]) + bcat_ref[...]


def _hw_call(z, stats, gamma2, beta2, Wcat, bcat2):
    return pl.pallas_call(
        _hw_body,
        grid=(NB,),
        in_specs=[
            pl.BlockSpec((RB, D), lambda i: (i, 0)),
            pl.BlockSpec((2, D), lambda i: (0, 0)),
            pl.BlockSpec((1, D), lambda i: (0, 0)),
            pl.BlockSpec((1, D), lambda i: (0, 0)),
            pl.BlockSpec((D, D), lambda i: (0, 0)),
            pl.BlockSpec((1, D), lambda i: (0, 0)),
        ],
        out_specs=pl.BlockSpec((RB, D), lambda i: (i, 0)),
        out_shape=jax.ShapeDtypeStruct((N, D), jnp.float32),
    )(z, stats, gamma2, beta2, Wcat, bcat2)



def kernel(x, edge_index, W1_0, W1_1, b1, gamma, beta,
           Wmu_0, Wmu_1, b_mu, Wls_0, Wls_1, b_ls):
    ei3 = edge_index.astype(jnp.int32).reshape(2, NS, E // NS)
    npad_slab = EPS - E // NS
    tvals = (N + (jnp.arange(npad_slab) % (NPAD - N))).astype(jnp.int32)
    trash = jnp.broadcast_to(tvals, (2, NS, npad_slab))
    eidx = jnp.concatenate([ei3, trash], axis=2).reshape(2, NS, NBLK, EB)
    gamma2 = gamma.reshape(1, D)
    beta2 = beta.reshape(1, D)
    Wcat = jnp.concatenate([Wmu_0, Wls_0], axis=1)
    Wcat2 = jnp.concatenate([Wmu_1, Wls_1], axis=1)
    bcat2 = jnp.concatenate([b_mu, b_ls]).reshape(1, D)

    degp = _deg_call(eidx)
    dis, xp = _prep_call(degp, x)
    xw0 = _xw0_call(x, W1_0, b1.reshape(1, D))
    u = _spmm_call(xp, eidx)
    z, stats = _mid1_call(u, dis, xw0, W1_1)
    hp = _bn_call(z, stats, dis, gamma2, beta2)
    v = _spmm_call(hp, eidx)
    hW = _hw_call(z, stats, gamma2, beta2, Wcat, bcat2)
    return _fin_call(v, dis, hW, Wcat2)

# --- scband reference (transcript-rebuilt; emitter-appended) ---
"""Pipeline reference for scband-variational-gcnencoder-609885356342 (READ-ONLY COPY).

The authoritative reference and input builder live on the scoring server;
editing this copy changes nothing except your own understanding.
"""

import jax, jax.numpy as jnp
import numpy as np

N = 10000
E = 320000
D_IN = 128
D_HID = 128  # 2 * out_channels
D_OUT = 64


def setup_inputs(seed: int = 0) -> dict:
    key = jax.random.key(seed)
    ks = jax.random.split(key, 14)
    x = jax.random.normal(ks[0], (N, D_IN), dtype=jnp.float32)
    edge_index = jax.random.randint(ks[1], (2, E), 0, N)
    s = 0.05
    params = {
        'W1_0': jax.random.normal(ks[2], (D_IN, D_HID), dtype=jnp.float32) * s,
        'W1_1': jax.random.normal(ks[3], (D_IN, D_HID), dtype=jnp.float32) * s,
        'b1': jnp.zeros((D_HID,), dtype=jnp.float32),
        'gamma': jnp.ones((D_HID,), dtype=jnp.float32),
        'beta': jnp.zeros((D_HID,), dtype=jnp.float32),
        'Wmu_0': jax.random.normal(ks[4], (D_HID, D_OUT), dtype=jnp.float32) * s,
        'Wmu_1': jax.random.normal(ks[5], (D_HID, D_OUT), dtype=jnp.float32) * s,
        'b_mu': jnp.zeros((D_OUT,), dtype=jnp.float32),
        'Wls_0': jax.random.normal(ks[6], (D_HID, D_OUT), dtype=jnp.float32) * s,
        'Wls_1': jax.random.normal(ks[7], (D_HID, D_OUT), dtype=jnp.float32) * s,
        'b_ls': jnp.zeros((D_OUT,), dtype=jnp.float32),
    }
    return {'x': x, 'edge_index': edge_index, **params}


def _cheb_conv(x, edge_index, W0, W1, b):
    # PyG ChebConv with K=2, sym normalization, lambda_max=2:
    # Tx_0 = x; Tx_1 = L_hat x = -D^{-1/2} A D^{-1/2} x
    src = edge_index[0]
    dst = edge_index[1]
    ones = jnp.ones((src.shape[0],), dtype=x.dtype)
    deg = jnp.zeros((N,), dtype=x.dtype).at[src].add(ones)
    deg_inv_sqrt = jnp.where(deg > 0, 1.0 / jnp.sqrt(jnp.where(deg > 0, deg, 1.0)), 0.0)
    norm = -deg_inv_sqrt[src] * deg_inv_sqrt[dst]
    msgs = norm[:, None] * jnp.take(x, src, axis=0)
    tx1 = jnp.zeros((N, x.shape[1]), dtype=x.dtype).at[dst].add(msgs)
    return x @ W0 + tx1 @ W1 + b


def _batchnorm(h, gamma, beta, eps=1e-5):
    # BatchNorm1d in training mode: batch statistics over the node dimension
    mean = jnp.mean(h, axis=0)
    var = jnp.var(h, axis=0)
    return (h - mean) / jnp.sqrt(var + eps) * gamma + beta


def reference(x, edge_index, W1_0, W1_1, b1, gamma, beta, Wmu_0, Wmu_1, b_mu, Wls_0, Wls_1, b_ls):
    h = _cheb_conv(x, edge_index, W1_0, W1_1, b1)
    h = jax.nn.relu(_batchnorm(h, gamma, beta))
    mu = _cheb_conv(h, edge_index, Wmu_0, Wmu_1, b_mu)
    logstd = _cheb_conv(h, edge_index, Wls_0, Wls_1, b_ls)
    return (mu, logstd)

if __name__ == "__main__":
    import jax
    _d = setup_inputs()
    print(jax.jit(kernel)(*tuple(_d.values())))

</pallas_src>

<mosaic_0001>
#map = affine_map<(d0, d1) -> (0, 0, 0, 0)>
#map1 = affine_map<(d0, d1) -> (0, 0)>
module attributes {stable_mosaic.version = 14 : i64} {
  func.func @_deg_body(%arg0: i32, %arg1: i32, %arg2: memref<2x16x160x128xi32, #tpu.memory_space<hbm>>, %arg3: memref<2x10240xf32, #tpu.memory_space<hbm>>, %arg4: memref<80x128xi32, #tpu.memory_space<vmem>>, %arg5: memref<128xf32, #tpu.memory_space<vmem>>, %arg6: memref<640xf32, #tpu.memory_space<vmem>>, %arg7: memref<10240xf32, #tpu.memory_space<vmem_shared>>) attributes {dimension_semantics = [#tpu.dimension_semantics<core_parallel>, #tpu.dimension_semantics<subcore_parallel>], iteration_bounds = array<i64: 2, 16>, scalar_prefetch = 0 : i64, scratch_operands = 4 : i64, tpu.core_type = #tpu.core_type<sc_vector_subcore>, window_params = [{transform_indices = #map}, {transform_indices = #map1}]} {
    %mul3A = arith.constant 80 : i32
    %mul3A_0 = arith.muli %arg0, %mul3A : i32
    %run_scoped3A = arith.constant 0 : i32
    "tpu.region"() ({
      %run_scoped3A_299 = tpu.sem_alloc : memref<!tpu.dma_semaphore, #tpu.memory_space<semaphore_mem>>
      %dma_start3A = arith.constant 0 : i32
      %dma_start3A_300 = tpu.memref_slice %arg2[%run_scoped3A, %arg1, %mul3A_0, %dma_start3A] : memref<2x16x160x128xi32, #tpu.memory_space<hbm>> -> memref<1x1x80x128xi32, #tpu.memory_space<hbm>>
      %dma_start3A_301 = tpu.memref_squeeze %dma_start3A_300 : memref<1x1x80x128xi32, #tpu.memory_space<hbm>> -> memref<80x128xi32, #tpu.memory_space<hbm>>
      %dma_start3A_302 = arith.constant 0 : i32
      %dma_start3A_303 = tpu.memref_slice %arg2[%run_scoped3A, %arg1, %mul3A_0, %dma_start3A_302] : memref<2x16x160x128xi32, #tpu.memory_space<hbm>> -> memref<1x1x80x128xi32, #tpu.memory_space<hbm>>
      %dma_start3A_304 = tpu.memref_squeeze %dma_start3A_303 : memref<1x1x80x128xi32, #tpu.memory_space<hbm>> -> memref<80x128xi32, #tpu.memory_space<hbm>>
      tpu.enqueue_dma source(%dma_start3A_304 : memref<80x128xi32, #tpu.memory_space<hbm>>) target(%arg4 : memref<80x128xi32, #tpu.memory_space<vmem>>) target_semaphore(%run_scoped3A_299 : memref<!tpu.dma_semaphore, #tpu.memory_space<semaphore_mem>>)
      %dma_wait3A = arith.constant 0 : i32
      %dma_wait3A_305 = tpu.memref_slice %arg2[%run_scoped3A, %arg1, %mul3A_0, %dma_wait3A] : memref<2x16x160x128xi32, #tpu.memory_space<hbm>> -> memref<1x1x80x128xi32, #tpu.memory_space<hbm>>
      %dma_wait3A_306 = tpu.memref_squeeze %dma_wait3A_305 : memref<1x1x80x128xi32, #tpu.memory_space<hbm>> -> memref<80x128xi32, #tpu.memory_space<hbm>>
      %dma_wait3A_307 = arith.constant 0 : i32
      %dma_wait3A_308 = tpu.memref_slice %arg2[%run_scoped3A, %arg1, %mul3A_0, %dma_wait3A_307] : memref<2x16x160x128xi32, #tpu.memory_space<hbm>> -> memref<1x1x80x128xi32, #tpu.memory_space<hbm>>
      %dma_wait3A_309 = tpu.memref_squeeze %dma_wait3A_308 : memref<1x1x80x128xi32, #tpu.memory_space<hbm>> -> memref<80x128xi32, #tpu.memory_space<hbm>>
      tpu.wait_dma2 semaphore(%run_scoped3A_299 : memref<!tpu.dma_semaphore, #tpu.memory_space<semaphore_mem>>) src(%dma_wait3A_309 : memref<80x128xi32, #tpu.memory_space<hbm>>) dst(%arg4 : memref<80x128xi32, #tpu.memory_space<vmem>>)
      tpu.yield
    }) : () -> ()
    %broadcast_in_dim3A = arith.constant 1.000000e+00 : f32
    %broadcast_in_dim3A_1 = vector.broadcast %broadcast_in_dim3A : f32 to vector<16xf32>
    %swap3A = arith.constant 0 : index
    %swap3A_2 = tpu.vector_load %arg5[%swap3A] {strides = array<i32>} : memref<128xf32, #tpu.memory_space<vmem>>, vector<16xf32>,
    %swap3A_3 = vector.shape_cast %swap3A_2 : vector<16xf32> to vector<16xf32>
    %swap3A_4 = vector.shape_cast %broadcast_in_dim3A_1 : vector<16xf32> to vector<16xf32>
    tpu.vector_store %arg5[%swap3A], %swap3A_4 {strides = array<i32>} : memref<128xf32, #tpu.memory_space<vmem>>, vector<16xf32>,
    %broadcast_in_dim3A_5 = arith.constant 1.000000e+00 : f32
    %broadcast_in_dim3A_6 = vector.broadcast %broadcast_in_dim3A_5 : f32 to vector<16xf32>
    %swap3A_7 = arith.constant 16 : index
    %swap3A_8 = tpu.vector_load %arg5[%swap3A_7] {strides = array<i32>} : memref<128xf32, #tpu.memory_space<vmem>>, vector<16xf32>,
    %swap3A_9 = vector.shape_cast %swap3A_8 : vector<16xf32> to vector<16xf32>
    %swap3A_10 = vector.shape_cast %broadcast_in_dim3A_6 : vector<16xf32> to vector<16xf32>
    tpu.vector_store %arg5[%swap3A_7], %swap3A_10 {strides = array<i32>} : memref<128xf32, #tpu.memory_space<vmem>>, vector<16xf32>,
    %broadcast_in_dim3A_11 = arith.constant 1.000000e+00 : f32
    %broadcast_in_dim3A_12 = vector.broadcast %broadcast_in_dim3A_11 : f32 to vector<16xf32>
    %swap3A_13 = arith.constant 32 : index
    %swap3A_14 = tpu.vector_load %arg5[%swap3A_13] {strides = array<i32>} : memref<128xf32, #tpu.memory_space<vmem>>, vector<16xf32>,
    %swap3A_15 = vector.shape_cast %swap3A_14 : vector<16xf32> to vector<16xf32>
    %swap3A_16 = vector.shape_cast %broadcast_in_dim3A_12 : vector<16xf32> to vector<16xf32>
    tpu.vector_store %arg5[%swap3A_13], %swap3A_16 {strides = array<i32>} : memref<128xf32, #tpu.memory_space<vmem>>, vector<16xf32>,
    %broadcast_in_dim3A_17 = arith.constant 1.000000e+00 : f32
    %broadcast_in_dim3A_18 = vector.broadcast %broadcast_in_dim3A_17 : f32 to vector<16xf32>
    %swap3A_19 = arith.constant 48 : index
    %swap3A_20 = tpu.vector_load %arg5[%swap3A_19] {strides = array<i32>} : memref<128xf32, #tpu.memory_space<vmem>>, vector<16xf32>,
    %swap3A_21 = vector.shape_cast %swap3A_20 : vector<16xf32> to vector<16xf32>
    %swap3A_22 = vector.shape_cast %broadcast_in_dim3A_18 : vector<16xf32> to vector<16xf32>
    tpu.vector_store %arg5[%swap3A_19], %swap3A_22 {strides = array<i32>} : memref<128xf32, #tpu.memory_space<vmem>>, vector<16xf32>,
    %broadcast_in_dim3A_23 = arith.constant 1.000000e+00 : f32
    %broadcast_in_dim3A_24 = vector.broadcast %broadcast_in_dim3A_23 : f32 to vector<16xf32>
    %swap3A_25 = arith.constant 64 : index
    %swap3A_26 = tpu.vector_load %arg5[%swap3A_25] {strides = array<i32>} : memref<128xf32, #tpu.memory_space<vmem>>, vector<16xf32>,
    %swap3A_27 = vector.shape_cast %swap3A_26 : vector<16xf32> to vector<16xf32>
    %swap3A_28 = vector.shape_cast %broadcast_in_dim3A_24 : vector<16xf32> to vector<16xf32>
    tpu.vector_store %arg5[%swap3A_25], %swap3A_28 {strides = array<i32>} : memref<128xf32, #tpu.memory_space<vmem>>, vector<16xf32>,
    %broadcast_in_dim3A_29 = arith.constant 1.000000e+00 : f32
    %broadcast_in_dim3A_30 = vector.broadcast %broadcast_in_dim3A_29 : f32 to vector<16xf32>
    %swap3A_31 = arith.constant 80 : index
    %swap3A_32 = tpu.vector_load %arg5[%swap3A_31] {strides = array<i32>} : memref<128xf32, #tpu.memory_space<vmem>>, vector<16xf32>,
    %swap3A_33 = vector.shape_cast %swap3A_32 : vector<16xf32> to vector<16xf32>
    %swap3A_34 = vector.shape_cast %broadcast_in_dim3A_30 : vector<16xf32> to vector<16xf32>
    tpu.vector_store %arg5[%swap3A_31], %swap3A_34 {strides = array<i32>} : memref<128xf32, #tpu.memory_space<vmem>>, vector<16xf32>,
    %broadcast_in_dim3A_35 = arith.constant 1.000000e+00 : f32
    %broadcast_in_dim3A_36 = vector.broadcast %broadcast_in_dim3A_35 : f32 to vector<16xf32>
    %swap3A_37 = arith.constant 96 : index
    %swap3A_38 = tpu.vector_load %arg5[%swap3A_37] {strides = array<i32>} : memref<128xf32, #tpu.memory_space<vmem>>, vector<16xf32>,
    %swap3A_39 = vector.shape_cast %swap3A_38 : vector<16xf32> to vector<16xf32>
    %swap3A_40 = vector.shape_cast %broadcast_in_dim3A_36 : vector<16xf32> to vector<16xf32>
    tpu.vector_store %arg5[%swap3A_37], %swap3A_40 {strides = array<i32>} : memref<128xf32, #tpu.memory_space<vmem>>, vector<16xf32>,
    %broadcast_in_dim3A_41 = arith.constant 1.000000e+00 : f32
    %broadcast_in_dim3A_42 = vector.broadcast %broadcast_in_dim3A_41 : f32 to vector<16xf32>
    %swap3A_43 = arith.constant 112 : index
    %swap3A_44 = tpu.vector_load %arg5[%swap3A_43] {strides = array<i32>} : memref<128xf32, #tpu.memory_space<vmem>>, vector<16xf32>,
    %swap3A_45 = vector.shape_cast %swap3A_44 : vector<16xf32> to vector<16xf32>
    %swap3A_46 = vector.shape_cast %broadcast_in_dim3A_42 : vector<16xf32> to vector<16xf32>
    tpu.vector_store %arg5[%swap3A_43], %swap3A_46 {strides = array<i32>} : memref<128xf32, #tpu.memory_space<vmem>>, vector<16xf32>,
    %broadcast_in_dim3A_47 = arith.constant 0.000000e+00 : f32
    %broadcast_in_dim3A_48 = vector.broadcast %broadcast_in_dim3A_47 : f32 to vector<16xf32>
    %swap3A_49 = arith.constant 0 : index
    %swap3A_50 = tpu.vector_load %arg6[%swap3A_49] {strides = array<i32>} : memref<640xf32, #tpu.memory_space<vmem>>, vector<16xf32>,
    %swap3A_51 = vector.shape_cast %swap3A_50 : vector<16xf32> to vector<16xf32>
    %swap3A_52 = vector.shape_cast %broadcast_in_dim3A_48 : vector<16xf32> to vector<16xf32>
    tpu.vector_store %arg6[%swap3A_49], %swap3A_52 {strides = array<i32>} : memref<640xf32, #tpu.memory_space<vmem>>, vector<16xf32>,
    %broadcast_in_dim3A_53 = arith.constant 0.000000e+00 : f32
    %broadcast_in_dim3A_54 = vector.broadcast %broadcast_in_dim3A_53 : f32 to vector<16xf32>
    %swap3A_55 = arith.constant 16 : index
    %swap3A_56 = tpu.vector_load %arg6[%swap3A_55] {strides = array<i32>} : memref<640xf32, #tpu.memory_space<vmem>>, vector<16xf32>,
    %swap3A_57 = vector.shape_cast %swap3A_56 : vector<16xf32> to vector<16xf32>
    %swap3A_58 = vector.shape_cast %broadcast_in_dim3A_54 : vector<16xf32> to vector<16xf32>
    tpu.vector_store %arg6[%swap3A_55], %swap3A_58 {strides = array<i32>} : memref<640xf32, #tpu.memory_space<vmem>>, vector<16xf32>,
    %broadcast_in_dim3A_59 = arith.constant 0.000000e+00 : f32
    %broadcast_in_dim3A_60 = vector.broadcast %broadcast_in_dim3A_59 : f32 to vector<16xf32>
    %swap3A_61 = arith.constant 32 : index
    %swap3A_62 = tpu.vector_load %arg6[%swap3A_61] {strides = array<i32>} : memref<640xf32, #tpu.memory_space<vmem>>, vector<16xf32>,
    %swap3A_63 = vector.shape_cast %swap3A_62 : vector<16xf32> to vector<16xf32>
    %swap3A_64 = vector.shape_cast %broadcast_in_dim3A_60 : vector<16xf32> to vector<16xf32>
    tpu.vector_store %arg6[%swap3A_61], %swap3A_64 {strides = array<i32>} : memref<640xf32, #tpu.memory_space<vmem>>, vector<16xf32>,
    %broadcast_in_dim3A_65 = arith.constant 0.000000e+00 : f32
    %broadcast_in_dim3A_66 = vector.broadcast %broadcast_in_dim3A_65 : f32 to vector<16xf32>
    %swap3A_67 = arith.constant 48 : index
    %swap3A_68 = tpu.vector_load %arg6[%swap3A_67] {strides = array<i32>} : memref<640xf32, #tpu.memory_space<vmem>>, vector<16xf32>,
    %swap3A_69 = vector.shape_cast %swap3A_68 : vector<16xf32> to vector<16xf32>
    %swap3A_70 = vector.shape_cast %broadcast_in_dim3A_66 : vector<16xf32> to vector<16xf32>
    tpu.vector_store %arg6[%swap3A_67], %swap3A_70 {strides = array<i32>} : memref<640xf32, #tpu.memory_space<vmem>>, vector<16xf32>,
    %broadcast_in_dim3A_71 = arith.constant 0.000000e+00 : f32
    %broadcast_in_dim3A_72 = vector.broadcast %broadcast_in_dim3A_71 : f32 to vector<16xf32>
    %swap3A_73 = arith.constant 64 : index
    %swap3A_74 = tpu.vector_load %arg6[%swap3A_73] {strides = array<i32>} : memref<640xf32, #tpu.memory_space<vmem>>, vector<16xf32>,
    %swap3A_75 = vector.shape_cast %swap3A_74 : vector<16xf32> to vector<16xf32>
    %swap3A_76 = vector.shape_cast %broadcast_in_dim3A_72 : vector<16xf32> to vector<16xf32>
    tpu.vector_store %arg6[%swap3A_73], %swap3A_76 {strides = array<i32>} : memref<640xf32, #tpu.memory_space<vmem>>, vector<16xf32>,
    %broadcast_in_dim3A_77 = arith.constant 0.000000e+00 : f32
    %broadcast_in_dim3A_78 = vector.broadcast %broadcast_in_dim3A_77 : f32 to vector<16xf32>
    %swap3A_79 = arith.constant 80 : index
    %swap3A_80 = tpu.vector_load %arg6[%swap3A_79] {strides = array<i32>} : memref<640xf32, #tpu.memory_space<vmem>>, vector<16xf32>,
    %swap3A_81 = vector.shape_cast %swap3A_80 : vector<16xf32> to vector<16xf32>
    %swap3A_82 = vector.shape_cast %broadcast_in_dim3A_78 : vector<16xf32> to vector<16xf32>
    tpu.vector_store %arg6[%swap3A_79], %swap3A_82 {strides = array<i32>} : memref<640xf32, #tpu.memory_space<vmem>>, vector<16xf32>,
    %broadcast_in_dim3A_83 = arith.constant 0.000000e+00 : f32
    %broadcast_in_dim3A_84 = vector.broadcast %broadcast_in_dim3A_83 : f32 to vector<16xf32>
    %swap3A_85 = arith.constant 96 : index
    %swap3A_86 = tpu.vector_load %arg6[%swap3A_85] {strides = array<i32>} : memref<640xf32, #tpu.memory_space<vmem>>, vector<16xf32>,
    %swap3A_87 = vector.shape_cast %swap3A_86 : vector<16xf32> to vector<16xf32>
    %swap3A_88 = vector.shape_cast %broadcast_in_dim3A_84 : vector<16xf32> to vector<16xf32>
    tpu.vector_store %arg6[%swap3A_85], %swap3A_88 {strides = array<i32>} : memref<640xf32, #tpu.memory_space<vmem>>, vector<16xf32>,
    %broadcast_in_dim3A_89 = arith.constant 0.000000e+00 : f32
    %broadcast_in_dim3A_90 = vector.broadcast %broadcast_in_dim3A_89 : f32 to vector<16xf32>
    %swap3A_91 = arith.constant 112 : index
    %swap3A_92 = tpu.vector_load %arg6[%swap3A_91] {strides = array<i32>} : memref<640xf32, #tpu.memory_space<vmem>>, vector<16xf32>,
    %swap3A_93 = vector.shape_cast %swap3A_92 : vector<16xf32> to vector<16xf32>
    %swap3A_94 = vector.shape_cast %broadcast_in_dim3A_90 : vector<16xf32> to vector<16xf32>
    tpu.vector_store %arg6[%swap3A_91], %swap3A_94 {strides = array<i32>} : memref<640xf32, #tpu.memory_space<vmem>>, vector<16xf32>,
    %broadcast_in_dim3A_95 = arith.constant 0.000000e+00 : f32
    %broadcast_in_dim3A_96 = vector.broadcast %broadcast_in_dim3A_95 : f32 to vector<16xf32>
    %swap3A_97 = arith.constant 128 : index
    %swap3A_98 = tpu.vector_load %arg6[%swap3A_97] {strides = array<i32>} : memref<640xf32, #tpu.memory_space<vmem>>, vector<16xf32>,
    %swap3A_99 = vector.shape_cast %swap3A_98 : vector<16xf32> to vector<16xf32>
    %swap3A_100 = vector.shape_cast %broadcast_in_dim3A_96 : vector<16xf32> to vector<16xf32>
    tpu.vector_store %arg6[%swap3A_97], %swap3A_100 {strides = array<i32>} : memref<640xf32, #tpu.memory_space<vmem>>, vector<16xf32>,
    %broadcast_in_dim3A_101 = arith.constant 0.000000e+00 : f32
    %broadcast_in_dim3A_102 = vector.broadcast %broadcast_in_dim3A_101 : f32 to vector<16xf32>
    %swap3A_103 = arith.constant 144 : index
    %swap3A_104 = tpu.vector_load %arg6[%swap3A_103] {strides = array<i32>} : memref<640xf32, #tpu.memory_space<vmem>>, vector<16xf32>,
    %swap3A_105 = vector.shape_cast %swap3A_104 : vector<16xf32> to vector<16xf32>
    %swap3A_106 = vector.shape_cast %broadcast_in_dim3A_102 : vector<16xf32> to vector<16xf32>
    tpu.vector_store %arg6[%swap3A_103], %swap3A_106 {strides = array<i32>} : memref<640xf32, #tpu.memory_space<vmem>>, vector<16xf32>,
    %broadcast_in_dim3A_107 = arith.constant 0.000000e+00 : f32
    %broadcast_in_dim3A_108 = vector.broadcast %broadcast_in_dim3A_107 : f32 to vector<16xf32>
    %swap3A_109 = arith.constant 160 : index
    %swap3A_110 = tpu.vector_load %arg6[%swap3A_109] {strides = array<i32>} : memref<640xf32, #tpu.memory_space<vmem>>, vector<16xf32>,
    %swap3A_111 = vector.shape_cast %swap3A_110 : vector<16xf32> to vector<16xf32>
    %swap3A_112 = vector.shape_cast %broadcast_in_dim3A_108 : vector<16xf32> to vector<16xf32>
    tpu.vector_store %arg6[%swap3A_109], %swap3A_112 {strides = array<i32>} : memref<640xf32, #tpu.memory_space<vmem>>, vector<16xf32>,
    %broadcast_in_dim3A_113 = arith.constant 0.000000e+00 : f32
    %broadcast_in_dim3A_114 = vector.broadcast %broadcast_in_dim3A_113 : f32 to vector<16xf32>
    %swap3A_115 = arith.constant 176 : index
    %swap3A_116 = tpu.vector_load %arg6[%swap3A_115] {strides = array<i32>} : memref<640xf32, #tpu.memory_space<vmem>>, vector<16xf32>,
    %swap3A_117 = vector.shape_cast %swap3A_116 : vector<16xf32> to vector<16xf32>
    %swap3A_118 = vector.shape_cast %broadcast_in_dim3A_114 : vector<16xf32> to vector<16xf32>
    tpu.vector_store %arg6[%swap3A_115], %swap3A_118 {strides = array<i32>} : memref<640xf32, #tpu.memory_space<vmem>>, vector<16xf32>,
    %broadcast_in_dim3A_119 = arith.constant 0.000000e+00 : f32
    %broadcast_in_dim3A_120 = vector.broadcast %broadcast_in_dim3A_119 : f32 to vector<16xf32>
    %swap3A_121 = arith.constant 192 : index
    %swap3A_122 = tpu.vector_load %arg6[%swap3A_121] {strides = array<i32>} : memref<640xf32, #tpu.memory_space<vmem>>, vector<16xf32>,
    %swap3A_123 = vector.shape_cast %swap3A_122 : vector<16xf32> to vector<16xf32>
    %swap3A_124 = vector.shape_cast %broadcast_in_dim3A_120 : vector<16xf32> to vector<16xf32>
    tpu.vector_store %arg6[%swap3A_121], %swap3A_124 {strides = array<i32>} : memref<640xf32, #tpu.memory_space<vmem>>, vector<16xf32>,
    %broadcast_in_dim3A_125 = arith.constant 0.000000e+00 : f32
    %broadcast_in_dim3A_126 = vector.broadcast %broadcast_in_dim3A_125 : f32 to vector<16xf32>
    %swap3A_127 = arith.constant 208 : index
    %swap3A_128 = tpu.vector_load %arg6[%swap3A_127] {strides = array<i32>} : memref<640xf32, #tpu.memory_space<vmem>>, vector<16xf32>,
    %swap3A_129 = vector.shape_cast %swap3A_128 : vector<16xf32> to vector<16xf32>
    %swap3A_130 = vector.shape_cast %broadcast_in_dim3A_126 : vector<16xf32> to vector<16xf32>
    tpu.vector_store %arg6[%swap3A_127], %swap3A_130 {strides = array<i32>} : memref<640xf32, #tpu.memory_space<vmem>>, vector<16xf32>,
    %broadcast_in_dim3A_131 = arith.constant 0.000000e+00 : f32
    %broadcast_in_dim3A_132 = vector.broadcast %broadcast_in_dim3A_131 : f32 to vector<16xf32>
    %swap3A_133 = arith.constant 224 : index
    %swap3A_134 = tpu.vector_load %arg6[%swap3A_133] {strides = array<i32>} : memref<640xf32, #tpu.memory_space<vmem>>, vector<16xf32>,
    %swap3A_135 = vector.shape_cast %swap3A_134 : vector<16xf32> to vector<16xf32>
    %swap3A_136 = vector.shape_cast %broadcast_in_dim3A_132 : vector<16xf32> to vector<16xf32>
    tpu.vector_store %arg6[%swap3A_133], %swap3A_136 {strides = array<i32>} : memref<640xf32, #tpu.memory_space<vmem>>, vector<16xf32>,
    %broadcast_in_dim3A_137 = arith.constant 0.000000e+00 : f32
    %broadcast_in_dim3A_138 = vector.broadcast %broadcast_in_dim3A_137 : f32 to vector<16xf32>
    %swap3A_139 = arith.constant 240 : index
    %swap3A_140 = tpu.vector_load %arg6[%swap3A_139] {strides = array<i32>} : memref<640xf32, #tpu.memory_space<vmem>>, vector<16xf32>,
    %swap3A_141 = vector.shape_cast %swap3A_140 : vector<16xf32> to vector<16xf32>
    %swap3A_142 = vector.shape_cast %broadcast_in_dim3A_138 : vector<16xf32> to vector<16xf32>
    tpu.vector_store %arg6[%swap3A_139], %swap3A_142 {strides = array<i32>} : memref<640xf32, #tpu.memory_space<vmem>>, vector<16xf32>,
    %broadcast_in_dim3A_143 = arith.constant 0.000000e+00 : f32
    %broadcast_in_dim3A_144 = vector.broadcast %broadcast_in_dim3A_143 : f32 to vector<16xf32>
    %swap3A_145 = arith.constant 256 : index
    %swap3A_146 = tpu.vector_load %arg6[%swap3A_145] {strides = array<i32>} : memref<640xf32, #tpu.memory_space<vmem>>, vector<16xf32>,
    %swap3A_147 = vector.shape_cast %swap3A_146 : vector<16xf32> to vector<16xf32>
    %swap3A_148 = vector.shape_cast %broadcast_in_dim3A_144 : vector<16xf32> to vector<16xf32>
    tpu.vector_store %arg6[%swap3A_145], %swap3A_148 {strides = array<i32>} : memref<640xf32, #tpu.memory_space<vmem>>, vector<16xf32>,
    %broadcast_in_dim3A_149 = arith.constant 0.000000e+00 : f32
    %broadcast_in_dim3A_150 = vector.broadcast %broadcast_in_dim3A_149 : f32 to vector<16xf32>
    %swap3A_151 = arith.constant 272 : index
    %swap3A_152 = tpu.vector_load %arg6[%swap3A_151] {strides = array<i32>} : memref<640xf32, #tpu.memory_space<vmem>>, vector<16xf32>,
    %swap3A_153 = vector.shape_cast %swap3A_152 : vector<16xf32> to vector<16xf32>
    %swap3A_154 = vector.shape_cast %broadcast_in_dim3A_150 : vector<16xf32> to vector<16xf32>
    tpu.vector_store %arg6[%swap3A_151], %swap3A_154 {strides = array<i32>} : memref<640xf32, #tpu.memory_space<vmem>>, vector<16xf32>,
    %broadcast_in_dim3A_155 = arith.constant 0.000000e+00 : f32
    %broadcast_in_dim3A_156 = vector.broadcast %broadcast_in_dim3A_155 : f32 to vector<16xf32>
    %swap3A_157 = arith.constant 288 : index
    %swap3A_158 = tpu.vector_load %arg6[%swap3A_157] {strides = array<i32>} : memref<640xf32, #tpu.memory_space<vmem>>, vector<16xf32>,
    %swap3A_159 = vector.shape_cast %swap3A_158 : vector<16xf32> to vector<16xf32>
    %swap3A_160 = vector.shape_cast %broadcast_in_dim3A_156 : vector<16xf32> to vector<16xf32>
    tpu.vector_store %arg6[%swap3A_157], %swap3A_160 {strides = array<i32>} : memref<640xf32, #tpu.memory_space<vmem>>, vector<16xf32>,
    %broadcast_in_dim3A_161 = arith.constant 0.000000e+00 : f32
    %broadcast_in_dim3A_162 = vector.broadcast %broadcast_in_dim3A_161 : f32 to vector<16xf32>
    %swap3A_163 = arith.constant 304 : index
    %swap3A_164 = tpu.vector_load %arg6[%swap3A_163] {strides = array<i32>} : memref<640xf32, #tpu.memory_space<vmem>>, vector<16xf32>,
    %swap3A_165 = vector.shape_cast %swap3A_164 : vector<16xf32> to vector<16xf32>
    %swap3A_166 = vector.shape_cast %broadcast_in_dim3A_162 : vector<16xf32> to vector<16xf32>
    tpu.vector_store %arg6[%swap3A_163], %swap3A_166 {strides = array<i32>} : memref<640xf32, #tpu.memory_space<vmem>>, vector<16xf32>,
    %broadcast_in_dim3A_167 = arith.constant 0.000000e+00 : f32
    %broadcast_in_dim3A_168 = vector.broadcast %broadcast_in_dim3A_167 : f32 to vector<16xf32>
    %swap3A_169 = arith.constant 320 : index
    %swap3A_170 = tpu.vector_load %arg6[%swap3A_169] {strides = array<i32>} : memref<640xf32, #tpu.memory_space<vmem>>, vector<16xf32>,
    %swap3A_171 = vector.shape_cast %swap3A_170 : vector<16xf32> to vector<16xf32>
    %swap3A_172 = vector.shape_cast %broadcast_in_dim3A_168 : vector<16xf32> to vector<16xf32>
    tpu.vector_store %arg6[%swap3A_169], %swap3A_172 {strides = array<i32>} : memref<640xf32, #tpu.memory_space<vmem>>, vector<16xf32>,
    %broadcast_in_dim3A_173 = arith.constant 0.000000e+00 : f32
    %broadcast_in_dim3A_174 = vector.broadcast %broadcast_in_dim3A_173 : f32 to vector<16xf32>
    %swap3A_175 = arith.constant 336 : index
    %swap3A_176 = tpu.vector_load %arg6[%swap3A_175] {strides = array<i32>} : memref<640xf32, #tpu.memory_space<vmem>>, vector<16xf32>,
    %swap3A_177 = vector.shape_cast %swap3A_176 : vector<16xf32> to vector<16xf32>
    %swap3A_178 = vector.shape_cast %broadcast_in_dim3A_174 : vector<16xf32> to vector<16xf32>
    tpu.vector_store %arg6[%swap3A_175], %swap3A_178 {strides = array<i32>} : memref<640xf32, #tpu.memory_space<vmem>>, vector<16xf32>,
    %broadcast_in_dim3A_179 = arith.constant 0.000000e+00 : f32
    %broadcast_in_dim3A_180 = vector.broadcast %broadcast_in_dim3A_179 : f32 to vector<16xf32>
    %swap3A_181 = arith.constant 352 : index
    %swap3A_182 = tpu.vector_load %arg6[%swap3A_181] {strides = array<i32>} : memref<640xf32, #tpu.memory_space<vmem>>, vector<16xf32>,
    %swap3A_183 = vector.shape_cast %swap3A_182 : vector<16xf32> to vector<16xf32>
    %swap3A_184 = vector.shape_cast %broadcast_in_dim3A_180 : vector<16xf32> to vector<16xf32>
    tpu.vector_store %arg6[%swap3A_181], %swap3A_184 {strides = array<i32>} : memref<640xf32, #tpu.memory_space<vmem>>, vector<16xf32>,
    %broadcast_in_dim3A_185 = arith.constant 0.000000e+00 : f32
    %broadcast_in_dim3A_186 = vector.broadcast %broadcast_in_dim3A_185 : f32 to vector<16xf32>
    %swap3A_187 = arith.constant 368 : index
    %swap3A_188 = tpu.vector_load %arg6[%swap3A_187] {strides = array<i32>} : memref<640xf32, #tpu.memory_space<vmem>>, vector<16xf32>,
    %swap3A_189 = vector.shape_cast %swap3A_188 : vector<16xf32> to vector<16xf32>
    %swap3A_190 = vector.shape_cast %broadcast_in_dim3A_186 : vector<16xf32> to vector<16xf32>
    tpu.vector_store %arg6[%swap3A_187], %swap3A_190 {strides = array<i32>} : memref<640xf32, #tpu.memory_space<vmem>>, vector<16xf32>,
    %broadcast_in_dim3A_191 = arith.constant 0.000000e+00 : f32
    %broadcast_in_dim3A_192 = vector.broadcast %broadcast_in_dim3A_191 : f32 to vector<16xf32>
    %swap3A_193 = arith.constant 384 : index
    %swap3A_194 = tpu.vector_load %arg6[%swap3A_193] {strides = array<i32>} : memref<640xf32, #tpu.memory_space<vmem>>, vector<16xf32>,
    %swap3A_195 = vector.shape_cast %swap3A_194 : vector<16xf32> to vector<16xf32>
    %swap3A_196 = vector.shape_cast %broadcast_in_dim3A_192 : vector<16xf32> to vector<16xf32>
    tpu.vector_store %arg6[%swap3A_193], %swap3A_196 {strides = array<i32>} : memref<640xf32, #tpu.memory_space<vmem>>, vector<16xf32>,
    %broadcast_in_dim3A_197 = arith.constant 0.000000e+00 : f32
    %broadcast_in_dim3A_198 = vector.broadcast %broadcast_in_dim3A_197 : f32 to vector<16xf32>
    %swap3A_199 = arith.constant 400 : index
    %swap3A_200 = tpu.vector_load %arg6[%swap3A_199] {strides = array<i32>} : memref<640xf32, #tpu.memory_space<vmem>>, vector<16xf32>,
    %swap3A_201 = vector.shape_cast %swap3A_200 : vector<16xf32> to vector<16xf32>
    %swap3A_202 = vector.shape_cast %broadcast_in_dim3A_198 : vector<16xf32> to vector<16xf32>
    tpu.vector_store %arg6[%swap3A_199], %swap3A_202 {strides = array<i32>} : memref<640xf32, #tpu.memory_space<vmem>>, vector<16xf32>,
    %broadcast_in_dim3A_203 = arith.constant 0.000000e+00 : f32
    %broadcast_in_dim3A_204 = vector.broadcast %broadcast_in_dim3A_203 : f32 to vector<16xf32>
    %swap3A_205 = arith.constant 416 : index
    %swap3A_206 = tpu.vector_load %arg6[%swap3A_205] {strides = array<i32>} : memref<640xf32, #tpu.memory_space<vmem>>, vector<16xf32>,
    %swap3A_207 = vector.shape_cast %swap3A_206 : vector<16xf32> to vector<16xf32>
    %swap3A_208 = vector.shape_cast %broadcast_in_dim3A_204 : vector<16xf32> to vector<16xf32>
    tpu.vector_store %arg6[%swap3A_205], %swap3A_208 {strides = array<i32>} : memref<640xf32, #tpu.memory_space<vmem>>, vector<16xf32>,
    %broadcast_in_dim3A_209 = arith.constant 0.000000e+00 : f32
    %broadcast_in_dim3A_210 = vector.broadcast %broadcast_in_dim3A_209 : f32 to vector<16xf32>
    %swap3A_211 = arith.constant 432 : index
    %swap3A_212 = tpu.vector_load %arg6[%swap3A_211] {strides = array<i32>} : memref<640xf32, #tpu.memory_space<vmem>>, vector<16xf32>,
    %swap3A_213 = vector.shape_cast %swap3A_212 : vector<16xf32> to vector<16xf32>
    %swap3A_214 = vector.shape_cast %broadcast_in_dim3A_210 : vector<16xf32> to vector<16xf32>
    tpu.vector_store %arg6[%swap3A_211], %swap3A_214 {strides = array<i32>} : memref<640xf32, #tpu.memory_space<vmem>>, vector<16xf32>,
    %broadcast_in_dim3A_215 = arith.constant 0.000000e+00 : f32
    %broadcast_in_dim3A_216 = vector.broadcast %broadcast_in_dim3A_215 : f32 to vector<16xf32>
    %swap3A_217 = arith.constant 448 : index
    %swap3A_218 = tpu.vector_load %arg6[%swap3A_217] {strides = array<i32>} : memref<640xf32, #tpu.memory_space<vmem>>, vector<16xf32>,
    %swap3A_219 = vector.shape_cast %swap3A_218 : vector<16xf32> to vector<16xf32>
    %swap3A_220 = vector.shape_cast %broadcast_in_dim3A_216 : vector<16xf32> to vector<16xf32>
    tpu.vector_store %arg6[%swap3A_217], %swap3A_220 {strides = array<i32>} : memref<640xf32, #tpu.memory_space<vmem>>, vector<16xf32>,
    %broadcast_in_dim3A_221 = arith.constant 0.000000e+00 : f32
    %broadcast_in_dim3A_222 = vector.broadcast %broadcast_in_dim3A_221 : f32 to vector<16xf32>
    %swap3A_223 = arith.constant 464 : index
    %swap3A_224 = tpu.vector_load %arg6[%swap3A_223] {strides = array<i32>} : memref<640xf32, #tpu.memory_space<vmem>>, vector<16xf32>,
    %swap3A_225 = vector.shape_cast %swap3A_224 : vector<16xf32> to vector<16xf32>
    %swap3A_226 = vector.shape_cast %broadcast_in_dim3A_222 : vector<16xf32> to vector<16xf32>
    tpu.vector_store %arg6[%swap3A_223], %swap3A_226 {strides = array<i32>} : memref<640xf32, #tpu.memory_space<vmem>>, vector<16xf32>,
    %broadcast_in_dim3A_227 = arith.constant 0.000000e+00 : f32
    %broadcast_in_dim3A_228 = vector.broadcast %broadcast_in_dim3A_227 : f32 to vector<16xf32>
    %swap3A_229 = arith.constant 480 : index
    %swap3A_230 = tpu.vector_load %arg6[%swap3A_229] {strides = array<i32>} : memref<640xf32, #tpu.memory_space<vmem>>, vector<16xf32>,
    %swap3A_231 = vector.shape_cast %swap3A_230 : vector<16xf32> to vector<16xf32>
    %swap3A_232 = vector.shape_cast %broadcast_in_dim3A_228 : vector<16xf32> to vector<16xf32>
    tpu.vector_store %arg6[%swap3A_229], %swap3A_232 {strides = array<i32>} : memref<640xf32, #tpu.memory_space<vmem>>, vector<16xf32>,
    %broadcast_in_dim3A_233 = arith.constant 0.000000e+00 : f32
    %broadcast_in_dim3A_234 = vector.broadcast %broadcast_in_dim3A_233 : f32 to vector<16xf32>
    %swap3A_235 = arith.constant 496 : index
    %swap3A_236 = tpu.vector_load %arg6[%swap3A_235] {strides = array<i32>} : memref<640xf32, #tpu.memory_space<vmem>>, vector<16xf32>,
    %swap3A_237 = vector.shape_cast %swap3A_236 : vector<16xf32> to vector<16xf32>
    %swap3A_238 = vector.shape_cast %broadcast_in_dim3A_234 : vector<16xf32> to vector<16xf32>
    tpu.vector_store %arg6[%swap3A_235], %swap3A_238 {strides = array<i32>} : memref<640xf32, #tpu.memory_space<vmem>>, vector<16xf32>,
    %broadcast_in_dim3A_239 = arith.constant 0.000000e+00 : f32
    %broadcast_in_dim3A_240 = vector.broadcast %broadcast_in_dim3A_239 : f32 to vector<16xf32>
    %swap3A_241 = arith.constant 512 : index
    %swap3A_242 = tpu.vector_load %arg6[%swap3A_241] {strides = array<i32>} : memref<640xf32, #tpu.memory_space<vmem>>, vector<16xf32>,
    %swap3A_243 = vector.shape_cast %swap3A_242 : vector<16xf32> to vector<16xf32>
    %swap3A_244 = vector.shape_cast %broadcast_in_dim3A_240 : vector<16xf32> to vector<16xf32>
    tpu.vector_store %arg6[%swap3A_241], %swap3A_244 {strides = array<i32>} : memref<640xf32, #tpu.memory_space<vmem>>, vector<16xf32>,
    %broadcast_in_dim3A_245 = arith.constant 0.000000e+00 : f32
    %broadcast_in_dim3A_246 = vector.broadcast %broadcast_in_dim3A_245 : f32 to vector<16xf32>
    %swap3A_247 = arith.constant 528 : index
    %swap3A_248 = tpu.vector_load %arg6[%swap3A_247] {strides = array<i32>} : memref<640xf32, #tpu.memory_space<vmem>>, vector<16xf32>,
    %swap3A_249 = vector.shape_cast %swap3A_248 : vector<16xf32> to vector<16xf32>
    %swap3A_250 = vector.shape_cast %broadcast_in_dim3A_246 : vector<16xf32> to vector<16xf32>
    tpu.vector_store %arg6[%swap3A_247], %swap3A_250 {strides = array<i32>} : memref<640xf32, #tpu.memory_space<vmem>>, vector<16xf32>,
    %broadcast_in_dim3A_251 = arith.constant 0.000000e+00 : f32
    %broadcast_in_dim3A_252 = vector.broadcast %broadcast_in_dim3A_251 : f32 to vector<16xf32>
    %swap3A_253 = arith.constant 544 : index
    %swap3A_254 = tpu.vector_load %arg6[%swap3A_253] {strides = array<i32>} : memref<640xf32, #tpu.memory_space<vmem>>, vector<16xf32>,
    %swap3A_255 = vector.shape_cast %swap3A_254 : vector<16xf32> to vector<16xf32>
    %swap3A_256 = vector.shape_cast %broadcast_in_dim3A_252 : vector<16xf32> to vector<16xf32>
    tpu.vector_store %arg6[%swap3A_253], %swap3A_256 {strides = array<i32>} : memref<640xf32, #tpu.memory_space<vmem>>, vector<16xf32>,
    %broadcast_in_dim3A_257 = arith.constant 0.000000e+00 : f32
    %broadcast_in_dim3A_258 = vector.broadcast %broadcast_in_dim3A_257 : f32 to vector<16xf32>
    %swap3A_259 = arith.constant 560 : index
    %swap3A_260 = tpu.vector_load %arg6[%swap3A_259] {strides = array<i32>} : memref<640xf32, #tpu.memory_space<vmem>>, vector<16xf32>,
    %swap3A_261 = vector.shape_cast %swap3A_260 : vector<16xf32> to vector<16xf32>
    %swap3A_262 = vector.shape_cast %broadcast_in_dim3A_258 : vector<16xf32> to vector<16xf32>
    tpu.vector_store %arg6[%swap3A_259], %swap3A_262 {strides = array<i32>} : memref<640xf32, #tpu.memory_space<vmem>>, vector<16xf32>,
    %broadcast_in_dim3A_263 = arith.constant 0.000000e+00 : f32
    %broadcast_in_dim3A_264 = vector.broadcast %broadcast_in_dim3A_263 : f32 to vector<16xf32>
    %swap3A_265 = arith.constant 576 : index
    %swap3A_266 = tpu.vector_load %arg6[%swap3A_265] {strides = array<i32>} : memref<640xf32, #tpu.memory_space<vmem>>, vector<16xf32>,
    %swap3A_267 = vector.shape_cast %swap3A_266 : vector<16xf32> to vector<16xf32>
    %swap3A_268 = vector.shape_cast %broadcast_in_dim3A_264 : vector<16xf32> to vector<16xf32>
    tpu.vector_store %arg6[%swap3A_265], %swap3A_268 {strides = array<i32>} : memref<640xf32, #tpu.memory_space<vmem>>, vector<16xf32>,
    %broadcast_in_dim3A_269 = arith.constant 0.000000e+00 : f32
    %broadcast_in_dim3A_270 = vector.broadcast %broadcast_in_dim3A_269 : f32 to vector<16xf32>
    %swap3A_271 = arith.constant 592 : index
    %swap3A_272 = tpu.vector_load %arg6[%swap3A_271] {strides = array<i32>} : memref<640xf32, #tpu.memory_space<vmem>>, vector<16xf32>,
    %swap3A_273 = vector.shape_cast %swap3A_272 : vector<16xf32> to vector<16xf32>
    %swap3A_274 = vector.shape_cast %broadcast_in_dim3A_270 : vector<16xf32> to vector<16xf32>
    tpu.vector_store %arg6[%swap3A_271], %swap3A_274 {strides = array<i32>} : memref<640xf32, #tpu.memory_space<vmem>>, vector<16xf32>,
    %broadcast_in_dim3A_275 = arith.constant 0.000000e+00 : f32
    %broadcast_in_dim3A_276 = vector.broadcast %broadcast_in_dim3A_275 : f32 to vector<16xf32>
    %swap3A_277 = arith.constant 608 : index
    %swap3A_278 = tpu.vector_load %arg6[%swap3A_277] {strides = array<i32>} : memref<640xf32, #tpu.memory_space<vmem>>, vector<16xf32>,
    %swap3A_279 = vector.shape_cast %swap3A_278 : vector<16xf32> to vector<16xf32>
    %swap3A_280 = vector.shape_cast %broadcast_in_dim3A_276 : vector<16xf32> to vector<16xf32>
    tpu.vector_store %arg6[%swap3A_277], %swap3A_280 {strides = array<i32>} : memref<640xf32, #tpu.memory_space<vmem>>, vector<16xf32>,
    %broadcast_in_dim3A_281 = arith.constant 0.000000e+00 : f32
    %broadcast_in_dim3A_282 = vector.broadcast %broadcast_in_dim3A_281 : f32 to vector<16xf32>
    %swap3A_283 = arith.constant 624 : index
    %swap3A_284 = tpu.vector_load %arg6[%swap3A_283] {strides = array<i32>} : memref<640xf32, #tpu.memory_space<vmem>>, vector<16xf32>,
    %swap3A_285 = vector.shape_cast %swap3A_284 : vector<16xf32> to vector<16xf32>
    %swap3A_286 = vector.shape_cast %broadcast_in_dim3A_282 : vector<16xf32> to vector<16xf32>
    tpu.vector_store %arg6[%swap3A_283], %swap3A_286 {strides = array<i32>} : memref<640xf32, #tpu.memory_space<vmem>>, vector<16xf32>,
    %mul3A_287 = arith.constant 640 : i32
    %mul3A_288 = arith.muli %arg1, %mul3A_287 : i32
    "tpu.region"() ({
      %run_scoped3A_299 = tpu.sem_alloc : memref<!tpu.dma_semaphore, #tpu.memory_space<semaphore_mem>>
      %dma_start3A = tpu.memref_slice %arg7[%mul3A_288] : memref<10240xf32, #tpu.memory_space<vmem_shared>> -> memref<640xf32, #tpu.memory_space<vmem_shared>>
      %dma_start3A_300 = tpu.memref_slice %arg7[%mul3A_288] : memref<10240xf32, #tpu.memory_space<vmem_shared>> -> memref<640xf32, #tpu.memory_space<vmem_shared>>
      tpu.enqueue_dma source(%arg6 : memref<640xf32, #tpu.memory_space<vmem>>) target(%dma_start3A_300 : memref<640xf32, #tpu.memory_space<vmem_shared>>) target_semaphore(%run_scoped3A_299 : memref<!tpu.dma_semaphore, #tpu.memory_space<semaphore_mem>>)
      %dma_wait3A = tpu.memref_slice %arg7[%mul3A_288] : memref<10240xf32, #tpu.memory_space<vmem_shared>> -> memref<640xf32, #tpu.memory_space<vmem_shared>>
      %dma_wait3A_301 = tpu.memref_slice %arg7[%mul3A_288] : memref<10240xf32, #tpu.memory_space<vmem_shared>> -> memref<640xf32, #tpu.memory_space<vmem_shared>>
      tpu.wait_dma2 semaphore(%run_scoped3A_299 : memref<!tpu.dma_semaphore, #tpu.memory_space<semaphore_mem>>) src(%arg6 : memref<640xf32, #tpu.memory_space<vmem>>) dst(%dma_wait3A_301 : memref<640xf32, #tpu.memory_space<vmem_shared>>)
      tpu.yield
    }) : () -> ()
    %barrier3A = arith.constant 0 : index
    tpu.barrier barrier_id(%barrier3A)
    %scan3A = arith.constant 0 : i32
    %scan3A_289 = arith.constant 0 : i32
    %scan3A_290 = arith.constant 80 : i32
    %scan3A_291 = arith.addi %scan3A_289, %scan3A_290 : i32
    %scan3A_292 = arith.constant 1 : i32
    scf.for %scan3A_299 = %scan3A_289 to %scan3A_291 step %scan3A_292  : i32 {
      "tpu.region"() ({
        %run_scoped3A_300 = tpu.sem_alloc : memref<!tpu.dma_semaphore, #tpu.memory_space<semaphore_mem>>
        %dma_start3A = arith.constant 0 : i32
        %dma_start3A_301 = tpu.memref_slice %arg4[%scan3A_299, %dma_start3A] : memref<80x128xi32, #tpu.memory_space<vmem>> -> memref<1x128xi32, #tpu.memory_space<vmem>>
        %dma_start3A_302 = tpu.memref_squeeze %dma_start3A_301 : memref<1x128xi32, #tpu.memory_space<vmem>> -> memref<128xi32, #tpu.memory_space<vmem>>
        %dma_start3A_303 = arith.constant 0 : i32
        %dma_start3A_304 = tpu.memref_slice %arg7[%dma_start3A_303] : memref<10240xf32, #tpu.memory_space<vmem_shared>> -> memref<10240xf32, #tpu.memory_space<vmem_shared>>
        tpu.enqueue_indirect_dma source(%arg5 : memref<128xf32, #tpu.memory_space<vmem>>) target(%dma_start3A_304 : memref<10240xf32, #tpu.memory_space<vmem_shared>>) offsets(%dma_start3A_302 : memref<128xi32, #tpu.memory_space<vmem>>) semaphore(%run_scoped3A_300 : memref<!tpu.dma_semaphore, #tpu.memory_space<semaphore_mem>>) {add = true}
        %dma_wait3A = arith.constant 0 : i32
        %dma_wait3A_305 = tpu.memref_slice %arg4[%scan3A_299, %dma_wait3A] : memref<80x128xi32, #tpu.memory_space<vmem>> -> memref<1x128xi32, #tpu.memory_space<vmem>>
        %dma_wait3A_306 = tpu.memref_squeeze %dma_wait3A_305 : memref<1x128xi32, #tpu.memory_space<vmem>> -> memref<128xi32, #tpu.memory_space<vmem>>
        %dma_wait3A_307 = arith.constant 0 : i32
        %dma_wait3A_308 = tpu.memref_slice %arg7[%dma_wait3A_307] : memref<10240xf32, #tpu.memory_space<vmem_shared>> -> memref<10240xf32, #tpu.memory_space<vmem_shared>>
        tpu.wait_indirect_dma semaphore(%run_scoped3A_300 : memref<!tpu.dma_semaphore, #tpu.memory_space<semaphore_mem>>) src(%arg5 : memref<128xf32, #tpu.memory_space<vmem>>) dst(%dma_wait3A_308 : memref<10240xf32, #tpu.memory_space<vmem_shared>>)
        tpu.yield
      }) : () -> ()
    }
    %scan3A_293 = arith.constant 80 : i32
    %barrier3A_294 = arith.constant 0 : index
    tpu.barrier barrier_id(%barrier3A_294)
    %mul3A_295 = arith.constant 640 : i32
    %mul3A_296 = arith.muli %arg1, %mul3A_295 : i32
    "tpu.region"() ({
      %run_scoped3A_299 = tpu.sem_alloc : memref<!tpu.dma_semaphore, #tpu.memory_space<semaphore_mem>>
      %dma_start3A = tpu.memref_slice %arg7[%mul3A_296] : memref<10240xf32, #tpu.memory_space<vmem_shared>> -> memref<640xf32, #tpu.memory_space<vmem_shared>>
      %dma_start3A_300 = tpu.memref_slice %arg7[%mul3A_296] : memref<10240xf32, #tpu.memory_space<vmem_shared>> -> memref<640xf32, #tpu.memory_space<vmem_shared>>
      tpu.enqueue_dma source(%dma_start3A_300 : memref<640xf32, #tpu.memory_space<vmem_shared>>) target(%arg6 : memref<640xf32, #tpu.memory_space<vmem>>) target_semaphore(%run_scoped3A_299 : memref<!tpu.dma_semaphore, #tpu.memory_space<semaphore_mem>>)
      %dma_wait3A = tpu.memref_slice %arg7[%mul3A_296] : memref<10240xf32, #tpu.memory_space<vmem_shared>> -> memref<640xf32, #tpu.memory_space<vmem_shared>>
      %dma_wait3A_301 = tpu.memref_slice %arg7[%mul3A_296] : memref<10240xf32, #tpu.memory_space<vmem_shared>> -> memref<640xf32, #tpu.memory_space<vmem_shared>>
      tpu.wait_dma2 semaphore(%run_scoped3A_299 : memref<!tpu.dma_semaphore, #tpu.memory_space<semaphore_mem>>) src(%dma_wait3A_301 : memref<640xf32, #tpu.memory_space<vmem_shared>>) dst(%arg6 : memref<640xf32, #tpu.memory_space<vmem>>)
      tpu.yield
    }) : () -> ()
    %mul3A_297 = arith.constant 640 : i32
    %mul3A_298 = arith.muli %arg1, %mul3A_297 : i32
    "tpu.region"() ({
      %run_scoped3A_299 = tpu.sem_alloc : memref<!tpu.dma_semaphore, #tpu.memory_space<semaphore_mem>>
      %dma_start3A = tpu.memref_slice %arg3[%arg0, %mul3A_298] : memref<2x10240xf32, #tpu.memory_space<hbm>> -> memref<1x640xf32, #tpu.memory_space<hbm>>
      %dma_start3A_300 = tpu.memref_squeeze %dma_start3A : memref<1x640xf32, #tpu.memory_space<hbm>> -> memref<640xf32, #tpu.memory_space<hbm>>
      %dma_start3A_301 = tpu.memref_slice %arg3[%arg0, %mul3A_298] : memref<2x10240xf32, #tpu.memory_space<hbm>> -> memref<1x640xf32, #tpu.memory_space<hbm>>
      %dma_start3A_302 = tpu.memref_squeeze %dma_start3A_301 : memref<1x640xf32, #tpu.memory_space<hbm>> -> memref<640xf32, #tpu.memory_space<hbm>>
      tpu.enqueue_dma source(%arg6 : memref<640xf32, #tpu.memory_space<vmem>>) target(%dma_start3A_302 : memref<640xf32, #tpu.memory_space<hbm>>) target_semaphore(%run_scoped3A_299 : memref<!tpu.dma_semaphore, #tpu.memory_space<semaphore_mem>>)
      %dma_wait3A = tpu.memref_slice %arg3[%arg0, %mul3A_298] : memref<2x10240xf32, #tpu.memory_space<hbm>> -> memref<1x640xf32, #tpu.memory_space<hbm>>
      %dma_wait3A_303 = tpu.memref_squeeze %dma_wait3A : memref<1x640xf32, #tpu.memory_space<hbm>> -> memref<640xf32, #tpu.memory_space<hbm>>
      %dma_wait3A_304 = tpu.memref_slice %arg3[%arg0, %mul3A_298] : memref<2x10240xf32, #tpu.memory_space<hbm>> -> memref<1x640xf32, #tpu.memory_space<hbm>>
      %dma_wait3A_305 = tpu.memref_squeeze %dma_wait3A_304 : memref<1x640xf32, #tpu.memory_space<hbm>> -> memref<640xf32, #tpu.memory_space<hbm>>
      tpu.wait_dma2 semaphore(%run_scoped3A_299 : memref<!tpu.dma_semaphore, #tpu.memory_space<semaphore_mem>>) src(%arg6 : memref<640xf32, #tpu.memory_space<vmem>>) dst(%dma_wait3A_305 : memref<640xf32, #tpu.memory_space<hbm>>)
      tpu.yield
    }) : () -> ()
    return
  }
}

#map = affine_map<(d0, d1) -> (0, 0, 0)>
#map1 = affine_map<(d0, d1) -> (0, 0, 0, 0)>
module attributes {stable_mosaic.version = 14 : i64} {
  func.func @_spmm_body(%arg0: i32, %arg1: i32, %arg2: memref<2x10240x64xf32, #tpu.memory_space<hbm>>, %arg3: memref<2x16x160x128xi32, #tpu.memory_space<hbm>>, %arg4: memref<2x10240x64xf32, #tpu.memory_space<hbm>>, %arg5: memref<160x128xi32, #tpu.memory_space<vmem>>, %arg6: memref<160x128xi32, #tpu.memory_space<vmem>>, %arg7: memref<5x128x64xf32, #tpu.memory_space<vmem>>, %arg8: memref<64x64xf32, #tpu.memory_space<vmem>>, %arg9: memref<10240x64xf32, #tpu.memory_space<vmem_shared>>, %arg10: memref<!tpu.dma_semaphore, #tpu.memory_space<semaphore_mem>>, %arg11: memref<!tpu.dma_semaphore, #tpu.memory_space<semaphore_mem>>, %arg12: memref<!tpu.dma_semaphore, #tpu.memory_space<semaphore_mem>>, %arg13: memref<!tpu.dma_semaphore, #tpu.memory_space<semaphore_mem>>, %arg14: memref<!tpu.dma_semaphore, #tpu.memory_space<semaphore_mem>>, %arg15: memref<!tpu.dma_semaphore, #tpu.memory_space<semaphore_mem>>, %arg16: memref<!tpu.dma_semaphore, #tpu.memory_space<semaphore_mem>>, %arg17: memref<!tpu.dma_semaphore, #tpu.memory_space<semaphore_mem>>, %arg18: memref<!tpu.dma_semaphore, #tpu.memory_space<semaphore_mem>>, %arg19: memref<!tpu.dma_semaphore, #tpu.memory_space<semaphore_mem>>) attributes {dimension_semantics = [#tpu.dimension_semantics<core_parallel>, #tpu.dimension_semantics<subcore_parallel>], iteration_bounds = array<i64: 2, 16>, scalar_prefetch = 0 : i64, scratch_operands = 15 : i64, tpu.core_type = #tpu.core_type<sc_vector_subcore>, window_params = [{transform_indices = #map}, {transform_indices = #map1}, {transform_indices = #map}]} {
    %run_scoped3A = arith.constant 0 : i32
    "tpu.region"() ({
      %run_scoped3A_170 = tpu.sem_alloc : memref<!tpu.dma_semaphore, #tpu.memory_space<semaphore_mem>>
      %dma_start3A_171 = arith.constant 0 : i32
      %dma_start3A_172 = arith.constant 0 : i32
      %dma_start3A_173 = tpu.memref_slice %arg3[%run_scoped3A, %arg1, %dma_start3A_171, %dma_start3A_172] : memref<2x16x160x128xi32, #tpu.memory_space<hbm>> -> memref<1x1x160x128xi32, #tpu.memory_space<hbm>>
      %dma_start3A_174 = tpu.memref_squeeze %dma_start3A_173 : memref<1x1x160x128xi32, #tpu.memory_space<hbm>> -> memref<160x128xi32, #tpu.memory_space<hbm>>
      %dma_start3A_175 = arith.constant 0 : i32
      %dma_start3A_176 = arith.constant 0 : i32
      %dma_start3A_177 = tpu.memref_slice %arg3[%run_scoped3A, %arg1, %dma_start3A_175, %dma_start3A_176] : memref<2x16x160x128xi32, #tpu.memory_space<hbm>> -> memref<1x1x160x128xi32, #tpu.memory_space<hbm>>
      %dma_start3A_178 = tpu.memref_squeeze %dma_start3A_177 : memref<1x1x160x128xi32, #tpu.memory_space<hbm>> -> memref<160x128xi32, #tpu.memory_space<hbm>>
      tpu.enqueue_dma source(%dma_start3A_178 : memref<160x128xi32, #tpu.memory_space<hbm>>) target(%arg5 : memref<160x128xi32, #tpu.memory_space<vmem>>) target_semaphore(%run_scoped3A_170 : memref<!tpu.dma_semaphore, #tpu.memory_space<semaphore_mem>>)
      %dma_wait3A = arith.constant 0 : i32
      %dma_wait3A_179 = arith.constant 0 : i32
      %dma_wait3A_180 = tpu.memref_slice %arg3[%run_scoped3A, %arg1, %dma_wait3A, %dma_wait3A_179] : memref<2x16x160x128xi32, #tpu.memory_space<hbm>> -> memref<1x1x160x128xi32, #tpu.memory_space<hbm>>
      %dma_wait3A_181 = tpu.memref_squeeze %dma_wait3A_180 : memref<1x1x160x128xi32, #tpu.memory_space<hbm>> -> memref<160x128xi32, #tpu.memory_space<hbm>>
      %dma_wait3A_182 = arith.constant 0 : i32
      %dma_wait3A_183 = arith.constant 0 : i32
      %dma_wait3A_184 = tpu.memref_slice %arg3[%run_scoped3A, %arg1, %dma_wait3A_182, %dma_wait3A_183] : memref<2x16x160x128xi32, #tpu.memory_space<hbm>> -> memref<1x1x160x128xi32, #tpu.memory_space<hbm>>
      %dma_wait3A_185 = tpu.memref_squeeze %dma_wait3A_184 : memref<1x1x160x128xi32, #tpu.memory_space<hbm>> -> memref<160x128xi32, #tpu.memory_space<hbm>>
      tpu.wait_dma2 semaphore(%run_scoped3A_170 : memref<!tpu.dma_semaphore, #tpu.memory_space<semaphore_mem>>) src(%dma_wait3A_185 : memref<160x128xi32, #tpu.memory_space<hbm>>) dst(%arg5 : memref<160x128xi32, #tpu.memory_space<vmem>>)
      tpu.yield
    }) : () -> ()
    %run_scoped3A_0 = arith.constant 1 : i32
    "tpu.region"() ({
      %run_scoped3A_170 = tpu.sem_alloc : memref<!tpu.dma_semaphore, #tpu.memory_space<semaphore_mem>>
      %dma_start3A_171 = arith.constant 0 : i32
      %dma_start3A_172 = arith.constant 0 : i32
      %dma_start3A_173 = tpu.memref_slice %arg3[%run_scoped3A_0, %arg1, %dma_start3A_171, %dma_start3A_172] : memref<2x16x160x128xi32, #tpu.memory_space<hbm>> -> memref<1x1x160x128xi32, #tpu.memory_space<hbm>>
      %dma_start3A_174 = tpu.memref_squeeze %dma_start3A_173 : memref<1x1x160x128xi32, #tpu.memory_space<hbm>> -> memref<160x128xi32, #tpu.memory_space<hbm>>
      %dma_start3A_175 = arith.constant 0 : i32
      %dma_start3A_176 = arith.constant 0 : i32
      %dma_start3A_177 = tpu.memref_slice %arg3[%run_scoped3A_0, %arg1, %dma_start3A_175, %dma_start3A_176] : memref<2x16x160x128xi32, #tpu.memory_space<hbm>> -> memref<1x1x160x128xi32, #tpu.memory_space<hbm>>
      %dma_start3A_178 = tpu.memref_squeeze %dma_start3A_177 : memref<1x1x160x128xi32, #tpu.memory_space<hbm>> -> memref<160x128xi32, #tpu.memory_space<hbm>>
      tpu.enqueue_dma source(%dma_start3A_178 : memref<160x128xi32, #tpu.memory_space<hbm>>) target(%arg6 : memref<160x128xi32, #tpu.memory_space<vmem>>) target_semaphore(%run_scoped3A_170 : memref<!tpu.dma_semaphore, #tpu.memory_space<semaphore_mem>>)
      %dma_wait3A = arith.constant 0 : i32
      %dma_wait3A_179 = arith.constant 0 : i32
      %dma_wait3A_180 = tpu.memref_slice %arg3[%run_scoped3A_0, %arg1, %dma_wait3A, %dma_wait3A_179] : memref<2x16x160x128xi32, #tpu.memory_space<hbm>> -> memref<1x1x160x128xi32, #tpu.memory_space<hbm>>
      %dma_wait3A_181 = tpu.memref_squeeze %dma_wait3A_180 : memref<1x1x160x128xi32, #tpu.memory_space<hbm>> -> memref<160x128xi32, #tpu.memory_space<hbm>>
      %dma_wait3A_182 = arith.constant 0 : i32
      %dma_wait3A_183 = arith.constant 0 : i32
      %dma_wait3A_184 = tpu.memref_slice %arg3[%run_scoped3A_0, %arg1, %dma_wait3A_182, %dma_wait3A_183] : memref<2x16x160x128xi32, #tpu.memory_space<hbm>> -> memref<1x1x160x128xi32, #tpu.memory_space<hbm>>
      %dma_wait3A_185 = tpu.memref_squeeze %dma_wait3A_184 : memref<1x1x160x128xi32, #tpu.memory_space<hbm>> -> memref<160x128xi32, #tpu.memory_space<hbm>>
      tpu.wait_dma2 semaphore(%run_scoped3A_170 : memref<!tpu.dma_semaphore, #tpu.memory_space<semaphore_mem>>) src(%dma_wait3A_185 : memref<160x128xi32, #tpu.memory_space<hbm>>) dst(%arg6 : memref<160x128xi32, #tpu.memory_space<vmem>>)
      tpu.yield
    }) : () -> ()
    %scan3A = arith.constant 0 : i32
    %scan3A_1 = arith.constant 0 : i32
    %scan3A_2 = arith.constant 64 : i32
    %scan3A_3 = arith.addi %scan3A_1, %scan3A_2 : i32
    %scan3A_4 = arith.constant 1 : i32
    scf.for %scan3A_170 = %scan3A_1 to %scan3A_3 step %scan3A_4  : i32 {
      %broadcast_in_dim3A = arith.constant 0.000000e+00 : f32
      %broadcast_in_dim3A_171 = vector.broadcast %broadcast_in_dim3A : f32 to vector<16xf32>
      %swap3A = arith.index_cast %scan3A_170 : i32 to index
      %swap3A_172 = arith.constant 0 : index
      %swap3A_173 = tpu.vector_load %arg8[%swap3A, %swap3A_172] {strides = array<i32>} : memref<64x64xf32, #tpu.memory_space<vmem>>, vector<1x16xf32>,
      %swap3A_174 = vector.shape_cast %swap3A_173 : vector<1x16xf32> to vector<16xf32>
      %swap3A_175 = vector.shape_cast %broadcast_in_dim3A_171 : vector<16xf32> to vector<1x16xf32>
      tpu.vector_store %arg8[%swap3A, %swap3A_172], %swap3A_175 {strides = array<i32>} : memref<64x64xf32, #tpu.memory_space<vmem>>, vector<1x16xf32>,
      %broadcast_in_dim3A_176 = arith.constant 0.000000e+00 : f32
      %broadcast_in_dim3A_177 = vector.broadcast %broadcast_in_dim3A_176 : f32 to vector<16xf32>
      %swap3A_178 = arith.index_cast %scan3A_170 : i32 to index
      %swap3A_179 = arith.constant 16 : index
      %swap3A_180 = tpu.vector_load %arg8[%swap3A_178, %swap3A_179] {strides = array<i32>} : memref<64x64xf32, #tpu.memory_space<vmem>>, vector<1x16xf32>,
      %swap3A_181 = vector.shape_cast %swap3A_180 : vector<1x16xf32> to vector<16xf32>
      %swap3A_182 = vector.shape_cast %broadcast_in_dim3A_177 : vector<16xf32> to vector<1x16xf32>
      tpu.vector_store %arg8[%swap3A_178, %swap3A_179], %swap3A_182 {strides = array<i32>} : memref<64x64xf32, #tpu.memory_space<vmem>>, vector<1x16xf32>,
      %broadcast_in_dim3A_183 = arith.constant 0.000000e+00 : f32
      %broadcast_in_dim3A_184 = vector.broadcast %broadcast_in_dim3A_183 : f32 to vector<16xf32>
      %swap3A_185 = arith.index_cast %scan3A_170 : i32 to index
      %swap3A_186 = arith.constant 32 : index
      %swap3A_187 = tpu.vector_load %arg8[%swap3A_185, %swap3A_186] {strides = array<i32>} : memref<64x64xf32, #tpu.memory_space<vmem>>, vector<1x16xf32>,
      %swap3A_188 = vector.shape_cast %swap3A_187 : vector<1x16xf32> to vector<16xf32>
      %swap3A_189 = vector.shape_cast %broadcast_in_dim3A_184 : vector<16xf32> to vector<1x16xf32>
      tpu.vector_store %arg8[%swap3A_185, %swap3A_186], %swap3A_189 {strides = array<i32>} : memref<64x64xf32, #tpu.memory_space<vmem>>, vector<1x16xf32>,
      %broadcast_in_dim3A_190 = arith.constant 0.000000e+00 : f32
      %broadcast_in_dim3A_191 = vector.broadcast %broadcast_in_dim3A_190 : f32 to vector<16xf32>
      %swap3A_192 = arith.index_cast %scan3A_170 : i32 to index
      %swap3A_193 = arith.constant 48 : index
      %swap3A_194 = tpu.vector_load %arg8[%swap3A_192, %swap3A_193] {strides = array<i32>} : memref<64x64xf32, #tpu.memory_space<vmem>>, vector<1x16xf32>,
      %swap3A_195 = vector.shape_cast %swap3A_194 : vector<1x16xf32> to vector<16xf32>
      %swap3A_196 = vector.shape_cast %broadcast_in_dim3A_191 : vector<16xf32> to vector<1x16xf32>
      tpu.vector_store %arg8[%swap3A_192, %swap3A_193], %swap3A_196 {strides = array<i32>} : memref<64x64xf32, #tpu.memory_space<vmem>>, vector<1x16xf32>,
    }
    %scan3A_5 = arith.constant 64 : i32
    %mul3A = arith.constant 640 : i32
    %mul3A_6 = arith.muli %arg1, %mul3A : i32
    %add3A = arith.constant 0 : i32
    %add3A_7 = arith.addi %mul3A_6, %add3A : i32
    "tpu.region"() ({
      %run_scoped3A_170 = tpu.sem_alloc : memref<!tpu.dma_semaphore, #tpu.memory_space<semaphore_mem>>
      %dma_start3A_171 = arith.constant 0 : i32
      %dma_start3A_172 = tpu.memref_slice %arg9[%add3A_7, %dma_start3A_171] : memref<10240x64xf32, #tpu.memory_space<vmem_shared>> -> memref<64x64xf32, #tpu.memory_space<vmem_shared>>
      %dma_start3A_173 = arith.constant 0 : i32
      %dma_start3A_174 = tpu.memref_slice %arg9[%add3A_7, %dma_start3A_173] : memref<10240x64xf32, #tpu.memory_space<vmem_shared>> -> memref<64x64xf32, #tpu.memory_space<vmem_shared>>
      tpu.enqueue_dma source(%arg8 : memref<64x64xf32, #tpu.memory_space<vmem>>) target(%dma_start3A_174 : memref<64x64xf32, #tpu.memory_space<vmem_shared>>) target_semaphore(%run_scoped3A_170 : memref<!tpu.dma_semaphore, #tpu.memory_space<semaphore_mem>>)
      %dma_wait3A = arith.constant 0 : i32
      %dma_wait3A_175 = tpu.memref_slice %arg9[%add3A_7, %dma_wait3A] : memref<10240x64xf32, #tpu.memory_space<vmem_shared>> -> memref<64x64xf32, #tpu.memory_space<vmem_shared>>
      %dma_wait3A_176 = arith.constant 0 : i32
      %dma_wait3A_177 = tpu.memref_slice %arg9[%add3A_7, %dma_wait3A_176] : memref<10240x64xf32, #tpu.memory_space<vmem_shared>> -> memref<64x64xf32, #tpu.memory_space<vmem_shared>>
      tpu.wait_dma2 semaphore(%run_scoped3A_170 : memref<!tpu.dma_semaphore, #tpu.memory_space<semaphore_mem>>) src(%arg8 : memref<64x64xf32, #tpu.memory_space<vmem>>) dst(%dma_wait3A_177 : memref<64x64xf32, #tpu.memory_space<vmem_shared>>)
      tpu.yield
    }) : () -> ()
    %mul3A_8 = arith.constant 640 : i32
    %mul3A_9 = arith.muli %arg1, %mul3A_8 : i32
    %add3A_10 = arith.constant 64 : i32
    %add3A_11 = arith.addi %mul3A_9, %add3A_10 : i32
    "tpu.region"() ({
      %run_scoped3A_170 = tpu.sem_alloc : memref<!tpu.dma_semaphore, #tpu.memory_space<semaphore_mem>>
      %dma_start3A_171 = arith.constant 0 : i32
      %dma_start3A_172 = tpu.memref_slice %arg9[%add3A_11, %dma_start3A_171] : memref<10240x64xf32, #tpu.memory_space<vmem_shared>> -> memref<64x64xf32, #tpu.memory_space<vmem_shared>>
      %dma_start3A_173 = arith.constant 0 : i32
      %dma_start3A_174 = tpu.memref_slice %arg9[%add3A_11, %dma_start3A_173] : memref<10240x64xf32, #tpu.memory_space<vmem_shared>> -> memref<64x64xf32, #tpu.memory_space<vmem_shared>>
      tpu.enqueue_dma source(%arg8 : memref<64x64xf32, #tpu.memory_space<vmem>>) target(%dma_start3A_174 : memref<64x64xf32, #tpu.memory_space<vmem_shared>>) target_semaphore(%run_scoped3A_170 : memref<!tpu.dma_semaphore, #tpu.memory_space<semaphore_mem>>)
      %dma_wait3A = arith.constant 0 : i32
      %dma_wait3A_175 = tpu.memref_slice %arg9[%add3A_11, %dma_wait3A] : memref<10240x64xf32, #tpu.memory_space<vmem_shared>> -> memref<64x64xf32, #tpu.memory_space<vmem_shared>>
      %dma_wait3A_176 = arith.constant 0 : i32
      %dma_wait3A_177 = tpu.memref_slice %arg9[%add3A_11, %dma_wait3A_176] : memref<10240x64xf32, #tpu.memory_space<vmem_shared>> -> memref<64x64xf32, #tpu.memory_space<vmem_shared>>
      tpu.wait_dma2 semaphore(%run_scoped3A_170 : memref<!tpu.dma_semaphore, #tpu.memory_space<semaphore_mem>>) src(%arg8 : memref<64x64xf32, #tpu.memory_space<vmem>>) dst(%dma_wait3A_177 : memref<64x64xf32, #tpu.memory_space<vmem_shared>>)
      tpu.yield
    }) : () -> ()
    %mul3A_12 = arith.constant 640 : i32
    %mul3A_13 = arith.muli %arg1, %mul3A_12 : i32
    %add3A_14 = arith.constant 128 : i32
    %add3A_15 = arith.addi %mul3A_13, %add3A_14 : i32
    "tpu.region"() ({
      %run_scoped3A_170 = tpu.sem_alloc : memref<!tpu.dma_semaphore, #tpu.memory_space<semaphore_mem>>
      %dma_start3A_171 = arith.constant 0 : i32
      %dma_start3A_172 = tpu.memref_slice %arg9[%add3A_15, %dma_start3A_171] : memref<10240x64xf32, #tpu.memory_space<vmem_shared>> -> memref<64x64xf32, #tpu.memory_space<vmem_shared>>
      %dma_start3A_173 = arith.constant 0 : i32
      %dma_start3A_174 = tpu.memref_slice %arg9[%add3A_15, %dma_start3A_173] : memref<10240x64xf32, #tpu.memory_space<vmem_shared>> -> memref<64x64xf32, #tpu.memory_space<vmem_shared>>
      tpu.enqueue_dma source(%arg8 : memref<64x64xf32, #tpu.memory_space<vmem>>) target(%dma_start3A_174 : memref<64x64xf32, #tpu.memory_space<vmem_shared>>) target_semaphore(%run_scoped3A_170 : memref<!tpu.dma_semaphore, #tpu.memory_space<semaphore_mem>>)
      %dma_wait3A = arith.constant 0 : i32
      %dma_wait3A_175 = tpu.memref_slice %arg9[%add3A_15, %dma_wait3A] : memref<10240x64xf32, #tpu.memory_space<vmem_shared>> -> memref<64x64xf32, #tpu.memory_space<vmem_shared>>
      %dma_wait3A_176 = arith.constant 0 : i32
      %dma_wait3A_177 = tpu.memref_slice %arg9[%add3A_15, %dma_wait3A_176] : memref<10240x64xf32, #tpu.memory_space<vmem_shared>> -> memref<64x64xf32, #tpu.memory_space<vmem_shared>>
      tpu.wait_dma2 semaphore(%run_scoped3A_170 : memref<!tpu.dma_semaphore, #tpu.memory_space<semaphore_mem>>) src(%arg8 : memref<64x64xf32, #tpu.memory_space<vmem>>) dst(%dma_wait3A_177 : memref<64x64xf32, #tpu.memory_space<vmem_shared>>)
      tpu.yield
    }) : () -> ()
    %mul3A_16 = arith.constant 640 : i32
    %mul3A_17 = arith.muli %arg1, %mul3A_16 : i32
    %add3A_18 = arith.constant 192 : i32
    %add3A_19 = arith.addi %mul3A_17, %add3A_18 : i32
    "tpu.region"() ({
      %run_scoped3A_170 = tpu.sem_alloc : memref<!tpu.dma_semaphore, #tpu.memory_space<semaphore_mem>>
      %dma_start3A_171 = arith.constant 0 : i32
      %dma_start3A_172 = tpu.memref_slice %arg9[%add3A_19, %dma_start3A_171] : memref<10240x64xf32, #tpu.memory_space<vmem_shared>> -> memref<64x64xf32, #tpu.memory_space<vmem_shared>>
      %dma_start3A_173 = arith.constant 0 : i32
      %dma_start3A_174 = tpu.memref_slice %arg9[%add3A_19, %dma_start3A_173] : memref<10240x64xf32, #tpu.memory_space<vmem_shared>> -> memref<64x64xf32, #tpu.memory_space<vmem_shared>>
      tpu.enqueue_dma source(%arg8 : memref<64x64xf32, #tpu.memory_space<vmem>>) target(%dma_start3A_174 : memref<64x64xf32, #tpu.memory_space<vmem_shared>>) target_semaphore(%run_scoped3A_170 : memref<!tpu.dma_semaphore, #tpu.memory_space<semaphore_mem>>)
      %dma_wait3A = arith.constant 0 : i32
      %dma_wait3A_175 = tpu.memref_slice %arg9[%add3A_19, %dma_wait3A] : memref<10240x64xf32, #tpu.memory_space<vmem_shared>> -> memref<64x64xf32, #tpu.memory_space<vmem_shared>>
      %dma_wait3A_176 = arith.constant 0 : i32
      %dma_wait3A_177 = tpu.memref_slice %arg9[%add3A_19, %dma_wait3A_176] : memref<10240x64xf32, #tpu.memory_space<vmem_shared>> -> memref<64x64xf32, #tpu.memory_space<vmem_shared>>
      tpu.wait_dma2 semaphore(%run_scoped3A_170 : memref<!tpu.dma_semaphore, #tpu.memory_space<semaphore_mem>>) src(%arg8 : memref<64x64xf32, #tpu.memory_space<vmem>>) dst(%dma_wait3A_177 : memref<64x64xf32, #tpu.memory_space<vmem_shared>>)
      tpu.yield
    }) : () -> ()
    %mul3A_20 = arith.constant 640 : i32
    %mul3A_21 = arith.muli %arg1, %mul3A_20 : i32
    %add3A_22 = arith.constant 256 : i32
    %add3A_23 = arith.addi %mul3A_21, %add3A_22 : i32
    "tpu.region"() ({
      %run_scoped3A_170 = tpu.sem_alloc : memref<!tpu.dma_semaphore, #tpu.memory_space<semaphore_mem>>
      %dma_start3A_171 = arith.constant 0 : i32
      %dma_start3A_172 = tpu.memref_slice %arg9[%add3A_23, %dma_start3A_171] : memref<10240x64xf32, #tpu.memory_space<vmem_shared>> -> memref<64x64xf32, #tpu.memory_space<vmem_shared>>
      %dma_start3A_173 = arith.constant 0 : i32
      %dma_start3A_174 = tpu.memref_slice %arg9[%add3A_23, %dma_start3A_173] : memref<10240x64xf32, #tpu.memory_space<vmem_shared>> -> memref<64x64xf32, #tpu.memory_space<vmem_shared>>
      tpu.enqueue_dma source(%arg8 : memref<64x64xf32, #tpu.memory_space<vmem>>) target(%dma_start3A_174 : memref<64x64xf32, #tpu.memory_space<vmem_shared>>) target_semaphore(%run_scoped3A_170 : memref<!tpu.dma_semaphore, #tpu.memory_space<semaphore_mem>>)
      %dma_wait3A = arith.constant 0 : i32
      %dma_wait3A_175 = tpu.memref_slice %arg9[%add3A_23, %dma_wait3A] : memref<10240x64xf32, #tpu.memory_space<vmem_shared>> -> memref<64x64xf32, #tpu.memory_space<vmem_shared>>
      %dma_wait3A_176 = arith.constant 0 : i32
      %dma_wait3A_177 = tpu.memref_slice %arg9[%add3A_23, %dma_wait3A_176] : memref<10240x64xf32, #tpu.memory_space<vmem_shared>> -> memref<64x64xf32, #tpu.memory_space<vmem_shared>>
      tpu.wait_dma2 semaphore(%run_scoped3A_170 : memref<!tpu.dma_semaphore, #tpu.memory_space<semaphore_mem>>) src(%arg8 : memref<64x64xf32, #tpu.memory_space<vmem>>) dst(%dma_wait3A_177 : memref<64x64xf32, #tpu.memory_space<vmem_shared>>)
      tpu.yield
    }) : () -> ()
    %mul3A_24 = arith.constant 640 : i32
    %mul3A_25 = arith.muli %arg1, %mul3A_24 : i32
    %add3A_26 = arith.constant 320 : i32
    %add3A_27 = arith.addi %mul3A_25, %add3A_26 : i32
    "tpu.region"() ({
      %run_scoped3A_170 = tpu.sem_alloc : memref<!tpu.dma_semaphore, #tpu.memory_space<semaphore_mem>>
      %dma_start3A_171 = arith.constant 0 : i32
      %dma_start3A_172 = tpu.memref_slice %arg9[%add3A_27, %dma_start3A_171] : memref<10240x64xf32, #tpu.memory_space<vmem_shared>> -> memref<64x64xf32, #tpu.memory_space<vmem_shared>>
      %dma_start3A_173 = arith.constant 0 : i32
      %dma_start3A_174 = tpu.memref_slice %arg9[%add3A_27, %dma_start3A_173] : memref<10240x64xf32, #tpu.memory_space<vmem_shared>> -> memref<64x64xf32, #tpu.memory_space<vmem_shared>>
      tpu.enqueue_dma source(%arg8 : memref<64x64xf32, #tpu.memory_space<vmem>>) target(%dma_start3A_174 : memref<64x64xf32, #tpu.memory_space<vmem_shared>>) target_semaphore(%run_scoped3A_170 : memref<!tpu.dma_semaphore, #tpu.memory_space<semaphore_mem>>)
      %dma_wait3A = arith.constant 0 : i32
      %dma_wait3A_175 = tpu.memref_slice %arg9[%add3A_27, %dma_wait3A] : memref<10240x64xf32, #tpu.memory_space<vmem_shared>> -> memref<64x64xf32, #tpu.memory_space<vmem_shared>>
      %dma_wait3A_176 = arith.constant 0 : i32
      %dma_wait3A_177 = tpu.memref_slice %arg9[%add3A_27, %dma_wait3A_176] : memref<10240x64xf32, #tpu.memory_space<vmem_shared>> -> memref<64x64xf32, #tpu.memory_space<vmem_shared>>
      tpu.wait_dma2 semaphore(%run_scoped3A_170 : memref<!tpu.dma_semaphore, #tpu.memory_space<semaphore_mem>>) src(%arg8 : memref<64x64xf32, #tpu.memory_space<vmem>>) dst(%dma_wait3A_177 : memref<64x64xf32, #tpu.memory_space<vmem_shared>>)
      tpu.yield
    }) : () -> ()
    %mul3A_28 = arith.constant 640 : i32
    %mul3A_29 = arith.muli %arg1, %mul3A_28 : i32
    %add3A_30 = arith.constant 384 : i32
    %add3A_31 = arith.addi %mul3A_29, %add3A_30 : i32
    "tpu.region"() ({
      %run_scoped3A_170 = tpu.sem_alloc : memref<!tpu.dma_semaphore, #tpu.memory_space<semaphore_mem>>
      %dma_start3A_171 = arith.constant 0 : i32
      %dma_start3A_172 = tpu.memref_slice %arg9[%add3A_31, %dma_start3A_171] : memref<10240x64xf32, #tpu.memory_space<vmem_shared>> -> memref<64x64xf32, #tpu.memory_space<vmem_shared>>
      %dma_start3A_173 = arith.constant 0 : i32
      %dma_start3A_174 = tpu.memref_slice %arg9[%add3A_31, %dma_start3A_173] : memref<10240x64xf32, #tpu.memory_space<vmem_shared>> -> memref<64x64xf32, #tpu.memory_space<vmem_shared>>
      tpu.enqueue_dma source(%arg8 : memref<64x64xf32, #tpu.memory_space<vmem>>) target(%dma_start3A_174 : memref<64x64xf32, #tpu.memory_space<vmem_shared>>) target_semaphore(%run_scoped3A_170 : memref<!tpu.dma_semaphore, #tpu.memory_space<semaphore_mem>>)
      %dma_wait3A = arith.constant 0 : i32
      %dma_wait3A_175 = tpu.memref_slice %arg9[%add3A_31, %dma_wait3A] : memref<10240x64xf32, #tpu.memory_space<vmem_shared>> -> memref<64x64xf32, #tpu.memory_space<vmem_shared>>
      %dma_wait3A_176 = arith.constant 0 : i32
      %dma_wait3A_177 = tpu.memref_slice %arg9[%add3A_31, %dma_wait3A_176] : memref<10240x64xf32, #tpu.memory_space<vmem_shared>> -> memref<64x64xf32, #tpu.memory_space<vmem_shared>>
      tpu.wait_dma2 semaphore(%run_scoped3A_170 : memref<!tpu.dma_semaphore, #tpu.memory_space<semaphore_mem>>) src(%arg8 : memref<64x64xf32, #tpu.memory_space<vmem>>) dst(%dma_wait3A_177 : memref<64x64xf32, #tpu.memory_space<vmem_shared>>)
      tpu.yield
    }) : () -> ()
    %mul3A_32 = arith.constant 640 : i32
    %mul3A_33 = arith.muli %arg1, %mul3A_32 : i32
    %add3A_34 = arith.constant 448 : i32
    %add3A_35 = arith.addi %mul3A_33, %add3A_34 : i32
    "tpu.region"() ({
      %run_scoped3A_170 = tpu.sem_alloc : memref<!tpu.dma_semaphore, #tpu.memory_space<semaphore_mem>>
      %dma_start3A_171 = arith.constant 0 : i32
      %dma_start3A_172 = tpu.memref_slice %arg9[%add3A_35, %dma_start3A_171] : memref<10240x64xf32, #tpu.memory_space<vmem_shared>> -> memref<64x64xf32, #tpu.memory_space<vmem_shared>>
      %dma_start3A_173 = arith.constant 0 : i32
      %dma_start3A_174 = tpu.memref_slice %arg9[%add3A_35, %dma_start3A_173] : memref<10240x64xf32, #tpu.memory_space<vmem_shared>> -> memref<64x64xf32, #tpu.memory_space<vmem_shared>>
      tpu.enqueue_dma source(%arg8 : memref<64x64xf32, #tpu.memory_space<vmem>>) target(%dma_start3A_174 : memref<64x64xf32, #tpu.memory_space<vmem_shared>>) target_semaphore(%run_scoped3A_170 : memref<!tpu.dma_semaphore, #tpu.memory_space<semaphore_mem>>)
      %dma_wait3A = arith.constant 0 : i32
      %dma_wait3A_175 = tpu.memref_slice %arg9[%add3A_35, %dma_wait3A] : memref<10240x64xf32, #tpu.memory_space<vmem_shared>> -> memref<64x64xf32, #tpu.memory_space<vmem_shared>>
      %dma_wait3A_176 = arith.constant 0 : i32
      %dma_wait3A_177 = tpu.memref_slice %arg9[%add3A_35, %dma_wait3A_176] : memref<10240x64xf32, #tpu.memory_space<vmem_shared>> -> memref<64x64xf32, #tpu.memory_space<vmem_shared>>
      tpu.wait_dma2 semaphore(%run_scoped3A_170 : memref<!tpu.dma_semaphore, #tpu.memory_space<semaphore_mem>>) src(%arg8 : memref<64x64xf32, #tpu.memory_space<vmem>>) dst(%dma_wait3A_177 : memref<64x64xf32, #tpu.memory_space<vmem_shared>>)
      tpu.yield
    }) : () -> ()
    %mul3A_36 = arith.constant 640 : i32
    %mul3A_37 = arith.muli %arg1, %mul3A_36 : i32
    %add3A_38 = arith.constant 512 : i32
    %add3A_39 = arith.addi %mul3A_37, %add3A_38 : i32
    "tpu.region"() ({
      %run_scoped3A_170 = tpu.sem_alloc : memref<!tpu.dma_semaphore, #tpu.memory_space<semaphore_mem>>
      %dma_start3A_171 = arith.constant 0 : i32
      %dma_start3A_172 = tpu.memref_slice %arg9[%add3A_39, %dma_start3A_171] : memref<10240x64xf32, #tpu.memory_space<vmem_shared>> -> memref<64x64xf32, #tpu.memory_space<vmem_shared>>
      %dma_start3A_173 = arith.constant 0 : i32
      %dma_start3A_174 = tpu.memref_slice %arg9[%add3A_39, %dma_start3A_173] : memref<10240x64xf32, #tpu.memory_space<vmem_shared>> -> memref<64x64xf32, #tpu.memory_space<vmem_shared>>
      tpu.enqueue_dma source(%arg8 : memref<64x64xf32, #tpu.memory_space<vmem>>) target(%dma_start3A_174 : memref<64x64xf32, #tpu.memory_space<vmem_shared>>) target_semaphore(%run_scoped3A_170 : memref<!tpu.dma_semaphore, #tpu.memory_space<semaphore_mem>>)
      %dma_wait3A = arith.constant 0 : i32
      %dma_wait3A_175 = tpu.memref_slice %arg9[%add3A_39, %dma_wait3A] : memref<10240x64xf32, #tpu.memory_space<vmem_shared>> -> memref<64x64xf32, #tpu.memory_space<vmem_shared>>
      %dma_wait3A_176 = arith.constant 0 : i32
      %dma_wait3A_177 = tpu.memref_slice %arg9[%add3A_39, %dma_wait3A_176] : memref<10240x64xf32, #tpu.memory_space<vmem_shared>> -> memref<64x64xf32, #tpu.memory_space<vmem_shared>>
      tpu.wait_dma2 semaphore(%run_scoped3A_170 : memref<!tpu.dma_semaphore, #tpu.memory_space<semaphore_mem>>) src(%arg8 : memref<64x64xf32, #tpu.memory_space<vmem>>) dst(%dma_wait3A_177 : memref<64x64xf32, #tpu.memory_space<vmem_shared>>)
      tpu.yield
    }) : () -> ()
    %mul3A_40 = arith.constant 640 : i32
    %mul3A_41 = arith.muli %arg1, %mul3A_40 : i32
    %add3A_42 = arith.constant 576 : i32
    %add3A_43 = arith.addi %mul3A_41, %add3A_42 : i32
    "tpu.region"() ({
      %run_scoped3A_170 = tpu.sem_alloc : memref<!tpu.dma_semaphore, #tpu.memory_space<semaphore_mem>>
      %dma_start3A_171 = arith.constant 0 : i32
      %dma_start3A_172 = tpu.memref_slice %arg9[%add3A_43, %dma_start3A_171] : memref<10240x64xf32, #tpu.memory_space<vmem_shared>> -> memref<64x64xf32, #tpu.memory_space<vmem_shared>>
      %dma_start3A_173 = arith.constant 0 : i32
      %dma_start3A_174 = tpu.memref_slice %arg9[%add3A_43, %dma_start3A_173] : memref<10240x64xf32, #tpu.memory_space<vmem_shared>> -> memref<64x64xf32, #tpu.memory_space<vmem_shared>>
      tpu.enqueue_dma source(%arg8 : memref<64x64xf32, #tpu.memory_space<vmem>>) target(%dma_start3A_174 : memref<64x64xf32, #tpu.memory_space<vmem_shared>>) target_semaphore(%run_scoped3A_170 : memref<!tpu.dma_semaphore, #tpu.memory_space<semaphore_mem>>)
      %dma_wait3A = arith.constant 0 : i32
      %dma_wait3A_175 = tpu.memref_slice %arg9[%add3A_43, %dma_wait3A] : memref<10240x64xf32, #tpu.memory_space<vmem_shared>> -> memref<64x64xf32, #tpu.memory_space<vmem_shared>>
      %dma_wait3A_176 = arith.constant 0 : i32
      %dma_wait3A_177 = tpu.memref_slice %arg9[%add3A_43, %dma_wait3A_176] : memref<10240x64xf32, #tpu.memory_space<vmem_shared>> -> memref<64x64xf32, #tpu.memory_space<vmem_shared>>
      tpu.wait_dma2 semaphore(%run_scoped3A_170 : memref<!tpu.dma_semaphore, #tpu.memory_space<semaphore_mem>>) src(%arg8 : memref<64x64xf32, #tpu.memory_space<vmem>>) dst(%dma_wait3A_177 : memref<64x64xf32, #tpu.memory_space<vmem_shared>>)
      tpu.yield
    }) : () -> ()
    %barrier3A = arith.constant 0 : index
    tpu.barrier barrier_id(%barrier3A)
    %dma_start3A = arith.constant 0 : i32
    %dma_start3A_44 = arith.constant 0 : i32
    %dma_start3A_45 = arith.constant 0 : i32
    %dma_start3A_46 = arith.constant 0 : i32
    %dma_start3A_47 = tpu.memref_slice %arg7[%dma_start3A_44, %dma_start3A_45, %dma_start3A_46] : memref<5x128x64xf32, #tpu.memory_space<vmem>> -> memref<1x128x64xf32, #tpu.memory_space<vmem>>
    %dma_start3A_48 = tpu.memref_squeeze %dma_start3A_47 : memref<1x128x64xf32, #tpu.memory_space<vmem>> -> memref<128x64xf32, #tpu.memory_space<vmem>>
    %dma_start3A_49 = arith.constant 0 : i32
    %dma_start3A_50 = tpu.memref_slice %arg5[%dma_start3A, %dma_start3A_49] : memref<160x128xi32, #tpu.memory_space<vmem>> -> memref<1x128xi32, #tpu.memory_space<vmem>>
    %dma_start3A_51 = tpu.memref_squeeze %dma_start3A_50 : memref<1x128xi32, #tpu.memory_space<vmem>> -> memref<128xi32, #tpu.memory_space<vmem>>
    %dma_start3A_52 = arith.constant 0 : i32
    %dma_start3A_53 = arith.constant 0 : i32
    %dma_start3A_54 = tpu.memref_slice %arg2[%arg0, %dma_start3A_52, %dma_start3A_53] : memref<2x10240x64xf32, #tpu.memory_space<hbm>> -> memref<1x10240x64xf32, #tpu.memory_space<hbm>>
    %dma_start3A_55 = tpu.memref_squeeze %dma_start3A_54 : memref<1x10240x64xf32, #tpu.memory_space<hbm>> -> memref<10240x64xf32, #tpu.memory_space<hbm>>
    %dma_start3A_56 = arith.constant 0 : i32
    %dma_start3A_57 = arith.constant 0 : i32
    %dma_start3A_58 = tpu.memref_slice %dma_start3A_55[%dma_start3A_56, %dma_start3A_57] : memref<10240x64xf32, #tpu.memory_space<hbm>> -> memref<10240x64xf32, #tpu.memory_space<hbm>>
    tpu.enqueue_indirect_dma source(%dma_start3A_58 : memref<10240x64xf32, #tpu.memory_space<hbm>>) target(%dma_start3A_48 : memref<128x64xf32, #tpu.memory_space<vmem>>) offsets(%dma_start3A_51 : memref<128xi32, #tpu.memory_space<vmem>>) semaphore(%arg10 : memref<!tpu.dma_semaphore, #tpu.memory_space<semaphore_mem>>)
    %dma_start3A_59 = arith.constant 1 : i32
    %dma_start3A_60 = arith.constant 1 : i32
    %dma_start3A_61 = arith.constant 0 : i32
    %dma_start3A_62 = arith.constant 0 : i32
    %dma_start3A_63 = tpu.memref_slice %arg7[%dma_start3A_60, %dma_start3A_61, %dma_start3A_62] : memref<5x128x64xf32, #tpu.memory_space<vmem>> -> memref<1x128x64xf32, #tpu.memory_space<vmem>>
    %dma_start3A_64 = tpu.memref_squeeze %dma_start3A_63 : memref<1x128x64xf32, #tpu.memory_space<vmem>> -> memref<128x64xf32, #tpu.memory_space<vmem>>
    %dma_start3A_65 = arith.constant 0 : i32
    %dma_start3A_66 = tpu.memref_slice %arg5[%dma_start3A_59, %dma_start3A_65] : memref<160x128xi32, #tpu.memory_space<vmem>> -> memref<1x128xi32, #tpu.memory_space<vmem>>
    %dma_start3A_67 = tpu.memref_squeeze %dma_start3A_66 : memref<1x128xi32, #tpu.memory_space<vmem>> -> memref<128xi32, #tpu.memory_space<vmem>>
    %dma_start3A_68 = arith.constant 0 : i32
    %dma_start3A_69 = arith.constant 0 : i32
    %dma_start3A_70 = tpu.memref_slice %arg2[%arg0, %dma_start3A_68, %dma_start3A_69] : memref<2x10240x64xf32, #tpu.memory_space<hbm>> -> memref<1x10240x64xf32, #tpu.memory_space<hbm>>
    %dma_start3A_71 = tpu.memref_squeeze %dma_start3A_70 : memref<1x10240x64xf32, #tpu.memory_space<hbm>> -> memref<10240x64xf32, #tpu.memory_space<hbm>>
    %dma_start3A_72 = arith.constant 0 : i32
    %dma_start3A_73 = arith.constant 0 : i32
    %dma_start3A_74 = tpu.memref_slice %dma_start3A_71[%dma_start3A_72, %dma_start3A_73] : memref<10240x64xf32, #tpu.memory_space<hbm>> -> memref<10240x64xf32, #tpu.memory_space<hbm>>
    tpu.enqueue_indirect_dma source(%dma_start3A_74 : memref<10240x64xf32, #tpu.memory_space<hbm>>) target(%dma_start3A_64 : memref<128x64xf32, #tpu.memory_space<vmem>>) offsets(%dma_start3A_67 : memref<128xi32, #tpu.memory_space<vmem>>) semaphore(%arg11 : memref<!tpu.dma_semaphore, #tpu.memory_space<semaphore_mem>>)
    %dma_start3A_75 = arith.constant 2 : i32
    %dma_start3A_76 = arith.constant 2 : i32
    %dma_start3A_77 = arith.constant 0 : i32
    %dma_start3A_78 = arith.constant 0 : i32
    %dma_start3A_79 = tpu.memref_slice %arg7[%dma_start3A_76, %dma_start3A_77, %dma_start3A_78] : memref<5x128x64xf32, #tpu.memory_space<vmem>> -> memref<1x128x64xf32, #tpu.memory_space<vmem>>
    %dma_start3A_80 = tpu.memref_squeeze %dma_start3A_79 : memref<1x128x64xf32, #tpu.memory_space<vmem>> -> memref<128x64xf32, #tpu.memory_space<vmem>>
    %dma_start3A_81 = arith.constant 0 : i32
    %dma_start3A_82 = tpu.memref_slice %arg5[%dma_start3A_75, %dma_start3A_81] : memref<160x128xi32, #tpu.memory_space<vmem>> -> memref<1x128xi32, #tpu.memory_space<vmem>>
    %dma_start3A_83 = tpu.memref_squeeze %dma_start3A_82 : memref<1x128xi32, #tpu.memory_space<vmem>> -> memref<128xi32, #tpu.memory_space<vmem>>
    %dma_start3A_84 = arith.constant 0 : i32
    %dma_start3A_85 = arith.constant 0 : i32
    %dma_start3A_86 = tpu.memref_slice %arg2[%arg0, %dma_start3A_84, %dma_start3A_85] : memref<2x10240x64xf32, #tpu.memory_space<hbm>> -> memref<1x10240x64xf32, #tpu.memory_space<hbm>>
    %dma_start3A_87 = tpu.memref_squeeze %dma_start3A_86 : memref<1x10240x64xf32, #tpu.memory_space<hbm>> -> memref<10240x64xf32, #tpu.memory_space<hbm>>
    %dma_start3A_88 = arith.constant 0 : i32
    %dma_start3A_89 = arith.constant 0 : i32
    %dma_start3A_90 = tpu.memref_slice %dma_start3A_87[%dma_start3A_88, %dma_start3A_89] : memref<10240x64xf32, #tpu.memory_space<hbm>> -> memref<10240x64xf32, #tpu.memory_space<hbm>>
    tpu.enqueue_indirect_dma source(%dma_start3A_90 : memref<10240x64xf32, #tpu.memory_space<hbm>>) target(%dma_start3A_80 : memref<128x64xf32, #tpu.memory_space<vmem>>) offsets(%dma_start3A_83 : memref<128xi32, #tpu.memory_space<vmem>>) semaphore(%arg12 : memref<!tpu.dma_semaphore, #tpu.memory_space<semaphore_mem>>)
    %dma_start3A_91 = arith.constant 3 : i32
    %dma_start3A_92 = arith.constant 3 : i32
    %dma_start3A_93 = arith.constant 0 : i32
    %dma_start3A_94 = arith.constant 0 : i32
    %dma_start3A_95 = tpu.memref_slice %arg7[%dma_start3A_92, %dma_start3A_93, %dma_start3A_94] : memref<5x128x64xf32, #tpu.memory_space<vmem>> -> memref<1x128x64xf32, #tpu.memory_space<vmem>>
    %dma_start3A_96 = tpu.memref_squeeze %dma_start3A_95 : memref<1x128x64xf32, #tpu.memory_space<vmem>> -> memref<128x64xf32, #tpu.memory_space<vmem>>
    %dma_start3A_97 = arith.constant 0 : i32
    %dma_start3A_98 = tpu.memref_slice %arg5[%dma_start3A_91, %dma_start3A_97] : memref<160x128xi32, #tpu.memory_space<vmem>> -> memref<1x128xi32, #tpu.memory_space<vmem>>
    %dma_start3A_99 = tpu.memref_squeeze %dma_start3A_98 : memref<1x128xi32, #tpu.memory_space<vmem>> -> memref<128xi32, #tpu.memory_space<vmem>>
    %dma_start3A_100 = arith.constant 0 : i32
    %dma_start3A_101 = arith.constant 0 : i32
    %dma_start3A_102 = tpu.memref_slice %arg2[%arg0, %dma_start3A_100, %dma_start3A_101] : memref<2x10240x64xf32, #tpu.memory_space<hbm>> -> memref<1x10240x64xf32, #tpu.memory_space<hbm>>
    %dma_start3A_103 = tpu.memref_squeeze %dma_start3A_102 : memref<1x10240x64xf32, #tpu.memory_space<hbm>> -> memref<10240x64xf32, #tpu.memory_space<hbm>>
    %dma_start3A_104 = arith.constant 0 : i32
    %dma_start3A_105 = arith.constant 0 : i32
    %dma_start3A_106 = tpu.memref_slice %dma_start3A_103[%dma_start3A_104, %dma_start3A_105] : memref<10240x64xf32, #tpu.memory_space<hbm>> -> memref<10240x64xf32, #tpu.memory_space<hbm>>
    tpu.enqueue_indirect_dma source(%dma_start3A_106 : memref<10240x64xf32, #tpu.memory_space<hbm>>) target(%dma_start3A_96 : memref<128x64xf32, #tpu.memory_space<vmem>>) offsets(%dma_start3A_99 : memref<128xi32, #tpu.memory_space<vmem>>) semaphore(%arg13 : memref<!tpu.dma_semaphore, #tpu.memory_space<semaphore_mem>>)
    %dma_start3A_107 = arith.constant 4 : i32
    %dma_start3A_108 = arith.constant 4 : i32
    %dma_start3A_109 = arith.constant 0 : i32
    %dma_start3A_110 = arith.constant 0 : i32
    %dma_start3A_111 = tpu.memref_slice %arg7[%dma_start3A_108, %dma_start3A_109, %dma_start3A_110] : memref<5x128x64xf32, #tpu.memory_space<vmem>> -> memref<1x128x64xf32, #tpu.memory_space<vmem>>
    %dma_start3A_112 = tpu.memref_squeeze %dma_start3A_111 : memref<1x128x64xf32, #tpu.memory_space<vmem>> -> memref<128x64xf32, #tpu.memory_space<vmem>>
    %dma_start3A_113 = arith.constant 0 : i32
    %dma_start3A_114 = tpu.memref_slice %arg5[%dma_start3A_107, %dma_start3A_113] : memref<160x128xi32, #tpu.memory_space<vmem>> -> memref<1x128xi32, #tpu.memory_space<vmem>>
    %dma_start3A_115 = tpu.memref_squeeze %dma_start3A_114 : memref<1x128xi32, #tpu.memory_space<vmem>> -> memref<128xi32, #tpu.memory_space<vmem>>
    %dma_start3A_116 = arith.constant 0 : i32
    %dma_start3A_117 = arith.constant 0 : i32
    %dma_start3A_118 = tpu.memref_slice %arg2[%arg0, %dma_start3A_116, %dma_start3A_117] : memref<2x10240x64xf32, #tpu.memory_space<hbm>> -> memref<1x10240x64xf32, #tpu.memory_space<hbm>>
    %dma_start3A_119 = tpu.memref_squeeze %dma_start3A_118 : memref<1x10240x64xf32, #tpu.memory_space<hbm>> -> memref<10240x64xf32, #tpu.memory_space<hbm>>
    %dma_start3A_120 = arith.constant 0 : i32
    %dma_start3A_121 = arith.constant 0 : i32
    %dma_start3A_122 = tpu.memref_slice %dma_start3A_119[%dma_start3A_120, %dma_start3A_121] : memref<10240x64xf32, #tpu.memory_space<hbm>> -> memref<10240x64xf32, #tpu.memory_space<hbm>>
    tpu.enqueue_indirect_dma source(%dma_start3A_122 : memref<10240x64xf32, #tpu.memory_space<hbm>>) target(%dma_start3A_112 : memref<128x64xf32, #tpu.memory_space<vmem>>) offsets(%dma_start3A_115 : memref<128xi32, #tpu.memory_space<vmem>>) semaphore(%arg14 : memref<!tpu.dma_semaphore, #tpu.memory_space<semaphore_mem>>)
    %scan3A_123 = arith.constant 0 : i32
    %scan3A_124 = arith.constant 0 : i32
    %scan3A_125 = arith.constant 32 : i32
    %scan3A_126 = arith.addi %scan3A_124, %scan3A_125 : i32
    %scan3A_127 = arith.constant 1 : i32
    scf.for %scan3A_170 = %scan3A_124 to %scan3A_126 step %scan3A_127  : i32 {
      %mul3A_171 = arith.constant 5 : i32
      %mul3A_172 = arith.muli %scan3A_170, %mul3A_171 : i32
      %add3A_173 = arith.constant 0 : i32
      %add3A_174 = arith.addi %mul3A_172, %add3A_173 : i32
      %dma_wait3A = arith.constant 0 : i32
      %dma_wait3A_175 = arith.constant 0 : i32
      %dma_wait3A_176 = arith.constant 0 : i32
      %dma_wait3A_177 = tpu.memref_slice %arg7[%dma_wait3A, %dma_wait3A_175, %dma_wait3A_176] : memref<5x128x64xf32, #tpu.memory_space<vmem>> -> memref<1x128x64xf32, #tpu.memory_space<vmem>>
      %dma_wait3A_178 = tpu.memref_squeeze %dma_wait3A_177 : memref<1x128x64xf32, #tpu.memory_space<vmem>> -> memref<128x64xf32, #tpu.memory_space<vmem>>
      %dma_wait3A_179 = arith.constant 0 : i32
      %dma_wait3A_180 = tpu.memref_slice %arg5[%add3A_174, %dma_wait3A_179] : memref<160x128xi32, #tpu.memory_space<vmem>> -> memref<1x128xi32, #tpu.memory_space<vmem>>
      %dma_wait3A_181 = tpu.memref_squeeze %dma_wait3A_180 : memref<1x128xi32, #tpu.memory_space<vmem>> -> memref<128xi32, #tpu.memory_space<vmem>>
      %dma_wait3A_182 = arith.constant 0 : i32
      %dma_wait3A_183 = arith.constant 0 : i32
      %dma_wait3A_184 = tpu.memref_slice %arg2[%arg0, %dma_wait3A_182, %dma_wait3A_183] : memref<2x10240x64xf32, #tpu.memory_space<hbm>> -> memref<1x10240x64xf32, #tpu.memory_space<hbm>>
      %dma_wait3A_185 = tpu.memref_squeeze %dma_wait3A_184 : memref<1x10240x64xf32, #tpu.memory_space<hbm>> -> memref<10240x64xf32, #tpu.memory_space<hbm>>
      %dma_wait3A_186 = arith.constant 0 : i32
      %dma_wait3A_187 = arith.constant 0 : i32
      %dma_wait3A_188 = tpu.memref_slice %dma_wait3A_185[%dma_wait3A_186, %dma_wait3A_187] : memref<10240x64xf32, #tpu.memory_space<hbm>> -> memref<10240x64xf32, #tpu.memory_space<hbm>>
      tpu.wait_indirect_dma semaphore(%arg10 : memref<!tpu.dma_semaphore, #tpu.memory_space<semaphore_mem>>) src(%dma_wait3A_188 : memref<10240x64xf32, #tpu.memory_space<hbm>>) dst(%dma_wait3A_178 : memref<128x64xf32, #tpu.memory_space<vmem>>)
      %add3A_189 = arith.constant 0 : i32
      %add3A_190 = arith.addi %mul3A_172, %add3A_189 : i32
      %dma_start3A_191 = arith.constant 0 : i32
      %dma_start3A_192 = arith.constant 0 : i32
      %dma_start3A_193 = arith.constant 0 : i32
      %dma_start3A_194 = tpu.memref_slice %arg7[%dma_start3A_191, %dma_start3A_192, %dma_start3A_193] : memref<5x128x64xf32, #tpu.memory_space<vmem>> -> memref<1x128x64xf32, #tpu.memory_space<vmem>>
      %dma_start3A_195 = tpu.memref_squeeze %dma_start3A_194 : memref<1x128x64xf32, #tpu.memory_space<vmem>> -> memref<128x64xf32, #tpu.memory_space<vmem>>
      %dma_start3A_196 = arith.constant 0 : i32
      %dma_start3A_197 = tpu.memref_slice %arg6[%add3A_190, %dma_start3A_196] : memref<160x128xi32, #tpu.memory_space<vmem>> -> memref<1x128xi32, #tpu.memory_space<vmem>>
      %dma_start3A_198 = tpu.memref_squeeze %dma_start3A_197 : memref<1x128xi32, #tpu.memory_space<vmem>> -> memref<128xi32, #tpu.memory_space<vmem>>
      %dma_start3A_199 = arith.constant 0 : i32
      %dma_start3A_200 = arith.constant 0 : i32
      %dma_start3A_201 = tpu.memref_slice %arg9[%dma_start3A_199, %dma_start3A_200] : memref<10240x64xf32, #tpu.memory_space<vmem_shared>> -> memref<10240x64xf32, #tpu.memory_space<vmem_shared>>
      tpu.enqueue_indirect_dma source(%dma_start3A_195 : memref<128x64xf32, #tpu.memory_space<vmem>>) target(%dma_start3A_201 : memref<10240x64xf32, #tpu.memory_space<vmem_shared>>) offsets(%dma_start3A_198 : memref<128xi32, #tpu.memory_space<vmem>>) semaphore(%arg15 : memref<!tpu.dma_semaphore, #tpu.memory_space<semaphore_mem>>) {add = true}
      %add3A_202 = arith.constant 1 : i32
      %add3A_203 = arith.addi %mul3A_172, %add3A_202 : i32
      %dma_wait3A_204 = arith.constant 1 : i32
      %dma_wait3A_205 = arith.constant 0 : i32
      %dma_wait3A_206 = arith.constant 0 : i32
      %dma_wait3A_207 = tpu.memref_slice %arg7[%dma_wait3A_204, %dma_wait3A_205, %dma_wait3A_206] : memref<5x128x64xf32, #tpu.memory_space<vmem>> -> memref<1x128x64xf32, #tpu.memory_space<vmem>>
      %dma_wait3A_208 = tpu.memref_squeeze %dma_wait3A_207 : memref<1x128x64xf32, #tpu.memory_space<vmem>> -> memref<128x64xf32, #tpu.memory_space<vmem>>
      %dma_wait3A_209 = arith.constant 0 : i32
      %dma_wait3A_210 = tpu.memref_slice %arg5[%add3A_203, %dma_wait3A_209] : memref<160x128xi32, #tpu.memory_space<vmem>> -> memref<1x128xi32, #tpu.memory_space<vmem>>
      %dma_wait3A_211 = tpu.memref_squeeze %dma_wait3A_210 : memref<1x128xi32, #tpu.memory_space<vmem>> -> memref<128xi32, #tpu.memory_space<vmem>>
      %dma_wait3A_212 = arith.constant 0 : i32
      %dma_wait3A_213 = arith.constant 0 : i32
      %dma_wait3A_214 = tpu.memref_slice %arg2[%arg0, %dma_wait3A_212, %dma_wait3A_213] : memref<2x10240x64xf32, #tpu.memory_space<hbm>> -> memref<1x10240x64xf32, #tpu.memory_space<hbm>>
      %dma_wait3A_215 = tpu.memref_squeeze %dma_wait3A_214 : memref<1x10240x64xf32, #tpu.memory_space<hbm>> -> memref<10240x64xf32, #tpu.memory_space<hbm>>
      %dma_wait3A_216 = arith.constant 0 : i32
      %dma_wait3A_217 = arith.constant 0 : i32
      %dma_wait3A_218 = tpu.memref_slice %dma_wait3A_215[%dma_wait3A_216, %dma_wait3A_217] : memref<10240x64xf32, #tpu.memory_space<hbm>> -> memref<10240x64xf32, #tpu.memory_space<hbm>>
      tpu.wait_indirect_dma semaphore(%arg11 : memref<!tpu.dma_semaphore, #tpu.memory_space<semaphore_mem>>) src(%dma_wait3A_218 : memref<10240x64xf32, #tpu.memory_space<hbm>>) dst(%dma_wait3A_208 : memref<128x64xf32, #tpu.memory_space<vmem>>)
      %add3A_219 = arith.constant 1 : i32
      %add3A_220 = arith.addi %mul3A_172, %add3A_219 : i32
      %dma_start3A_221 = arith.constant 1 : i32
      %dma_start3A_222 = arith.constant 0 : i32
      %dma_start3A_223 = arith.constant 0 : i32
      %dma_start3A_224 = tpu.memref_slice %arg7[%dma_start3A_221, %dma_start3A_222, %dma_start3A_223] : memref<5x128x64xf32, #tpu.memory_space<vmem>> -> memref<1x128x64xf32, #tpu.memory_space<vmem>>
      %dma_start3A_225 = tpu.memref_squeeze %dma_start3A_224 : memref<1x128x64xf32, #tpu.memory_space<vmem>> -> memref<128x64xf32, #tpu.memory_space<vmem>>
      %dma_start3A_226 = arith.constant 0 : i32
      %dma_start3A_227 = tpu.memref_slice %arg6[%add3A_220, %dma_start3A_226] : memref<160x128xi32, #tpu.memory_space<vmem>> -> memref<1x128xi32, #tpu.memory_space<vmem>>
      %dma_start3A_228 = tpu.memref_squeeze %dma_start3A_227 : memref<1x128xi32, #tpu.memory_space<vmem>> -> memref<128xi32, #tpu.memory_space<vmem>>
      %dma_start3A_229 = arith.constant 0 : i32
      %dma_start3A_230 = arith.constant 0 : i32
      %dma_start3A_231 = tpu.memref_slice %arg9[%dma_start3A_229, %dma_start3A_230] : memref<10240x64xf32, #tpu.memory_space<vmem_shared>> -> memref<10240x64xf32, #tpu.memory_space<vmem_shared>>
      tpu.enqueue_indirect_dma source(%dma_start3A_225 : memref<128x64xf32, #tpu.memory_space<vmem>>) target(%dma_start3A_231 : memref<10240x64xf32, #tpu.memory_space<vmem_shared>>) offsets(%dma_start3A_228 : memref<128xi32, #tpu.memory_space<vmem>>) semaphore(%arg16 : memref<!tpu.dma_semaphore, #tpu.memory_space<semaphore_mem>>) {add = true}
      %add3A_232 = arith.constant 2 : i32
      %add3A_233 = arith.addi %mul3A_172, %add3A_232 : i32
      %dma_wait3A_234 = arith.constant 2 : i32
      %dma_wait3A_235 = arith.constant 0 : i32
      %dma_wait3A_236 = arith.constant 0 : i32
      %dma_wait3A_237 = tpu.memref_slice %arg7[%dma_wait3A_234, %dma_wait3A_235, %dma_wait3A_236] : memref<5x128x64xf32, #tpu.memory_space<vmem>> -> memref<1x128x64xf32, #tpu.memory_space<vmem>>
      %dma_wait3A_238 = tpu.memref_squeeze %dma_wait3A_237 : memref<1x128x64xf32, #tpu.memory_space<vmem>> -> memref<128x64xf32, #tpu.memory_space<vmem>>
      %dma_wait3A_239 = arith.constant 0 : i32
      %dma_wait3A_240 = tpu.memref_slice %arg5[%add3A_233, %dma_wait3A_239] : memref<160x128xi32, #tpu.memory_space<vmem>> -> memref<1x128xi32, #tpu.memory_space<vmem>>
      %dma_wait3A_241 = tpu.memref_squeeze %dma_wait3A_240 : memref<1x128xi32, #tpu.memory_space<vmem>> -> memref<128xi32, #tpu.memory_space<vmem>>
      %dma_wait3A_242 = arith.constant 0 : i32
      %dma_wait3A_243 = arith.constant 0 : i32
      %dma_wait3A_244 = tpu.memref_slice %arg2[%arg0, %dma_wait3A_242, %dma_wait3A_243] : memref<2x10240x64xf32, #tpu.memory_space<hbm>> -> memref<1x10240x64xf32, #tpu.memory_space<hbm>>
      %dma_wait3A_245 = tpu.memref_squeeze %dma_wait3A_244 : memref<1x10240x64xf32, #tpu.memory_space<hbm>> -> memref<10240x64xf32, #tpu.memory_space<hbm>>
      %dma_wait3A_246 = arith.constant 0 : i32
      %dma_wait3A_247 = arith.constant 0 : i32
      %dma_wait3A_248 = tpu.memref_slice %dma_wait3A_245[%dma_wait3A_246, %dma_wait3A_247] : memref<10240x64xf32, #tpu.memory_space<hbm>> -> memref<10240x64xf32, #tpu.memory_space<hbm>>
      tpu.wait_indirect_dma semaphore(%arg12 : memref<!tpu.dma_semaphore, #tpu.memory_space<semaphore_mem>>) src(%dma_wait3A_248 : memref<10240x64xf32, #tpu.memory_space<hbm>>) dst(%dma_wait3A_238 : memref<128x64xf32, #tpu.memory_space<vmem>>)
      %add3A_249 = arith.constant 2 : i32
      %add3A_250 = arith.addi %mul3A_172, %add3A_249 : i32
      %dma_start3A_251 = arith.constant 2 : i32
      %dma_start3A_252 = arith.constant 0 : i32
      %dma_start3A_253 = arith.constant 0 : i32
      %dma_start3A_254 = tpu.memref_slice %arg7[%dma_start3A_251, %dma_start3A_252, %dma_start3A_253] : memref<5x128x64xf32, #tpu.memory_space<vmem>> -> memref<1x128x64xf32, #tpu.memory_space<vmem>>
      %dma_start3A_255 = tpu.memref_squeeze %dma_start3A_254 : memref<1x128x64xf32, #tpu.memory_space<vmem>> -> memref<128x64xf32, #tpu.memory_space<vmem>>
      %dma_start3A_256 = arith.constant 0 : i32
      %dma_start3A_257 = tpu.memref_slice %arg6[%add3A_250, %dma_start3A_256] : memref<160x128xi32, #tpu.memory_space<vmem>> -> memref<1x128xi32, #tpu.memory_space<vmem>>
      %dma_start3A_258 = tpu.memref_squeeze %dma_start3A_257 : memref<1x128xi32, #tpu.memory_space<vmem>> -> memref<128xi32, #tpu.memory_space<vmem>>
      %dma_start3A_259 = arith.constant 0 : i32
      %dma_start3A_260 = arith.constant 0 : i32
      %dma_start3A_261 = tpu.memref_slice %arg9[%dma_start3A_259, %dma_start3A_260] : memref<10240x64xf32, #tpu.memory_space<vmem_shared>> -> memref<10240x64xf32, #tpu.memory_space<vmem_shared>>
      tpu.enqueue_indirect_dma source(%dma_start3A_255 : memref<128x64xf32, #tpu.memory_space<vmem>>) target(%dma_start3A_261 : memref<10240x64xf32, #tpu.memory_space<vmem_shared>>) offsets(%dma_start3A_258 : memref<128xi32, #tpu.memory_space<vmem>>) semaphore(%arg17 : memref<!tpu.dma_semaphore, #tpu.memory_space<semaphore_mem>>) {add = true}
      %add3A_262 = arith.constant 3 : i32
      %add3A_263 = arith.addi %mul3A_172, %add3A_262 : i32
      %dma_wait3A_264 = arith.constant 3 : i32
      %dma_wait3A_265 = arith.constant 0 : i32
      %dma_wait3A_266 = arith.constant 0 : i32
      %dma_wait3A_267 = tpu.memref_slice %arg7[%dma_wait3A_264, %dma_wait3A_265, %dma_wait3A_266] : memref<5x128x64xf32, #tpu.memory_space<vmem>> -> memref<1x128x64xf32, #tpu.memory_space<vmem>>
      %dma_wait3A_268 = tpu.memref_squeeze %dma_wait3A_267 : memref<1x128x64xf32, #tpu.memory_space<vmem>> -> memref<128x64xf32, #tpu.memory_space<vmem>>
      %dma_wait3A_269 = arith.constant 0 : i32
      %dma_wait3A_270 = tpu.memref_slice %arg5[%add3A_263, %dma_wait3A_269] : memref<160x128xi32, #tpu.memory_space<vmem>> -> memref<1x128xi32, #tpu.memory_space<vmem>>
      %dma_wait3A_271 = tpu.memref_squeeze %dma_wait3A_270 : memref<1x128xi32, #tpu.memory_space<vmem>> -> memref<128xi32, #tpu.memory_space<vmem>>
      %dma_wait3A_272 = arith.constant 0 : i32
      %dma_wait3A_273 = arith.constant 0 : i32
      %dma_wait3A_274 = tpu.memref_slice %arg2[%arg0, %dma_wait3A_272, %dma_wait3A_273] : memref<2x10240x64xf32, #tpu.memory_space<hbm>> -> memref<1x10240x64xf32, #tpu.memory_space<hbm>>
      %dma_wait3A_275 = tpu.memref_squeeze %dma_wait3A_274 : memref<1x10240x64xf32, #tpu.memory_space<hbm>> -> memref<10240x64xf32, #tpu.memory_space<hbm>>
      %dma_wait3A_276 = arith.constant 0 : i32
      %dma_wait3A_277 = arith.constant 0 : i32
      %dma_wait3A_278 = tpu.memref_slice %dma_wait3A_275[%dma_wait3A_276, %dma_wait3A_277] : memref<10240x64xf32, #tpu.memory_space<hbm>> -> memref<10240x64xf32, #tpu.memory_space<hbm>>
      tpu.wait_indirect_dma semaphore(%arg13 : memref<!tpu.dma_semaphore, #tpu.memory_space<semaphore_mem>>) src(%dma_wait3A_278 : memref<10240x64xf32, #tpu.memory_space<hbm>>) dst(%dma_wait3A_268 : memref<128x64xf32, #tpu.memory_space<vmem>>)
      %add3A_279 = arith.constant 3 : i32
      %add3A_280 = arith.addi %mul3A_172, %add3A_279 : i32
      %dma_start3A_281 = arith.constant 3 : i32
      %dma_start3A_282 = arith.constant 0 : i32
      %dma_start3A_283 = arith.constant 0 : i32
      %dma_start3A_284 = tpu.memref_slice %arg7[%dma_start3A_281, %dma_start3A_282, %dma_start3A_283] : memref<5x128x64xf32, #tpu.memory_space<vmem>> -> memref<1x128x64xf32, #tpu.memory_space<vmem>>
      %dma_start3A_285 = tpu.memref_squeeze %dma_start3A_284 : memref<1x128x64xf32, #tpu.memory_space<vmem>> -> memref<128x64xf32, #tpu.memory_space<vmem>>
      %dma_start3A_286 = arith.constant 0 : i32
      %dma_start3A_287 = tpu.memref_slice %arg6[%add3A_280, %dma_start3A_286] : memref<160x128xi32, #tpu.memory_space<vmem>> -> memref<1x128xi32, #tpu.memory_space<vmem>>
      %dma_start3A_288 = tpu.memref_squeeze %dma_start3A_287 : memref<1x128xi32, #tpu.memory_space<vmem>> -> memref<128xi32, #tpu.memory_space<vmem>>
      %dma_start3A_289 = arith.constant 0 : i32
      %dma_start3A_290 = arith.constant 0 : i32
      %dma_start3A_291 = tpu.memref_slice %arg9[%dma_start3A_289, %dma_start3A_290] : memref<10240x64xf32, #tpu.memory_space<vmem_shared>> -> memref<10240x64xf32, #tpu.memory_space<vmem_shared>>
      tpu.enqueue_indirect_dma source(%dma_start3A_285 : memref<128x64xf32, #tpu.memory_space<vmem>>) target(%dma_start3A_291 : memref<10240x64xf32, #tpu.memory_space<vmem_shared>>) offsets(%dma_start3A_288 : memref<128xi32, #tpu.memory_space<vmem>>) semaphore(%arg18 : memref<!tpu.dma_semaphore, #tpu.memory_space<semaphore_mem>>) {add = true}
      %add3A_292 = arith.constant 4 : i32
      %add3A_293 = arith.addi %mul3A_172, %add3A_292 : i32
      %dma_wait3A_294 = arith.constant 4 : i32
      %dma_wait3A_295 = arith.constant 0 : i32
      %dma_wait3A_296 = arith.constant 0 : i32
      %dma_wait3A_297 = tpu.memref_slice %arg7[%dma_wait3A_294, %dma_wait3A_295, %dma_wait3A_296] : memref<5x128x64xf32, #tpu.memory_space<vmem>> -> memref<1x128x64xf32, #tpu.memory_space<vmem>>
      %dma_wait3A_298 = tpu.memref_squeeze %dma_wait3A_297 : memref<1x128x64xf32, #tpu.memory_space<vmem>> -> memref<128x64xf32, #tpu.memory_space<vmem>>
      %dma_wait3A_299 = arith.constant 0 : i32
      %dma_wait3A_300 = tpu.memref_slice %arg5[%add3A_293, %dma_wait3A_299] : memref<160x128xi32, #tpu.memory_space<vmem>> -> memref<1x128xi32, #tpu.memory_space<vmem>>
      %dma_wait3A_301 = tpu.memref_squeeze %dma_wait3A_300 : memref<1x128xi32, #tpu.memory_space<vmem>> -> memref<128xi32, #tpu.memory_space<vmem>>
      %dma_wait3A_302 = arith.constant 0 : i32
      %dma_wait3A_303 = arith.constant 0 : i32
      %dma_wait3A_304 = tpu.memref_slice %arg2[%arg0, %dma_wait3A_302, %dma_wait3A_303] : memref<2x10240x64xf32, #tpu.memory_space<hbm>> -> memref<1x10240x64xf32, #tpu.memory_space<hbm>>
      %dma_wait3A_305 = tpu.memref_squeeze %dma_wait3A_304 : memref<1x10240x64xf32, #tpu.memory_space<hbm>> -> memref<10240x64xf32, #tpu.memory_space<hbm>>
      %dma_wait3A_306 = arith.constant 0 : i32
      %dma_wait3A_307 = arith.constant 0 : i32
      %dma_wait3A_308 = tpu.memref_slice %dma_wait3A_305[%dma_wait3A_306, %dma_wait3A_307] : memref<10240x64xf32, #tpu.memory_space<hbm>> -> memref<10240x64xf32, #tpu.memory_space<hbm>>
      tpu.wait_indirect_dma semaphore(%arg14 : memref<!tpu.dma_semaphore, #tpu.memory_space<semaphore_mem>>) src(%dma_wait3A_308 : memref<10240x64xf32, #tpu.memory_space<hbm>>) dst(%dma_wait3A_298 : memref<128x64xf32, #tpu.memory_space<vmem>>)
      %add3A_309 = arith.constant 4 : i32
      %add3A_310 = arith.addi %mul3A_172, %add3A_309 : i32
      %dma_start3A_311 = arith.constant 4 : i32
      %dma_start3A_312 = arith.constant 0 : i32
      %dma_start3A_313 = arith.constant 0 : i32
      %dma_start3A_314 = tpu.memref_slice %arg7[%dma_start3A_311, %dma_start3A_312, %dma_start3A_313] : memref<5x128x64xf32, #tpu.memory_space<vmem>> -> memref<1x128x64xf32, #tpu.memory_space<vmem>>
      %dma_start3A_315 = tpu.memref_squeeze %dma_start3A_314 : memref<1x128x64xf32, #tpu.memory_space<vmem>> -> memref<128x64xf32, #tpu.memory_space<vmem>>
      %dma_start3A_316 = arith.constant 0 : i32
      %dma_start3A_317 = tpu.memref_slice %arg6[%add3A_310, %dma_start3A_316] : memref<160x128xi32, #tpu.memory_space<vmem>> -> memref<1x128xi32, #tpu.memory_space<vmem>>
      %dma_start3A_318 = tpu.memref_squeeze %dma_start3A_317 : memref<1x128xi32, #tpu.memory_space<vmem>> -> memref<128xi32, #tpu.memory_space<vmem>>
      %dma_start3A_319 = arith.constant 0 : i32
      %dma_start3A_320 = arith.constant 0 : i32
      %dma_start3A_321 = tpu.memref_slice %arg9[%dma_start3A_319, %dma_start3A_320] : memref<10240x64xf32, #tpu.memory_space<vmem_shared>> -> memref<10240x64xf32, #tpu.memory_space<vmem_shared>>
      tpu.enqueue_indirect_dma source(%dma_start3A_315 : memref<128x64xf32, #tpu.memory_space<vmem>>) target(%dma_start3A_321 : memref<10240x64xf32, #tpu.memory_space<vmem_shared>>) offsets(%dma_start3A_318 : memref<128xi32, #tpu.memory_space<vmem>>) semaphore(%arg19 : memref<!tpu.dma_semaphore, #tpu.memory_space<semaphore_mem>>) {add = true}
      %dma_wait3A_322 = arith.constant 0 : i32
      %dma_wait3A_323 = arith.constant 0 : i32
      %dma_wait3A_324 = arith.constant 0 : i32
      %dma_wait3A_325 = tpu.memref_slice %arg7[%dma_wait3A_322, %dma_wait3A_323, %dma_wait3A_324] : memref<5x128x64xf32, #tpu.memory_space<vmem>> -> memref<1x128x64xf32, #tpu.memory_space<vmem>>
      %dma_wait3A_326 = tpu.memref_squeeze %dma_wait3A_325 : memref<1x128x64xf32, #tpu.memory_space<vmem>> -> memref<128x64xf32, #tpu.memory_space<vmem>>
      %dma_wait3A_327 = arith.constant 0 : i32
      %dma_wait3A_328 = tpu.memref_slice %arg6[%add3A_190, %dma_wait3A_327] : memref<160x128xi32, #tpu.memory_space<vmem>> -> memref<1x128xi32, #tpu.memory_space<vmem>>
      %dma_wait3A_329 = tpu.memref_squeeze %dma_wait3A_328 : memref<1x128xi32, #tpu.memory_space<vmem>> -> memref<128xi32, #tpu.memory_space<vmem>>
      %dma_wait3A_330 = arith.constant 0 : i32
      %dma_wait3A_331 = arith.constant 0 : i32
      %dma_wait3A_332 = tpu.memref_slice %arg9[%dma_wait3A_330, %dma_wait3A_331] : memref<10240x64xf32, #tpu.memory_space<vmem_shared>> -> memref<10240x64xf32, #tpu.memory_space<vmem_shared>>
      tpu.wait_indirect_dma semaphore(%arg15 : memref<!tpu.dma_semaphore, #tpu.memory_space<semaphore_mem>>) src(%dma_wait3A_326 : memref<128x64xf32, #tpu.memory_space<vmem>>) dst(%dma_wait3A_332 : memref<10240x64xf32, #tpu.memory_space<vmem_shared>>)
      %lt3A = arith.constant 31 : i32
      %lt3A_333 = arith.cmpi slt, %scan3A_170, %lt3A : i32
      %convert_element_type3A = arith.extui %lt3A_333 : i1 to i32
      %cond3A = arith.constant 0 : i32
      %cond3A_334 = arith.cmpi ne, %convert_element_type3A, %cond3A : i32
      scf.if %cond3A_334 {
        %add3A_399 = arith.constant 5 : i32
        %add3A_400 = arith.addi %mul3A_172, %add3A_399 : i32
        %add3A_401 = arith.constant 0 : i32
        %add3A_402 = arith.addi %add3A_400, %add3A_401 : i32
        %dma_start3A_403 = arith.constant 0 : i32
        %dma_start3A_404 = arith.constant 0 : i32
        %dma_start3A_405 = arith.constant 0 : i32
        %dma_start3A_406 = tpu.memref_slice %arg7[%dma_start3A_403, %dma_start3A_404, %dma_start3A_405] : memref<5x128x64xf32, #tpu.memory_space<vmem>> -> memref<1x128x64xf32, #tpu.memory_space<vmem>>
        %dma_start3A_407 = tpu.memref_squeeze %dma_start3A_406 : memref<1x128x64xf32, #tpu.memory_space<vmem>> -> memref<128x64xf32, #tpu.memory_space<vmem>>
        %dma_start3A_408 = arith.constant 0 : i32
        %dma_start3A_409 = tpu.memref_slice %arg5[%add3A_402, %dma_start3A_408] : memref<160x128xi32, #tpu.memory_space<vmem>> -> memref<1x128xi32, #tpu.memory_space<vmem>>
        %dma_start3A_410 = tpu.memref_squeeze %dma_start3A_409 : memref<1x128xi32, #tpu.memory_space<vmem>> -> memref<128xi32, #tpu.memory_space<vmem>>
        %dma_start3A_411 = arith.constant 0 : i32
        %dma_start3A_412 = arith.constant 0 : i32
        %dma_start3A_413 = tpu.memref_slice %arg2[%arg0, %dma_start3A_411, %dma_start3A_412] : memref<2x10240x64xf32, #tpu.memory_space<hbm>> -> memref<1x10240x64xf32, #tpu.memory_space<hbm>>
        %dma_start3A_414 = tpu.memref_squeeze %dma_start3A_413 : memref<1x10240x64xf32, #tpu.memory_space<hbm>> -> memref<10240x64xf32, #tpu.memory_space<hbm>>
        %dma_start3A_415 = arith.constant 0 : i32
        %dma_start3A_416 = arith.constant 0 : i32
        %dma_start3A_417 = tpu.memref_slice %dma_start3A_414[%dma_start3A_415, %dma_start3A_416] : memref<10240x64xf32, #tpu.memory_space<hbm>> -> memref<10240x64xf32, #tpu.memory_space<hbm>>
        tpu.enqueue_indirect_dma source(%dma_start3A_417 : memref<10240x64xf32, #tpu.memory_space<hbm>>) target(%dma_start3A_407 : memref<128x64xf32, #tpu.memory_space<vmem>>) offsets(%dma_start3A_410 : memref<128xi32, #tpu.memory_space<vmem>>) semaphore(%arg10 : memref<!tpu.dma_semaphore, #tpu.memory_space<semaphore_mem>>)
      } else {
      }
      %dma_wait3A_335 = arith.constant 1 : i32
      %dma_wait3A_336 = arith.constant 0 : i32
      %dma_wait3A_337 = arith.constant 0 : i32
      %dma_wait3A_338 = tpu.memref_slice %arg7[%dma_wait3A_335, %dma_wait3A_336, %dma_wait3A_337] : memref<5x128x64xf32, #tpu.memory_space<vmem>> -> memref<1x128x64xf32, #tpu.memory_space<vmem>>
      %dma_wait3A_339 = tpu.memref_squeeze %dma_wait3A_338 : memref<1x128x64xf32, #tpu.memory_space<vmem>> -> memref<128x64xf32, #tpu.memory_space<vmem>>
      %dma_wait3A_340 = arith.constant 0 : i32
      %dma_wait3A_341 = tpu.memref_slice %arg6[%add3A_220, %dma_wait3A_340] : memref<160x128xi32, #tpu.memory_space<vmem>> -> memref<1x128xi32, #tpu.memory_space<vmem>>
      %dma_wait3A_342 = tpu.memref_squeeze %dma_wait3A_341 : memref<1x128xi32, #tpu.memory_space<vmem>> -> memref<128xi32, #tpu.memory_space<vmem>>
      %dma_wait3A_343 = arith.constant 0 : i32
      %dma_wait3A_344 = arith.constant 0 : i32
      %dma_wait3A_345 = tpu.memref_slice %arg9[%dma_wait3A_343, %dma_wait3A_344] : memref<10240x64xf32, #tpu.memory_space<vmem_shared>> -> memref<10240x64xf32, #tpu.memory_space<vmem_shared>>
      tpu.wait_indirect_dma semaphore(%arg16 : memref<!tpu.dma_semaphore, #tpu.memory_space<semaphore_mem>>) src(%dma_wait3A_339 : memref<128x64xf32, #tpu.memory_space<vmem>>) dst(%dma_wait3A_345 : memref<10240x64xf32, #tpu.memory_space<vmem_shared>>)
      %lt3A_346 = arith.constant 31 : i32
      %lt3A_347 = arith.cmpi slt, %scan3A_170, %lt3A_346 : i32
      %convert_element_type3A_348 = arith.extui %lt3A_347 : i1 to i32
      %cond3A_349 = arith.constant 0 : i32
      %cond3A_350 = arith.cmpi ne, %convert_element_type3A_348, %cond3A_349 : i32
      scf.if %cond3A_350 {
        %add3A_399 = arith.constant 5 : i32
        %add3A_400 = arith.addi %mul3A_172, %add3A_399 : i32
        %add3A_401 = arith.constant 1 : i32
        %add3A_402 = arith.addi %add3A_400, %add3A_401 : i32
        %dma_start3A_403 = arith.constant 1 : i32
        %dma_start3A_404 = arith.constant 0 : i32
        %dma_start3A_405 = arith.constant 0 : i32
        %dma_start3A_406 = tpu.memref_slice %arg7[%dma_start3A_403, %dma_start3A_404, %dma_start3A_405] : memref<5x128x64xf32, #tpu.memory_space<vmem>> -> memref<1x128x64xf32, #tpu.memory_space<vmem>>
        %dma_start3A_407 = tpu.memref_squeeze %dma_start3A_406 : memref<1x128x64xf32, #tpu.memory_space<vmem>> -> memref<128x64xf32, #tpu.memory_space<vmem>>
        %dma_start3A_408 = arith.constant 0 : i32
        %dma_start3A_409 = tpu.memref_slice %arg5[%add3A_402, %dma_start3A_408] : memref<160x128xi32, #tpu.memory_space<vmem>> -> memref<1x128xi32, #tpu.memory_space<vmem>>
        %dma_start3A_410 = tpu.memref_squeeze %dma_start3A_409 : memref<1x128xi32, #tpu.memory_space<vmem>> -> memref<128xi32, #tpu.memory_space<vmem>>
        %dma_start3A_411 = arith.constant 0 : i32
        %dma_start3A_412 = arith.constant 0 : i32
        %dma_start3A_413 = tpu.memref_slice %arg2[%arg0, %dma_start3A_411, %dma_start3A_412] : memref<2x10240x64xf32, #tpu.memory_space<hbm>> -> memref<1x10240x64xf32, #tpu.memory_space<hbm>>
        %dma_start3A_414 = tpu.memref_squeeze %dma_start3A_413 : memref<1x10240x64xf32, #tpu.memory_space<hbm>> -> memref<10240x64xf32, #tpu.memory_space<hbm>>
        %dma_start3A_415 = arith.constant 0 : i32
        %dma_start3A_416 = arith.constant 0 : i32
        %dma_start3A_417 = tpu.memref_slice %dma_start3A_414[%dma_start3A_415, %dma_start3A_416] : memref<10240x64xf32, #tpu.memory_space<hbm>> -> memref<10240x64xf32, #tpu.memory_space<hbm>>
        tpu.enqueue_indirect_dma source(%dma_start3A_417 : memref<10240x64xf32, #tpu.memory_space<hbm>>) target(%dma_start3A_407 : memref<128x64xf32, #tpu.memory_space<vmem>>) offsets(%dma_start3A_410 : memref<128xi32, #tpu.memory_space<vmem>>) semaphore(%arg11 : memref<!tpu.dma_semaphore, #tpu.memory_space<semaphore_mem>>)
      } else {
      }
      %dma_wait3A_351 = arith.constant 2 : i32
      %dma_wait3A_352 = arith.constant 0 : i32
      %dma_wait3A_353 = arith.constant 0 : i32
      %dma_wait3A_354 = tpu.memref_slice %arg7[%dma_wait3A_351, %dma_wait3A_352, %dma_wait3A_353] : memref<5x128x64xf32, #tpu.memory_space<vmem>> -> memref<1x128x64xf32, #tpu.memory_space<vmem>>
      %dma_wait3A_355 = tpu.memref_squeeze %dma_wait3A_354 : memref<1x128x64xf32, #tpu.memory_space<vmem>> -> memref<128x64xf32, #tpu.memory_space<vmem>>
      %dma_wait3A_356 = arith.constant 0 : i32
      %dma_wait3A_357 = tpu.memref_slice %arg6[%add3A_250, %dma_wait3A_356] : memref<160x128xi32, #tpu.memory_space<vmem>> -> memref<1x128xi32, #tpu.memory_space<vmem>>
      %dma_wait3A_358 = tpu.memref_squeeze %dma_wait3A_357 : memref<1x128xi32, #tpu.memory_space<vmem>> -> memref<128xi32, #tpu.memory_space<vmem>>
      %dma_wait3A_359 = arith.constant 0 : i32
      %dma_wait3A_360 = arith.constant 0 : i32
      %dma_wait3A_361 = tpu.memref_slice %arg9[%dma_wait3A_359, %dma_wait3A_360] : memref<10240x64xf32, #tpu.memory_space<vmem_shared>> -> memref<10240x64xf32, #tpu.memory_space<vmem_shared>>
      tpu.wait_indirect_dma semaphore(%arg17 : memref<!tpu.dma_semaphore, #tpu.memory_space<semaphore_mem>>) src(%dma_wait3A_355 : memref<128x64xf32, #tpu.memory_space<vmem>>) dst(%dma_wait3A_361 : memref<10240x64xf32, #tpu.memory_space<vmem_shared>>)
      %lt3A_362 = arith.constant 31 : i32
      %lt3A_363 = arith.cmpi slt, %scan3A_170, %lt3A_362 : i32
      %convert_element_type3A_364 = arith.extui %lt3A_363 : i1 to i32
      %cond3A_365 = arith.constant 0 : i32
      %cond3A_366 = arith.cmpi ne, %convert_element_type3A_364, %cond3A_365 : i32
      scf.if %cond3A_366 {
        %add3A_399 = arith.constant 5 : i32
        %add3A_400 = arith.addi %mul3A_172, %add3A_399 : i32
        %add3A_401 = arith.constant 2 : i32
        %add3A_402 = arith.addi %add3A_400, %add3A_401 : i32
        %dma_start3A_403 = arith.constant 2 : i32
        %dma_start3A_404 = arith.constant 0 : i32
        %dma_start3A_405 = arith.constant 0 : i32
        %dma_start3A_406 = tpu.memref_slice %arg7[%dma_start3A_403, %dma_start3A_404, %dma_start3A_405] : memref<5x128x64xf32, #tpu.memory_space<vmem>> -> memref<1x128x64xf32, #tpu.memory_space<vmem>>
        %dma_start3A_407 = tpu.memref_squeeze %dma_start3A_406 : memref<1x128x64xf32, #tpu.memory_space<vmem>> -> memref<128x64xf32, #tpu.memory_space<vmem>>
        %dma_start3A_408 = arith.constant 0 : i32
        %dma_start3A_409 = tpu.memref_slice %arg5[%add3A_402, %dma_start3A_408] : memref<160x128xi32, #tpu.memory_space<vmem>> -> memref<1x128xi32, #tpu.memory_space<vmem>>
        %dma_start3A_410 = tpu.memref_squeeze %dma_start3A_409 : memref<1x128xi32, #tpu.memory_space<vmem>> -> memref<128xi32, #tpu.memory_space<vmem>>
        %dma_start3A_411 = arith.constant 0 : i32
        %dma_start3A_412 = arith.constant 0 : i32
        %dma_start3A_413 = tpu.memref_slice %arg2[%arg0, %dma_start3A_411, %dma_start3A_412] : memref<2x10240x64xf32, #tpu.memory_space<hbm>> -> memref<1x10240x64xf32, #tpu.memory_space<hbm>>
        %dma_start3A_414 = tpu.memref_squeeze %dma_start3A_413 : memref<1x10240x64xf32, #tpu.memory_space<hbm>> -> memref<10240x64xf32, #tpu.memory_space<hbm>>
        %dma_start3A_415 = arith.constant 0 : i32
        %dma_start3A_416 = arith.constant 0 : i32
        %dma_start3A_417 = tpu.memref_slice %dma_start3A_414[%dma_start3A_415, %dma_start3A_416] : memref<10240x64xf32, #tpu.memory_space<hbm>> -> memref<10240x64xf32, #tpu.memory_space<hbm>>
        tpu.enqueue_indirect_dma source(%dma_start3A_417 : memref<10240x64xf32, #tpu.memory_space<hbm>>) target(%dma_start3A_407 : memref<128x64xf32, #tpu.memory_space<vmem>>) offsets(%dma_start3A_410 : memref<128xi32, #tpu.memory_space<vmem>>) semaphore(%arg12 : memref<!tpu.dma_semaphore, #tpu.memory_space<semaphore_mem>>)
      } else {
      }
      %dma_wait3A_367 = arith.constant 3 : i32
      %dma_wait3A_368 = arith.constant 0 : i32
      %dma_wait3A_369 = arith.constant 0 : i32
      %dma_wait3A_370 = tpu.memref_slice %arg7[%dma_wait3A_367, %dma_wait3A_368, %dma_wait3A_369] : memref<5x128x64xf32, #tpu.memory_space<vmem>> -> memref<1x128x64xf32, #tpu.memory_space<vmem>>
      %dma_wait3A_371 = tpu.memref_squeeze %dma_wait3A_370 : memref<1x128x64xf32, #tpu.memory_space<vmem>> -> memref<128x64xf32, #tpu.memory_space<vmem>>
      %dma_wait3A_372 = arith.constant 0 : i32
      %dma_wait3A_373 = tpu.memref_slice %arg6[%add3A_280, %dma_wait3A_372] : memref<160x128xi32, #tpu.memory_space<vmem>> -> memref<1x128xi32, #tpu.memory_space<vmem>>
      %dma_wait3A_374 = tpu.memref_squeeze %dma_wait3A_373 : memref<1x128xi32, #tpu.memory_space<vmem>> -> memref<128xi32, #tpu.memory_space<vmem>>
      %dma_wait3A_375 = arith.constant 0 : i32
      %dma_wait3A_376 = arith.constant 0 : i32
      %dma_wait3A_377 = tpu.memref_slice %arg9[%dma_wait3A_375, %dma_wait3A_376] : memref<10240x64xf32, #tpu.memory_space<vmem_shared>> -> memref<10240x64xf32, #tpu.memory_space<vmem_shared>>
      tpu.wait_indirect_dma semaphore(%arg18 : memref<!tpu.dma_semaphore, #tpu.memory_space<semaphore_mem>>) src(%dma_wait3A_371 : memref<128x64xf32, #tpu.memory_space<vmem>>) dst(%dma_wait3A_377 : memref<10240x64xf32, #tpu.memory_space<vmem_shared>>)
      %lt3A_378 = arith.constant 31 : i32
      %lt3A_379 = arith.cmpi slt, %scan3A_170, %lt3A_378 : i32
      %convert_element_type3A_380 = arith.extui %lt3A_379 : i1 to i32
      %cond3A_381 = arith.constant 0 : i32
      %cond3A_382 = arith.cmpi ne, %convert_element_type3A_380, %cond3A_381 : i32
      scf.if %cond3A_382 {
        %add3A_399 = arith.constant 5 : i32
        %add3A_400 = arith.addi %mul3A_172, %add3A_399 : i32
        %add3A_401 = arith.constant 3 : i32
        %add3A_402 = arith.addi %add3A_400, %add3A_401 : i32
        %dma_start3A_403 = arith.constant 3 : i32
        %dma_start3A_404 = arith.constant 0 : i32
        %dma_start3A_405 = arith.constant 0 : i32
        %dma_start3A_406 = tpu.memref_slice %arg7[%dma_start3A_403, %dma_start3A_404, %dma_start3A_405] : memref<5x128x64xf32, #tpu.memory_space<vmem>> -> memref<1x128x64xf32, #tpu.memory_space<vmem>>
        %dma_start3A_407 = tpu.memref_squeeze %dma_start3A_406 : memref<1x128x64xf32, #tpu.memory_space<vmem>> -> memref<128x64xf32, #tpu.memory_space<vmem>>
        %dma_start3A_408 = arith.constant 0 : i32
        %dma_start3A_409 = tpu.memref_slice %arg5[%add3A_402, %dma_start3A_408] : memref<160x128xi32, #tpu.memory_space<vmem>> -> memref<1x128xi32, #tpu.memory_space<vmem>>
        %dma_start3A_410 = tpu.memref_squeeze %dma_start3A_409 : memref<1x128xi32, #tpu.memory_space<vmem>> -> memref<128xi32, #tpu.memory_space<vmem>>
        %dma_start3A_411 = arith.constant 0 : i32
        %dma_start3A_412 = arith.constant 0 : i32
        %dma_start3A_413 = tpu.memref_slice %arg2[%arg0, %dma_start3A_411, %dma_start3A_412] : memref<2x10240x64xf32, #tpu.memory_space<hbm>> -> memref<1x10240x64xf32, #tpu.memory_space<hbm>>
        %dma_start3A_414 = tpu.memref_squeeze %dma_start3A_413 : memref<1x10240x64xf32, #tpu.memory_space<hbm>> -> memref<10240x64xf32, #tpu.memory_space<hbm>>
        %dma_start3A_415 = arith.constant 0 : i32
        %dma_start3A_416 = arith.constant 0 : i32
        %dma_start3A_417 = tpu.memref_slice %dma_start3A_414[%dma_start3A_415, %dma_start3A_416] : memref<10240x64xf32, #tpu.memory_space<hbm>> -> memref<10240x64xf32, #tpu.memory_space<hbm>>
        tpu.enqueue_indirect_dma source(%dma_start3A_417 : memref<10240x64xf32, #tpu.memory_space<hbm>>) target(%dma_start3A_407 : memref<128x64xf32, #tpu.memory_space<vmem>>) offsets(%dma_start3A_410 : memref<128xi32, #tpu.memory_space<vmem>>) semaphore(%arg13 : memref<!tpu.dma_semaphore, #tpu.memory_space<semaphore_mem>>)
      } else {
      }
      %dma_wait3A_383 = arith.constant 4 : i32
      %dma_wait3A_384 = arith.constant 0 : i32
      %dma_wait3A_385 = arith.constant 0 : i32
      %dma_wait3A_386 = tpu.memref_slice %arg7[%dma_wait3A_383, %dma_wait3A_384, %dma_wait3A_385] : memref<5x128x64xf32, #tpu.memory_space<vmem>> -> memref<1x128x64xf32, #tpu.memory_space<vmem>>
      %dma_wait3A_387 = tpu.memref_squeeze %dma_wait3A_386 : memref<1x128x64xf32, #tpu.memory_space<vmem>> -> memref<128x64xf32, #tpu.memory_space<vmem>>
      %dma_wait3A_388 = arith.constant 0 : i32
      %dma_wait3A_389 = tpu.memref_slice %arg6[%add3A_310, %dma_wait3A_388] : memref<160x128xi32, #tpu.memory_space<vmem>> -> memref<1x128xi32, #tpu.memory_space<vmem>>
      %dma_wait3A_390 = tpu.memref_squeeze %dma_wait3A_389 : memref<1x128xi32, #tpu.memory_space<vmem>> -> memref<128xi32, #tpu.memory_space<vmem>>
      %dma_wait3A_391 = arith.constant 0 : i32
      %dma_wait3A_392 = arith.constant 0 : i32
      %dma_wait3A_393 = tpu.memref_slice %arg9[%dma_wait3A_391, %dma_wait3A_392] : memref<10240x64xf32, #tpu.memory_space<vmem_shared>> -> memref<10240x64xf32, #tpu.memory_space<vmem_shared>>
      tpu.wait_indirect_dma semaphore(%arg19 : memref<!tpu.dma_semaphore, #tpu.memory_space<semaphore_mem>>) src(%dma_wait3A_387 : memref<128x64xf32, #tpu.memory_space<vmem>>) dst(%dma_wait3A_393 : memref<10240x64xf32, #tpu.memory_space<vmem_shared>>)
      %lt3A_394 = arith.constant 31 : i32
      %lt3A_395 = arith.cmpi slt, %scan3A_170, %lt3A_394 : i32
      %convert_element_type3A_396 = arith.extui %lt3A_395 : i1 to i32
      %cond3A_397 = arith.constant 0 : i32
      %cond3A_398 = arith.cmpi ne, %convert_element_type3A_396, %cond3A_397 : i32
      scf.if %cond3A_398 {
        %add3A_399 = arith.constant 5 : i32
        %add3A_400 = arith.addi %mul3A_172, %add3A_399 : i32
        %add3A_401 = arith.constant 4 : i32
        %add3A_402 = arith.addi %add3A_400, %add3A_401 : i32
        %dma_start3A_403 = arith.constant 4 : i32
        %dma_start3A_404 = arith.constant 0 : i32
        %dma_start3A_405 = arith.constant 0 : i32
        %dma_start3A_406 = tpu.memref_slice %arg7[%dma_start3A_403, %dma_start3A_404, %dma_start3A_405] : memref<5x128x64xf32, #tpu.memory_space<vmem>> -> memref<1x128x64xf32, #tpu.memory_space<vmem>>
        %dma_start3A_407 = tpu.memref_squeeze %dma_start3A_406 : memref<1x128x64xf32, #tpu.memory_space<vmem>> -> memref<128x64xf32, #tpu.memory_space<vmem>>
        %dma_start3A_408 = arith.constant 0 : i32
        %dma_start3A_409 = tpu.memref_slice %arg5[%add3A_402, %dma_start3A_408] : memref<160x128xi32, #tpu.memory_space<vmem>> -> memref<1x128xi32, #tpu.memory_space<vmem>>
        %dma_start3A_410 = tpu.memref_squeeze %dma_start3A_409 : memref<1x128xi32, #tpu.memory_space<vmem>> -> memref<128xi32, #tpu.memory_space<vmem>>
        %dma_start3A_411 = arith.constant 0 : i32
        %dma_start3A_412 = arith.constant 0 : i32
        %dma_start3A_413 = tpu.memref_slice %arg2[%arg0, %dma_start3A_411, %dma_start3A_412] : memref<2x10240x64xf32, #tpu.memory_space<hbm>> -> memref<1x10240x64xf32, #tpu.memory_space<hbm>>
        %dma_start3A_414 = tpu.memref_squeeze %dma_start3A_413 : memref<1x10240x64xf32, #tpu.memory_space<hbm>> -> memref<10240x64xf32, #tpu.memory_space<hbm>>
        %dma_start3A_415 = arith.constant 0 : i32
        %dma_start3A_416 = arith.constant 0 : i32
        %dma_start3A_417 = tpu.memref_slice %dma_start3A_414[%dma_start3A_415, %dma_start3A_416] : memref<10240x64xf32, #tpu.memory_space<hbm>> -> memref<10240x64xf32, #tpu.memory_space<hbm>>
        tpu.enqueue_indirect_dma source(%dma_start3A_417 : memref<10240x64xf32, #tpu.memory_space<hbm>>) target(%dma_start3A_407 : memref<128x64xf32, #tpu.memory_space<vmem>>) offsets(%dma_start3A_410 : memref<128xi32, #tpu.memory_space<vmem>>) semaphore(%arg14 : memref<!tpu.dma_semaphore, #tpu.memory_space<semaphore_mem>>)
      } else {
      }
    }
    %scan3A_128 = arith.constant 32 : i32
    %barrier3A_129 = arith.constant 0 : index
    tpu.barrier barrier_id(%barrier3A_129)
    %mul3A_130 = arith.constant 640 : i32
    %mul3A_131 = arith.muli %arg1, %mul3A_130 : i32
    %add3A_132 = arith.constant 0 : i32
    %add3A_133 = arith.addi %mul3A_131, %add3A_132 : i32
    "tpu.region"() ({
      %run_scoped3A_170 = tpu.sem_alloc : memref<!tpu.dma_semaphore, #tpu.memory_space<semaphore_mem>>
      %dma_start3A_171 = arith.constant 0 : i32
      %dma_start3A_172 = tpu.memref_slice %arg9[%add3A_133, %dma_start3A_171] : memref<10240x64xf32, #tpu.memory_space<vmem_shared>> -> memref<64x64xf32, #tpu.memory_space<vmem_shared>>
      %dma_start3A_173 = arith.constant 0 : i32
      %dma_start3A_174 = tpu.memref_slice %arg9[%add3A_133, %dma_start3A_173] : memref<10240x64xf32, #tpu.memory_space<vmem_shared>> -> memref<64x64xf32, #tpu.memory_space<vmem_shared>>
      tpu.enqueue_dma source(%dma_start3A_174 : memref<64x64xf32, #tpu.memory_space<vmem_shared>>) target(%arg8 : memref<64x64xf32, #tpu.memory_space<vmem>>) target_semaphore(%run_scoped3A_170 : memref<!tpu.dma_semaphore, #tpu.memory_space<semaphore_mem>>)
      %dma_wait3A = arith.constant 0 : i32
      %dma_wait3A_175 = tpu.memref_slice %arg9[%add3A_133, %dma_wait3A] : memref<10240x64xf32, #tpu.memory_space<vmem_shared>> -> memref<64x64xf32, #tpu.memory_space<vmem_shared>>
      %dma_wait3A_176 = arith.constant 0 : i32
      %dma_wait3A_177 = tpu.memref_slice %arg9[%add3A_133, %dma_wait3A_176] : memref<10240x64xf32, #tpu.memory_space<vmem_shared>> -> memref<64x64xf32, #tpu.memory_space<vmem_shared>>
      tpu.wait_dma2 semaphore(%run_scoped3A_170 : memref<!tpu.dma_semaphore, #tpu.memory_space<semaphore_mem>>) src(%dma_wait3A_177 : memref<64x64xf32, #tpu.memory_space<vmem_shared>>) dst(%arg8 : memref<64x64xf32, #tpu.memory_space<vmem>>)
      tpu.yield
    }) : () -> ()
    "tpu.region"() ({
      %run_scoped3A_170 = tpu.sem_alloc : memref<!tpu.dma_semaphore, #tpu.memory_space<semaphore_mem>>
      %dma_start3A_171 = arith.constant 0 : i32
      %dma_start3A_172 = tpu.memref_slice %arg4[%arg0, %add3A_133, %dma_start3A_171] : memref<2x10240x64xf32, #tpu.memory_space<hbm>> -> memref<1x64x64xf32, #tpu.memory_space<hbm>>
      %dma_start3A_173 = tpu.memref_squeeze %dma_start3A_172 : memref<1x64x64xf32, #tpu.memory_space<hbm>> -> memref<64x64xf32, #tpu.memory_space<hbm>>
      %dma_start3A_174 = arith.constant 0 : i32
      %dma_start3A_175 = tpu.memref_slice %arg4[%arg0, %add3A_133, %dma_start3A_174] : memref<2x10240x64xf32, #tpu.memory_space<hbm>> -> memref<1x64x64xf32, #tpu.memory_space<hbm>>
      %dma_start3A_176 = tpu.memref_squeeze %dma_start3A_175 : memref<1x64x64xf32, #tpu.memory_space<hbm>> -> memref<64x64xf32, #tpu.memory_space<hbm>>
      tpu.enqueue_dma source(%arg8 : memref<64x64xf32, #tpu.memory_space<vmem>>) target(%dma_start3A_176 : memref<64x64xf32, #tpu.memory_space<hbm>>) target_semaphore(%run_scoped3A_170 : memref<!tpu.dma_semaphore, #tpu.memory_space<semaphore_mem>>)
      %dma_wait3A = arith.constant 0 : i32
      %dma_wait3A_177 = tpu.memref_slice %arg4[%arg0, %add3A_133, %dma_wait3A] : memref<2x10240x64xf32, #tpu.memory_space<hbm>> -> memref<1x64x64xf32, #tpu.memory_space<hbm>>
      %dma_wait3A_178 = tpu.memref_squeeze %dma_wait3A_177 : memref<1x64x64xf32, #tpu.memory_space<hbm>> -> memref<64x64xf32, #tpu.memory_space<hbm>>
      %dma_wait3A_179 = arith.constant 0 : i32
      %dma_wait3A_180 = tpu.memref_slice %arg4[%arg0, %add3A_133, %dma_wait3A_179] : memref<2x10240x64xf32, #tpu.memory_space<hbm>> -> memref<1x64x64xf32, #tpu.memory_space<hbm>>
      %dma_wait3A_181 = tpu.memref_squeeze %dma_wait3A_180 : memref<1x64x64xf32, #tpu.memory_space<hbm>> -> memref<64x64xf32, #tpu.memory_space<hbm>>
      tpu.wait_dma2 semaphore(%run_scoped3A_170 : memref<!tpu.dma_semaphore, #tpu.memory_space<semaphore_mem>>) src(%arg8 : memref<64x64xf32, #tpu.memory_space<vmem>>) dst(%dma_wait3A_181 : memref<64x64xf32, #tpu.memory_space<hbm>>)
      tpu.yield
    }) : () -> ()
    %mul3A_134 = arith.constant 640 : i32
    %mul3A_135 = arith.muli %arg1, %mul3A_134 : i32
    %add3A_136 = arith.constant 64 : i32
    %add3A_137 = arith.addi %mul3A_135, %add3A_136 : i32
    "tpu.region"() ({
      %run_scoped3A_170 = tpu.sem_alloc : memref<!tpu.dma_semaphore, #tpu.memory_space<semaphore_mem>>
      %dma_start3A_171 = arith.constant 0 : i32
      %dma_start3A_172 = tpu.memref_slice %arg9[%add3A_137, %dma_start3A_171] : memref<10240x64xf32, #tpu.memory_space<vmem_shared>> -> memref<64x64xf32, #tpu.memory_space<vmem_shared>>
      %dma_start3A_173 = arith.constant 0 : i32
      %dma_start3A_174 = tpu.memref_slice %arg9[%add3A_137, %dma_start3A_173] : memref<10240x64xf32, #tpu.memory_space<vmem_shared>> -> memref<64x64xf32, #tpu.memory_space<vmem_shared>>
      tpu.enqueue_dma source(%dma_start3A_174 : memref<64x64xf32, #tpu.memory_space<vmem_shared>>) target(%arg8 : memref<64x64xf32, #tpu.memory_space<vmem>>) target_semaphore(%run_scoped3A_170 : memref<!tpu.dma_semaphore, #tpu.memory_space<semaphore_mem>>)
      %dma_wait3A = arith.constant 0 : i32
      %dma_wait3A_175 = tpu.memref_slice %arg9[%add3A_137, %dma_wait3A] : memref<10240x64xf32, #tpu.memory_space<vmem_shared>> -> memref<64x64xf32, #tpu.memory_space<vmem_shared>>
      %dma_wait3A_176 = arith.constant 0 : i32
      %dma_wait3A_177 = tpu.memref_slice %arg9[%add3A_137, %dma_wait3A_176] : memref<10240x64xf32, #tpu.memory_space<vmem_shared>> -> memref<64x64xf32, #tpu.memory_space<vmem_shared>>
      tpu.wait_dma2 semaphore(%run_scoped3A_170 : memref<!tpu.dma_semaphore, #tpu.memory_space<semaphore_mem>>) src(%dma_wait3A_177 : memref<64x64xf32, #tpu.memory_space<vmem_shared>>) dst(%arg8 : memref<64x64xf32, #tpu.memory_space<vmem>>)
      tpu.yield
    }) : () -> ()
    "tpu.region"() ({
      %run_scoped3A_170 = tpu.sem_alloc : memref<!tpu.dma_semaphore, #tpu.memory_space<semaphore_mem>>
      %dma_start3A_171 = arith.constant 0 : i32
      %dma_start3A_172 = tpu.memref_slice %arg4[%arg0, %add3A_137, %dma_start3A_171] : memref<2x10240x64xf32, #tpu.memory_space<hbm>> -> memref<1x64x64xf32, #tpu.memory_space<hbm>>
      %dma_start3A_173 = tpu.memref_squeeze %dma_start3A_172 : memref<1x64x64xf32, #tpu.memory_space<hbm>> -> memref<64x64xf32, #tpu.memory_space<hbm>>
      %dma_start3A_174 = arith.constant 0 : i32
      %dma_start3A_175 = tpu.memref_slice %arg4[%arg0, %add3A_137, %dma_start3A_174] : memref<2x10240x64xf32, #tpu.memory_space<hbm>> -> memref<1x64x64xf32, #tpu.memory_space<hbm>>
      %dma_start3A_176 = tpu.memref_squeeze %dma_start3A_175 : memref<1x64x64xf32, #tpu.memory_space<hbm>> -> memref<64x64xf32, #tpu.memory_space<hbm>>
      tpu.enqueue_dma source(%arg8 : memref<64x64xf32, #tpu.memory_space<vmem>>) target(%dma_start3A_176 : memref<64x64xf32, #tpu.memory_space<hbm>>) target_semaphore(%run_scoped3A_170 : memref<!tpu.dma_semaphore, #tpu.memory_space<semaphore_mem>>)
      %dma_wait3A = arith.constant 0 : i32
      %dma_wait3A_177 = tpu.memref_slice %arg4[%arg0, %add3A_137, %dma_wait3A] : memref<2x10240x64xf32, #tpu.memory_space<hbm>> -> memref<1x64x64xf32, #tpu.memory_space<hbm>>
      %dma_wait3A_178 = tpu.memref_squeeze %dma_wait3A_177 : memref<1x64x64xf32, #tpu.memory_space<hbm>> -> memref<64x64xf32, #tpu.memory_space<hbm>>
      %dma_wait3A_179 = arith.constant 0 : i32
      %dma_wait3A_180 = tpu.memref_slice %arg4[%arg0, %add3A_137, %dma_wait3A_179] : memref<2x10240x64xf32, #tpu.memory_space<hbm>> -> memref<1x64x64xf32, #tpu.memory_space<hbm>>
      %dma_wait3A_181 = tpu.memref_squeeze %dma_wait3A_180 : memref<1x64x64xf32, #tpu.memory_space<hbm>> -> memref<64x64xf32, #tpu.memory_space<hbm>>
      tpu.wait_dma2 semaphore(%run_scoped3A_170 : memref<!tpu.dma_semaphore, #tpu.memory_space<semaphore_mem>>) src(%arg8 : memref<64x64xf32, #tpu.memory_space<vmem>>) dst(%dma_wait3A_181 : memref<64x64xf32, #tpu.memory_space<hbm>>)
      tpu.yield
    }) : () -> ()
    %mul3A_138 = arith.constant 640 : i32
    %mul3A_139 = arith.muli %arg1, %mul3A_138 : i32
    %add3A_140 = arith.constant 128 : i32
    %add3A_141 = arith.addi %mul3A_139, %add3A_140 : i32
    "tpu.region"() ({
      %run_scoped3A_170 = tpu.sem_alloc : memref<!tpu.dma_semaphore, #tpu.memory_space<semaphore_mem>>
      %dma_start3A_171 = arith.constant 0 : i32
      %dma_start3A_172 = tpu.memref_slice %arg9[%add3A_141, %dma_start3A_171] : memref<10240x64xf32, #tpu.memory_space<vmem_shared>> -> memref<64x64xf32, #tpu.memory_space<vmem_shared>>
      %dma_start3A_173 = arith.constant 0 : i32
      %dma_start3A_174 = tpu.memref_slice %arg9[%add3A_141, %dma_start3A_173] : memref<10240x64xf32, #tpu.memory_space<vmem_shared>> -> memref<64x64xf32, #tpu.memory_space<vmem_shared>>
      tpu.enqueue_dma source(%dma_start3A_174 : memref<64x64xf32, #tpu.memory_space<vmem_shared>>) target(%arg8 : memref<64x64xf32, #tpu.memory_space<vmem>>) target_semaphore(%run_scoped3A_170 : memref<!tpu.dma_semaphore, #tpu.memory_space<semaphore_mem>>)
      %dma_wait3A = arith.constant 0 : i32
      %dma_wait3A_175 = tpu.memref_slice %arg9[%add3A_141, %dma_wait3A] : memref<10240x64xf32, #tpu.memory_space<vmem_shared>> -> memref<64x64xf32, #tpu.memory_space<vmem_shared>>
      %dma_wait3A_176 = arith.constant 0 : i32
      %dma_wait3A_177 = tpu.memref_slice %arg9[%add3A_141, %dma_wait3A_176] : memref<10240x64xf32, #tpu.memory_space<vmem_shared>> -> memref<64x64xf32, #tpu.memory_space<vmem_shared>>
      tpu.wait_dma2 semaphore(%run_scoped3A_170 : memref<!tpu.dma_semaphore, #tpu.memory_space<semaphore_mem>>) src(%dma_wait3A_177 : memref<64x64xf32, #tpu.memory_space<vmem_shared>>) dst(%arg8 : memref<64x64xf32, #tpu.memory_space<vmem>>)
      tpu.yield
    }) : () -> ()
    "tpu.region"() ({
      %run_scoped3A_170 = tpu.sem_alloc : memref<!tpu.dma_semaphore, #tpu.memory_space<semaphore_mem>>
      %dma_start3A_171 = arith.constant 0 : i32
      %dma_start3A_172 = tpu.memref_slice %arg4[%arg0, %add3A_141, %dma_start3A_171] : memref<2x10240x64xf32, #tpu.memory_space<hbm>> -> memref<1x64x64xf32, #tpu.memory_space<hbm>>
      %dma_start3A_173 = tpu.memref_squeeze %dma_start3A_172 : memref<1x64x64xf32, #tpu.memory_space<hbm>> -> memref<64x64xf32, #tpu.memory_space<hbm>>
      %dma_start3A_174 = arith.constant 0 : i32
      %dma_start3A_175 = tpu.memref_slice %arg4[%arg0, %add3A_141, %dma_start3A_174] : memref<2x10240x64xf32, #tpu.memory_space<hbm>> -> memref<1x64x64xf32, #tpu.memory_space<hbm>>
      %dma_start3A_176 = tpu.memref_squeeze %dma_start3A_175 : memref<1x64x64xf32, #tpu.memory_space<hbm>> -> memref<64x64xf32, #tpu.memory_space<hbm>>
      tpu.enqueue_dma source(%arg8 : memref<64x64xf32, #tpu.memory_space<vmem>>) target(%dma_start3A_176 : memref<64x64xf32, #tpu.memory_space<hbm>>) target_semaphore(%run_scoped3A_170 : memref<!tpu.dma_semaphore, #tpu.memory_space<semaphore_mem>>)
      %dma_wait3A = arith.constant 0 : i32
      %dma_wait3A_177 = tpu.memref_slice %arg4[%arg0, %add3A_141, %dma_wait3A] : memref<2x10240x64xf32, #tpu.memory_space<hbm>> -> memref<1x64x64xf32, #tpu.memory_space<hbm>>
      %dma_wait3A_178 = tpu.memref_squeeze %dma_wait3A_177 : memref<1x64x64xf32, #tpu.memory_space<hbm>> -> memref<64x64xf32, #tpu.memory_space<hbm>>
      %dma_wait3A_179 = arith.constant 0 : i32
      %dma_wait3A_180 = tpu.memref_slice %arg4[%arg0, %add3A_141, %dma_wait3A_179] : memref<2x10240x64xf32, #tpu.memory_space<hbm>> -> memref<1x64x64xf32, #tpu.memory_space<hbm>>
      %dma_wait3A_181 = tpu.memref_squeeze %dma_wait3A_180 : memref<1x64x64xf32, #tpu.memory_space<hbm>> -> memref<64x64xf32, #tpu.memory_space<hbm>>
      tpu.wait_dma2 semaphore(%run_scoped3A_170 : memref<!tpu.dma_semaphore, #tpu.memory_space<semaphore_mem>>) src(%arg8 : memref<64x64xf32, #tpu.memory_space<vmem>>) dst(%dma_wait3A_181 : memref<64x64xf32, #tpu.memory_space<hbm>>)
      tpu.yield
    }) : () -> ()
    %mul3A_142 = arith.constant 640 : i32
    %mul3A_143 = arith.muli %arg1, %mul3A_142 : i32
    %add3A_144 = arith.constant 192 : i32
    %add3A_145 = arith.addi %mul3A_143, %add3A_144 : i32
    "tpu.region"() ({
      %run_scoped3A_170 = tpu.sem_alloc : memref<!tpu.dma_semaphore, #tpu.memory_space<semaphore_mem>>
      %dma_start3A_171 = arith.constant 0 : i32
      %dma_start3A_172 = tpu.memref_slice %arg9[%add3A_145, %dma_start3A_171] : memref<10240x64xf32, #tpu.memory_space<vmem_shared>> -> memref<64x64xf32, #tpu.memory_space<vmem_shared>>
      %dma_start3A_173 = arith.constant 0 : i32
      %dma_start3A_174 = tpu.memref_slice %arg9[%add3A_145, %dma_start3A_173] : memref<10240x64xf32, #tpu.memory_space<vmem_shared>> -> memref<64x64xf32, #tpu.memory_space<vmem_shared>>
      tpu.enqueue_dma source(%dma_start3A_174 : memref<64x64xf32, #tpu.memory_space<vmem_shared>>) target(%arg8 : memref<64x64xf32, #tpu.memory_space<vmem>>) target_semaphore(%run_scoped3A_170 : memref<!tpu.dma_semaphore, #tpu.memory_space<semaphore_mem>>)
      %dma_wait3A = arith.constant 0 : i32
      %dma_wait3A_175 = tpu.memref_slice %arg9[%add3A_145, %dma_wait3A] : memref<10240x64xf32, #tpu.memory_space<vmem_shared>> -> memref<64x64xf32, #tpu.memory_space<vmem_shared>>
      %dma_wait3A_176 = arith.constant 0 : i32
      %dma_wait3A_177 = tpu.memref_slice %arg9[%add3A_145, %dma_wait3A_176] : memref<10240x64xf32, #tpu.memory_space<vmem_shared>> -> memref<64x64xf32, #tpu.memory_space<vmem_shared>>
      tpu.wait_dma2 semaphore(%run_scoped3A_170 : memref<!tpu.dma_semaphore, #tpu.memory_space<semaphore_mem>>) src(%dma_wait3A_177 : memref<64x64xf32, #tpu.memory_space<vmem_shared>>) dst(%arg8 : memref<64x64xf32, #tpu.memory_space<vmem>>)
      tpu.yield
    }) : () -> ()
    "tpu.region"() ({
      %run_scoped3A_170 = tpu.sem_alloc : memref<!tpu.dma_semaphore, #tpu.memory_space<semaphore_mem>>
      %dma_start3A_171 = arith.constant 0 : i32
      %dma_start3A_172 = tpu.memref_slice %arg4[%arg0, %add3A_145, %dma_start3A_171] : memref<2x10240x64xf32, #tpu.memory_space<hbm>> -> memref<1x64x64xf32, #tpu.memory_space<hbm>>
      %dma_start3A_173 = tpu.memref_squeeze %dma_start3A_172 : memref<1x64x64xf32, #tpu.memory_space<hbm>> -> memref<64x64xf32, #tpu.memory_space<hbm>>
      %dma_start3A_174 = arith.constant 0 : i32
      %dma_start3A_175 = tpu.memref_slice %arg4[%arg0, %add3A_145, %dma_start3A_174] : memref<2x10240x64xf32, #tpu.memory_space<hbm>> -> memref<1x64x64xf32, #tpu.memory_space<hbm>>
      %dma_start3A_176 = tpu.memref_squeeze %dma_start3A_175 : memref<1x64x64xf32, #tpu.memory_space<hbm>> -> memref<64x64xf32, #tpu.memory_space<hbm>>
      tpu.enqueue_dma source(%arg8 : memref<64x64xf32, #tpu.memory_space<vmem>>) target(%dma_start3A_176 : memref<64x64xf32, #tpu.memory_space<hbm>>) target_semaphore(%run_scoped3A_170 : memref<!tpu.dma_semaphore, #tpu.memory_space<semaphore_mem>>)
      %dma_wait3A = arith.constant 0 : i32
      %dma_wait3A_177 = tpu.memref_slice %arg4[%arg0, %add3A_145, %dma_wait3A] : memref<2x10240x64xf32, #tpu.memory_space<hbm>> -> memref<1x64x64xf32, #tpu.memory_space<hbm>>
      %dma_wait3A_178 = tpu.memref_squeeze %dma_wait3A_177 : memref<1x64x64xf32, #tpu.memory_space<hbm>> -> memref<64x64xf32, #tpu.memory_space<hbm>>
      %dma_wait3A_179 = arith.constant 0 : i32
      %dma_wait3A_180 = tpu.memref_slice %arg4[%arg0, %add3A_145, %dma_wait3A_179] : memref<2x10240x64xf32, #tpu.memory_space<hbm>> -> memref<1x64x64xf32, #tpu.memory_space<hbm>>
      %dma_wait3A_181 = tpu.memref_squeeze %dma_wait3A_180 : memref<1x64x64xf32, #tpu.memory_space<hbm>> -> memref<64x64xf32, #tpu.memory_space<hbm>>
      tpu.wait_dma2 semaphore(%run_scoped3A_170 : memref<!tpu.dma_semaphore, #tpu.memory_space<semaphore_mem>>) src(%arg8 : memref<64x64xf32, #tpu.memory_space<vmem>>) dst(%dma_wait3A_181 : memref<64x64xf32, #tpu.memory_space<hbm>>)
      tpu.yield
    }) : () -> ()
    %mul3A_146 = arith.constant 640 : i32
    %mul3A_147 = arith.muli %arg1, %mul3A_146 : i32
    %add3A_148 = arith.constant 256 : i32
    %add3A_149 = arith.addi %mul3A_147, %add3A_148 : i32
    "tpu.region"() ({
      %run_scoped3A_170 = tpu.sem_alloc : memref<!tpu.dma_semaphore, #tpu.memory_space<semaphore_mem>>
      %dma_start3A_171 = arith.constant 0 : i32
      %dma_start3A_172 = tpu.memref_slice %arg9[%add3A_149, %dma_start3A_171] : memref<10240x64xf32, #tpu.memory_space<vmem_shared>> -> memref<64x64xf32, #tpu.memory_space<vmem_shared>>
      %dma_start3A_173 = arith.constant 0 : i32
      %dma_start3A_174 = tpu.memref_slice %arg9[%add3A_149, %dma_start3A_173] : memref<10240x64xf32, #tpu.memory_space<vmem_shared>> -> memref<64x64xf32, #tpu.memory_space<vmem_shared>>
      tpu.enqueue_dma source(%dma_start3A_174 : memref<64x64xf32, #tpu.memory_space<vmem_shared>>) target(%arg8 : memref<64x64xf32, #tpu.memory_space<vmem>>) target_semaphore(%run_scoped3A_170 : memref<!tpu.dma_semaphore, #tpu.memory_space<semaphore_mem>>)
      %dma_wait3A = arith.constant 0 : i32
      %dma_wait3A_175 = tpu.memref_slice %arg9[%add3A_149, %dma_wait3A] : memref<10240x64xf32, #tpu.memory_space<vmem_shared>> -> memref<64x64xf32, #tpu.memory_space<vmem_shared>>
      %dma_wait3A_176 = arith.constant 0 : i32
      %dma_wait3A_177 = tpu.memref_slice %arg9[%add3A_149, %dma_wait3A_176] : memref<10240x64xf32, #tpu.memory_space<vmem_shared>> -> memref<64x64xf32, #tpu.memory_space<vmem_shared>>
      tpu.wait_dma2 semaphore(%run_scoped3A_170 : memref<!tpu.dma_semaphore, #tpu.memory_space<semaphore_mem>>) src(%dma_wait3A_177 : memref<64x64xf32, #tpu.memory_space<vmem_shared>>) dst(%arg8 : memref<64x64xf32, #tpu.memory_space<vmem>>)
      tpu.yield
    }) : () -> ()
    "tpu.region"() ({
      %run_scoped3A_170 = tpu.sem_alloc : memref<!tpu.dma_semaphore, #tpu.memory_space<semaphore_mem>>
      %dma_start3A_171 = arith.constant 0 : i32
      %dma_start3A_172 = tpu.memref_slice %arg4[%arg0, %add3A_149, %dma_start3A_171] : memref<2x10240x64xf32, #tpu.memory_space<hbm>> -> memref<1x64x64xf32, #tpu.memory_space<hbm>>
      %dma_start3A_173 = tpu.memref_squeeze %dma_start3A_172 : memref<1x64x64xf32, #tpu.memory_space<hbm>> -> memref<64x64xf32, #tpu.memory_space<hbm>>
      %dma_start3A_174 = arith.constant 0 : i32
      %dma_start3A_175 = tpu.memref_slice %arg4[%arg0, %add3A_149, %dma_start3A_174] : memref<2x10240x64xf32, #tpu.memory_space<hbm>> -> memref<1x64x64xf32, #tpu.memory_space<hbm>>
      %dma_start3A_176 = tpu.memref_squeeze %dma_start3A_175 : memref<1x64x64xf32, #tpu.memory_space<hbm>> -> memref<64x64xf32, #tpu.memory_space<hbm>>
      tpu.enqueue_dma source(%arg8 : memref<64x64xf32, #tpu.memory_space<vmem>>) target(%dma_start3A_176 : memref<64x64xf32, #tpu.memory_space<hbm>>) target_semaphore(%run_scoped3A_170 : memref<!tpu.dma_semaphore, #tpu.memory_space<semaphore_mem>>)
      %dma_wait3A = arith.constant 0 : i32
      %dma_wait3A_177 = tpu.memref_slice %arg4[%arg0, %add3A_149, %dma_wait3A] : memref<2x10240x64xf32, #tpu.memory_space<hbm>> -> memref<1x64x64xf32, #tpu.memory_space<hbm>>
      %dma_wait3A_178 = tpu.memref_squeeze %dma_wait3A_177 : memref<1x64x64xf32, #tpu.memory_space<hbm>> -> memref<64x64xf32, #tpu.memory_space<hbm>>
      %dma_wait3A_179 = arith.constant 0 : i32
      %dma_wait3A_180 = tpu.memref_slice %arg4[%arg0, %add3A_149, %dma_wait3A_179] : memref<2x10240x64xf32, #tpu.memory_space<hbm>> -> memref<1x64x64xf32, #tpu.memory_space<hbm>>
      %dma_wait3A_181 = tpu.memref_squeeze %dma_wait3A_180 : memref<1x64x64xf32, #tpu.memory_space<hbm>> -> memref<64x64xf32, #tpu.memory_space<hbm>>
      tpu.wait_dma2 semaphore(%run_scoped3A_170 : memref<!tpu.dma_semaphore, #tpu.memory_space<semaphore_mem>>) src(%arg8 : memref<64x64xf32, #tpu.memory_space<vmem>>) dst(%dma_wait3A_181 : memref<64x64xf32, #tpu.memory_space<hbm>>)
      tpu.yield
    }) : () -> ()
    %mul3A_150 = arith.constant 640 : i32
    %mul3A_151 = arith.muli %arg1, %mul3A_150 : i32
    %add3A_152 = arith.constant 320 : i32
    %add3A_153 = arith.addi %mul3A_151, %add3A_152 : i32
    "tpu.region"() ({
      %run_scoped3A_170 = tpu.sem_alloc : memref<!tpu.dma_semaphore, #tpu.memory_space<semaphore_mem>>
      %dma_start3A_171 = arith.constant 0 : i32
      %dma_start3A_172 = tpu.memref_slice %arg9[%add3A_153, %dma_start3A_171] : memref<10240x64xf32, #tpu.memory_space<vmem_shared>> -> memref<64x64xf32, #tpu.memory_space<vmem_shared>>
      %dma_start3A_173 = arith.constant 0 : i32
      %dma_start3A_174 = tpu.memref_slice %arg9[%add3A_153, %dma_start3A_173] : memref<10240x64xf32, #tpu.memory_space<vmem_shared>> -> memref<64x64xf32, #tpu.memory_space<vmem_shared>>
      tpu.enqueue_dma source(%dma_start3A_174 : memref<64x64xf32, #tpu.memory_space<vmem_shared>>) target(%arg8 : memref<64x64xf32, #tpu.memory_space<vmem>>) target_semaphore(%run_scoped3A_170 : memref<!tpu.dma_semaphore, #tpu.memory_space<semaphore_mem>>)
      %dma_wait3A = arith.constant 0 : i32
      %dma_wait3A_175 = tpu.memref_slice %arg9[%add3A_153, %dma_wait3A] : memref<10240x64xf32, #tpu.memory_space<vmem_shared>> -> memref<64x64xf32, #tpu.memory_space<vmem_shared>>
      %dma_wait3A_176 = arith.constant 0 : i32
      %dma_wait3A_177 = tpu.memref_slice %arg9[%add3A_153, %dma_wait3A_176] : memref<10240x64xf32, #tpu.memory_space<vmem_shared>> -> memref<64x64xf32, #tpu.memory_space<vmem_shared>>
      tpu.wait_dma2 semaphore(%run_scoped3A_170 : memref<!tpu.dma_semaphore, #tpu.memory_space<semaphore_mem>>) src(%dma_wait3A_177 : memref<64x64xf32, #tpu.memory_space<vmem_shared>>) dst(%arg8 : memref<64x64xf32, #tpu.memory_space<vmem>>)
      tpu.yield
    }) : () -> ()
    "tpu.region"() ({
      %run_scoped3A_170 = tpu.sem_alloc : memref<!tpu.dma_semaphore, #tpu.memory_space<semaphore_mem>>
      %dma_start3A_171 = arith.constant 0 : i32
      %dma_start3A_172 = tpu.memref_slice %arg4[%arg0, %add3A_153, %dma_start3A_171] : memref<2x10240x64xf32, #tpu.memory_space<hbm>> -> memref<1x64x64xf32, #tpu.memory_space<hbm>>
      %dma_start3A_173 = tpu.memref_squeeze %dma_start3A_172 : memref<1x64x64xf32, #tpu.memory_space<hbm>> -> memref<64x64xf32, #tpu.memory_space<hbm>>
      %dma_start3A_174 = arith.constant 0 : i32
      %dma_start3A_175 = tpu.memref_slice %arg4[%arg0, %add3A_153, %dma_start3A_174] : memref<2x10240x64xf32, #tpu.memory_space<hbm>> -> memref<1x64x64xf32, #tpu.memory_space<hbm>>
      %dma_start3A_176 = tpu.memref_squeeze %dma_start3A_175 : memref<1x64x64xf32, #tpu.memory_space<hbm>> -> memref<64x64xf32, #tpu.memory_space<hbm>>
      tpu.enqueue_dma source(%arg8 : memref<64x64xf32, #tpu.memory_space<vmem>>) target(%dma_start3A_176 : memref<64x64xf32, #tpu.memory_space<hbm>>) target_semaphore(%run_scoped3A_170 : memref<!tpu.dma_semaphore, #tpu.memory_space<semaphore_mem>>)
      %dma_wait3A = arith.constant 0 : i32
      %dma_wait3A_177 = tpu.memref_slice %arg4[%arg0, %add3A_153, %dma_wait3A] : memref<2x10240x64xf32, #tpu.memory_space<hbm>> -> memref<1x64x64xf32, #tpu.memory_space<hbm>>
      %dma_wait3A_178 = tpu.memref_squeeze %dma_wait3A_177 : memref<1x64x64xf32, #tpu.memory_space<hbm>> -> memref<64x64xf32, #tpu.memory_space<hbm>>
      %dma_wait3A_179 = arith.constant 0 : i32
      %dma_wait3A_180 = tpu.memref_slice %arg4[%arg0, %add3A_153, %dma_wait3A_179] : memref<2x10240x64xf32, #tpu.memory_space<hbm>> -> memref<1x64x64xf32, #tpu.memory_space<hbm>>
      %dma_wait3A_181 = tpu.memref_squeeze %dma_wait3A_180 : memref<1x64x64xf32, #tpu.memory_space<hbm>> -> memref<64x64xf32, #tpu.memory_space<hbm>>
      tpu.wait_dma2 semaphore(%run_scoped3A_170 : memref<!tpu.dma_semaphore, #tpu.memory_space<semaphore_mem>>) src(%arg8 : memref<64x64xf32, #tpu.memory_space<vmem>>) dst(%dma_wait3A_181 : memref<64x64xf32, #tpu.memory_space<hbm>>)
      tpu.yield
    }) : () -> ()
    %mul3A_154 = arith.constant 640 : i32
    %mul3A_155 = arith.muli %arg1, %mul3A_154 : i32
    %add3A_156 = arith.constant 384 : i32
    %add3A_157 = arith.addi %mul3A_155, %add3A_156 : i32
    "tpu.region"() ({
      %run_scoped3A_170 = tpu.sem_alloc : memref<!tpu.dma_semaphore, #tpu.memory_space<semaphore_mem>>
      %dma_start3A_171 = arith.constant 0 : i32
      %dma_start3A_172 = tpu.memref_slice %arg9[%add3A_157, %dma_start3A_171] : memref<10240x64xf32, #tpu.memory_space<vmem_shared>> -> memref<64x64xf32, #tpu.memory_space<vmem_shared>>
      %dma_start3A_173 = arith.constant 0 : i32
      %dma_start3A_174 = tpu.memref_slice %arg9[%add3A_157, %dma_start3A_173] : memref<10240x64xf32, #tpu.memory_space<vmem_shared>> -> memref<64x64xf32, #tpu.memory_space<vmem_shared>>
      tpu.enqueue_dma source(%dma_start3A_174 : memref<64x64xf32, #tpu.memory_space<vmem_shared>>) target(%arg8 : memref<64x64xf32, #tpu.memory_space<vmem>>) target_semaphore(%run_scoped3A_170 : memref<!tpu.dma_semaphore, #tpu.memory_space<semaphore_mem>>)
      %dma_wait3A = arith.constant 0 : i32
      %dma_wait3A_175 = tpu.memref_slice %arg9[%add3A_157, %dma_wait3A] : memref<10240x64xf32, #tpu.memory_space<vmem_shared>> -> memref<64x64xf32, #tpu.memory_space<vmem_shared>>
      %dma_wait3A_176 = arith.constant 0 : i32
      %dma_wait3A_177 = tpu.memref_slice %arg9[%add3A_157, %dma_wait3A_176] : memref<10240x64xf32, #tpu.memory_space<vmem_shared>> -> memref<64x64xf32, #tpu.memory_space<vmem_shared>>
      tpu.wait_dma2 semaphore(%run_scoped3A_170 : memref<!tpu.dma_semaphore, #tpu.memory_space<semaphore_mem>>) src(%dma_wait3A_177 : memref<64x64xf32, #tpu.memory_space<vmem_shared>>) dst(%arg8 : memref<64x64xf32, #tpu.memory_space<vmem>>)
      tpu.yield
    }) : () -> ()
    "tpu.region"() ({
      %run_scoped3A_170 = tpu.sem_alloc : memref<!tpu.dma_semaphore, #tpu.memory_space<semaphore_mem>>
      %dma_start3A_171 = arith.constant 0 : i32
      %dma_start3A_172 = tpu.memref_slice %arg4[%arg0, %add3A_157, %dma_start3A_171] : memref<2x10240x64xf32, #tpu.memory_space<hbm>> -> memref<1x64x64xf32, #tpu.memory_space<hbm>>
      %dma_start3A_173 = tpu.memref_squeeze %dma_start3A_172 : memref<1x64x64xf32, #tpu.memory_space<hbm>> -> memref<64x64xf32, #tpu.memory_space<hbm>>
      %dma_start3A_174 = arith.constant 0 : i32
      %dma_start3A_175 = tpu.memref_slice %arg4[%arg0, %add3A_157, %dma_start3A_174] : memref<2x10240x64xf32, #tpu.memory_space<hbm>> -> memref<1x64x64xf32, #tpu.memory_space<hbm>>
      %dma_start3A_176 = tpu.memref_squeeze %dma_start3A_175 : memref<1x64x64xf32, #tpu.memory_space<hbm>> -> memref<64x64xf32, #tpu.memory_space<hbm>>
      tpu.enqueue_dma source(%arg8 : memref<64x64xf32, #tpu.memory_space<vmem>>) target(%dma_start3A_176 : memref<64x64xf32, #tpu.memory_space<hbm>>) target_semaphore(%run_scoped3A_170 : memref<!tpu.dma_semaphore, #tpu.memory_space<semaphore_mem>>)
      %dma_wait3A = arith.constant 0 : i32
      %dma_wait3A_177 = tpu.memref_slice %arg4[%arg0, %add3A_157, %dma_wait3A] : memref<2x10240x64xf32, #tpu.memory_space<hbm>> -> memref<1x64x64xf32, #tpu.memory_space<hbm>>
      %dma_wait3A_178 = tpu.memref_squeeze %dma_wait3A_177 : memref<1x64x64xf32, #tpu.memory_space<hbm>> -> memref<64x64xf32, #tpu.memory_space<hbm>>
      %dma_wait3A_179 = arith.constant 0 : i32
      %dma_wait3A_180 = tpu.memref_slice %arg4[%arg0, %add3A_157, %dma_wait3A_179] : memref<2x10240x64xf32, #tpu.memory_space<hbm>> -> memref<1x64x64xf32, #tpu.memory_space<hbm>>
      %dma_wait3A_181 = tpu.memref_squeeze %dma_wait3A_180 : memref<1x64x64xf32, #tpu.memory_space<hbm>> -> memref<64x64xf32, #tpu.memory_space<hbm>>
      tpu.wait_dma2 semaphore(%run_scoped3A_170 : memref<!tpu.dma_semaphore, #tpu.memory_space<semaphore_mem>>) src(%arg8 : memref<64x64xf32, #tpu.memory_space<vmem>>) dst(%dma_wait3A_181 : memref<64x64xf32, #tpu.memory_space<hbm>>)
      tpu.yield
    }) : () -> ()
    %mul3A_158 = arith.constant 640 : i32
    %mul3A_159 = arith.muli %arg1, %mul3A_158 : i32
    %add3A_160 = arith.constant 448 : i32
    %add3A_161 = arith.addi %mul3A_159, %add3A_160 : i32
    "tpu.region"() ({
      %run_scoped3A_170 = tpu.sem_alloc : memref<!tpu.dma_semaphore, #tpu.memory_space<semaphore_mem>>
      %dma_start3A_171 = arith.constant 0 : i32
      %dma_start3A_172 = tpu.memref_slice %arg9[%add3A_161, %dma_start3A_171] : memref<10240x64xf32, #tpu.memory_space<vmem_shared>> -> memref<64x64xf32, #tpu.memory_space<vmem_shared>>
      %dma_start3A_173 = arith.constant 0 : i32
      %dma_start3A_174 = tpu.memref_slice %arg9[%add3A_161, %dma_start3A_173] : memref<10240x64xf32, #tpu.memory_space<vmem_shared>> -> memref<64x64xf32, #tpu.memory_space<vmem_shared>>
      tpu.enqueue_dma source(%dma_start3A_174 : memref<64x64xf32, #tpu.memory_space<vmem_shared>>) target(%arg8 : memref<64x64xf32, #tpu.memory_space<vmem>>) target_semaphore(%run_scoped3A_170 : memref<!tpu.dma_semaphore, #tpu.memory_space<semaphore_mem>>)
      %dma_wait3A = arith.constant 0 : i32
      %dma_wait3A_175 = tpu.memref_slice %arg9[%add3A_161, %dma_wait3A] : memref<10240x64xf32, #tpu.memory_space<vmem_shared>> -> memref<64x64xf32, #tpu.memory_space<vmem_shared>>
      %dma_wait3A_176 = arith.constant 0 : i32
      %dma_wait3A_177 = tpu.memref_slice %arg9[%add3A_161, %dma_wait3A_176] : memref<10240x64xf32, #tpu.memory_space<vmem_shared>> -> memref<64x64xf32, #tpu.memory_space<vmem_shared>>
      tpu.wait_dma2 semaphore(%run_scoped3A_170 : memref<!tpu.dma_semaphore, #tpu.memory_space<semaphore_mem>>) src(%dma_wait3A_177 : memref<64x64xf32, #tpu.memory_space<vmem_shared>>) dst(%arg8 : memref<64x64xf32, #tpu.memory_space<vmem>>)
      tpu.yield
    }) : () -> ()
    "tpu.region"() ({
      %run_scoped3A_170 = tpu.sem_alloc : memref<!tpu.dma_semaphore, #tpu.memory_space<semaphore_mem>>
      %dma_start3A_171 = arith.constant 0 : i32
      %dma_start3A_172 = tpu.memref_slice %arg4[%arg0, %add3A_161, %dma_start3A_171] : memref<2x10240x64xf32, #tpu.memory_space<hbm>> -> memref<1x64x64xf32, #tpu.memory_space<hbm>>
      %dma_start3A_173 = tpu.memref_squeeze %dma_start3A_172 : memref<1x64x64xf32, #tpu.memory_space<hbm>> -> memref<64x64xf32, #tpu.memory_space<hbm>>
      %dma_start3A_174 = arith.constant 0 : i32
      %dma_start3A_175 = tpu.memref_slice %arg4[%arg0, %add3A_161, %dma_start3A_174] : memref<2x10240x64xf32, #tpu.memory_space<hbm>> -> memref<1x64x64xf32, #tpu.memory_space<hbm>>
      %dma_start3A_176 = tpu.memref_squeeze %dma_start3A_175 : memref<1x64x64xf32, #tpu.memory_space<hbm>> -> memref<64x64xf32, #tpu.memory_space<hbm>>
      tpu.enqueue_dma source(%arg8 : memref<64x64xf32, #tpu.memory_space<vmem>>) target(%dma_start3A_176 : memref<64x64xf32, #tpu.memory_space<hbm>>) target_semaphore(%run_scoped3A_170 : memref<!tpu.dma_semaphore, #tpu.memory_space<semaphore_mem>>)
      %dma_wait3A = arith.constant 0 : i32
      %dma_wait3A_177 = tpu.memref_slice %arg4[%arg0, %add3A_161, %dma_wait3A] : memref<2x10240x64xf32, #tpu.memory_space<hbm>> -> memref<1x64x64xf32, #tpu.memory_space<hbm>>
      %dma_wait3A_178 = tpu.memref_squeeze %dma_wait3A_177 : memref<1x64x64xf32, #tpu.memory_space<hbm>> -> memref<64x64xf32, #tpu.memory_space<hbm>>
      %dma_wait3A_179 = arith.constant 0 : i32
      %dma_wait3A_180 = tpu.memref_slice %arg4[%arg0, %add3A_161, %dma_wait3A_179] : memref<2x10240x64xf32, #tpu.memory_space<hbm>> -> memref<1x64x64xf32, #tpu.memory_space<hbm>>
      %dma_wait3A_181 = tpu.memref_squeeze %dma_wait3A_180 : memref<1x64x64xf32, #tpu.memory_space<hbm>> -> memref<64x64xf32, #tpu.memory_space<hbm>>
      tpu.wait_dma2 semaphore(%run_scoped3A_170 : memref<!tpu.dma_semaphore, #tpu.memory_space<semaphore_mem>>) src(%arg8 : memref<64x64xf32, #tpu.memory_space<vmem>>) dst(%dma_wait3A_181 : memref<64x64xf32, #tpu.memory_space<hbm>>)
      tpu.yield
    }) : () -> ()
    %mul3A_162 = arith.constant 640 : i32
    %mul3A_163 = arith.muli %arg1, %mul3A_162 : i32
    %add3A_164 = arith.constant 512 : i32
    %add3A_165 = arith.addi %mul3A_163, %add3A_164 : i32
    "tpu.region"() ({
      %run_scoped3A_170 = tpu.sem_alloc : memref<!tpu.dma_semaphore, #tpu.memory_space<semaphore_mem>>
      %dma_start3A_171 = arith.constant 0 : i32
      %dma_start3A_172 = tpu.memref_slice %arg9[%add3A_165, %dma_start3A_171] : memref<10240x64xf32, #tpu.memory_space<vmem_shared>> -> memref<64x64xf32, #tpu.memory_space<vmem_shared>>
      %dma_start3A_173 = arith.constant 0 : i32
      %dma_start3A_174 = tpu.memref_slice %arg9[%add3A_165, %dma_start3A_173] : memref<10240x64xf32, #tpu.memory_space<vmem_shared>> -> memref<64x64xf32, #tpu.memory_space<vmem_shared>>
      tpu.enqueue_dma source(%dma_start3A_174 : memref<64x64xf32, #tpu.memory_space<vmem_shared>>) target(%arg8 : memref<64x64xf32, #tpu.memory_space<vmem>>) target_semaphore(%run_scoped3A_170 : memref<!tpu.dma_semaphore, #tpu.memory_space<semaphore_mem>>)
      %dma_wait3A = arith.constant 0 : i32
      %dma_wait3A_175 = tpu.memref_slice %arg9[%add3A_165, %dma_wait3A] : memref<10240x64xf32, #tpu.memory_space<vmem_shared>> -> memref<64x64xf32, #tpu.memory_space<vmem_shared>>
      %dma_wait3A_176 = arith.constant 0 : i32
      %dma_wait3A_177 = tpu.memref_slice %arg9[%add3A_165, %dma_wait3A_176] : memref<10240x64xf32, #tpu.memory_space<vmem_shared>> -> memref<64x64xf32, #tpu.memory_space<vmem_shared>>
      tpu.wait_dma2 semaphore(%run_scoped3A_170 : memref<!tpu.dma_semaphore, #tpu.memory_space<semaphore_mem>>) src(%dma_wait3A_177 : memref<64x64xf32, #tpu.memory_space<vmem_shared>>) dst(%arg8 : memref<64x64xf32, #tpu.memory_space<vmem>>)
      tpu.yield
    }) : () -> ()
    "tpu.region"() ({
      %run_scoped3A_170 = tpu.sem_alloc : memref<!tpu.dma_semaphore, #tpu.memory_space<semaphore_mem>>
      %dma_start3A_171 = arith.constant 0 : i32
      %dma_start3A_172 = tpu.memref_slice %arg4[%arg0, %add3A_165, %dma_start3A_171] : memref<2x10240x64xf32, #tpu.memory_space<hbm>> -> memref<1x64x64xf32, #tpu.memory_space<hbm>>
      %dma_start3A_173 = tpu.memref_squeeze %dma_start3A_172 : memref<1x64x64xf32, #tpu.memory_space<hbm>> -> memref<64x64xf32, #tpu.memory_space<hbm>>
      %dma_start3A_174 = arith.constant 0 : i32
      %dma_start3A_175 = tpu.memref_slice %arg4[%arg0, %add3A_165, %dma_start3A_174] : memref<2x10240x64xf32, #tpu.memory_space<hbm>> -> memref<1x64x64xf32, #tpu.memory_space<hbm>>
      %dma_start3A_176 = tpu.memref_squeeze %dma_start3A_175 : memref<1x64x64xf32, #tpu.memory_space<hbm>> -> memref<64x64xf32, #tpu.memory_space<hbm>>
      tpu.enqueue_dma source(%arg8 : memref<64x64xf32, #tpu.memory_space<vmem>>) target(%dma_start3A_176 : memref<64x64xf32, #tpu.memory_space<hbm>>) target_semaphore(%run_scoped3A_170 : memref<!tpu.dma_semaphore, #tpu.memory_space<semaphore_mem>>)
      %dma_wait3A = arith.constant 0 : i32
      %dma_wait3A_177 = tpu.memref_slice %arg4[%arg0, %add3A_165, %dma_wait3A] : memref<2x10240x64xf32, #tpu.memory_space<hbm>> -> memref<1x64x64xf32, #tpu.memory_space<hbm>>
      %dma_wait3A_178 = tpu.memref_squeeze %dma_wait3A_177 : memref<1x64x64xf32, #tpu.memory_space<hbm>> -> memref<64x64xf32, #tpu.memory_space<hbm>>
      %dma_wait3A_179 = arith.constant 0 : i32
      %dma_wait3A_180 = tpu.memref_slice %arg4[%arg0, %add3A_165, %dma_wait3A_179] : memref<2x10240x64xf32, #tpu.memory_space<hbm>> -> memref<1x64x64xf32, #tpu.memory_space<hbm>>
      %dma_wait3A_181 = tpu.memref_squeeze %dma_wait3A_180 : memref<1x64x64xf32, #tpu.memory_space<hbm>> -> memref<64x64xf32, #tpu.memory_space<hbm>>
      tpu.wait_dma2 semaphore(%run_scoped3A_170 : memref<!tpu.dma_semaphore, #tpu.memory_space<semaphore_mem>>) src(%arg8 : memref<64x64xf32, #tpu.memory_space<vmem>>) dst(%dma_wait3A_181 : memref<64x64xf32, #tpu.memory_space<hbm>>)
      tpu.yield
    }) : () -> ()
    %mul3A_166 = arith.constant 640 : i32
    %mul3A_167 = arith.muli %arg1, %mul3A_166 : i32
    %add3A_168 = arith.constant 576 : i32
    %add3A_169 = arith.addi %mul3A_167, %add3A_168 : i32
    "tpu.region"() ({
      %run_scoped3A_170 = tpu.sem_alloc : memref<!tpu.dma_semaphore, #tpu.memory_space<semaphore_mem>>
      %dma_start3A_171 = arith.constant 0 : i32
      %dma_start3A_172 = tpu.memref_slice %arg9[%add3A_169, %dma_start3A_171] : memref<10240x64xf32, #tpu.memory_space<vmem_shared>> -> memref<64x64xf32, #tpu.memory_space<vmem_shared>>
      %dma_start3A_173 = arith.constant 0 : i32
      %dma_start3A_174 = tpu.memref_slice %arg9[%add3A_169, %dma_start3A_173] : memref<10240x64xf32, #tpu.memory_space<vmem_shared>> -> memref<64x64xf32, #tpu.memory_space<vmem_shared>>
      tpu.enqueue_dma source(%dma_start3A_174 : memref<64x64xf32, #tpu.memory_space<vmem_shared>>) target(%arg8 : memref<64x64xf32, #tpu.memory_space<vmem>>) target_semaphore(%run_scoped3A_170 : memref<!tpu.dma_semaphore, #tpu.memory_space<semaphore_mem>>)
      %dma_wait3A = arith.constant 0 : i32
      %dma_wait3A_175 = tpu.memref_slice %arg9[%add3A_169, %dma_wait3A] : memref<10240x64xf32, #tpu.memory_space<vmem_shared>> -> memref<64x64xf32, #tpu.memory_space<vmem_shared>>
      %dma_wait3A_176 = arith.constant 0 : i32
      %dma_wait3A_177 = tpu.memref_slice %arg9[%add3A_169, %dma_wait3A_176] : memref<10240x64xf32, #tpu.memory_space<vmem_shared>> -> memref<64x64xf32, #tpu.memory_space<vmem_shared>>
      tpu.wait_dma2 semaphore(%run_scoped3A_170 : memref<!tpu.dma_semaphore, #tpu.memory_space<semaphore_mem>>) src(%dma_wait3A_177 : memref<64x64xf32, #tpu.memory_space<vmem_shared>>) dst(%arg8 : memref<64x64xf32, #tpu.memory_space<vmem>>)
      tpu.yield
    }) : () -> ()
    "tpu.region"() ({
      %run_scoped3A_170 = tpu.sem_alloc : memref<!tpu.dma_semaphore, #tpu.memory_space<semaphore_mem>>
      %dma_start3A_171 = arith.constant 0 : i32
      %dma_start3A_172 = tpu.memref_slice %arg4[%arg0, %add3A_169, %dma_start3A_171] : memref<2x10240x64xf32, #tpu.memory_space<hbm>> -> memref<1x64x64xf32, #tpu.memory_space<hbm>>
      %dma_start3A_173 = tpu.memref_squeeze %dma_start3A_172 : memref<1x64x64xf32, #tpu.memory_space<hbm>> -> memref<64x64xf32, #tpu.memory_space<hbm>>
      %dma_start3A_174 = arith.constant 0 : i32
      %dma_start3A_175 = tpu.memref_slice %arg4[%arg0, %add3A_169, %dma_start3A_174] : memref<2x10240x64xf32, #tpu.memory_space<hbm>> -> memref<1x64x64xf32, #tpu.memory_space<hbm>>
      %dma_start3A_176 = tpu.memref_squeeze %dma_start3A_175 : memref<1x64x64xf32, #tpu.memory_space<hbm>> -> memref<64x64xf32, #tpu.memory_space<hbm>>
      tpu.enqueue_dma source(%arg8 : memref<64x64xf32, #tpu.memory_space<vmem>>) target(%dma_start3A_176 : memref<64x64xf32, #tpu.memory_space<hbm>>) target_semaphore(%run_scoped3A_170 : memref<!tpu.dma_semaphore, #tpu.memory_space<semaphore_mem>>)
      %dma_wait3A = arith.constant 0 : i32
      %dma_wait3A_177 = tpu.memref_slice %arg4[%arg0, %add3A_169, %dma_wait3A] : memref<2x10240x64xf32, #tpu.memory_space<hbm>> -> memref<1x64x64xf32, #tpu.memory_space<hbm>>
      %dma_wait3A_178 = tpu.memref_squeeze %dma_wait3A_177 : memref<1x64x64xf32, #tpu.memory_space<hbm>> -> memref<64x64xf32, #tpu.memory_space<hbm>>
      %dma_wait3A_179 = arith.constant 0 : i32
      %dma_wait3A_180 = tpu.memref_slice %arg4[%arg0, %add3A_169, %dma_wait3A_179] : memref<2x10240x64xf32, #tpu.memory_space<hbm>> -> memref<1x64x64xf32, #tpu.memory_space<hbm>>
      %dma_wait3A_181 = tpu.memref_squeeze %dma_wait3A_180 : memref<1x64x64xf32, #tpu.memory_space<hbm>> -> memref<64x64xf32, #tpu.memory_space<hbm>>
      tpu.wait_dma2 semaphore(%run_scoped3A_170 : memref<!tpu.dma_semaphore, #tpu.memory_space<semaphore_mem>>) src(%arg8 : memref<64x64xf32, #tpu.memory_space<vmem>>) dst(%dma_wait3A_181 : memref<64x64xf32, #tpu.memory_space<hbm>>)
      tpu.yield
    }) : () -> ()
    return
  }
}

#map = affine_map<(d0, d1) -> (0, 0, 0)>
#map1 = affine_map<(d0, d1) -> (0, 0, 0, 0)>
module attributes {stable_mosaic.version = 14 : i64} {
  func.func @_spmm_body(%arg0: i32, %arg1: i32, %arg2: memref<2x10240x64xf32, #tpu.memory_space<hbm>>, %arg3: memref<2x16x160x128xi32, #tpu.memory_space<hbm>>, %arg4: memref<2x10240x64xf32, #tpu.memory_space<hbm>>, %arg5: memref<160x128xi32, #tpu.memory_space<vmem>>, %arg6: memref<160x128xi32, #tpu.memory_space<vmem>>, %arg7: memref<5x128x64xf32, #tpu.memory_space<vmem>>, %arg8: memref<64x64xf32, #tpu.memory_space<vmem>>, %arg9: memref<10240x64xf32, #tpu.memory_space<vmem_shared>>, %arg10: memref<!tpu.dma_semaphore, #tpu.memory_space<semaphore_mem>>, %arg11: memref<!tpu.dma_semaphore, #tpu.memory_space<semaphore_mem>>, %arg12: memref<!tpu.dma_semaphore, #tpu.memory_space<semaphore_mem>>, %arg13: memref<!tpu.dma_semaphore, #tpu.memory_space<semaphore_mem>>, %arg14: memref<!tpu.dma_semaphore, #tpu.memory_space<semaphore_mem>>, %arg15: memref<!tpu.dma_semaphore, #tpu.memory_space<semaphore_mem>>, %arg16: memref<!tpu.dma_semaphore, #tpu.memory_space<semaphore_mem>>, %arg17: memref<!tpu.dma_semaphore, #tpu.memory_space<semaphore_mem>>, %arg18: memref<!tpu.dma_semaphore, #tpu.memory_space<semaphore_mem>>, %arg19: memref<!tpu.dma_semaphore, #tpu.memory_space<semaphore_mem>>) attributes {dimension_semantics = [#tpu.dimension_semantics<core_parallel>, #tpu.dimension_semantics<subcore_parallel>], iteration_bounds = array<i64: 2, 16>, scalar_prefetch = 0 : i64, scratch_operands = 15 : i64, tpu.core_type = #tpu.core_type<sc_vector_subcore>, window_params = [{transform_indices = #map}, {transform_indices = #map1}, {transform_indices = #map}]} {
    %run_scoped3A = arith.constant 0 : i32
    "tpu.region"() ({
      %run_scoped3A_170 = tpu.sem_alloc : memref<!tpu.dma_semaphore, #tpu.memory_space<semaphore_mem>>
      %dma_start3A_171 = arith.constant 0 : i32
      %dma_start3A_172 = arith.constant 0 : i32
      %dma_start3A_173 = tpu.memref_slice %arg3[%run_scoped3A, %arg1, %dma_start3A_171, %dma_start3A_172] : memref<2x16x160x128xi32, #tpu.memory_space<hbm>> -> memref<1x1x160x128xi32, #tpu.memory_space<hbm>>
      %dma_start3A_174 = tpu.memref_squeeze %dma_start3A_173 : memref<1x1x160x128xi32, #tpu.memory_space<hbm>> -> memref<160x128xi32, #tpu.memory_space<hbm>>
      %dma_start3A_175 = arith.constant 0 : i32
      %dma_start3A_176 = arith.constant 0 : i32
      %dma_start3A_177 = tpu.memref_slice %arg3[%run_scoped3A, %arg1, %dma_start3A_175, %dma_start3A_176] : memref<2x16x160x128xi32, #tpu.memory_space<hbm>> -> memref<1x1x160x128xi32, #tpu.memory_space<hbm>>
      %dma_start3A_178 = tpu.memref_squeeze %dma_start3A_177 : memref<1x1x160x128xi32, #tpu.memory_space<hbm>> -> memref<160x128xi32, #tpu.memory_space<hbm>>
      tpu.enqueue_dma source(%dma_start3A_178 : memref<160x128xi32, #tpu.memory_space<hbm>>) target(%arg5 : memref<160x128xi32, #tpu.memory_space<vmem>>) target_semaphore(%run_scoped3A_170 : memref<!tpu.dma_semaphore, #tpu.memory_space<semaphore_mem>>)
      %dma_wait3A = arith.constant 0 : i32
      %dma_wait3A_179 = arith.constant 0 : i32
      %dma_wait3A_180 = tpu.memref_slice %arg3[%run_scoped3A, %arg1, %dma_wait3A, %dma_wait3A_179] : memref<2x16x160x128xi32, #tpu.memory_space<hbm>> -> memref<1x1x160x128xi32, #tpu.memory_space<hbm>>
      %dma_wait3A_181 = tpu.memref_squeeze %dma_wait3A_180 : memref<1x1x160x128xi32, #tpu.memory_space<hbm>> -> memref<160x128xi32, #tpu.memory_space<hbm>>
      %dma_wait3A_182 = arith.constant 0 : i32
      %dma_wait3A_183 = arith.constant 0 : i32
      %dma_wait3A_184 = tpu.memref_slice %arg3[%run_scoped3A, %arg1, %dma_wait3A_182, %dma_wait3A_183] : memref<2x16x160x128xi32, #tpu.memory_space<hbm>> -> memref<1x1x160x128xi32, #tpu.memory_space<hbm>>
      %dma_wait3A_185 = tpu.memref_squeeze %dma_wait3A_184 : memref<1x1x160x128xi32, #tpu.memory_space<hbm>> -> memref<160x128xi32, #tpu.memory_space<hbm>>
      tpu.wait_dma2 semaphore(%run_scoped3A_170 : memref<!tpu.dma_semaphore, #tpu.memory_space<semaphore_mem>>) src(%dma_wait3A_185 : memref<160x128xi32, #tpu.memory_space<hbm>>) dst(%arg5 : memref<160x128xi32, #tpu.memory_space<vmem>>)
      tpu.yield
    }) : () -> ()
    %run_scoped3A_0 = arith.constant 1 : i32
    "tpu.region"() ({
      %run_scoped3A_170 = tpu.sem_alloc : memref<!tpu.dma_semaphore, #tpu.memory_space<semaphore_mem>>
      %dma_start3A_171 = arith.constant 0 : i32
      %dma_start3A_172 = arith.constant 0 : i32
      %dma_start3A_173 = tpu.memref_slice %arg3[%run_scoped3A_0, %arg1, %dma_start3A_171, %dma_start3A_172] : memref<2x16x160x128xi32, #tpu.memory_space<hbm>> -> memref<1x1x160x128xi32, #tpu.memory_space<hbm>>
      %dma_start3A_174 = tpu.memref_squeeze %dma_start3A_173 : memref<1x1x160x128xi32, #tpu.memory_space<hbm>> -> memref<160x128xi32, #tpu.memory_space<hbm>>
      %dma_start3A_175 = arith.constant 0 : i32
      %dma_start3A_176 = arith.constant 0 : i32
      %dma_start3A_177 = tpu.memref_slice %arg3[%run_scoped3A_0, %arg1, %dma_start3A_175, %dma_start3A_176] : memref<2x16x160x128xi32, #tpu.memory_space<hbm>> -> memref<1x1x160x128xi32, #tpu.memory_space<hbm>>
      %dma_start3A_178 = tpu.memref_squeeze %dma_start3A_177 : memref<1x1x160x128xi32, #tpu.memory_space<hbm>> -> memref<160x128xi32, #tpu.memory_space<hbm>>
      tpu.enqueue_dma source(%dma_start3A_178 : memref<160x128xi32, #tpu.memory_space<hbm>>) target(%arg6 : memref<160x128xi32, #tpu.memory_space<vmem>>) target_semaphore(%run_scoped3A_170 : memref<!tpu.dma_semaphore, #tpu.memory_space<semaphore_mem>>)
      %dma_wait3A = arith.constant 0 : i32
      %dma_wait3A_179 = arith.constant 0 : i32
      %dma_wait3A_180 = tpu.memref_slice %arg3[%run_scoped3A_0, %arg1, %dma_wait3A, %dma_wait3A_179] : memref<2x16x160x128xi32, #tpu.memory_space<hbm>> -> memref<1x1x160x128xi32, #tpu.memory_space<hbm>>
      %dma_wait3A_181 = tpu.memref_squeeze %dma_wait3A_180 : memref<1x1x160x128xi32, #tpu.memory_space<hbm>> -> memref<160x128xi32, #tpu.memory_space<hbm>>
      %dma_wait3A_182 = arith.constant 0 : i32
      %dma_wait3A_183 = arith.constant 0 : i32
      %dma_wait3A_184 = tpu.memref_slice %arg3[%run_scoped3A_0, %arg1, %dma_wait3A_182, %dma_wait3A_183] : memref<2x16x160x128xi32, #tpu.memory_space<hbm>> -> memref<1x1x160x128xi32, #tpu.memory_space<hbm>>
      %dma_wait3A_185 = tpu.memref_squeeze %dma_wait3A_184 : memref<1x1x160x128xi32, #tpu.memory_space<hbm>> -> memref<160x128xi32, #tpu.memory_space<hbm>>
      tpu.wait_dma2 semaphore(%run_scoped3A_170 : memref<!tpu.dma_semaphore, #tpu.memory_space<semaphore_mem>>) src(%dma_wait3A_185 : memref<160x128xi32, #tpu.memory_space<hbm>>) dst(%arg6 : memref<160x128xi32, #tpu.memory_space<vmem>>)
      tpu.yield
    }) : () -> ()
    %scan3A = arith.constant 0 : i32
    %scan3A_1 = arith.constant 0 : i32
    %scan3A_2 = arith.constant 64 : i32
    %scan3A_3 = arith.addi %scan3A_1, %scan3A_2 : i32
    %scan3A_4 = arith.constant 1 : i32
    scf.for %scan3A_170 = %scan3A_1 to %scan3A_3 step %scan3A_4  : i32 {
      %broadcast_in_dim3A = arith.constant 0.000000e+00 : f32
      %broadcast_in_dim3A_171 = vector.broadcast %broadcast_in_dim3A : f32 to vector<16xf32>
      %swap3A = arith.index_cast %scan3A_170 : i32 to index
      %swap3A_172 = arith.constant 0 : index
      %swap3A_173 = tpu.vector_load %arg8[%swap3A, %swap3A_172] {strides = array<i32>} : memref<64x64xf32, #tpu.memory_space<vmem>>, vector<1x16xf32>,
      %swap3A_174 = vector.shape_cast %swap3A_173 : vector<1x16xf32> to vector<16xf32>
      %swap3A_175 = vector.shape_cast %broadcast_in_dim3A_171 : vector<16xf32> to vector<1x16xf32>
      tpu.vector_store %arg8[%swap3A, %swap3A_172], %swap3A_175 {strides = array<i32>} : memref<64x64xf32, #tpu.memory_space<vmem>>, vector<1x16xf32>,
      %broadcast_in_dim3A_176 = arith.constant 0.000000e+00 : f32
      %broadcast_in_dim3A_177 = vector.broadcast %broadcast_in_dim3A_176 : f32 to vector<16xf32>
      %swap3A_178 = arith.index_cast %scan3A_170 : i32 to index
      %swap3A_179 = arith.constant 16 : index
      %swap3A_180 = tpu.vector_load %arg8[%swap3A_178, %swap3A_179] {strides = array<i32>} : memref<64x64xf32, #tpu.memory_space<vmem>>, vector<1x16xf32>,
      %swap3A_181 = vector.shape_cast %swap3A_180 : vector<1x16xf32> to vector<16xf32>
      %swap3A_182 = vector.shape_cast %broadcast_in_dim3A_177 : vector<16xf32> to vector<1x16xf32>
      tpu.vector_store %arg8[%swap3A_178, %swap3A_179], %swap3A_182 {strides = array<i32>} : memref<64x64xf32, #tpu.memory_space<vmem>>, vector<1x16xf32>,
      %broadcast_in_dim3A_183 = arith.constant 0.000000e+00 : f32
      %broadcast_in_dim3A_184 = vector.broadcast %broadcast_in_dim3A_183 : f32 to vector<16xf32>
      %swap3A_185 = arith.index_cast %scan3A_170 : i32 to index
      %swap3A_186 = arith.constant 32 : index
      %swap3A_187 = tpu.vector_load %arg8[%swap3A_185, %swap3A_186] {strides = array<i32>} : memref<64x64xf32, #tpu.memory_space<vmem>>, vector<1x16xf32>,
      %swap3A_188 = vector.shape_cast %swap3A_187 : vector<1x16xf32> to vector<16xf32>
      %swap3A_189 = vector.shape_cast %broadcast_in_dim3A_184 : vector<16xf32> to vector<1x16xf32>
      tpu.vector_store %arg8[%swap3A_185, %swap3A_186], %swap3A_189 {strides = array<i32>} : memref<64x64xf32, #tpu.memory_space<vmem>>, vector<1x16xf32>,
      %broadcast_in_dim3A_190 = arith.constant 0.000000e+00 : f32
      %broadcast_in_dim3A_191 = vector.broadcast %broadcast_in_dim3A_190 : f32 to vector<16xf32>
      %swap3A_192 = arith.index_cast %scan3A_170 : i32 to index
      %swap3A_193 = arith.constant 48 : index
      %swap3A_194 = tpu.vector_load %arg8[%swap3A_192, %swap3A_193] {strides = array<i32>} : memref<64x64xf32, #tpu.memory_space<vmem>>, vector<1x16xf32>,
      %swap3A_195 = vector.shape_cast %swap3A_194 : vector<1x16xf32> to vector<16xf32>
      %swap3A_196 = vector.shape_cast %broadcast_in_dim3A_191 : vector<16xf32> to vector<1x16xf32>
      tpu.vector_store %arg8[%swap3A_192, %swap3A_193], %swap3A_196 {strides = array<i32>} : memref<64x64xf32, #tpu.memory_space<vmem>>, vector<1x16xf32>,
    }
    %scan3A_5 = arith.constant 64 : i32
    %mul3A = arith.constant 640 : i32
    %mul3A_6 = arith.muli %arg1, %mul3A : i32
    %add3A = arith.constant 0 : i32
    %add3A_7 = arith.addi %mul3A_6, %add3A : i32
    "tpu.region"() ({
      %run_scoped3A_170 = tpu.sem_alloc : memref<!tpu.dma_semaphore, #tpu.memory_space<semaphore_mem>>
      %dma_start3A_171 = arith.constant 0 : i32
      %dma_start3A_172 = tpu.memref_slice %arg9[%add3A_7, %dma_start3A_171] : memref<10240x64xf32, #tpu.memory_space<vmem_shared>> -> memref<64x64xf32, #tpu.memory_space<vmem_shared>>
      %dma_start3A_173 = arith.constant 0 : i32
      %dma_start3A_174 = tpu.memref_slice %arg9[%add3A_7, %dma_start3A_173] : memref<10240x64xf32, #tpu.memory_space<vmem_shared>> -> memref<64x64xf32, #tpu.memory_space<vmem_shared>>
      tpu.enqueue_dma source(%arg8 : memref<64x64xf32, #tpu.memory_space<vmem>>) target(%dma_start3A_174 : memref<64x64xf32, #tpu.memory_space<vmem_shared>>) target_semaphore(%run_scoped3A_170 : memref<!tpu.dma_semaphore, #tpu.memory_space<semaphore_mem>>)
      %dma_wait3A = arith.constant 0 : i32
      %dma_wait3A_175 = tpu.memref_slice %arg9[%add3A_7, %dma_wait3A] : memref<10240x64xf32, #tpu.memory_space<vmem_shared>> -> memref<64x64xf32, #tpu.memory_space<vmem_shared>>
      %dma_wait3A_176 = arith.constant 0 : i32
      %dma_wait3A_177 = tpu.memref_slice %arg9[%add3A_7, %dma_wait3A_176] : memref<10240x64xf32, #tpu.memory_space<vmem_shared>> -> memref<64x64xf32, #tpu.memory_space<vmem_shared>>
      tpu.wait_dma2 semaphore(%run_scoped3A_170 : memref<!tpu.dma_semaphore, #tpu.memory_space<semaphore_mem>>) src(%arg8 : memref<64x64xf32, #tpu.memory_space<vmem>>) dst(%dma_wait3A_177 : memref<64x64xf32, #tpu.memory_space<vmem_shared>>)
      tpu.yield
    }) : () -> ()
    %mul3A_8 = arith.constant 640 : i32
    %mul3A_9 = arith.muli %arg1, %mul3A_8 : i32
    %add3A_10 = arith.constant 64 : i32
    %add3A_11 = arith.addi %mul3A_9, %add3A_10 : i32
    "tpu.region"() ({
      %run_scoped3A_170 = tpu.sem_alloc : memref<!tpu.dma_semaphore, #tpu.memory_space<semaphore_mem>>
      %dma_start3A_171 = arith.constant 0 : i32
      %dma_start3A_172 = tpu.memref_slice %arg9[%add3A_11, %dma_start3A_171] : memref<10240x64xf32, #tpu.memory_space<vmem_shared>> -> memref<64x64xf32, #tpu.memory_space<vmem_shared>>
      %dma_start3A_173 = arith.constant 0 : i32
      %dma_start3A_174 = tpu.memref_slice %arg9[%add3A_11, %dma_start3A_173] : memref<10240x64xf32, #tpu.memory_space<vmem_shared>> -> memref<64x64xf32, #tpu.memory_space<vmem_shared>>
      tpu.enqueue_dma source(%arg8 : memref<64x64xf32, #tpu.memory_space<vmem>>) target(%dma_start3A_174 : memref<64x64xf32, #tpu.memory_space<vmem_shared>>) target_semaphore(%run_scoped3A_170 : memref<!tpu.dma_semaphore, #tpu.memory_space<semaphore_mem>>)
      %dma_wait3A = arith.constant 0 : i32
      %dma_wait3A_175 = tpu.memref_slice %arg9[%add3A_11, %dma_wait3A] : memref<10240x64xf32, #tpu.memory_space<vmem_shared>> -> memref<64x64xf32, #tpu.memory_space<vmem_shared>>
      %dma_wait3A_176 = arith.constant 0 : i32
      %dma_wait3A_177 = tpu.memref_slice %arg9[%add3A_11, %dma_wait3A_176] : memref<10240x64xf32, #tpu.memory_space<vmem_shared>> -> memref<64x64xf32, #tpu.memory_space<vmem_shared>>
      tpu.wait_dma2 semaphore(%run_scoped3A_170 : memref<!tpu.dma_semaphore, #tpu.memory_space<semaphore_mem>>) src(%arg8 : memref<64x64xf32, #tpu.memory_space<vmem>>) dst(%dma_wait3A_177 : memref<64x64xf32, #tpu.memory_space<vmem_shared>>)
      tpu.yield
    }) : () -> ()
    %mul3A_12 = arith.constant 640 : i32
    %mul3A_13 = arith.muli %arg1, %mul3A_12 : i32
    %add3A_14 = arith.constant 128 : i32
    %add3A_15 = arith.addi %mul3A_13, %add3A_14 : i32
    "tpu.region"() ({
      %run_scoped3A_170 = tpu.sem_alloc : memref<!tpu.dma_semaphore, #tpu.memory_space<semaphore_mem>>
      %dma_start3A_171 = arith.constant 0 : i32
      %dma_start3A_172 = tpu.memref_slice %arg9[%add3A_15, %dma_start3A_171] : memref<10240x64xf32, #tpu.memory_space<vmem_shared>> -> memref<64x64xf32, #tpu.memory_space<vmem_shared>>
      %dma_start3A_173 = arith.constant 0 : i32
      %dma_start3A_174 = tpu.memref_slice %arg9[%add3A_15, %dma_start3A_173] : memref<10240x64xf32, #tpu.memory_space<vmem_shared>> -> memref<64x64xf32, #tpu.memory_space<vmem_shared>>
      tpu.enqueue_dma source(%arg8 : memref<64x64xf32, #tpu.memory_space<vmem>>) target(%dma_start3A_174 : memref<64x64xf32, #tpu.memory_space<vmem_shared>>) target_semaphore(%run_scoped3A_170 : memref<!tpu.dma_semaphore, #tpu.memory_space<semaphore_mem>>)
      %dma_wait3A = arith.constant 0 : i32
      %dma_wait3A_175 = tpu.memref_slice %arg9[%add3A_15, %dma_wait3A] : memref<10240x64xf32, #tpu.memory_space<vmem_shared>> -> memref<64x64xf32, #tpu.memory_space<vmem_shared>>
      %dma_wait3A_176 = arith.constant 0 : i32
      %dma_wait3A_177 = tpu.memref_slice %arg9[%add3A_15, %dma_wait3A_176] : memref<10240x64xf32, #tpu.memory_space<vmem_shared>> -> memref<64x64xf32, #tpu.memory_space<vmem_shared>>
      tpu.wait_dma2 semaphore(%run_scoped3A_170 : memref<!tpu.dma_semaphore, #tpu.memory_space<semaphore_mem>>) src(%arg8 : memref<64x64xf32, #tpu.memory_space<vmem>>) dst(%dma_wait3A_177 : memref<64x64xf32, #tpu.memory_space<vmem_shared>>)
      tpu.yield
    }) : () -> ()
    %mul3A_16 = arith.constant 640 : i32
    %mul3A_17 = arith.muli %arg1, %mul3A_16 : i32
    %add3A_18 = arith.constant 192 : i32
    %add3A_19 = arith.addi %mul3A_17, %add3A_18 : i32
    "tpu.region"() ({
      %run_scoped3A_170 = tpu.sem_alloc : memref<!tpu.dma_semaphore, #tpu.memory_space<semaphore_mem>>
      %dma_start3A_171 = arith.constant 0 : i32
      %dma_start3A_172 = tpu.memref_slice %arg9[%add3A_19, %dma_start3A_171] : memref<10240x64xf32, #tpu.memory_space<vmem_shared>> -> memref<64x64xf32, #tpu.memory_space<vmem_shared>>
      %dma_start3A_173 = arith.constant 0 : i32
      %dma_start3A_174 = tpu.memref_slice %arg9[%add3A_19, %dma_start3A_173] : memref<10240x64xf32, #tpu.memory_space<vmem_shared>> -> memref<64x64xf32, #tpu.memory_space<vmem_shared>>
      tpu.enqueue_dma source(%arg8 : memref<64x64xf32, #tpu.memory_space<vmem>>) target(%dma_start3A_174 : memref<64x64xf32, #tpu.memory_space<vmem_shared>>) target_semaphore(%run_scoped3A_170 : memref<!tpu.dma_semaphore, #tpu.memory_space<semaphore_mem>>)
      %dma_wait3A = arith.constant 0 : i32
      %dma_wait3A_175 = tpu.memref_slice %arg9[%add3A_19, %dma_wait3A] : memref<10240x64xf32, #tpu.memory_space<vmem_shared>> -> memref<64x64xf32, #tpu.memory_space<vmem_shared>>
      %dma_wait3A_176 = arith.constant 0 : i32
      %dma_wait3A_177 = tpu.memref_slice %arg9[%add3A_19, %dma_wait3A_176] : memref<10240x64xf32, #tpu.memory_space<vmem_shared>> -> memref<64x64xf32, #tpu.memory_space<vmem_shared>>
      tpu.wait_dma2 semaphore(%run_scoped3A_170 : memref<!tpu.dma_semaphore, #tpu.memory_space<semaphore_mem>>) src(%arg8 : memref<64x64xf32, #tpu.memory_space<vmem>>) dst(%dma_wait3A_177 : memref<64x64xf32, #tpu.memory_space<vmem_shared>>)
      tpu.yield
    }) : () -> ()
    %mul3A_20 = arith.constant 640 : i32
    %mul3A_21 = arith.muli %arg1, %mul3A_20 : i32
    %add3A_22 = arith.constant 256 : i32
    %add3A_23 = arith.addi %mul3A_21, %add3A_22 : i32
    "tpu.region"() ({
      %run_scoped3A_170 = tpu.sem_alloc : memref<!tpu.dma_semaphore, #tpu.memory_space<semaphore_mem>>
      %dma_start3A_171 = arith.constant 0 : i32
      %dma_start3A_172 = tpu.memref_slice %arg9[%add3A_23, %dma_start3A_171] : memref<10240x64xf32, #tpu.memory_space<vmem_shared>> -> memref<64x64xf32, #tpu.memory_space<vmem_shared>>
      %dma_start3A_173 = arith.constant 0 : i32
      %dma_start3A_174 = tpu.memref_slice %arg9[%add3A_23, %dma_start3A_173] : memref<10240x64xf32, #tpu.memory_space<vmem_shared>> -> memref<64x64xf32, #tpu.memory_space<vmem_shared>>
      tpu.enqueue_dma source(%arg8 : memref<64x64xf32, #tpu.memory_space<vmem>>) target(%dma_start3A_174 : memref<64x64xf32, #tpu.memory_space<vmem_shared>>) target_semaphore(%run_scoped3A_170 : memref<!tpu.dma_semaphore, #tpu.memory_space<semaphore_mem>>)
      %dma_wait3A = arith.constant 0 : i32
      %dma_wait3A_175 = tpu.memref_slice %arg9[%add3A_23, %dma_wait3A] : memref<10240x64xf32, #tpu.memory_space<vmem_shared>> -> memref<64x64xf32, #tpu.memory_space<vmem_shared>>
      %dma_wait3A_176 = arith.constant 0 : i32
      %dma_wait3A_177 = tpu.memref_slice %arg9[%add3A_23, %dma_wait3A_176] : memref<10240x64xf32, #tpu.memory_space<vmem_shared>> -> memref<64x64xf32, #tpu.memory_space<vmem_shared>>
      tpu.wait_dma2 semaphore(%run_scoped3A_170 : memref<!tpu.dma_semaphore, #tpu.memory_space<semaphore_mem>>) src(%arg8 : memref<64x64xf32, #tpu.memory_space<vmem>>) dst(%dma_wait3A_177 : memref<64x64xf32, #tpu.memory_space<vmem_shared>>)
      tpu.yield
    }) : () -> ()
    %mul3A_24 = arith.constant 640 : i32
    %mul3A_25 = arith.muli %arg1, %mul3A_24 : i32
    %add3A_26 = arith.constant 320 : i32
    %add3A_27 = arith.addi %mul3A_25, %add3A_26 : i32
    "tpu.region"() ({
      %run_scoped3A_170 = tpu.sem_alloc : memref<!tpu.dma_semaphore, #tpu.memory_space<semaphore_mem>>
      %dma_start3A_171 = arith.constant 0 : i32
      %dma_start3A_172 = tpu.memref_slice %arg9[%add3A_27, %dma_start3A_171] : memref<10240x64xf32, #tpu.memory_space<vmem_shared>> -> memref<64x64xf32, #tpu.memory_space<vmem_shared>>
      %dma_start3A_173 = arith.constant 0 : i32
      %dma_start3A_174 = tpu.memref_slice %arg9[%add3A_27, %dma_start3A_173] : memref<10240x64xf32, #tpu.memory_space<vmem_shared>> -> memref<64x64xf32, #tpu.memory_space<vmem_shared>>
      tpu.enqueue_dma source(%arg8 : memref<64x64xf32, #tpu.memory_space<vmem>>) target(%dma_start3A_174 : memref<64x64xf32, #tpu.memory_space<vmem_shared>>) target_semaphore(%run_scoped3A_170 : memref<!tpu.dma_semaphore, #tpu.memory_space<semaphore_mem>>)
      %dma_wait3A = arith.constant 0 : i32
      %dma_wait3A_175 = tpu.memref_slice %arg9[%add3A_27, %dma_wait3A] : memref<10240x64xf32, #tpu.memory_space<vmem_shared>> -> memref<64x64xf32, #tpu.memory_space<vmem_shared>>
      %dma_wait3A_176 = arith.constant 0 : i32
      %dma_wait3A_177 = tpu.memref_slice %arg9[%add3A_27, %dma_wait3A_176] : memref<10240x64xf32, #tpu.memory_space<vmem_shared>> -> memref<64x64xf32, #tpu.memory_space<vmem_shared>>
      tpu.wait_dma2 semaphore(%run_scoped3A_170 : memref<!tpu.dma_semaphore, #tpu.memory_space<semaphore_mem>>) src(%arg8 : memref<64x64xf32, #tpu.memory_space<vmem>>) dst(%dma_wait3A_177 : memref<64x64xf32, #tpu.memory_space<vmem_shared>>)
      tpu.yield
    }) : () -> ()
    %mul3A_28 = arith.constant 640 : i32
    %mul3A_29 = arith.muli %arg1, %mul3A_28 : i32
    %add3A_30 = arith.constant 384 : i32
    %add3A_31 = arith.addi %mul3A_29, %add3A_30 : i32
    "tpu.region"() ({
      %run_scoped3A_170 = tpu.sem_alloc : memref<!tpu.dma_semaphore, #tpu.memory_space<semaphore_mem>>
      %dma_start3A_171 = arith.constant 0 : i32
      %dma_start3A_172 = tpu.memref_slice %arg9[%add3A_31, %dma_start3A_171] : memref<10240x64xf32, #tpu.memory_space<vmem_shared>> -> memref<64x64xf32, #tpu.memory_space<vmem_shared>>
      %dma_start3A_173 = arith.constant 0 : i32
      %dma_start3A_174 = tpu.memref_slice %arg9[%add3A_31, %dma_start3A_173] : memref<10240x64xf32, #tpu.memory_space<vmem_shared>> -> memref<64x64xf32, #tpu.memory_space<vmem_shared>>
      tpu.enqueue_dma source(%arg8 : memref<64x64xf32, #tpu.memory_space<vmem>>) target(%dma_start3A_174 : memref<64x64xf32, #tpu.memory_space<vmem_shared>>) target_semaphore(%run_scoped3A_170 : memref<!tpu.dma_semaphore, #tpu.memory_space<semaphore_mem>>)
      %dma_wait3A = arith.constant 0 : i32
      %dma_wait3A_175 = tpu.memref_slice %arg9[%add3A_31, %dma_wait3A] : memref<10240x64xf32, #tpu.memory_space<vmem_shared>> -> memref<64x64xf32, #tpu.memory_space<vmem_shared>>
      %dma_wait3A_176 = arith.constant 0 : i32
      %dma_wait3A_177 = tpu.memref_slice %arg9[%add3A_31, %dma_wait3A_176] : memref<10240x64xf32, #tpu.memory_space<vmem_shared>> -> memref<64x64xf32, #tpu.memory_space<vmem_shared>>
      tpu.wait_dma2 semaphore(%run_scoped3A_170 : memref<!tpu.dma_semaphore, #tpu.memory_space<semaphore_mem>>) src(%arg8 : memref<64x64xf32, #tpu.memory_space<vmem>>) dst(%dma_wait3A_177 : memref<64x64xf32, #tpu.memory_space<vmem_shared>>)
      tpu.yield
    }) : () -> ()
    %mul3A_32 = arith.constant 640 : i32
    %mul3A_33 = arith.muli %arg1, %mul3A_32 : i32
    %add3A_34 = arith.constant 448 : i32
    %add3A_35 = arith.addi %mul3A_33, %add3A_34 : i32
    "tpu.region"() ({
      %run_scoped3A_170 = tpu.sem_alloc : memref<!tpu.dma_semaphore, #tpu.memory_space<semaphore_mem>>
      %dma_start3A_171 = arith.constant 0 : i32
      %dma_start3A_172 = tpu.memref_slice %arg9[%add3A_35, %dma_start3A_171] : memref<10240x64xf32, #tpu.memory_space<vmem_shared>> -> memref<64x64xf32, #tpu.memory_space<vmem_shared>>
      %dma_start3A_173 = arith.constant 0 : i32
      %dma_start3A_174 = tpu.memref_slice %arg9[%add3A_35, %dma_start3A_173] : memref<10240x64xf32, #tpu.memory_space<vmem_shared>> -> memref<64x64xf32, #tpu.memory_space<vmem_shared>>
      tpu.enqueue_dma source(%arg8 : memref<64x64xf32, #tpu.memory_space<vmem>>) target(%dma_start3A_174 : memref<64x64xf32, #tpu.memory_space<vmem_shared>>) target_semaphore(%run_scoped3A_170 : memref<!tpu.dma_semaphore, #tpu.memory_space<semaphore_mem>>)
      %dma_wait3A = arith.constant 0 : i32
      %dma_wait3A_175 = tpu.memref_slice %arg9[%add3A_35, %dma_wait3A] : memref<10240x64xf32, #tpu.memory_space<vmem_shared>> -> memref<64x64xf32, #tpu.memory_space<vmem_shared>>
      %dma_wait3A_176 = arith.constant 0 : i32
      %dma_wait3A_177 = tpu.memref_slice %arg9[%add3A_35, %dma_wait3A_176] : memref<10240x64xf32, #tpu.memory_space<vmem_shared>> -> memref<64x64xf32, #tpu.memory_space<vmem_shared>>
      tpu.wait_dma2 semaphore(%run_scoped3A_170 : memref<!tpu.dma_semaphore, #tpu.memory_space<semaphore_mem>>) src(%arg8 : memref<64x64xf32, #tpu.memory_space<vmem>>) dst(%dma_wait3A_177 : memref<64x64xf32, #tpu.memory_space<vmem_shared>>)
      tpu.yield
    }) : () -> ()
    %mul3A_36 = arith.constant 640 : i32
    %mul3A_37 = arith.muli %arg1, %mul3A_36 : i32
    %add3A_38 = arith.constant 512 : i32
    %add3A_39 = arith.addi %mul3A_37, %add3A_38 : i32
    "tpu.region"() ({
      %run_scoped3A_170 = tpu.sem_alloc : memref<!tpu.dma_semaphore, #tpu.memory_space<semaphore_mem>>
      %dma_start3A_171 = arith.constant 0 : i32
      %dma_start3A_172 = tpu.memref_slice %arg9[%add3A_39, %dma_start3A_171] : memref<10240x64xf32, #tpu.memory_space<vmem_shared>> -> memref<64x64xf32, #tpu.memory_space<vmem_shared>>
      %dma_start3A_173 = arith.constant 0 : i32
      %dma_start3A_174 = tpu.memref_slice %arg9[%add3A_39, %dma_start3A_173] : memref<10240x64xf32, #tpu.memory_space<vmem_shared>> -> memref<64x64xf32, #tpu.memory_space<vmem_shared>>
      tpu.enqueue_dma source(%arg8 : memref<64x64xf32, #tpu.memory_space<vmem>>) target(%dma_start3A_174 : memref<64x64xf32, #tpu.memory_space<vmem_shared>>) target_semaphore(%run_scoped3A_170 : memref<!tpu.dma_semaphore, #tpu.memory_space<semaphore_mem>>)
      %dma_wait3A = arith.constant 0 : i32
      %dma_wait3A_175 = tpu.memref_slice %arg9[%add3A_39, %dma_wait3A] : memref<10240x64xf32, #tpu.memory_space<vmem_shared>> -> memref<64x64xf32, #tpu.memory_space<vmem_shared>>
      %dma_wait3A_176 = arith.constant 0 : i32
      %dma_wait3A_177 = tpu.memref_slice %arg9[%add3A_39, %dma_wait3A_176] : memref<10240x64xf32, #tpu.memory_space<vmem_shared>> -> memref<64x64xf32, #tpu.memory_space<vmem_shared>>
      tpu.wait_dma2 semaphore(%run_scoped3A_170 : memref<!tpu.dma_semaphore, #tpu.memory_space<semaphore_mem>>) src(%arg8 : memref<64x64xf32, #tpu.memory_space<vmem>>) dst(%dma_wait3A_177 : memref<64x64xf32, #tpu.memory_space<vmem_shared>>)
      tpu.yield
    }) : () -> ()
    %mul3A_40 = arith.constant 640 : i32
    %mul3A_41 = arith.muli %arg1, %mul3A_40 : i32
    %add3A_42 = arith.constant 576 : i32
    %add3A_43 = arith.addi %mul3A_41, %add3A_42 : i32
    "tpu.region"() ({
      %run_scoped3A_170 = tpu.sem_alloc : memref<!tpu.dma_semaphore, #tpu.memory_space<semaphore_mem>>
      %dma_start3A_171 = arith.constant 0 : i32
      %dma_start3A_172 = tpu.memref_slice %arg9[%add3A_43, %dma_start3A_171] : memref<10240x64xf32, #tpu.memory_space<vmem_shared>> -> memref<64x64xf32, #tpu.memory_space<vmem_shared>>
      %dma_start3A_173 = arith.constant 0 : i32
      %dma_start3A_174 = tpu.memref_slice %arg9[%add3A_43, %dma_start3A_173] : memref<10240x64xf32, #tpu.memory_space<vmem_shared>> -> memref<64x64xf32, #tpu.memory_space<vmem_shared>>
      tpu.enqueue_dma source(%arg8 : memref<64x64xf32, #tpu.memory_space<vmem>>) target(%dma_start3A_174 : memref<64x64xf32, #tpu.memory_space<vmem_shared>>) target_semaphore(%run_scoped3A_170 : memref<!tpu.dma_semaphore, #tpu.memory_space<semaphore_mem>>)
      %dma_wait3A = arith.constant 0 : i32
      %dma_wait3A_175 = tpu.memref_slice %arg9[%add3A_43, %dma_wait3A] : memref<10240x64xf32, #tpu.memory_space<vmem_shared>> -> memref<64x64xf32, #tpu.memory_space<vmem_shared>>
      %dma_wait3A_176 = arith.constant 0 : i32
      %dma_wait3A_177 = tpu.memref_slice %arg9[%add3A_43, %dma_wait3A_176] : memref<10240x64xf32, #tpu.memory_space<vmem_shared>> -> memref<64x64xf32, #tpu.memory_space<vmem_shared>>
      tpu.wait_dma2 semaphore(%run_scoped3A_170 : memref<!tpu.dma_semaphore, #tpu.memory_space<semaphore_mem>>) src(%arg8 : memref<64x64xf32, #tpu.memory_space<vmem>>) dst(%dma_wait3A_177 : memref<64x64xf32, #tpu.memory_space<vmem_shared>>)
      tpu.yield
    }) : () -> ()
    %barrier3A = arith.constant 0 : index
    tpu.barrier barrier_id(%barrier3A)
    %dma_start3A = arith.constant 0 : i32
    %dma_start3A_44 = arith.constant 0 : i32
    %dma_start3A_45 = arith.constant 0 : i32
    %dma_start3A_46 = arith.constant 0 : i32
    %dma_start3A_47 = tpu.memref_slice %arg7[%dma_start3A_44, %dma_start3A_45, %dma_start3A_46] : memref<5x128x64xf32, #tpu.memory_space<vmem>> -> memref<1x128x64xf32, #tpu.memory_space<vmem>>
    %dma_start3A_48 = tpu.memref_squeeze %dma_start3A_47 : memref<1x128x64xf32, #tpu.memory_space<vmem>> -> memref<128x64xf32, #tpu.memory_space<vmem>>
    %dma_start3A_49 = arith.constant 0 : i32
    %dma_start3A_50 = tpu.memref_slice %arg5[%dma_start3A, %dma_start3A_49] : memref<160x128xi32, #tpu.memory_space<vmem>> -> memref<1x128xi32, #tpu.memory_space<vmem>>
    %dma_start3A_51 = tpu.memref_squeeze %dma_start3A_50 : memref<1x128xi32, #tpu.memory_space<vmem>> -> memref<128xi32, #tpu.memory_space<vmem>>
    %dma_start3A_52 = arith.constant 0 : i32
    %dma_start3A_53 = arith.constant 0 : i32
    %dma_start3A_54 = tpu.memref_slice %arg2[%arg0, %dma_start3A_52, %dma_start3A_53] : memref<2x10240x64xf32, #tpu.memory_space<hbm>> -> memref<1x10240x64xf32, #tpu.memory_space<hbm>>
    %dma_start3A_55 = tpu.memref_squeeze %dma_start3A_54 : memref<1x10240x64xf32, #tpu.memory_space<hbm>> -> memref<10240x64xf32, #tpu.memory_space<hbm>>
    %dma_start3A_56 = arith.constant 0 : i32
    %dma_start3A_57 = arith.constant 0 : i32
    %dma_start3A_58 = tpu.memref_slice %dma_start3A_55[%dma_start3A_56, %dma_start3A_57] : memref<10240x64xf32, #tpu.memory_space<hbm>> -> memref<10240x64xf32, #tpu.memory_space<hbm>>
    tpu.enqueue_indirect_dma source(%dma_start3A_58 : memref<10240x64xf32, #tpu.memory_space<hbm>>) target(%dma_start3A_48 : memref<128x64xf32, #tpu.memory_space<vmem>>) offsets(%dma_start3A_51 : memref<128xi32, #tpu.memory_space<vmem>>) semaphore(%arg10 : memref<!tpu.dma_semaphore, #tpu.memory_space<semaphore_mem>>)
    %dma_start3A_59 = arith.constant 1 : i32
    %dma_start3A_60 = arith.constant 1 : i32
    %dma_start3A_61 = arith.constant 0 : i32
    %dma_start3A_62 = arith.constant 0 : i32
    %dma_start3A_63 = tpu.memref_slice %arg7[%dma_start3A_60, %dma_start3A_61, %dma_start3A_62] : memref<5x128x64xf32, #tpu.memory_space<vmem>> -> memref<1x128x64xf32, #tpu.memory_space<vmem>>
    %dma_start3A_64 = tpu.memref_squeeze %dma_start3A_63 : memref<1x128x64xf32, #tpu.memory_space<vmem>> -> memref<128x64xf32, #tpu.memory_space<vmem>>
    %dma_start3A_65 = arith.constant 0 : i32
    %dma_start3A_66 = tpu.memref_slice %arg5[%dma_start3A_59, %dma_start3A_65] : memref<160x128xi32, #tpu.memory_space<vmem>> -> memref<1x128xi32, #tpu.memory_space<vmem>>
    %dma_start3A_67 = tpu.memref_squeeze %dma_start3A_66 : memref<1x128xi32, #tpu.memory_space<vmem>> -> memref<128xi32, #tpu.memory_space<vmem>>
    %dma_start3A_68 = arith.constant 0 : i32
    %dma_start3A_69 = arith.constant 0 : i32
    %dma_start3A_70 = tpu.memref_slice %arg2[%arg0, %dma_start3A_68, %dma_start3A_69] : memref<2x10240x64xf32, #tpu.memory_space<hbm>> -> memref<1x10240x64xf32, #tpu.memory_space<hbm>>
    %dma_start3A_71 = tpu.memref_squeeze %dma_start3A_70 : memref<1x10240x64xf32, #tpu.memory_space<hbm>> -> memref<10240x64xf32, #tpu.memory_space<hbm>>
    %dma_start3A_72 = arith.constant 0 : i32
    %dma_start3A_73 = arith.constant 0 : i32
    %dma_start3A_74 = tpu.memref_slice %dma_start3A_71[%dma_start3A_72, %dma_start3A_73] : memref<10240x64xf32, #tpu.memory_space<hbm>> -> memref<10240x64xf32, #tpu.memory_space<hbm>>
    tpu.enqueue_indirect_dma source(%dma_start3A_74 : memref<10240x64xf32, #tpu.memory_space<hbm>>) target(%dma_start3A_64 : memref<128x64xf32, #tpu.memory_space<vmem>>) offsets(%dma_start3A_67 : memref<128xi32, #tpu.memory_space<vmem>>) semaphore(%arg11 : memref<!tpu.dma_semaphore, #tpu.memory_space<semaphore_mem>>)
    %dma_start3A_75 = arith.constant 2 : i32
    %dma_start3A_76 = arith.constant 2 : i32
    %dma_start3A_77 = arith.constant 0 : i32
    %dma_start3A_78 = arith.constant 0 : i32
    %dma_start3A_79 = tpu.memref_slice %arg7[%dma_start3A_76, %dma_start3A_77, %dma_start3A_78] : memref<5x128x64xf32, #tpu.memory_space<vmem>> -> memref<1x128x64xf32, #tpu.memory_space<vmem>>
    %dma_start3A_80 = tpu.memref_squeeze %dma_start3A_79 : memref<1x128x64xf32, #tpu.memory_space<vmem>> -> memref<128x64xf32, #tpu.memory_space<vmem>>
    %dma_start3A_81 = arith.constant 0 : i32
    %dma_start3A_82 = tpu.memref_slice %arg5[%dma_start3A_75, %dma_start3A_81] : memref<160x128xi32, #tpu.memory_space<vmem>> -> memref<1x128xi32, #tpu.memory_space<vmem>>
    %dma_start3A_83 = tpu.memref_squeeze %dma_start3A_82 : memref<1x128xi32, #tpu.memory_space<vmem>> -> memref<128xi32, #tpu.memory_space<vmem>>
    %dma_start3A_84 = arith.constant 0 : i32
    %dma_start3A_85 = arith.constant 0 : i32
    %dma_start3A_86 = tpu.memref_slice %arg2[%arg0, %dma_start3A_84, %dma_start3A_85] : memref<2x10240x64xf32, #tpu.memory_space<hbm>> -> memref<1x10240x64xf32, #tpu.memory_space<hbm>>
    %dma_start3A_87 = tpu.memref_squeeze %dma_start3A_86 : memref<1x10240x64xf32, #tpu.memory_space<hbm>> -> memref<10240x64xf32, #tpu.memory_space<hbm>>
    %dma_start3A_88 = arith.constant 0 : i32
    %dma_start3A_89 = arith.constant 0 : i32
    %dma_start3A_90 = tpu.memref_slice %dma_start3A_87[%dma_start3A_88, %dma_start3A_89] : memref<10240x64xf32, #tpu.memory_space<hbm>> -> memref<10240x64xf32, #tpu.memory_space<hbm>>
    tpu.enqueue_indirect_dma source(%dma_start3A_90 : memref<10240x64xf32, #tpu.memory_space<hbm>>) target(%dma_start3A_80 : memref<128x64xf32, #tpu.memory_space<vmem>>) offsets(%dma_start3A_83 : memref<128xi32, #tpu.memory_space<vmem>>) semaphore(%arg12 : memref<!tpu.dma_semaphore, #tpu.memory_space<semaphore_mem>>)
    %dma_start3A_91 = arith.constant 3 : i32
    %dma_start3A_92 = arith.constant 3 : i32
    %dma_start3A_93 = arith.constant 0 : i32
    %dma_start3A_94 = arith.constant 0 : i32
    %dma_start3A_95 = tpu.memref_slice %arg7[%dma_start3A_92, %dma_start3A_93, %dma_start3A_94] : memref<5x128x64xf32, #tpu.memory_space<vmem>> -> memref<1x128x64xf32, #tpu.memory_space<vmem>>
    %dma_start3A_96 = tpu.memref_squeeze %dma_start3A_95 : memref<1x128x64xf32, #tpu.memory_space<vmem>> -> memref<128x64xf32, #tpu.memory_space<vmem>>
    %dma_start3A_97 = arith.constant 0 : i32
    %dma_start3A_98 = tpu.memref_slice %arg5[%dma_start3A_91, %dma_start3A_97] : memref<160x128xi32, #tpu.memory_space<vmem>> -> memref<1x128xi32, #tpu.memory_space<vmem>>
    %dma_start3A_99 = tpu.memref_squeeze %dma_start3A_98 : memref<1x128xi32, #tpu.memory_space<vmem>> -> memref<128xi32, #tpu.memory_space<vmem>>
    %dma_start3A_100 = arith.constant 0 : i32
    %dma_start3A_101 = arith.constant 0 : i32
    %dma_start3A_102 = tpu.memref_slice %arg2[%arg0, %dma_start3A_100, %dma_start3A_101] : memref<2x10240x64xf32, #tpu.memory_space<hbm>> -> memref<1x10240x64xf32, #tpu.memory_space<hbm>>
    %dma_start3A_103 = tpu.memref_squeeze %dma_start3A_102 : memref<1x10240x64xf32, #tpu.memory_space<hbm>> -> memref<10240x64xf32, #tpu.memory_space<hbm>>
    %dma_start3A_104 = arith.constant 0 : i32
    %dma_start3A_105 = arith.constant 0 : i32
    %dma_start3A_106 = tpu.memref_slice %dma_start3A_103[%dma_start3A_104, %dma_start3A_105] : memref<10240x64xf32, #tpu.memory_space<hbm>> -> memref<10240x64xf32, #tpu.memory_space<hbm>>
    tpu.enqueue_indirect_dma source(%dma_start3A_106 : memref<10240x64xf32, #tpu.memory_space<hbm>>) target(%dma_start3A_96 : memref<128x64xf32, #tpu.memory_space<vmem>>) offsets(%dma_start3A_99 : memref<128xi32, #tpu.memory_space<vmem>>) semaphore(%arg13 : memref<!tpu.dma_semaphore, #tpu.memory_space<semaphore_mem>>)
    %dma_start3A_107 = arith.constant 4 : i32
    %dma_start3A_108 = arith.constant 4 : i32
    %dma_start3A_109 = arith.constant 0 : i32
    %dma_start3A_110 = arith.constant 0 : i32
    %dma_start3A_111 = tpu.memref_slice %arg7[%dma_start3A_108, %dma_start3A_109, %dma_start3A_110] : memref<5x128x64xf32, #tpu.memory_space<vmem>> -> memref<1x128x64xf32, #tpu.memory_space<vmem>>
    %dma_start3A_112 = tpu.memref_squeeze %dma_start3A_111 : memref<1x128x64xf32, #tpu.memory_space<vmem>> -> memref<128x64xf32, #tpu.memory_space<vmem>>
    %dma_start3A_113 = arith.constant 0 : i32
    %dma_start3A_114 = tpu.memref_slice %arg5[%dma_start3A_107, %dma_start3A_113] : memref<160x128xi32, #tpu.memory_space<vmem>> -> memref<1x128xi32, #tpu.memory_space<vmem>>
    %dma_start3A_115 = tpu.memref_squeeze %dma_start3A_114 : memref<1x128xi32, #tpu.memory_space<vmem>> -> memref<128xi32, #tpu.memory_space<vmem>>
    %dma_start3A_116 = arith.constant 0 : i32
    %dma_start3A_117 = arith.constant 0 : i32
    %dma_start3A_118 = tpu.memref_slice %arg2[%arg0, %dma_start3A_116, %dma_start3A_117] : memref<2x10240x64xf32, #tpu.memory_space<hbm>> -> memref<1x10240x64xf32, #tpu.memory_space<hbm>>
    %dma_start3A_119 = tpu.memref_squeeze %dma_start3A_118 : memref<1x10240x64xf32, #tpu.memory_space<hbm>> -> memref<10240x64xf32, #tpu.memory_space<hbm>>
    %dma_start3A_120 = arith.constant 0 : i32
    %dma_start3A_121 = arith.constant 0 : i32
    %dma_start3A_122 = tpu.memref_slice %dma_start3A_119[%dma_start3A_120, %dma_start3A_121] : memref<10240x64xf32, #tpu.memory_space<hbm>> -> memref<10240x64xf32, #tpu.memory_space<hbm>>
    tpu.enqueue_indirect_dma source(%dma_start3A_122 : memref<10240x64xf32, #tpu.memory_space<hbm>>) target(%dma_start3A_112 : memref<128x64xf32, #tpu.memory_space<vmem>>) offsets(%dma_start3A_115 : memref<128xi32, #tpu.memory_space<vmem>>) semaphore(%arg14 : memref<!tpu.dma_semaphore, #tpu.memory_space<semaphore_mem>>)
    %scan3A_123 = arith.constant 0 : i32
    %scan3A_124 = arith.constant 0 : i32
    %scan3A_125 = arith.constant 32 : i32
    %scan3A_126 = arith.addi %scan3A_124, %scan3A_125 : i32
    %scan3A_127 = arith.constant 1 : i32
    scf.for %scan3A_170 = %scan3A_124 to %scan3A_126 step %scan3A_127  : i32 {
      %mul3A_171 = arith.constant 5 : i32
      %mul3A_172 = arith.muli %scan3A_170, %mul3A_171 : i32
      %add3A_173 = arith.constant 0 : i32
      %add3A_174 = arith.addi %mul3A_172, %add3A_173 : i32
      %dma_wait3A = arith.constant 0 : i32
      %dma_wait3A_175 = arith.constant 0 : i32
      %dma_wait3A_176 = arith.constant 0 : i32
      %dma_wait3A_177 = tpu.memref_slice %arg7[%dma_wait3A, %dma_wait3A_175, %dma_wait3A_176] : memref<5x128x64xf32, #tpu.memory_space<vmem>> -> memref<1x128x64xf32, #tpu.memory_space<vmem>>
      %dma_wait3A_178 = tpu.memref_squeeze %dma_wait3A_177 : memref<1x128x64xf32, #tpu.memory_space<vmem>> -> memref<128x64xf32, #tpu.memory_space<vmem>>
      %dma_wait3A_179 = arith.constant 0 : i32
      %dma_wait3A_180 = tpu.memref_slice %arg5[%add3A_174, %dma_wait3A_179] : memref<160x128xi32, #tpu.memory_space<vmem>> -> memref<1x128xi32, #tpu.memory_space<vmem>>
      %dma_wait3A_181 = tpu.memref_squeeze %dma_wait3A_180 : memref<1x128xi32, #tpu.memory_space<vmem>> -> memref<128xi32, #tpu.memory_space<vmem>>
      %dma_wait3A_182 = arith.constant 0 : i32
      %dma_wait3A_183 = arith.constant 0 : i32
      %dma_wait3A_184 = tpu.memref_slice %arg2[%arg0, %dma_wait3A_182, %dma_wait3A_183] : memref<2x10240x64xf32, #tpu.memory_space<hbm>> -> memref<1x10240x64xf32, #tpu.memory_space<hbm>>
      %dma_wait3A_185 = tpu.memref_squeeze %dma_wait3A_184 : memref<1x10240x64xf32, #tpu.memory_space<hbm>> -> memref<10240x64xf32, #tpu.memory_space<hbm>>
      %dma_wait3A_186 = arith.constant 0 : i32
      %dma_wait3A_187 = arith.constant 0 : i32
      %dma_wait3A_188 = tpu.memref_slice %dma_wait3A_185[%dma_wait3A_186, %dma_wait3A_187] : memref<10240x64xf32, #tpu.memory_space<hbm>> -> memref<10240x64xf32, #tpu.memory_space<hbm>>
      tpu.wait_indirect_dma semaphore(%arg10 : memref<!tpu.dma_semaphore, #tpu.memory_space<semaphore_mem>>) src(%dma_wait3A_188 : memref<10240x64xf32, #tpu.memory_space<hbm>>) dst(%dma_wait3A_178 : memref<128x64xf32, #tpu.memory_space<vmem>>)
      %add3A_189 = arith.constant 0 : i32
      %add3A_190 = arith.addi %mul3A_172, %add3A_189 : i32
      %dma_start3A_191 = arith.constant 0 : i32
      %dma_start3A_192 = arith.constant 0 : i32
      %dma_start3A_193 = arith.constant 0 : i32
      %dma_start3A_194 = tpu.memref_slice %arg7[%dma_start3A_191, %dma_start3A_192, %dma_start3A_193] : memref<5x128x64xf32, #tpu.memory_space<vmem>> -> memref<1x128x64xf32, #tpu.memory_space<vmem>>
      %dma_start3A_195 = tpu.memref_squeeze %dma_start3A_194 : memref<1x128x64xf32, #tpu.memory_space<vmem>> -> memref<128x64xf32, #tpu.memory_space<vmem>>
      %dma_start3A_196 = arith.constant 0 : i32
      %dma_start3A_197 = tpu.memref_slice %arg6[%add3A_190, %dma_start3A_196] : memref<160x128xi32, #tpu.memory_space<vmem>> -> memref<1x128xi32, #tpu.memory_space<vmem>>
      %dma_start3A_198 = tpu.memref_squeeze %dma_start3A_197 : memref<1x128xi32, #tpu.memory_space<vmem>> -> memref<128xi32, #tpu.memory_space<vmem>>
      %dma_start3A_199 = arith.constant 0 : i32
      %dma_start3A_200 = arith.constant 0 : i32
      %dma_start3A_201 = tpu.memref_slice %arg9[%dma_start3A_199, %dma_start3A_200] : memref<10240x64xf32, #tpu.memory_space<vmem_shared>> -> memref<10240x64xf32, #tpu.memory_space<vmem_shared>>
      tpu.enqueue_indirect_dma source(%dma_start3A_195 : memref<128x64xf32, #tpu.memory_space<vmem>>) target(%dma_start3A_201 : memref<10240x64xf32, #tpu.memory_space<vmem_shared>>) offsets(%dma_start3A_198 : memref<128xi32, #tpu.memory_space<vmem>>) semaphore(%arg15 : memref<!tpu.dma_semaphore, #tpu.memory_space<semaphore_mem>>) {add = true}
      %add3A_202 = arith.constant 1 : i32
      %add3A_203 = arith.addi %mul3A_172, %add3A_202 : i32
      %dma_wait3A_204 = arith.constant 1 : i32
      %dma_wait3A_205 = arith.constant 0 : i32
      %dma_wait3A_206 = arith.constant 0 : i32
      %dma_wait3A_207 = tpu.memref_slice %arg7[%dma_wait3A_204, %dma_wait3A_205, %dma_wait3A_206] : memref<5x128x64xf32, #tpu.memory_space<vmem>> -> memref<1x128x64xf32, #tpu.memory_space<vmem>>
      %dma_wait3A_208 = tpu.memref_squeeze %dma_wait3A_207 : memref<1x128x64xf32, #tpu.memory_space<vmem>> -> memref<128x64xf32, #tpu.memory_space<vmem>>
      %dma_wait3A_209 = arith.constant 0 : i32
      %dma_wait3A_210 = tpu.memref_slice %arg5[%add3A_203, %dma_wait3A_209] : memref<160x128xi32, #tpu.memory_space<vmem>> -> memref<1x128xi32, #tpu.memory_space<vmem>>
      %dma_wait3A_211 = tpu.memref_squeeze %dma_wait3A_210 : memref<1x128xi32, #tpu.memory_space<vmem>> -> memref<128xi32, #tpu.memory_space<vmem>>
      %dma_wait3A_212 = arith.constant 0 : i32
      %dma_wait3A_213 = arith.constant 0 : i32
      %dma_wait3A_214 = tpu.memref_slice %arg2[%arg0, %dma_wait3A_212, %dma_wait3A_213] : memref<2x10240x64xf32, #tpu.memory_space<hbm>> -> memref<1x10240x64xf32, #tpu.memory_space<hbm>>
      %dma_wait3A_215 = tpu.memref_squeeze %dma_wait3A_214 : memref<1x10240x64xf32, #tpu.memory_space<hbm>> -> memref<10240x64xf32, #tpu.memory_space<hbm>>
      %dma_wait3A_216 = arith.constant 0 : i32
      %dma_wait3A_217 = arith.constant 0 : i32
      %dma_wait3A_218 = tpu.memref_slice %dma_wait3A_215[%dma_wait3A_216, %dma_wait3A_217] : memref<10240x64xf32, #tpu.memory_space<hbm>> -> memref<10240x64xf32, #tpu.memory_space<hbm>>
      tpu.wait_indirect_dma semaphore(%arg11 : memref<!tpu.dma_semaphore, #tpu.memory_space<semaphore_mem>>) src(%dma_wait3A_218 : memref<10240x64xf32, #tpu.memory_space<hbm>>) dst(%dma_wait3A_208 : memref<128x64xf32, #tpu.memory_space<vmem>>)
      %add3A_219 = arith.constant 1 : i32
      %add3A_220 = arith.addi %mul3A_172, %add3A_219 : i32
      %dma_start3A_221 = arith.constant 1 : i32
      %dma_start3A_222 = arith.constant 0 : i32
      %dma_start3A_223 = arith.constant 0 : i32
      %dma_start3A_224 = tpu.memref_slice %arg7[%dma_start3A_221, %dma_start3A_222, %dma_start3A_223] : memref<5x128x64xf32, #tpu.memory_space<vmem>> -> memref<1x128x64xf32, #tpu.memory_space<vmem>>
      %dma_start3A_225 = tpu.memref_squeeze %dma_start3A_224 : memref<1x128x64xf32, #tpu.memory_space<vmem>> -> memref<128x64xf32, #tpu.memory_space<vmem>>
      %dma_start3A_226 = arith.constant 0 : i32
      %dma_start3A_227 = tpu.memref_slice %arg6[%add3A_220, %dma_start3A_226] : memref<160x128xi32, #tpu.memory_space<vmem>> -> memref<1x128xi32, #tpu.memory_space<vmem>>
      %dma_start3A_228 = tpu.memref_squeeze %dma_start3A_227 : memref<1x128xi32, #tpu.memory_space<vmem>> -> memref<128xi32, #tpu.memory_space<vmem>>
      %dma_start3A_229 = arith.constant 0 : i32
      %dma_start3A_230 = arith.constant 0 : i32
      %dma_start3A_231 = tpu.memref_slice %arg9[%dma_start3A_229, %dma_start3A_230] : memref<10240x64xf32, #tpu.memory_space<vmem_shared>> -> memref<10240x64xf32, #tpu.memory_space<vmem_shared>>
      tpu.enqueue_indirect_dma source(%dma_start3A_225 : memref<128x64xf32, #tpu.memory_space<vmem>>) target(%dma_start3A_231 : memref<10240x64xf32, #tpu.memory_space<vmem_shared>>) offsets(%dma_start3A_228 : memref<128xi32, #tpu.memory_space<vmem>>) semaphore(%arg16 : memref<!tpu.dma_semaphore, #tpu.memory_space<semaphore_mem>>) {add = true}
      %add3A_232 = arith.constant 2 : i32
      %add3A_233 = arith.addi %mul3A_172, %add3A_232 : i32
      %dma_wait3A_234 = arith.constant 2 : i32
      %dma_wait3A_235 = arith.constant 0 : i32
      %dma_wait3A_236 = arith.constant 0 : i32
      %dma_wait3A_237 = tpu.memref_slice %arg7[%dma_wait3A_234, %dma_wait3A_235, %dma_wait3A_236] : memref<5x128x64xf32, #tpu.memory_space<vmem>> -> memref<1x128x64xf32, #tpu.memory_space<vmem>>
      %dma_wait3A_238 = tpu.memref_squeeze %dma_wait3A_237 : memref<1x128x64xf32, #tpu.memory_space<vmem>> -> memref<128x64xf32, #tpu.memory_space<vmem>>
      %dma_wait3A_239 = arith.constant 0 : i32
      %dma_wait3A_240 = tpu.memref_slice %arg5[%add3A_233, %dma_wait3A_239] : memref<160x128xi32, #tpu.memory_space<vmem>> -> memref<1x128xi32, #tpu.memory_space<vmem>>
      %dma_wait3A_241 = tpu.memref_squeeze %dma_wait3A_240 : memref<1x128xi32, #tpu.memory_space<vmem>> -> memref<128xi32, #tpu.memory_space<vmem>>
      %dma_wait3A_242 = arith.constant 0 : i32
      %dma_wait3A_243 = arith.constant 0 : i32
      %dma_wait3A_244 = tpu.memref_slice %arg2[%arg0, %dma_wait3A_242, %dma_wait3A_243] : memref<2x10240x64xf32, #tpu.memory_space<hbm>> -> memref<1x10240x64xf32, #tpu.memory_space<hbm>>
      %dma_wait3A_245 = tpu.memref_squeeze %dma_wait3A_244 : memref<1x10240x64xf32, #tpu.memory_space<hbm>> -> memref<10240x64xf32, #tpu.memory_space<hbm>>
      %dma_wait3A_246 = arith.constant 0 : i32
      %dma_wait3A_247 = arith.constant 0 : i32
      %dma_wait3A_248 = tpu.memref_slice %dma_wait3A_245[%dma_wait3A_246, %dma_wait3A_247] : memref<10240x64xf32, #tpu.memory_space<hbm>> -> memref<10240x64xf32, #tpu.memory_space<hbm>>
      tpu.wait_indirect_dma semaphore(%arg12 : memref<!tpu.dma_semaphore, #tpu.memory_space<semaphore_mem>>) src(%dma_wait3A_248 : memref<10240x64xf32, #tpu.memory_space<hbm>>) dst(%dma_wait3A_238 : memref<128x64xf32, #tpu.memory_space<vmem>>)
      %add3A_249 = arith.constant 2 : i32
      %add3A_250 = arith.addi %mul3A_172, %add3A_249 : i32
      %dma_start3A_251 = arith.constant 2 : i32
      %dma_start3A_252 = arith.constant 0 : i32
      %dma_start3A_253 = arith.constant 0 : i32
      %dma_start3A_254 = tpu.memref_slice %arg7[%dma_start3A_251, %dma_start3A_252, %dma_start3A_253] : memref<5x128x64xf32, #tpu.memory_space<vmem>> -> memref<1x128x64xf32, #tpu.memory_space<vmem>>
      %dma_start3A_255 = tpu.memref_squeeze %dma_start3A_254 : memref<1x128x64xf32, #tpu.memory_space<vmem>> -> memref<128x64xf32, #tpu.memory_space<vmem>>
      %dma_start3A_256 = arith.constant 0 : i32
      %dma_start3A_257 = tpu.memref_slice %arg6[%add3A_250, %dma_start3A_256] : memref<160x128xi32, #tpu.memory_space<vmem>> -> memref<1x128xi32, #tpu.memory_space<vmem>>
      %dma_start3A_258 = tpu.memref_squeeze %dma_start3A_257 : memref<1x128xi32, #tpu.memory_space<vmem>> -> memref<128xi32, #tpu.memory_space<vmem>>
      %dma_start3A_259 = arith.constant 0 : i32
      %dma_start3A_260 = arith.constant 0 : i32
      %dma_start3A_261 = tpu.memref_slice %arg9[%dma_start3A_259, %dma_start3A_260] : memref<10240x64xf32, #tpu.memory_space<vmem_shared>> -> memref<10240x64xf32, #tpu.memory_space<vmem_shared>>
      tpu.enqueue_indirect_dma source(%dma_start3A_255 : memref<128x64xf32, #tpu.memory_space<vmem>>) target(%dma_start3A_261 : memref<10240x64xf32, #tpu.memory_space<vmem_shared>>) offsets(%dma_start3A_258 : memref<128xi32, #tpu.memory_space<vmem>>) semaphore(%arg17 : memref<!tpu.dma_semaphore, #tpu.memory_space<semaphore_mem>>) {add = true}
      %add3A_262 = arith.constant 3 : i32
      %add3A_263 = arith.addi %mul3A_172, %add3A_262 : i32
      %dma_wait3A_264 = arith.constant 3 : i32
      %dma_wait3A_265 = arith.constant 0 : i32
      %dma_wait3A_266 = arith.constant 0 : i32
      %dma_wait3A_267 = tpu.memref_slice %arg7[%dma_wait3A_264, %dma_wait3A_265, %dma_wait3A_266] : memref<5x128x64xf32, #tpu.memory_space<vmem>> -> memref<1x128x64xf32, #tpu.memory_space<vmem>>
      %dma_wait3A_268 = tpu.memref_squeeze %dma_wait3A_267 : memref<1x128x64xf32, #tpu.memory_space<vmem>> -> memref<128x64xf32, #tpu.memory_space<vmem>>
      %dma_wait3A_269 = arith.constant 0 : i32
      %dma_wait3A_270 = tpu.memref_slice %arg5[%add3A_263, %dma_wait3A_269] : memref<160x128xi32, #tpu.memory_space<vmem>> -> memref<1x128xi32, #tpu.memory_space<vmem>>
      %dma_wait3A_271 = tpu.memref_squeeze %dma_wait3A_270 : memref<1x128xi32, #tpu.memory_space<vmem>> -> memref<128xi32, #tpu.memory_space<vmem>>
      %dma_wait3A_272 = arith.constant 0 : i32
      %dma_wait3A_273 = arith.constant 0 : i32
      %dma_wait3A_274 = tpu.memref_slice %arg2[%arg0, %dma_wait3A_272, %dma_wait3A_273] : memref<2x10240x64xf32, #tpu.memory_space<hbm>> -> memref<1x10240x64xf32, #tpu.memory_space<hbm>>
      %dma_wait3A_275 = tpu.memref_squeeze %dma_wait3A_274 : memref<1x10240x64xf32, #tpu.memory_space<hbm>> -> memref<10240x64xf32, #tpu.memory_space<hbm>>
      %dma_wait3A_276 = arith.constant 0 : i32
      %dma_wait3A_277 = arith.constant 0 : i32
      %dma_wait3A_278 = tpu.memref_slice %dma_wait3A_275[%dma_wait3A_276, %dma_wait3A_277] : memref<10240x64xf32, #tpu.memory_space<hbm>> -> memref<10240x64xf32, #tpu.memory_space<hbm>>
      tpu.wait_indirect_dma semaphore(%arg13 : memref<!tpu.dma_semaphore, #tpu.memory_space<semaphore_mem>>) src(%dma_wait3A_278 : memref<10240x64xf32, #tpu.memory_space<hbm>>) dst(%dma_wait3A_268 : memref<128x64xf32, #tpu.memory_space<vmem>>)
      %add3A_279 = arith.constant 3 : i32
      %add3A_280 = arith.addi %mul3A_172, %add3A_279 : i32
      %dma_start3A_281 = arith.constant 3 : i32
      %dma_start3A_282 = arith.constant 0 : i32
      %dma_start3A_283 = arith.constant 0 : i32
      %dma_start3A_284 = tpu.memref_slice %arg7[%dma_start3A_281, %dma_start3A_282, %dma_start3A_283] : memref<5x128x64xf32, #tpu.memory_space<vmem>> -> memref<1x128x64xf32, #tpu.memory_space<vmem>>
      %dma_start3A_285 = tpu.memref_squeeze %dma_start3A_284 : memref<1x128x64xf32, #tpu.memory_space<vmem>> -> memref<128x64xf32, #tpu.memory_space<vmem>>
      %dma_start3A_286 = arith.constant 0 : i32
      %dma_start3A_287 = tpu.memref_slice %arg6[%add3A_280, %dma_start3A_286] : memref<160x128xi32, #tpu.memory_space<vmem>> -> memref<1x128xi32, #tpu.memory_space<vmem>>
      %dma_start3A_288 = tpu.memref_squeeze %dma_start3A_287 : memref<1x128xi32, #tpu.memory_space<vmem>> -> memref<128xi32, #tpu.memory_space<vmem>>
      %dma_start3A_289 = arith.constant 0 : i32
      %dma_start3A_290 = arith.constant 0 : i32
      %dma_start3A_291 = tpu.memref_slice %arg9[%dma_start3A_289, %dma_start3A_290] : memref<10240x64xf32, #tpu.memory_space<vmem_shared>> -> memref<10240x64xf32, #tpu.memory_space<vmem_shared>>
      tpu.enqueue_indirect_dma source(%dma_start3A_285 : memref<128x64xf32, #tpu.memory_space<vmem>>) target(%dma_start3A_291 : memref<10240x64xf32, #tpu.memory_space<vmem_shared>>) offsets(%dma_start3A_288 : memref<128xi32, #tpu.memory_space<vmem>>) semaphore(%arg18 : memref<!tpu.dma_semaphore, #tpu.memory_space<semaphore_mem>>) {add = true}
      %add3A_292 = arith.constant 4 : i32
      %add3A_293 = arith.addi %mul3A_172, %add3A_292 : i32
      %dma_wait3A_294 = arith.constant 4 : i32
      %dma_wait3A_295 = arith.constant 0 : i32
      %dma_wait3A_296 = arith.constant 0 : i32
      %dma_wait3A_297 = tpu.memref_slice %arg7[%dma_wait3A_294, %dma_wait3A_295, %dma_wait3A_296] : memref<5x128x64xf32, #tpu.memory_space<vmem>> -> memref<1x128x64xf32, #tpu.memory_space<vmem>>
      %dma_wait3A_298 = tpu.memref_squeeze %dma_wait3A_297 : memref<1x128x64xf32, #tpu.memory_space<vmem>> -> memref<128x64xf32, #tpu.memory_space<vmem>>
      %dma_wait3A_299 = arith.constant 0 : i32
      %dma_wait3A_300 = tpu.memref_slice %arg5[%add3A_293, %dma_wait3A_299] : memref<160x128xi32, #tpu.memory_space<vmem>> -> memref<1x128xi32, #tpu.memory_space<vmem>>
      %dma_wait3A_301 = tpu.memref_squeeze %dma_wait3A_300 : memref<1x128xi32, #tpu.memory_space<vmem>> -> memref<128xi32, #tpu.memory_space<vmem>>
      %dma_wait3A_302 = arith.constant 0 : i32
      %dma_wait3A_303 = arith.constant 0 : i32
      %dma_wait3A_304 = tpu.memref_slice %arg2[%arg0, %dma_wait3A_302, %dma_wait3A_303] : memref<2x10240x64xf32, #tpu.memory_space<hbm>> -> memref<1x10240x64xf32, #tpu.memory_space<hbm>>
      %dma_wait3A_305 = tpu.memref_squeeze %dma_wait3A_304 : memref<1x10240x64xf32, #tpu.memory_space<hbm>> -> memref<10240x64xf32, #tpu.memory_space<hbm>>
      %dma_wait3A_306 = arith.constant 0 : i32
      %dma_wait3A_307 = arith.constant 0 : i32
      %dma_wait3A_308 = tpu.memref_slice %dma_wait3A_305[%dma_wait3A_306, %dma_wait3A_307] : memref<10240x64xf32, #tpu.memory_space<hbm>> -> memref<10240x64xf32, #tpu.memory_space<hbm>>
      tpu.wait_indirect_dma semaphore(%arg14 : memref<!tpu.dma_semaphore, #tpu.memory_space<semaphore_mem>>) src(%dma_wait3A_308 : memref<10240x64xf32, #tpu.memory_space<hbm>>) dst(%dma_wait3A_298 : memref<128x64xf32, #tpu.memory_space<vmem>>)
      %add3A_309 = arith.constant 4 : i32
      %add3A_310 = arith.addi %mul3A_172, %add3A_309 : i32
      %dma_start3A_311 = arith.constant 4 : i32
      %dma_start3A_312 = arith.constant 0 : i32
      %dma_start3A_313 = arith.constant 0 : i32
      %dma_start3A_314 = tpu.memref_slice %arg7[%dma_start3A_311, %dma_start3A_312, %dma_start3A_313] : memref<5x128x64xf32, #tpu.memory_space<vmem>> -> memref<1x128x64xf32, #tpu.memory_space<vmem>>
      %dma_start3A_315 = tpu.memref_squeeze %dma_start3A_314 : memref<1x128x64xf32, #tpu.memory_space<vmem>> -> memref<128x64xf32, #tpu.memory_space<vmem>>
      %dma_start3A_316 = arith.constant 0 : i32
      %dma_start3A_317 = tpu.memref_slice %arg6[%add3A_310, %dma_start3A_316] : memref<160x128xi32, #tpu.memory_space<vmem>> -> memref<1x128xi32, #tpu.memory_space<vmem>>
      %dma_start3A_318 = tpu.memref_squeeze %dma_start3A_317 : memref<1x128xi32, #tpu.memory_space<vmem>> -> memref<128xi32, #tpu.memory_space<vmem>>
      %dma_start3A_319 = arith.constant 0 : i32
      %dma_start3A_320 = arith.constant 0 : i32
      %dma_start3A_321 = tpu.memref_slice %arg9[%dma_start3A_319, %dma_start3A_320] : memref<10240x64xf32, #tpu.memory_space<vmem_shared>> -> memref<10240x64xf32, #tpu.memory_space<vmem_shared>>
      tpu.enqueue_indirect_dma source(%dma_start3A_315 : memref<128x64xf32, #tpu.memory_space<vmem>>) target(%dma_start3A_321 : memref<10240x64xf32, #tpu.memory_space<vmem_shared>>) offsets(%dma_start3A_318 : memref<128xi32, #tpu.memory_space<vmem>>) semaphore(%arg19 : memref<!tpu.dma_semaphore, #tpu.memory_space<semaphore_mem>>) {add = true}
      %dma_wait3A_322 = arith.constant 0 : i32
      %dma_wait3A_323 = arith.constant 0 : i32
      %dma_wait3A_324 = arith.constant 0 : i32
      %dma_wait3A_325 = tpu.memref_slice %arg7[%dma_wait3A_322, %dma_wait3A_323, %dma_wait3A_324] : memref<5x128x64xf32, #tpu.memory_space<vmem>> -> memref<1x128x64xf32, #tpu.memory_space<vmem>>
      %dma_wait3A_326 = tpu.memref_squeeze %dma_wait3A_325 : memref<1x128x64xf32, #tpu.memory_space<vmem>> -> memref<128x64xf32, #tpu.memory_space<vmem>>
      %dma_wait3A_327 = arith.constant 0 : i32
      %dma_wait3A_328 = tpu.memref_slice %arg6[%add3A_190, %dma_wait3A_327] : memref<160x128xi32, #tpu.memory_space<vmem>> -> memref<1x128xi32, #tpu.memory_space<vmem>>
      %dma_wait3A_329 = tpu.memref_squeeze %dma_wait3A_328 : memref<1x128xi32, #tpu.memory_space<vmem>> -> memref<128xi32, #tpu.memory_space<vmem>>
      %dma_wait3A_330 = arith.constant 0 : i32
      %dma_wait3A_331 = arith.constant 0 : i32
      %dma_wait3A_332 = tpu.memref_slice %arg9[%dma_wait3A_330, %dma_wait3A_331] : memref<10240x64xf32, #tpu.memory_space<vmem_shared>> -> memref<10240x64xf32, #tpu.memory_space<vmem_shared>>
      tpu.wait_indirect_dma semaphore(%arg15 : memref<!tpu.dma_semaphore, #tpu.memory_space<semaphore_mem>>) src(%dma_wait3A_326 : memref<128x64xf32, #tpu.memory_space<vmem>>) dst(%dma_wait3A_332 : memref<10240x64xf32, #tpu.memory_space<vmem_shared>>)
      %lt3A = arith.constant 31 : i32
      %lt3A_333 = arith.cmpi slt, %scan3A_170, %lt3A : i32
      %convert_element_type3A = arith.extui %lt3A_333 : i1 to i32
      %cond3A = arith.constant 0 : i32
      %cond3A_334 = arith.cmpi ne, %convert_element_type3A, %cond3A : i32
      scf.if %cond3A_334 {
        %add3A_399 = arith.constant 5 : i32
        %add3A_400 = arith.addi %mul3A_172, %add3A_399 : i32
        %add3A_401 = arith.constant 0 : i32
        %add3A_402 = arith.addi %add3A_400, %add3A_401 : i32
        %dma_start3A_403 = arith.constant 0 : i32
        %dma_start3A_404 = arith.constant 0 : i32
        %dma_start3A_405 = arith.constant 0 : i32
        %dma_start3A_406 = tpu.memref_slice %arg7[%dma_start3A_403, %dma_start3A_404, %dma_start3A_405] : memref<5x128x64xf32, #tpu.memory_space<vmem>> -> memref<1x128x64xf32, #tpu.memory_space<vmem>>
        %dma_start3A_407 = tpu.memref_squeeze %dma_start3A_406 : memref<1x128x64xf32, #tpu.memory_space<vmem>> -> memref<128x64xf32, #tpu.memory_space<vmem>>
        %dma_start3A_408 = arith.constant 0 : i32
        %dma_start3A_409 = tpu.memref_slice %arg5[%add3A_402, %dma_start3A_408] : memref<160x128xi32, #tpu.memory_space<vmem>> -> memref<1x128xi32, #tpu.memory_space<vmem>>
        %dma_start3A_410 = tpu.memref_squeeze %dma_start3A_409 : memref<1x128xi32, #tpu.memory_space<vmem>> -> memref<128xi32, #tpu.memory_space<vmem>>
        %dma_start3A_411 = arith.constant 0 : i32
        %dma_start3A_412 = arith.constant 0 : i32
        %dma_start3A_413 = tpu.memref_slice %arg2[%arg0, %dma_start3A_411, %dma_start3A_412] : memref<2x10240x64xf32, #tpu.memory_space<hbm>> -> memref<1x10240x64xf32, #tpu.memory_space<hbm>>
        %dma_start3A_414 = tpu.memref_squeeze %dma_start3A_413 : memref<1x10240x64xf32, #tpu.memory_space<hbm>> -> memref<10240x64xf32, #tpu.memory_space<hbm>>
        %dma_start3A_415 = arith.constant 0 : i32
        %dma_start3A_416 = arith.constant 0 : i32
        %dma_start3A_417 = tpu.memref_slice %dma_start3A_414[%dma_start3A_415, %dma_start3A_416] : memref<10240x64xf32, #tpu.memory_space<hbm>> -> memref<10240x64xf32, #tpu.memory_space<hbm>>
        tpu.enqueue_indirect_dma source(%dma_start3A_417 : memref<10240x64xf32, #tpu.memory_space<hbm>>) target(%dma_start3A_407 : memref<128x64xf32, #tpu.memory_space<vmem>>) offsets(%dma_start3A_410 : memref<128xi32, #tpu.memory_space<vmem>>) semaphore(%arg10 : memref<!tpu.dma_semaphore, #tpu.memory_space<semaphore_mem>>)
      } else {
      }
      %dma_wait3A_335 = arith.constant 1 : i32
      %dma_wait3A_336 = arith.constant 0 : i32
      %dma_wait3A_337 = arith.constant 0 : i32
      %dma_wait3A_338 = tpu.memref_slice %arg7[%dma_wait3A_335, %dma_wait3A_336, %dma_wait3A_337] : memref<5x128x64xf32, #tpu.memory_space<vmem>> -> memref<1x128x64xf32, #tpu.memory_space<vmem>>
      %dma_wait3A_339 = tpu.memref_squeeze %dma_wait3A_338 : memref<1x128x64xf32, #tpu.memory_space<vmem>> -> memref<128x64xf32, #tpu.memory_space<vmem>>
      %dma_wait3A_340 = arith.constant 0 : i32
      %dma_wait3A_341 = tpu.memref_slice %arg6[%add3A_220, %dma_wait3A_340] : memref<160x128xi32, #tpu.memory_space<vmem>> -> memref<1x128xi32, #tpu.memory_space<vmem>>
      %dma_wait3A_342 = tpu.memref_squeeze %dma_wait3A_341 : memref<1x128xi32, #tpu.memory_space<vmem>> -> memref<128xi32, #tpu.memory_space<vmem>>
      %dma_wait3A_343 = arith.constant 0 : i32
      %dma_wait3A_344 = arith.constant 0 : i32
      %dma_wait3A_345 = tpu.memref_slice %arg9[%dma_wait3A_343, %dma_wait3A_344] : memref<10240x64xf32, #tpu.memory_space<vmem_shared>> -> memref<10240x64xf32, #tpu.memory_space<vmem_shared>>
      tpu.wait_indirect_dma semaphore(%arg16 : memref<!tpu.dma_semaphore, #tpu.memory_space<semaphore_mem>>) src(%dma_wait3A_339 : memref<128x64xf32, #tpu.memory_space<vmem>>) dst(%dma_wait3A_345 : memref<10240x64xf32, #tpu.memory_space<vmem_shared>>)
      %lt3A_346 = arith.constant 31 : i32
      %lt3A_347 = arith.cmpi slt, %scan3A_170, %lt3A_346 : i32
      %convert_element_type3A_348 = arith.extui %lt3A_347 : i1 to i32
      %cond3A_349 = arith.constant 0 : i32
      %cond3A_350 = arith.cmpi ne, %convert_element_type3A_348, %cond3A_349 : i32
      scf.if %cond3A_350 {
        %add3A_399 = arith.constant 5 : i32
        %add3A_400 = arith.addi %mul3A_172, %add3A_399 : i32
        %add3A_401 = arith.constant 1 : i32
        %add3A_402 = arith.addi %add3A_400, %add3A_401 : i32
        %dma_start3A_403 = arith.constant 1 : i32
        %dma_start3A_404 = arith.constant 0 : i32
        %dma_start3A_405 = arith.constant 0 : i32
        %dma_start3A_406 = tpu.memref_slice %arg7[%dma_start3A_403, %dma_start3A_404, %dma_start3A_405] : memref<5x128x64xf32, #tpu.memory_space<vmem>> -> memref<1x128x64xf32, #tpu.memory_space<vmem>>
        %dma_start3A_407 = tpu.memref_squeeze %dma_start3A_406 : memref<1x128x64xf32, #tpu.memory_space<vmem>> -> memref<128x64xf32, #tpu.memory_space<vmem>>
        %dma_start3A_408 = arith.constant 0 : i32
        %dma_start3A_409 = tpu.memref_slice %arg5[%add3A_402, %dma_start3A_408] : memref<160x128xi32, #tpu.memory_space<vmem>> -> memref<1x128xi32, #tpu.memory_space<vmem>>
        %dma_start3A_410 = tpu.memref_squeeze %dma_start3A_409 : memref<1x128xi32, #tpu.memory_space<vmem>> -> memref<128xi32, #tpu.memory_space<vmem>>
        %dma_start3A_411 = arith.constant 0 : i32
        %dma_start3A_412 = arith.constant 0 : i32
        %dma_start3A_413 = tpu.memref_slice %arg2[%arg0, %dma_start3A_411, %dma_start3A_412] : memref<2x10240x64xf32, #tpu.memory_space<hbm>> -> memref<1x10240x64xf32, #tpu.memory_space<hbm>>
        %dma_start3A_414 = tpu.memref_squeeze %dma_start3A_413 : memref<1x10240x64xf32, #tpu.memory_space<hbm>> -> memref<10240x64xf32, #tpu.memory_space<hbm>>
        %dma_start3A_415 = arith.constant 0 : i32
        %dma_start3A_416 = arith.constant 0 : i32
        %dma_start3A_417 = tpu.memref_slice %dma_start3A_414[%dma_start3A_415, %dma_start3A_416] : memref<10240x64xf32, #tpu.memory_space<hbm>> -> memref<10240x64xf32, #tpu.memory_space<hbm>>
        tpu.enqueue_indirect_dma source(%dma_start3A_417 : memref<10240x64xf32, #tpu.memory_space<hbm>>) target(%dma_start3A_407 : memref<128x64xf32, #tpu.memory_space<vmem>>) offsets(%dma_start3A_410 : memref<128xi32, #tpu.memory_space<vmem>>) semaphore(%arg11 : memref<!tpu.dma_semaphore, #tpu.memory_space<semaphore_mem>>)
      } else {
      }
      %dma_wait3A_351 = arith.constant 2 : i32
      %dma_wait3A_352 = arith.constant 0 : i32
      %dma_wait3A_353 = arith.constant 0 : i32
      %dma_wait3A_354 = tpu.memref_slice %arg7[%dma_wait3A_351, %dma_wait3A_352, %dma_wait3A_353] : memref<5x128x64xf32, #tpu.memory_space<vmem>> -> memref<1x128x64xf32, #tpu.memory_space<vmem>>
      %dma_wait3A_355 = tpu.memref_squeeze %dma_wait3A_354 : memref<1x128x64xf32, #tpu.memory_space<vmem>> -> memref<128x64xf32, #tpu.memory_space<vmem>>
      %dma_wait3A_356 = arith.constant 0 : i32
      %dma_wait3A_357 = tpu.memref_slice %arg6[%add3A_250, %dma_wait3A_356] : memref<160x128xi32, #tpu.memory_space<vmem>> -> memref<1x128xi32, #tpu.memory_space<vmem>>
      %dma_wait3A_358 = tpu.memref_squeeze %dma_wait3A_357 : memref<1x128xi32, #tpu.memory_space<vmem>> -> memref<128xi32, #tpu.memory_space<vmem>>
      %dma_wait3A_359 = arith.constant 0 : i32
      %dma_wait3A_360 = arith.constant 0 : i32
      %dma_wait3A_361 = tpu.memref_slice %arg9[%dma_wait3A_359, %dma_wait3A_360] : memref<10240x64xf32, #tpu.memory_space<vmem_shared>> -> memref<10240x64xf32, #tpu.memory_space<vmem_shared>>
      tpu.wait_indirect_dma semaphore(%arg17 : memref<!tpu.dma_semaphore, #tpu.memory_space<semaphore_mem>>) src(%dma_wait3A_355 : memref<128x64xf32, #tpu.memory_space<vmem>>) dst(%dma_wait3A_361 : memref<10240x64xf32, #tpu.memory_space<vmem_shared>>)
      %lt3A_362 = arith.constant 31 : i32
      %lt3A_363 = arith.cmpi slt, %scan3A_170, %lt3A_362 : i32
      %convert_element_type3A_364 = arith.extui %lt3A_363 : i1 to i32
      %cond3A_365 = arith.constant 0 : i32
      %cond3A_366 = arith.cmpi ne, %convert_element_type3A_364, %cond3A_365 : i32
      scf.if %cond3A_366 {
        %add3A_399 = arith.constant 5 : i32
        %add3A_400 = arith.addi %mul3A_172, %add3A_399 : i32
        %add3A_401 = arith.constant 2 : i32
        %add3A_402 = arith.addi %add3A_400, %add3A_401 : i32
        %dma_start3A_403 = arith.constant 2 : i32
        %dma_start3A_404 = arith.constant 0 : i32
        %dma_start3A_405 = arith.constant 0 : i32
        %dma_start3A_406 = tpu.memref_slice %arg7[%dma_start3A_403, %dma_start3A_404, %dma_start3A_405] : memref<5x128x64xf32, #tpu.memory_space<vmem>> -> memref<1x128x64xf32, #tpu.memory_space<vmem>>
        %dma_start3A_407 = tpu.memref_squeeze %dma_start3A_406 : memref<1x128x64xf32, #tpu.memory_space<vmem>> -> memref<128x64xf32, #tpu.memory_space<vmem>>
        %dma_start3A_408 = arith.constant 0 : i32
        %dma_start3A_409 = tpu.memref_slice %arg5[%add3A_402, %dma_start3A_408] : memref<160x128xi32, #tpu.memory_space<vmem>> -> memref<1x128xi32, #tpu.memory_space<vmem>>
        %dma_start3A_410 = tpu.memref_squeeze %dma_start3A_409 : memref<1x128xi32, #tpu.memory_space<vmem>> -> memref<128xi32, #tpu.memory_space<vmem>>
        %dma_start3A_411 = arith.constant 0 : i32
        %dma_start3A_412 = arith.constant 0 : i32
        %dma_start3A_413 = tpu.memref_slice %arg2[%arg0, %dma_start3A_411, %dma_start3A_412] : memref<2x10240x64xf32, #tpu.memory_space<hbm>> -> memref<1x10240x64xf32, #tpu.memory_space<hbm>>
        %dma_start3A_414 = tpu.memref_squeeze %dma_start3A_413 : memref<1x10240x64xf32, #tpu.memory_space<hbm>> -> memref<10240x64xf32, #tpu.memory_space<hbm>>
        %dma_start3A_415 = arith.constant 0 : i32
        %dma_start3A_416 = arith.constant 0 : i32
        %dma_start3A_417 = tpu.memref_slice %dma_start3A_414[%dma_start3A_415, %dma_start3A_416] : memref<10240x64xf32, #tpu.memory_space<hbm>> -> memref<10240x64xf32, #tpu.memory_space<hbm>>
        tpu.enqueue_indirect_dma source(%dma_start3A_417 : memref<10240x64xf32, #tpu.memory_space<hbm>>) target(%dma_start3A_407 : memref<128x64xf32, #tpu.memory_space<vmem>>) offsets(%dma_start3A_410 : memref<128xi32, #tpu.memory_space<vmem>>) semaphore(%arg12 : memref<!tpu.dma_semaphore, #tpu.memory_space<semaphore_mem>>)
      } else {
      }
      %dma_wait3A_367 = arith.constant 3 : i32
      %dma_wait3A_368 = arith.constant 0 : i32
      %dma_wait3A_369 = arith.constant 0 : i32
      %dma_wait3A_370 = tpu.memref_slice %arg7[%dma_wait3A_367, %dma_wait3A_368, %dma_wait3A_369] : memref<5x128x64xf32, #tpu.memory_space<vmem>> -> memref<1x128x64xf32, #tpu.memory_space<vmem>>
      %dma_wait3A_371 = tpu.memref_squeeze %dma_wait3A_370 : memref<1x128x64xf32, #tpu.memory_space<vmem>> -> memref<128x64xf32, #tpu.memory_space<vmem>>
      %dma_wait3A_372 = arith.constant 0 : i32
      %dma_wait3A_373 = tpu.memref_slice %arg6[%add3A_280, %dma_wait3A_372] : memref<160x128xi32, #tpu.memory_space<vmem>> -> memref<1x128xi32, #tpu.memory_space<vmem>>
      %dma_wait3A_374 = tpu.memref_squeeze %dma_wait3A_373 : memref<1x128xi32, #tpu.memory_space<vmem>> -> memref<128xi32, #tpu.memory_space<vmem>>
      %dma_wait3A_375 = arith.constant 0 : i32
      %dma_wait3A_376 = arith.constant 0 : i32
      %dma_wait3A_377 = tpu.memref_slice %arg9[%dma_wait3A_375, %dma_wait3A_376] : memref<10240x64xf32, #tpu.memory_space<vmem_shared>> -> memref<10240x64xf32, #tpu.memory_space<vmem_shared>>
      tpu.wait_indirect_dma semaphore(%arg18 : memref<!tpu.dma_semaphore, #tpu.memory_space<semaphore_mem>>) src(%dma_wait3A_371 : memref<128x64xf32, #tpu.memory_space<vmem>>) dst(%dma_wait3A_377 : memref<10240x64xf32, #tpu.memory_space<vmem_shared>>)
      %lt3A_378 = arith.constant 31 : i32
      %lt3A_379 = arith.cmpi slt, %scan3A_170, %lt3A_378 : i32
      %convert_element_type3A_380 = arith.extui %lt3A_379 : i1 to i32
      %cond3A_381 = arith.constant 0 : i32
      %cond3A_382 = arith.cmpi ne, %convert_element_type3A_380, %cond3A_381 : i32
      scf.if %cond3A_382 {
        %add3A_399 = arith.constant 5 : i32
        %add3A_400 = arith.addi %mul3A_172, %add3A_399 : i32
        %add3A_401 = arith.constant 3 : i32
        %add3A_402 = arith.addi %add3A_400, %add3A_401 : i32
        %dma_start3A_403 = arith.constant 3 : i32
        %dma_start3A_404 = arith.constant 0 : i32
        %dma_start3A_405 = arith.constant 0 : i32
        %dma_start3A_406 = tpu.memref_slice %arg7[%dma_start3A_403, %dma_start3A_404, %dma_start3A_405] : memref<5x128x64xf32, #tpu.memory_space<vmem>> -> memref<1x128x64xf32, #tpu.memory_space<vmem>>
        %dma_start3A_407 = tpu.memref_squeeze %dma_start3A_406 : memref<1x128x64xf32, #tpu.memory_space<vmem>> -> memref<128x64xf32, #tpu.memory_space<vmem>>
        %dma_start3A_408 = arith.constant 0 : i32
        %dma_start3A_409 = tpu.memref_slice %arg5[%add3A_402, %dma_start3A_408] : memref<160x128xi32, #tpu.memory_space<vmem>> -> memref<1x128xi32, #tpu.memory_space<vmem>>
        %dma_start3A_410 = tpu.memref_squeeze %dma_start3A_409 : memref<1x128xi32, #tpu.memory_space<vmem>> -> memref<128xi32, #tpu.memory_space<vmem>>
        %dma_start3A_411 = arith.constant 0 : i32
        %dma_start3A_412 = arith.constant 0 : i32
        %dma_start3A_413 = tpu.memref_slice %arg2[%arg0, %dma_start3A_411, %dma_start3A_412] : memref<2x10240x64xf32, #tpu.memory_space<hbm>> -> memref<1x10240x64xf32, #tpu.memory_space<hbm>>
        %dma_start3A_414 = tpu.memref_squeeze %dma_start3A_413 : memref<1x10240x64xf32, #tpu.memory_space<hbm>> -> memref<10240x64xf32, #tpu.memory_space<hbm>>
        %dma_start3A_415 = arith.constant 0 : i32
        %dma_start3A_416 = arith.constant 0 : i32
        %dma_start3A_417 = tpu.memref_slice %dma_start3A_414[%dma_start3A_415, %dma_start3A_416] : memref<10240x64xf32, #tpu.memory_space<hbm>> -> memref<10240x64xf32, #tpu.memory_space<hbm>>
        tpu.enqueue_indirect_dma source(%dma_start3A_417 : memref<10240x64xf32, #tpu.memory_space<hbm>>) target(%dma_start3A_407 : memref<128x64xf32, #tpu.memory_space<vmem>>) offsets(%dma_start3A_410 : memref<128xi32, #tpu.memory_space<vmem>>) semaphore(%arg13 : memref<!tpu.dma_semaphore, #tpu.memory_space<semaphore_mem>>)
      } else {
      }
      %dma_wait3A_383 = arith.constant 4 : i32
      %dma_wait3A_384 = arith.constant 0 : i32
      %dma_wait3A_385 = arith.constant 0 : i32
      %dma_wait3A_386 = tpu.memref_slice %arg7[%dma_wait3A_383, %dma_wait3A_384, %dma_wait3A_385] : memref<5x128x64xf32, #tpu.memory_space<vmem>> -> memref<1x128x64xf32, #tpu.memory_space<vmem>>
      %dma_wait3A_387 = tpu.memref_squeeze %dma_wait3A_386 : memref<1x128x64xf32, #tpu.memory_space<vmem>> -> memref<128x64xf32, #tpu.memory_space<vmem>>
      %dma_wait3A_388 = arith.constant 0 : i32
      %dma_wait3A_389 = tpu.memref_slice %arg6[%add3A_310, %dma_wait3A_388] : memref<160x128xi32, #tpu.memory_space<vmem>> -> memref<1x128xi32, #tpu.memory_space<vmem>>
      %dma_wait3A_390 = tpu.memref_squeeze %dma_wait3A_389 : memref<1x128xi32, #tpu.memory_space<vmem>> -> memref<128xi32, #tpu.memory_space<vmem>>
      %dma_wait3A_391 = arith.constant 0 : i32
      %dma_wait3A_392 = arith.constant 0 : i32
      %dma_wait3A_393 = tpu.memref_slice %arg9[%dma_wait3A_391, %dma_wait3A_392] : memref<10240x64xf32, #tpu.memory_space<vmem_shared>> -> memref<10240x64xf32, #tpu.memory_space<vmem_shared>>
      tpu.wait_indirect_dma semaphore(%arg19 : memref<!tpu.dma_semaphore, #tpu.memory_space<semaphore_mem>>) src(%dma_wait3A_387 : memref<128x64xf32, #tpu.memory_space<vmem>>) dst(%dma_wait3A_393 : memref<10240x64xf32, #tpu.memory_space<vmem_shared>>)
      %lt3A_394 = arith.constant 31 : i32
      %lt3A_395 = arith.cmpi slt, %scan3A_170, %lt3A_394 : i32
      %convert_element_type3A_396 = arith.extui %lt3A_395 : i1 to i32
      %cond3A_397 = arith.constant 0 : i32
      %cond3A_398 = arith.cmpi ne, %convert_element_type3A_396, %cond3A_397 : i32
      scf.if %cond3A_398 {
        %add3A_399 = arith.constant 5 : i32
        %add3A_400 = arith.addi %mul3A_172, %add3A_399 : i32
        %add3A_401 = arith.constant 4 : i32
        %add3A_402 = arith.addi %add3A_400, %add3A_401 : i32
        %dma_start3A_403 = arith.constant 4 : i32
        %dma_start3A_404 = arith.constant 0 : i32
        %dma_start3A_405 = arith.constant 0 : i32
        %dma_start3A_406 = tpu.memref_slice %arg7[%dma_start3A_403, %dma_start3A_404, %dma_start3A_405] : memref<5x128x64xf32, #tpu.memory_space<vmem>> -> memref<1x128x64xf32, #tpu.memory_space<vmem>>
        %dma_start3A_407 = tpu.memref_squeeze %dma_start3A_406 : memref<1x128x64xf32, #tpu.memory_space<vmem>> -> memref<128x64xf32, #tpu.memory_space<vmem>>
        %dma_start3A_408 = arith.constant 0 : i32
        %dma_start3A_409 = tpu.memref_slice %arg5[%add3A_402, %dma_start3A_408] : memref<160x128xi32, #tpu.memory_space<vmem>> -> memref<1x128xi32, #tpu.memory_space<vmem>>
        %dma_start3A_410 = tpu.memref_squeeze %dma_start3A_409 : memref<1x128xi32, #tpu.memory_space<vmem>> -> memref<128xi32, #tpu.memory_space<vmem>>
        %dma_start3A_411 = arith.constant 0 : i32
        %dma_start3A_412 = arith.constant 0 : i32
        %dma_start3A_413 = tpu.memref_slice %arg2[%arg0, %dma_start3A_411, %dma_start3A_412] : memref<2x10240x64xf32, #tpu.memory_space<hbm>> -> memref<1x10240x64xf32, #tpu.memory_space<hbm>>
        %dma_start3A_414 = tpu.memref_squeeze %dma_start3A_413 : memref<1x10240x64xf32, #tpu.memory_space<hbm>> -> memref<10240x64xf32, #tpu.memory_space<hbm>>
        %dma_start3A_415 = arith.constant 0 : i32
        %dma_start3A_416 = arith.constant 0 : i32
        %dma_start3A_417 = tpu.memref_slice %dma_start3A_414[%dma_start3A_415, %dma_start3A_416] : memref<10240x64xf32, #tpu.memory_space<hbm>> -> memref<10240x64xf32, #tpu.memory_space<hbm>>
        tpu.enqueue_indirect_dma source(%dma_start3A_417 : memref<10240x64xf32, #tpu.memory_space<hbm>>) target(%dma_start3A_407 : memref<128x64xf32, #tpu.memory_space<vmem>>) offsets(%dma_start3A_410 : memref<128xi32, #tpu.memory_space<vmem>>) semaphore(%arg14 : memref<!tpu.dma_semaphore, #tpu.memory_space<semaphore_mem>>)
      } else {
      }
    }
    %scan3A_128 = arith.constant 32 : i32
    %barrier3A_129 = arith.constant 0 : index
    tpu.barrier barrier_id(%barrier3A_129)
    %mul3A_130 = arith.constant 640 : i32
    %mul3A_131 = arith.muli %arg1, %mul3A_130 : i32
    %add3A_132 = arith.constant 0 : i32
    %add3A_133 = arith.addi %mul3A_131, %add3A_132 : i32
    "tpu.region"() ({
      %run_scoped3A_170 = tpu.sem_alloc : memref<!tpu.dma_semaphore, #tpu.memory_space<semaphore_mem>>
      %dma_start3A_171 = arith.constant 0 : i32
      %dma_start3A_172 = tpu.memref_slice %arg9[%add3A_133, %dma_start3A_171] : memref<10240x64xf32, #tpu.memory_space<vmem_shared>> -> memref<64x64xf32, #tpu.memory_space<vmem_shared>>
      %dma_start3A_173 = arith.constant 0 : i32
      %dma_start3A_174 = tpu.memref_slice %arg9[%add3A_133, %dma_start3A_173] : memref<10240x64xf32, #tpu.memory_space<vmem_shared>> -> memref<64x64xf32, #tpu.memory_space<vmem_shared>>
      tpu.enqueue_dma source(%dma_start3A_174 : memref<64x64xf32, #tpu.memory_space<vmem_shared>>) target(%arg8 : memref<64x64xf32, #tpu.memory_space<vmem>>) target_semaphore(%run_scoped3A_170 : memref<!tpu.dma_semaphore, #tpu.memory_space<semaphore_mem>>)
      %dma_wait3A = arith.constant 0 : i32
      %dma_wait3A_175 = tpu.memref_slice %arg9[%add3A_133, %dma_wait3A] : memref<10240x64xf32, #tpu.memory_space<vmem_shared>> -> memref<64x64xf32, #tpu.memory_space<vmem_shared>>
      %dma_wait3A_176 = arith.constant 0 : i32
      %dma_wait3A_177 = tpu.memref_slice %arg9[%add3A_133, %dma_wait3A_176] : memref<10240x64xf32, #tpu.memory_space<vmem_shared>> -> memref<64x64xf32, #tpu.memory_space<vmem_shared>>
      tpu.wait_dma2 semaphore(%run_scoped3A_170 : memref<!tpu.dma_semaphore, #tpu.memory_space<semaphore_mem>>) src(%dma_wait3A_177 : memref<64x64xf32, #tpu.memory_space<vmem_shared>>) dst(%arg8 : memref<64x64xf32, #tpu.memory_space<vmem>>)
      tpu.yield
    }) : () -> ()
    "tpu.region"() ({
      %run_scoped3A_170 = tpu.sem_alloc : memref<!tpu.dma_semaphore, #tpu.memory_space<semaphore_mem>>
      %dma_start3A_171 = arith.constant 0 : i32
      %dma_start3A_172 = tpu.memref_slice %arg4[%arg0, %add3A_133, %dma_start3A_171] : memref<2x10240x64xf32, #tpu.memory_space<hbm>> -> memref<1x64x64xf32, #tpu.memory_space<hbm>>
      %dma_start3A_173 = tpu.memref_squeeze %dma_start3A_172 : memref<1x64x64xf32, #tpu.memory_space<hbm>> -> memref<64x64xf32, #tpu.memory_space<hbm>>
      %dma_start3A_174 = arith.constant 0 : i32
      %dma_start3A_175 = tpu.memref_slice %arg4[%arg0, %add3A_133, %dma_start3A_174] : memref<2x10240x64xf32, #tpu.memory_space<hbm>> -> memref<1x64x64xf32, #tpu.memory_space<hbm>>
      %dma_start3A_176 = tpu.memref_squeeze %dma_start3A_175 : memref<1x64x64xf32, #tpu.memory_space<hbm>> -> memref<64x64xf32, #tpu.memory_space<hbm>>
      tpu.enqueue_dma source(%arg8 : memref<64x64xf32, #tpu.memory_space<vmem>>) target(%dma_start3A_176 : memref<64x64xf32, #tpu.memory_space<hbm>>) target_semaphore(%run_scoped3A_170 : memref<!tpu.dma_semaphore, #tpu.memory_space<semaphore_mem>>)
      %dma_wait3A = arith.constant 0 : i32
      %dma_wait3A_177 = tpu.memref_slice %arg4[%arg0, %add3A_133, %dma_wait3A] : memref<2x10240x64xf32, #tpu.memory_space<hbm>> -> memref<1x64x64xf32, #tpu.memory_space<hbm>>
      %dma_wait3A_178 = tpu.memref_squeeze %dma_wait3A_177 : memref<1x64x64xf32, #tpu.memory_space<hbm>> -> memref<64x64xf32, #tpu.memory_space<hbm>>
      %dma_wait3A_179 = arith.constant 0 : i32
      %dma_wait3A_180 = tpu.memref_slice %arg4[%arg0, %add3A_133, %dma_wait3A_179] : memref<2x10240x64xf32, #tpu.memory_space<hbm>> -> memref<1x64x64xf32, #tpu.memory_space<hbm>>
      %dma_wait3A_181 = tpu.memref_squeeze %dma_wait3A_180 : memref<1x64x64xf32, #tpu.memory_space<hbm>> -> memref<64x64xf32, #tpu.memory_space<hbm>>
      tpu.wait_dma2 semaphore(%run_scoped3A_170 : memref<!tpu.dma_semaphore, #tpu.memory_space<semaphore_mem>>) src(%arg8 : memref<64x64xf32, #tpu.memory_space<vmem>>) dst(%dma_wait3A_181 : memref<64x64xf32, #tpu.memory_space<hbm>>)
      tpu.yield
    }) : () -> ()
    %mul3A_134 = arith.constant 640 : i32
    %mul3A_135 = arith.muli %arg1, %mul3A_134 : i32
    %add3A_136 = arith.constant 64 : i32
    %add3A_137 = arith.addi %mul3A_135, %add3A_136 : i32
    "tpu.region"() ({
      %run_scoped3A_170 = tpu.sem_alloc : memref<!tpu.dma_semaphore, #tpu.memory_space<semaphore_mem>>
      %dma_start3A_171 = arith.constant 0 : i32
      %dma_start3A_172 = tpu.memref_slice %arg9[%add3A_137, %dma_start3A_171] : memref<10240x64xf32, #tpu.memory_space<vmem_shared>> -> memref<64x64xf32, #tpu.memory_space<vmem_shared>>
      %dma_start3A_173 = arith.constant 0 : i32
      %dma_start3A_174 = tpu.memref_slice %arg9[%add3A_137, %dma_start3A_173] : memref<10240x64xf32, #tpu.memory_space<vmem_shared>> -> memref<64x64xf32, #tpu.memory_space<vmem_shared>>
      tpu.enqueue_dma source(%dma_start3A_174 : memref<64x64xf32, #tpu.memory_space<vmem_shared>>) target(%arg8 : memref<64x64xf32, #tpu.memory_space<vmem>>) target_semaphore(%run_scoped3A_170 : memref<!tpu.dma_semaphore, #tpu.memory_space<semaphore_mem>>)
      %dma_wait3A = arith.constant 0 : i32
      %dma_wait3A_175 = tpu.memref_slice %arg9[%add3A_137, %dma_wait3A] : memref<10240x64xf32, #tpu.memory_space<vmem_shared>> -> memref<64x64xf32, #tpu.memory_space<vmem_shared>>
      %dma_wait3A_176 = arith.constant 0 : i32
      %dma_wait3A_177 = tpu.memref_slice %arg9[%add3A_137, %dma_wait3A_176] : memref<10240x64xf32, #tpu.memory_space<vmem_shared>> -> memref<64x64xf32, #tpu.memory_space<vmem_shared>>
      tpu.wait_dma2 semaphore(%run_scoped3A_170 : memref<!tpu.dma_semaphore, #tpu.memory_space<semaphore_mem>>) src(%dma_wait3A_177 : memref<64x64xf32, #tpu.memory_space<vmem_shared>>) dst(%arg8 : memref<64x64xf32, #tpu.memory_space<vmem>>)
      tpu.yield
    }) : () -> ()
    "tpu.region"() ({
      %run_scoped3A_170 = tpu.sem_alloc : memref<!tpu.dma_semaphore, #tpu.memory_space<semaphore_mem>>
      %dma_start3A_171 = arith.constant 0 : i32
      %dma_start3A_172 = tpu.memref_slice %arg4[%arg0, %add3A_137, %dma_start3A_171] : memref<2x10240x64xf32, #tpu.memory_space<hbm>> -> memref<1x64x64xf32, #tpu.memory_space<hbm>>
      %dma_start3A_173 = tpu.memref_squeeze %dma_start3A_172 : memref<1x64x64xf32, #tpu.memory_space<hbm>> -> memref<64x64xf32, #tpu.memory_space<hbm>>
      %dma_start3A_174 = arith.constant 0 : i32
      %dma_start3A_175 = tpu.memref_slice %arg4[%arg0, %add3A_137, %dma_start3A_174] : memref<2x10240x64xf32, #tpu.memory_space<hbm>> -> memref<1x64x64xf32, #tpu.memory_space<hbm>>
      %dma_start3A_176 = tpu.memref_squeeze %dma_start3A_175 : memref<1x64x64xf32, #tpu.memory_space<hbm>> -> memref<64x64xf32, #tpu.memory_space<hbm>>
      tpu.enqueue_dma source(%arg8 : memref<64x64xf32, #tpu.memory_space<vmem>>) target(%dma_start3A_176 : memref<64x64xf32, #tpu.memory_space<hbm>>) target_semaphore(%run_scoped3A_170 : memref<!tpu.dma_semaphore, #tpu.memory_space<semaphore_mem>>)
      %dma_wait3A = arith.constant 0 : i32
      %dma_wait3A_177 = tpu.memref_slice %arg4[%arg0, %add3A_137, %dma_wait3A] : memref<2x10240x64xf32, #tpu.memory_space<hbm>> -> memref<1x64x64xf32, #tpu.memory_space<hbm>>
      %dma_wait3A_178 = tpu.memref_squeeze %dma_wait3A_177 : memref<1x64x64xf32, #tpu.memory_space<hbm>> -> memref<64x64xf32, #tpu.memory_space<hbm>>
      %dma_wait3A_179 = arith.constant 0 : i32
      %dma_wait3A_180 = tpu.memref_slice %arg4[%arg0, %add3A_137, %dma_wait3A_179] : memref<2x10240x64xf32, #tpu.memory_space<hbm>> -> memref<1x64x64xf32, #tpu.memory_space<hbm>>
      %dma_wait3A_181 = tpu.memref_squeeze %dma_wait3A_180 : memref<1x64x64xf32, #tpu.memory_space<hbm>> -> memref<64x64xf32, #tpu.memory_space<hbm>>
      tpu.wait_dma2 semaphore(%run_scoped3A_170 : memref<!tpu.dma_semaphore, #tpu.memory_space<semaphore_mem>>) src(%arg8 : memref<64x64xf32, #tpu.memory_space<vmem>>) dst(%dma_wait3A_181 : memref<64x64xf32, #tpu.memory_space<hbm>>)
      tpu.yield
    }) : () -> ()
    %mul3A_138 = arith.constant 640 : i32
    %mul3A_139 = arith.muli %arg1, %mul3A_138 : i32
    %add3A_140 = arith.constant 128 : i32
    %add3A_141 = arith.addi %mul3A_139, %add3A_140 : i32
    "tpu.region"() ({
      %run_scoped3A_170 = tpu.sem_alloc : memref<!tpu.dma_semaphore, #tpu.memory_space<semaphore_mem>>
      %dma_start3A_171 = arith.constant 0 : i32
      %dma_start3A_172 = tpu.memref_slice %arg9[%add3A_141, %dma_start3A_171] : memref<10240x64xf32, #tpu.memory_space<vmem_shared>> -> memref<64x64xf32, #tpu.memory_space<vmem_shared>>
      %dma_start3A_173 = arith.constant 0 : i32
      %dma_start3A_174 = tpu.memref_slice %arg9[%add3A_141, %dma_start3A_173] : memref<10240x64xf32, #tpu.memory_space<vmem_shared>> -> memref<64x64xf32, #tpu.memory_space<vmem_shared>>
      tpu.enqueue_dma source(%dma_start3A_174 : memref<64x64xf32, #tpu.memory_space<vmem_shared>>) target(%arg8 : memref<64x64xf32, #tpu.memory_space<vmem>>) target_semaphore(%run_scoped3A_170 : memref<!tpu.dma_semaphore, #tpu.memory_space<semaphore_mem>>)
      %dma_wait3A = arith.constant 0 : i32
      %dma_wait3A_175 = tpu.memref_slice %arg9[%add3A_141, %dma_wait3A] : memref<10240x64xf32, #tpu.memory_space<vmem_shared>> -> memref<64x64xf32, #tpu.memory_space<vmem_shared>>
      %dma_wait3A_176 = arith.constant 0 : i32
      %dma_wait3A_177 = tpu.memref_slice %arg9[%add3A_141, %dma_wait3A_176] : memref<10240x64xf32, #tpu.memory_space<vmem_shared>> -> memref<64x64xf32, #tpu.memory_space<vmem_shared>>
      tpu.wait_dma2 semaphore(%run_scoped3A_170 : memref<!tpu.dma_semaphore, #tpu.memory_space<semaphore_mem>>) src(%dma_wait3A_177 : memref<64x64xf32, #tpu.memory_space<vmem_shared>>) dst(%arg8 : memref<64x64xf32, #tpu.memory_space<vmem>>)
      tpu.yield
    }) : () -> ()
    "tpu.region"() ({
      %run_scoped3A_170 = tpu.sem_alloc : memref<!tpu.dma_semaphore, #tpu.memory_space<semaphore_mem>>
      %dma_start3A_171 = arith.constant 0 : i32
      %dma_start3A_172 = tpu.memref_slice %arg4[%arg0, %add3A_141, %dma_start3A_171] : memref<2x10240x64xf32, #tpu.memory_space<hbm>> -> memref<1x64x64xf32, #tpu.memory_space<hbm>>
      %dma_start3A_173 = tpu.memref_squeeze %dma_start3A_172 : memref<1x64x64xf32, #tpu.memory_space<hbm>> -> memref<64x64xf32, #tpu.memory_space<hbm>>
      %dma_start3A_174 = arith.constant 0 : i32
      %dma_start3A_175 = tpu.memref_slice %arg4[%arg0, %add3A_141, %dma_start3A_174] : memref<2x10240x64xf32, #tpu.memory_space<hbm>> -> memref<1x64x64xf32, #tpu.memory_space<hbm>>
      %dma_start3A_176 = tpu.memref_squeeze %dma_start3A_175 : memref<1x64x64xf32, #tpu.memory_space<hbm>> -> memref<64x64xf32, #tpu.memory_space<hbm>>
      tpu.enqueue_dma source(%arg8 : memref<64x64xf32, #tpu.memory_space<vmem>>) target(%dma_start3A_176 : memref<64x64xf32, #tpu.memory_space<hbm>>) target_semaphore(%run_scoped3A_170 : memref<!tpu.dma_semaphore, #tpu.memory_space<semaphore_mem>>)
      %dma_wait3A = arith.constant 0 : i32
      %dma_wait3A_177 = tpu.memref_slice %arg4[%arg0, %add3A_141, %dma_wait3A] : memref<2x10240x64xf32, #tpu.memory_space<hbm>> -> memref<1x64x64xf32, #tpu.memory_space<hbm>>
      %dma_wait3A_178 = tpu.memref_squeeze %dma_wait3A_177 : memref<1x64x64xf32, #tpu.memory_space<hbm>> -> memref<64x64xf32, #tpu.memory_space<hbm>>
      %dma_wait3A_179 = arith.constant 0 : i32
      %dma_wait3A_180 = tpu.memref_slice %arg4[%arg0, %add3A_141, %dma_wait3A_179] : memref<2x10240x64xf32, #tpu.memory_space<hbm>> -> memref<1x64x64xf32, #tpu.memory_space<hbm>>
      %dma_wait3A_181 = tpu.memref_squeeze %dma_wait3A_180 : memref<1x64x64xf32, #tpu.memory_space<hbm>> -> memref<64x64xf32, #tpu.memory_space<hbm>>
      tpu.wait_dma2 semaphore(%run_scoped3A_170 : memref<!tpu.dma_semaphore, #tpu.memory_space<semaphore_mem>>) src(%arg8 : memref<64x64xf32, #tpu.memory_space<vmem>>) dst(%dma_wait3A_181 : memref<64x64xf32, #tpu.memory_space<hbm>>)
      tpu.yield
    }) : () -> ()
    %mul3A_142 = arith.constant 640 : i32
    %mul3A_143 = arith.muli %arg1, %mul3A_142 : i32
    %add3A_144 = arith.constant 192 : i32
    %add3A_145 = arith.addi %mul3A_143, %add3A_144 : i32
    "tpu.region"() ({
      %run_scoped3A_170 = tpu.sem_alloc : memref<!tpu.dma_semaphore, #tpu.memory_space<semaphore_mem>>
      %dma_start3A_171 = arith.constant 0 : i32
      %dma_start3A_172 = tpu.memref_slice %arg9[%add3A_145, %dma_start3A_171] : memref<10240x64xf32, #tpu.memory_space<vmem_shared>> -> memref<64x64xf32, #tpu.memory_space<vmem_shared>>
      %dma_start3A_173 = arith.constant 0 : i32
      %dma_start3A_174 = tpu.memref_slice %arg9[%add3A_145, %dma_start3A_173] : memref<10240x64xf32, #tpu.memory_space<vmem_shared>> -> memref<64x64xf32, #tpu.memory_space<vmem_shared>>
      tpu.enqueue_dma source(%dma_start3A_174 : memref<64x64xf32, #tpu.memory_space<vmem_shared>>) target(%arg8 : memref<64x64xf32, #tpu.memory_space<vmem>>) target_semaphore(%run_scoped3A_170 : memref<!tpu.dma_semaphore, #tpu.memory_space<semaphore_mem>>)
      %dma_wait3A = arith.constant 0 : i32
      %dma_wait3A_175 = tpu.memref_slice %arg9[%add3A_145, %dma_wait3A] : memref<10240x64xf32, #tpu.memory_space<vmem_shared>> -> memref<64x64xf32, #tpu.memory_space<vmem_shared>>
      %dma_wait3A_176 = arith.constant 0 : i32
      %dma_wait3A_177 = tpu.memref_slice %arg9[%add3A_145, %dma_wait3A_176] : memref<10240x64xf32, #tpu.memory_space<vmem_shared>> -> memref<64x64xf32, #tpu.memory_space<vmem_shared>>
      tpu.wait_dma2 semaphore(%run_scoped3A_170 : memref<!tpu.dma_semaphore, #tpu.memory_space<semaphore_mem>>) src(%dma_wait3A_177 : memref<64x64xf32, #tpu.memory_space<vmem_shared>>) dst(%arg8 : memref<64x64xf32, #tpu.memory_space<vmem>>)
      tpu.yield
    }) : () -> ()
    "tpu.region"() ({
      %run_scoped3A_170 = tpu.sem_alloc : memref<!tpu.dma_semaphore, #tpu.memory_space<semaphore_mem>>
      %dma_start3A_171 = arith.constant 0 : i32
      %dma_start3A_172 = tpu.memref_slice %arg4[%arg0, %add3A_145, %dma_start3A_171] : memref<2x10240x64xf32, #tpu.memory_space<hbm>> -> memref<1x64x64xf32, #tpu.memory_space<hbm>>
      %dma_start3A_173 = tpu.memref_squeeze %dma_start3A_172 : memref<1x64x64xf32, #tpu.memory_space<hbm>> -> memref<64x64xf32, #tpu.memory_space<hbm>>
      %dma_start3A_174 = arith.constant 0 : i32
      %dma_start3A_175 = tpu.memref_slice %arg4[%arg0, %add3A_145, %dma_start3A_174] : memref<2x10240x64xf32, #tpu.memory_space<hbm>> -> memref<1x64x64xf32, #tpu.memory_space<hbm>>
      %dma_start3A_176 = tpu.memref_squeeze %dma_start3A_175 : memref<1x64x64xf32, #tpu.memory_space<hbm>> -> memref<64x64xf32, #tpu.memory_space<hbm>>
      tpu.enqueue_dma source(%arg8 : memref<64x64xf32, #tpu.memory_space<vmem>>) target(%dma_start3A_176 : memref<64x64xf32, #tpu.memory_space<hbm>>) target_semaphore(%run_scoped3A_170 : memref<!tpu.dma_semaphore, #tpu.memory_space<semaphore_mem>>)
      %dma_wait3A = arith.constant 0 : i32
      %dma_wait3A_177 = tpu.memref_slice %arg4[%arg0, %add3A_145, %dma_wait3A] : memref<2x10240x64xf32, #tpu.memory_space<hbm>> -> memref<1x64x64xf32, #tpu.memory_space<hbm>>
      %dma_wait3A_178 = tpu.memref_squeeze %dma_wait3A_177 : memref<1x64x64xf32, #tpu.memory_space<hbm>> -> memref<64x64xf32, #tpu.memory_space<hbm>>
      %dma_wait3A_179 = arith.constant 0 : i32
      %dma_wait3A_180 = tpu.memref_slice %arg4[%arg0, %add3A_145, %dma_wait3A_179] : memref<2x10240x64xf32, #tpu.memory_space<hbm>> -> memref<1x64x64xf32, #tpu.memory_space<hbm>>
      %dma_wait3A_181 = tpu.memref_squeeze %dma_wait3A_180 : memref<1x64x64xf32, #tpu.memory_space<hbm>> -> memref<64x64xf32, #tpu.memory_space<hbm>>
      tpu.wait_dma2 semaphore(%run_scoped3A_170 : memref<!tpu.dma_semaphore, #tpu.memory_space<semaphore_mem>>) src(%arg8 : memref<64x64xf32, #tpu.memory_space<vmem>>) dst(%dma_wait3A_181 : memref<64x64xf32, #tpu.memory_space<hbm>>)
      tpu.yield
    }) : () -> ()
    %mul3A_146 = arith.constant 640 : i32
    %mul3A_147 = arith.muli %arg1, %mul3A_146 : i32
    %add3A_148 = arith.constant 256 : i32
    %add3A_149 = arith.addi %mul3A_147, %add3A_148 : i32
    "tpu.region"() ({
      %run_scoped3A_170 = tpu.sem_alloc : memref<!tpu.dma_semaphore, #tpu.memory_space<semaphore_mem>>
      %dma_start3A_171 = arith.constant 0 : i32
      %dma_start3A_172 = tpu.memref_slice %arg9[%add3A_149, %dma_start3A_171] : memref<10240x64xf32, #tpu.memory_space<vmem_shared>> -> memref<64x64xf32, #tpu.memory_space<vmem_shared>>
      %dma_start3A_173 = arith.constant 0 : i32
      %dma_start3A_174 = tpu.memref_slice %arg9[%add3A_149, %dma_start3A_173] : memref<10240x64xf32, #tpu.memory_space<vmem_shared>> -> memref<64x64xf32, #tpu.memory_space<vmem_shared>>
      tpu.enqueue_dma source(%dma_start3A_174 : memref<64x64xf32, #tpu.memory_space<vmem_shared>>) target(%arg8 : memref<64x64xf32, #tpu.memory_space<vmem>>) target_semaphore(%run_scoped3A_170 : memref<!tpu.dma_semaphore, #tpu.memory_space<semaphore_mem>>)
      %dma_wait3A = arith.constant 0 : i32
      %dma_wait3A_175 = tpu.memref_slice %arg9[%add3A_149, %dma_wait3A] : memref<10240x64xf32, #tpu.memory_space<vmem_shared>> -> memref<64x64xf32, #tpu.memory_space<vmem_shared>>
      %dma_wait3A_176 = arith.constant 0 : i32
      %dma_wait3A_177 = tpu.memref_slice %arg9[%add3A_149, %dma_wait3A_176] : memref<10240x64xf32, #tpu.memory_space<vmem_shared>> -> memref<64x64xf32, #tpu.memory_space<vmem_shared>>
      tpu.wait_dma2 semaphore(%run_scoped3A_170 : memref<!tpu.dma_semaphore, #tpu.memory_space<semaphore_mem>>) src(%dma_wait3A_177 : memref<64x64xf32, #tpu.memory_space<vmem_shared>>) dst(%arg8 : memref<64x64xf32, #tpu.memory_space<vmem>>)
      tpu.yield
    }) : () -> ()
    "tpu.region"() ({
      %run_scoped3A_170 = tpu.sem_alloc : memref<!tpu.dma_semaphore, #tpu.memory_space<semaphore_mem>>
      %dma_start3A_171 = arith.constant 0 : i32
      %dma_start3A_172 = tpu.memref_slice %arg4[%arg0, %add3A_149, %dma_start3A_171] : memref<2x10240x64xf32, #tpu.memory_space<hbm>> -> memref<1x64x64xf32, #tpu.memory_space<hbm>>
      %dma_start3A_173 = tpu.memref_squeeze %dma_start3A_172 : memref<1x64x64xf32, #tpu.memory_space<hbm>> -> memref<64x64xf32, #tpu.memory_space<hbm>>
      %dma_start3A_174 = arith.constant 0 : i32
      %dma_start3A_175 = tpu.memref_slice %arg4[%arg0, %add3A_149, %dma_start3A_174] : memref<2x10240x64xf32, #tpu.memory_space<hbm>> -> memref<1x64x64xf32, #tpu.memory_space<hbm>>
      %dma_start3A_176 = tpu.memref_squeeze %dma_start3A_175 : memref<1x64x64xf32, #tpu.memory_space<hbm>> -> memref<64x64xf32, #tpu.memory_space<hbm>>
      tpu.enqueue_dma source(%arg8 : memref<64x64xf32, #tpu.memory_space<vmem>>) target(%dma_start3A_176 : memref<64x64xf32, #tpu.memory_space<hbm>>) target_semaphore(%run_scoped3A_170 : memref<!tpu.dma_semaphore, #tpu.memory_space<semaphore_mem>>)
      %dma_wait3A = arith.constant 0 : i32
      %dma_wait3A_177 = tpu.memref_slice %arg4[%arg0, %add3A_149, %dma_wait3A] : memref<2x10240x64xf32, #tpu.memory_space<hbm>> -> memref<1x64x64xf32, #tpu.memory_space<hbm>>
      %dma_wait3A_178 = tpu.memref_squeeze %dma_wait3A_177 : memref<1x64x64xf32, #tpu.memory_space<hbm>> -> memref<64x64xf32, #tpu.memory_space<hbm>>
      %dma_wait3A_179 = arith.constant 0 : i32
      %dma_wait3A_180 = tpu.memref_slice %arg4[%arg0, %add3A_149, %dma_wait3A_179] : memref<2x10240x64xf32, #tpu.memory_space<hbm>> -> memref<1x64x64xf32, #tpu.memory_space<hbm>>
      %dma_wait3A_181 = tpu.memref_squeeze %dma_wait3A_180 : memref<1x64x64xf32, #tpu.memory_space<hbm>> -> memref<64x64xf32, #tpu.memory_space<hbm>>
      tpu.wait_dma2 semaphore(%run_scoped3A_170 : memref<!tpu.dma_semaphore, #tpu.memory_space<semaphore_mem>>) src(%arg8 : memref<64x64xf32, #tpu.memory_space<vmem>>) dst(%dma_wait3A_181 : memref<64x64xf32, #tpu.memory_space<hbm>>)
      tpu.yield
    }) : () -> ()
    %mul3A_150 = arith.constant 640 : i32
    %mul3A_151 = arith.muli %arg1, %mul3A_150 : i32
    %add3A_152 = arith.constant 320 : i32
    %add3A_153 = arith.addi %mul3A_151, %add3A_152 : i32
    "tpu.region"() ({
      %run_scoped3A_170 = tpu.sem_alloc : memref<!tpu.dma_semaphore, #tpu.memory_space<semaphore_mem>>
      %dma_start3A_171 = arith.constant 0 : i32
      %dma_start3A_172 = tpu.memref_slice %arg9[%add3A_153, %dma_start3A_171] : memref<10240x64xf32, #tpu.memory_space<vmem_shared>> -> memref<64x64xf32, #tpu.memory_space<vmem_shared>>
      %dma_start3A_173 = arith.constant 0 : i32
      %dma_start3A_174 = tpu.memref_slice %arg9[%add3A_153, %dma_start3A_173] : memref<10240x64xf32, #tpu.memory_space<vmem_shared>> -> memref<64x64xf32, #tpu.memory_space<vmem_shared>>
      tpu.enqueue_dma source(%dma_start3A_174 : memref<64x64xf32, #tpu.memory_space<vmem_shared>>) target(%arg8 : memref<64x64xf32, #tpu.memory_space<vmem>>) target_semaphore(%run_scoped3A_170 : memref<!tpu.dma_semaphore, #tpu.memory_space<semaphore_mem>>)
      %dma_wait3A = arith.constant 0 : i32
      %dma_wait3A_175 = tpu.memref_slice %arg9[%add3A_153, %dma_wait3A] : memref<10240x64xf32, #tpu.memory_space<vmem_shared>> -> memref<64x64xf32, #tpu.memory_space<vmem_shared>>
      %dma_wait3A_176 = arith.constant 0 : i32
      %dma_wait3A_177 = tpu.memref_slice %arg9[%add3A_153, %dma_wait3A_176] : memref<10240x64xf32, #tpu.memory_space<vmem_shared>> -> memref<64x64xf32, #tpu.memory_space<vmem_shared>>
      tpu.wait_dma2 semaphore(%run_scoped3A_170 : memref<!tpu.dma_semaphore, #tpu.memory_space<semaphore_mem>>) src(%dma_wait3A_177 : memref<64x64xf32, #tpu.memory_space<vmem_shared>>) dst(%arg8 : memref<64x64xf32, #tpu.memory_space<vmem>>)
      tpu.yield
    }) : () -> ()
    "tpu.region"() ({
      %run_scoped3A_170 = tpu.sem_alloc : memref<!tpu.dma_semaphore, #tpu.memory_space<semaphore_mem>>
      %dma_start3A_171 = arith.constant 0 : i32
      %dma_start3A_172 = tpu.memref_slice %arg4[%arg0, %add3A_153, %dma_start3A_171] : memref<2x10240x64xf32, #tpu.memory_space<hbm>> -> memref<1x64x64xf32, #tpu.memory_space<hbm>>
      %dma_start3A_173 = tpu.memref_squeeze %dma_start3A_172 : memref<1x64x64xf32, #tpu.memory_space<hbm>> -> memref<64x64xf32, #tpu.memory_space<hbm>>
      %dma_start3A_174 = arith.constant 0 : i32
      %dma_start3A_175 = tpu.memref_slice %arg4[%arg0, %add3A_153, %dma_start3A_174] : memref<2x10240x64xf32, #tpu.memory_space<hbm>> -> memref<1x64x64xf32, #tpu.memory_space<hbm>>
      %dma_start3A_176 = tpu.memref_squeeze %dma_start3A_175 : memref<1x64x64xf32, #tpu.memory_space<hbm>> -> memref<64x64xf32, #tpu.memory_space<hbm>>
      tpu.enqueue_dma source(%arg8 : memref<64x64xf32, #tpu.memory_space<vmem>>) target(%dma_start3A_176 : memref<64x64xf32, #tpu.memory_space<hbm>>) target_semaphore(%run_scoped3A_170 : memref<!tpu.dma_semaphore, #tpu.memory_space<semaphore_mem>>)
      %dma_wait3A = arith.constant 0 : i32
      %dma_wait3A_177 = tpu.memref_slice %arg4[%arg0, %add3A_153, %dma_wait3A] : memref<2x10240x64xf32, #tpu.memory_space<hbm>> -> memref<1x64x64xf32, #tpu.memory_space<hbm>>
      %dma_wait3A_178 = tpu.memref_squeeze %dma_wait3A_177 : memref<1x64x64xf32, #tpu.memory_space<hbm>> -> memref<64x64xf32, #tpu.memory_space<hbm>>
      %dma_wait3A_179 = arith.constant 0 : i32
      %dma_wait3A_180 = tpu.memref_slice %arg4[%arg0, %add3A_153, %dma_wait3A_179] : memref<2x10240x64xf32, #tpu.memory_space<hbm>> -> memref<1x64x64xf32, #tpu.memory_space<hbm>>
      %dma_wait3A_181 = tpu.memref_squeeze %dma_wait3A_180 : memref<1x64x64xf32, #tpu.memory_space<hbm>> -> memref<64x64xf32, #tpu.memory_space<hbm>>
      tpu.wait_dma2 semaphore(%run_scoped3A_170 : memref<!tpu.dma_semaphore, #tpu.memory_space<semaphore_mem>>) src(%arg8 : memref<64x64xf32, #tpu.memory_space<vmem>>) dst(%dma_wait3A_181 : memref<64x64xf32, #tpu.memory_space<hbm>>)
      tpu.yield
    }) : () -> ()
    %mul3A_154 = arith.constant 640 : i32
    %mul3A_155 = arith.muli %arg1, %mul3A_154 : i32
    %add3A_156 = arith.constant 384 : i32
    %add3A_157 = arith.addi %mul3A_155, %add3A_156 : i32
    "tpu.region"() ({
      %run_scoped3A_170 = tpu.sem_alloc : memref<!tpu.dma_semaphore, #tpu.memory_space<semaphore_mem>>
      %dma_start3A_171 = arith.constant 0 : i32
      %dma_start3A_172 = tpu.memref_slice %arg9[%add3A_157, %dma_start3A_171] : memref<10240x64xf32, #tpu.memory_space<vmem_shared>> -> memref<64x64xf32, #tpu.memory_space<vmem_shared>>
      %dma_start3A_173 = arith.constant 0 : i32
      %dma_start3A_174 = tpu.memref_slice %arg9[%add3A_157, %dma_start3A_173] : memref<10240x64xf32, #tpu.memory_space<vmem_shared>> -> memref<64x64xf32, #tpu.memory_space<vmem_shared>>
      tpu.enqueue_dma source(%dma_start3A_174 : memref<64x64xf32, #tpu.memory_space<vmem_shared>>) target(%arg8 : memref<64x64xf32, #tpu.memory_space<vmem>>) target_semaphore(%run_scoped3A_170 : memref<!tpu.dma_semaphore, #tpu.memory_space<semaphore_mem>>)
      %dma_wait3A = arith.constant 0 : i32
      %dma_wait3A_175 = tpu.memref_slice %arg9[%add3A_157, %dma_wait3A] : memref<10240x64xf32, #tpu.memory_space<vmem_shared>> -> memref<64x64xf32, #tpu.memory_space<vmem_shared>>
      %dma_wait3A_176 = arith.constant 0 : i32
      %dma_wait3A_177 = tpu.memref_slice %arg9[%add3A_157, %dma_wait3A_176] : memref<10240x64xf32, #tpu.memory_space<vmem_shared>> -> memref<64x64xf32, #tpu.memory_space<vmem_shared>>
      tpu.wait_dma2 semaphore(%run_scoped3A_170 : memref<!tpu.dma_semaphore, #tpu.memory_space<semaphore_mem>>) src(%dma_wait3A_177 : memref<64x64xf32, #tpu.memory_space<vmem_shared>>) dst(%arg8 : memref<64x64xf32, #tpu.memory_space<vmem>>)
      tpu.yield
    }) : () -> ()
    "tpu.region"() ({
      %run_scoped3A_170 = tpu.sem_alloc : memref<!tpu.dma_semaphore, #tpu.memory_space<semaphore_mem>>
      %dma_start3A_171 = arith.constant 0 : i32
      %dma_start3A_172 = tpu.memref_slice %arg4[%arg0, %add3A_157, %dma_start3A_171] : memref<2x10240x64xf32, #tpu.memory_space<hbm>> -> memref<1x64x64xf32, #tpu.memory_space<hbm>>
      %dma_start3A_173 = tpu.memref_squeeze %dma_start3A_172 : memref<1x64x64xf32, #tpu.memory_space<hbm>> -> memref<64x64xf32, #tpu.memory_space<hbm>>
      %dma_start3A_174 = arith.constant 0 : i32
      %dma_start3A_175 = tpu.memref_slice %arg4[%arg0, %add3A_157, %dma_start3A_174] : memref<2x10240x64xf32, #tpu.memory_space<hbm>> -> memref<1x64x64xf32, #tpu.memory_space<hbm>>
      %dma_start3A_176 = tpu.memref_squeeze %dma_start3A_175 : memref<1x64x64xf32, #tpu.memory_space<hbm>> -> memref<64x64xf32, #tpu.memory_space<hbm>>
      tpu.enqueue_dma source(%arg8 : memref<64x64xf32, #tpu.memory_space<vmem>>) target(%dma_start3A_176 : memref<64x64xf32, #tpu.memory_space<hbm>>) target_semaphore(%run_scoped3A_170 : memref<!tpu.dma_semaphore, #tpu.memory_space<semaphore_mem>>)
      %dma_wait3A = arith.constant 0 : i32
      %dma_wait3A_177 = tpu.memref_slice %arg4[%arg0, %add3A_157, %dma_wait3A] : memref<2x10240x64xf32, #tpu.memory_space<hbm>> -> memref<1x64x64xf32, #tpu.memory_space<hbm>>
      %dma_wait3A_178 = tpu.memref_squeeze %dma_wait3A_177 : memref<1x64x64xf32, #tpu.memory_space<hbm>> -> memref<64x64xf32, #tpu.memory_space<hbm>>
      %dma_wait3A_179 = arith.constant 0 : i32
      %dma_wait3A_180 = tpu.memref_slice %arg4[%arg0, %add3A_157, %dma_wait3A_179] : memref<2x10240x64xf32, #tpu.memory_space<hbm>> -> memref<1x64x64xf32, #tpu.memory_space<hbm>>
      %dma_wait3A_181 = tpu.memref_squeeze %dma_wait3A_180 : memref<1x64x64xf32, #tpu.memory_space<hbm>> -> memref<64x64xf32, #tpu.memory_space<hbm>>
      tpu.wait_dma2 semaphore(%run_scoped3A_170 : memref<!tpu.dma_semaphore, #tpu.memory_space<semaphore_mem>>) src(%arg8 : memref<64x64xf32, #tpu.memory_space<vmem>>) dst(%dma_wait3A_181 : memref<64x64xf32, #tpu.memory_space<hbm>>)
      tpu.yield
    }) : () -> ()
    %mul3A_158 = arith.constant 640 : i32
    %mul3A_159 = arith.muli %arg1, %mul3A_158 : i32
    %add3A_160 = arith.constant 448 : i32
    %add3A_161 = arith.addi %mul3A_159, %add3A_160 : i32
    "tpu.region"() ({
      %run_scoped3A_170 = tpu.sem_alloc : memref<!tpu.dma_semaphore, #tpu.memory_space<semaphore_mem>>
      %dma_start3A_171 = arith.constant 0 : i32
      %dma_start3A_172 = tpu.memref_slice %arg9[%add3A_161, %dma_start3A_171] : memref<10240x64xf32, #tpu.memory_space<vmem_shared>> -> memref<64x64xf32, #tpu.memory_space<vmem_shared>>
      %dma_start3A_173 = arith.constant 0 : i32
      %dma_start3A_174 = tpu.memref_slice %arg9[%add3A_161, %dma_start3A_173] : memref<10240x64xf32, #tpu.memory_space<vmem_shared>> -> memref<64x64xf32, #tpu.memory_space<vmem_shared>>
      tpu.enqueue_dma source(%dma_start3A_174 : memref<64x64xf32, #tpu.memory_space<vmem_shared>>) target(%arg8 : memref<64x64xf32, #tpu.memory_space<vmem>>) target_semaphore(%run_scoped3A_170 : memref<!tpu.dma_semaphore, #tpu.memory_space<semaphore_mem>>)
      %dma_wait3A = arith.constant 0 : i32
      %dma_wait3A_175 = tpu.memref_slice %arg9[%add3A_161, %dma_wait3A] : memref<10240x64xf32, #tpu.memory_space<vmem_shared>> -> memref<64x64xf32, #tpu.memory_space<vmem_shared>>
      %dma_wait3A_176 = arith.constant 0 : i32
      %dma_wait3A_177 = tpu.memref_slice %arg9[%add3A_161, %dma_wait3A_176] : memref<10240x64xf32, #tpu.memory_space<vmem_shared>> -> memref<64x64xf32, #tpu.memory_space<vmem_shared>>
      tpu.wait_dma2 semaphore(%run_scoped3A_170 : memref<!tpu.dma_semaphore, #tpu.memory_space<semaphore_mem>>) src(%dma_wait3A_177 : memref<64x64xf32, #tpu.memory_space<vmem_shared>>) dst(%arg8 : memref<64x64xf32, #tpu.memory_space<vmem>>)
      tpu.yield
    }) : () -> ()
    "tpu.region"() ({
      %run_scoped3A_170 = tpu.sem_alloc : memref<!tpu.dma_semaphore, #tpu.memory_space<semaphore_mem>>
      %dma_start3A_171 = arith.constant 0 : i32
      %dma_start3A_172 = tpu.memref_slice %arg4[%arg0, %add3A_161, %dma_start3A_171] : memref<2x10240x64xf32, #tpu.memory_space<hbm>> -> memref<1x64x64xf32, #tpu.memory_space<hbm>>
      %dma_start3A_173 = tpu.memref_squeeze %dma_start3A_172 : memref<1x64x64xf32, #tpu.memory_space<hbm>> -> memref<64x64xf32, #tpu.memory_space<hbm>>
      %dma_start3A_174 = arith.constant 0 : i32
      %dma_start3A_175 = tpu.memref_slice %arg4[%arg0, %add3A_161, %dma_start3A_174] : memref<2x10240x64xf32, #tpu.memory_space<hbm>> -> memref<1x64x64xf32, #tpu.memory_space<hbm>>
      %dma_start3A_176 = tpu.memref_squeeze %dma_start3A_175 : memref<1x64x64xf32, #tpu.memory_space<hbm>> -> memref<64x64xf32, #tpu.memory_space<hbm>>
      tpu.enqueue_dma source(%arg8 : memref<64x64xf32, #tpu.memory_space<vmem>>) target(%dma_start3A_176 : memref<64x64xf32, #tpu.memory_space<hbm>>) target_semaphore(%run_scoped3A_170 : memref<!tpu.dma_semaphore, #tpu.memory_space<semaphore_mem>>)
      %dma_wait3A = arith.constant 0 : i32
      %dma_wait3A_177 = tpu.memref_slice %arg4[%arg0, %add3A_161, %dma_wait3A] : memref<2x10240x64xf32, #tpu.memory_space<hbm>> -> memref<1x64x64xf32, #tpu.memory_space<hbm>>
      %dma_wait3A_178 = tpu.memref_squeeze %dma_wait3A_177 : memref<1x64x64xf32, #tpu.memory_space<hbm>> -> memref<64x64xf32, #tpu.memory_space<hbm>>
      %dma_wait3A_179 = arith.constant 0 : i32
      %dma_wait3A_180 = tpu.memref_slice %arg4[%arg0, %add3A_161, %dma_wait3A_179] : memref<2x10240x64xf32, #tpu.memory_space<hbm>> -> memref<1x64x64xf32, #tpu.memory_space<hbm>>
      %dma_wait3A_181 = tpu.memref_squeeze %dma_wait3A_180 : memref<1x64x64xf32, #tpu.memory_space<hbm>> -> memref<64x64xf32, #tpu.memory_space<hbm>>
      tpu.wait_dma2 semaphore(%run_scoped3A_170 : memref<!tpu.dma_semaphore, #tpu.memory_space<semaphore_mem>>) src(%arg8 : memref<64x64xf32, #tpu.memory_space<vmem>>) dst(%dma_wait3A_181 : memref<64x64xf32, #tpu.memory_space<hbm>>)
      tpu.yield
    }) : () -> ()
    %mul3A_162 = arith.constant 640 : i32
    %mul3A_163 = arith.muli %arg1, %mul3A_162 : i32
    %add3A_164 = arith.constant 512 : i32
    %add3A_165 = arith.addi %mul3A_163, %add3A_164 : i32
    "tpu.region"() ({
      %run_scoped3A_170 = tpu.sem_alloc : memref<!tpu.dma_semaphore, #tpu.memory_space<semaphore_mem>>
      %dma_start3A_171 = arith.constant 0 : i32
      %dma_start3A_172 = tpu.memref_slice %arg9[%add3A_165, %dma_start3A_171] : memref<10240x64xf32, #tpu.memory_space<vmem_shared>> -> memref<64x64xf32, #tpu.memory_space<vmem_shared>>
      %dma_start3A_173 = arith.constant 0 : i32
      %dma_start3A_174 = tpu.memref_slice %arg9[%add3A_165, %dma_start3A_173] : memref<10240x64xf32, #tpu.memory_space<vmem_shared>> -> memref<64x64xf32, #tpu.memory_space<vmem_shared>>
      tpu.enqueue_dma source(%dma_start3A_174 : memref<64x64xf32, #tpu.memory_space<vmem_shared>>) target(%arg8 : memref<64x64xf32, #tpu.memory_space<vmem>>) target_semaphore(%run_scoped3A_170 : memref<!tpu.dma_semaphore, #tpu.memory_space<semaphore_mem>>)
      %dma_wait3A = arith.constant 0 : i32
      %dma_wait3A_175 = tpu.memref_slice %arg9[%add3A_165, %dma_wait3A] : memref<10240x64xf32, #tpu.memory_space<vmem_shared>> -> memref<64x64xf32, #tpu.memory_space<vmem_shared>>
      %dma_wait3A_176 = arith.constant 0 : i32
      %dma_wait3A_177 = tpu.memref_slice %arg9[%add3A_165, %dma_wait3A_176] : memref<10240x64xf32, #tpu.memory_space<vmem_shared>> -> memref<64x64xf32, #tpu.memory_space<vmem_shared>>
      tpu.wait_dma2 semaphore(%run_scoped3A_170 : memref<!tpu.dma_semaphore, #tpu.memory_space<semaphore_mem>>) src(%dma_wait3A_177 : memref<64x64xf32, #tpu.memory_space<vmem_shared>>) dst(%arg8 : memref<64x64xf32, #tpu.memory_space<vmem>>)
      tpu.yield
    }) : () -> ()
    "tpu.region"() ({
      %run_scoped3A_170 = tpu.sem_alloc : memref<!tpu.dma_semaphore, #tpu.memory_space<semaphore_mem>>
      %dma_start3A_171 = arith.constant 0 : i32
      %dma_start3A_172 = tpu.memref_slice %arg4[%arg0, %add3A_165, %dma_start3A_171] : memref<2x10240x64xf32, #tpu.memory_space<hbm>> -> memref<1x64x64xf32, #tpu.memory_space<hbm>>
      %dma_start3A_173 = tpu.memref_squeeze %dma_start3A_172 : memref<1x64x64xf32, #tpu.memory_space<hbm>> -> memref<64x64xf32, #tpu.memory_space<hbm>>
      %dma_start3A_174 = arith.constant 0 : i32
      %dma_start3A_175 = tpu.memref_slice %arg4[%arg0, %add3A_165, %dma_start3A_174] : memref<2x10240x64xf32, #tpu.memory_space<hbm>> -> memref<1x64x64xf32, #tpu.memory_space<hbm>>
      %dma_start3A_176 = tpu.memref_squeeze %dma_start3A_175 : memref<1x64x64xf32, #tpu.memory_space<hbm>> -> memref<64x64xf32, #tpu.memory_space<hbm>>
      tpu.enqueue_dma source(%arg8 : memref<64x64xf32, #tpu.memory_space<vmem>>) target(%dma_start3A_176 : memref<64x64xf32, #tpu.memory_space<hbm>>) target_semaphore(%run_scoped3A_170 : memref<!tpu.dma_semaphore, #tpu.memory_space<semaphore_mem>>)
      %dma_wait3A = arith.constant 0 : i32
      %dma_wait3A_177 = tpu.memref_slice %arg4[%arg0, %add3A_165, %dma_wait3A] : memref<2x10240x64xf32, #tpu.memory_space<hbm>> -> memref<1x64x64xf32, #tpu.memory_space<hbm>>
      %dma_wait3A_178 = tpu.memref_squeeze %dma_wait3A_177 : memref<1x64x64xf32, #tpu.memory_space<hbm>> -> memref<64x64xf32, #tpu.memory_space<hbm>>
      %dma_wait3A_179 = arith.constant 0 : i32
      %dma_wait3A_180 = tpu.memref_slice %arg4[%arg0, %add3A_165, %dma_wait3A_179] : memref<2x10240x64xf32, #tpu.memory_space<hbm>> -> memref<1x64x64xf32, #tpu.memory_space<hbm>>
      %dma_wait3A_181 = tpu.memref_squeeze %dma_wait3A_180 : memref<1x64x64xf32, #tpu.memory_space<hbm>> -> memref<64x64xf32, #tpu.memory_space<hbm>>
      tpu.wait_dma2 semaphore(%run_scoped3A_170 : memref<!tpu.dma_semaphore, #tpu.memory_space<semaphore_mem>>) src(%arg8 : memref<64x64xf32, #tpu.memory_space<vmem>>) dst(%dma_wait3A_181 : memref<64x64xf32, #tpu.memory_space<hbm>>)
      tpu.yield
    }) : () -> ()
    %mul3A_166 = arith.constant 640 : i32
    %mul3A_167 = arith.muli %arg1, %mul3A_166 : i32
    %add3A_168 = arith.constant 576 : i32
    %add3A_169 = arith.addi %mul3A_167, %add3A_168 : i32
    "tpu.region"() ({
      %run_scoped3A_170 = tpu.sem_alloc : memref<!tpu.dma_semaphore, #tpu.memory_space<semaphore_mem>>
      %dma_start3A_171 = arith.constant 0 : i32
      %dma_start3A_172 = tpu.memref_slice %arg9[%add3A_169, %dma_start3A_171] : memref<10240x64xf32, #tpu.memory_space<vmem_shared>> -> memref<64x64xf32, #tpu.memory_space<vmem_shared>>
      %dma_start3A_173 = arith.constant 0 : i32
      %dma_start3A_174 = tpu.memref_slice %arg9[%add3A_169, %dma_start3A_173] : memref<10240x64xf32, #tpu.memory_space<vmem_shared>> -> memref<64x64xf32, #tpu.memory_space<vmem_shared>>
      tpu.enqueue_dma source(%dma_start3A_174 : memref<64x64xf32, #tpu.memory_space<vmem_shared>>) target(%arg8 : memref<64x64xf32, #tpu.memory_space<vmem>>) target_semaphore(%run_scoped3A_170 : memref<!tpu.dma_semaphore, #tpu.memory_space<semaphore_mem>>)
      %dma_wait3A = arith.constant 0 : i32
      %dma_wait3A_175 = tpu.memref_slice %arg9[%add3A_169, %dma_wait3A] : memref<10240x64xf32, #tpu.memory_space<vmem_shared>> -> memref<64x64xf32, #tpu.memory_space<vmem_shared>>
      %dma_wait3A_176 = arith.constant 0 : i32
      %dma_wait3A_177 = tpu.memref_slice %arg9[%add3A_169, %dma_wait3A_176] : memref<10240x64xf32, #tpu.memory_space<vmem_shared>> -> memref<64x64xf32, #tpu.memory_space<vmem_shared>>
      tpu.wait_dma2 semaphore(%run_scoped3A_170 : memref<!tpu.dma_semaphore, #tpu.memory_space<semaphore_mem>>) src(%dma_wait3A_177 : memref<64x64xf32, #tpu.memory_space<vmem_shared>>) dst(%arg8 : memref<64x64xf32, #tpu.memory_space<vmem>>)
      tpu.yield
    }) : () -> ()
    "tpu.region"() ({
      %run_scoped3A_170 = tpu.sem_alloc : memref<!tpu.dma_semaphore, #tpu.memory_space<semaphore_mem>>
      %dma_start3A_171 = arith.constant 0 : i32
      %dma_start3A_172 = tpu.memref_slice %arg4[%arg0, %add3A_169, %dma_start3A_171] : memref<2x10240x64xf32, #tpu.memory_space<hbm>> -> memref<1x64x64xf32, #tpu.memory_space<hbm>>
      %dma_start3A_173 = tpu.memref_squeeze %dma_start3A_172 : memref<1x64x64xf32, #tpu.memory_space<hbm>> -> memref<64x64xf32, #tpu.memory_space<hbm>>
      %dma_start3A_174 = arith.constant 0 : i32
      %dma_start3A_175 = tpu.memref_slice %arg4[%arg0, %add3A_169, %dma_start3A_174] : memref<2x10240x64xf32, #tpu.memory_space<hbm>> -> memref<1x64x64xf32, #tpu.memory_space<hbm>>
      %dma_start3A_176 = tpu.memref_squeeze %dma_start3A_175 : memref<1x64x64xf32, #tpu.memory_space<hbm>> -> memref<64x64xf32, #tpu.memory_space<hbm>>
      tpu.enqueue_dma source(%arg8 : memref<64x64xf32, #tpu.memory_space<vmem>>) target(%dma_start3A_176 : memref<64x64xf32, #tpu.memory_space<hbm>>) target_semaphore(%run_scoped3A_170 : memref<!tpu.dma_semaphore, #tpu.memory_space<semaphore_mem>>)
      %dma_wait3A = arith.constant 0 : i32
      %dma_wait3A_177 = tpu.memref_slice %arg4[%arg0, %add3A_169, %dma_wait3A] : memref<2x10240x64xf32, #tpu.memory_space<hbm>> -> memref<1x64x64xf32, #tpu.memory_space<hbm>>
      %dma_wait3A_178 = tpu.memref_squeeze %dma_wait3A_177 : memref<1x64x64xf32, #tpu.memory_space<hbm>> -> memref<64x64xf32, #tpu.memory_space<hbm>>
      %dma_wait3A_179 = arith.constant 0 : i32
      %dma_wait3A_180 = tpu.memref_slice %arg4[%arg0, %add3A_169, %dma_wait3A_179] : memref<2x10240x64xf32, #tpu.memory_space<hbm>> -> memref<1x64x64xf32, #tpu.memory_space<hbm>>
      %dma_wait3A_181 = tpu.memref_squeeze %dma_wait3A_180 : memref<1x64x64xf32, #tpu.memory_space<hbm>> -> memref<64x64xf32, #tpu.memory_space<hbm>>
      tpu.wait_dma2 semaphore(%run_scoped3A_170 : memref<!tpu.dma_semaphore, #tpu.memory_space<semaphore_mem>>) src(%arg8 : memref<64x64xf32, #tpu.memory_space<vmem>>) dst(%dma_wait3A_181 : memref<64x64xf32, #tpu.memory_space<hbm>>)
      tpu.yield
    }) : () -> ()
    return
  }
}

module attributes {stable_mosaic.version = 14 : i64} {
  func.func @_prep_body(%arg0: i32, %arg1: memref<2x1x1000x1xf32, #tpu.memory_space<vmem>>, %arg2: memref<1000x128xf32, #tpu.memory_space<vmem>>, %arg3: memref<1000x1xf32, #tpu.memory_space<vmem>>, %arg4: memref<2x1000x64xf32, #tpu.memory_space<vmem>>) attributes {dimension_semantics = [#tpu.dimension_semantics<arbitrary>], iteration_bounds = array<i64: 10>, scalar_prefetch = 0 : i64, scratch_operands = 0 : i64, tpu.core_type = #tpu.core_type<tc>, window_params = [{transform_indices = @transform_0, window_bounds = array<i64: 2, 1, 1000, 1>}, {transform_indices = @transform_1, window_bounds = array<i64: 1000, 128>}, {transform_indices = @transform_2, window_bounds = array<i64: 1000, 1>}, {transform_indices = @transform_3, window_bounds = array<i64: 2, 1000, 64>}]} {
    %get3A = arith.constant 0 : index
    %get3A_0 = arith.constant 0 : index
    %get3A_1 = arith.constant 0 : index
    %get3A_2 = arith.constant 0 : index
    %get3A_3 = vector.load %arg1[%get3A, %get3A_0, %get3A_1, %get3A_2] : memref<2x1x1000x1xf32, #tpu.memory_space<vmem>>, vector<1x1x1000x1xf32>
    %get3A_4 = vector.shape_cast %get3A_3 : vector<1x1x1000x1xf32> to vector<1000x1xf32>
    %get3A_5 = arith.constant 1 : index
    %get3A_6 = arith.constant 0 : index
    %get3A_7 = arith.constant 0 : index
    %get3A_8 = arith.constant 0 : index
    %get3A_9 = vector.load %arg1[%get3A_5, %get3A_6, %get3A_7, %get3A_8] : memref<2x1x1000x1xf32, #tpu.memory_space<vmem>>, vector<1x1x1000x1xf32>
    %get3A_10 = vector.shape_cast %get3A_9 : vector<1x1x1000x1xf32> to vector<1000x1xf32>
    %add3A = arith.addf %get3A_4, %get3A_10 : vector<1000x1xf32>
    %gt3A = arith.constant 0.000000e+00 : f32
    %gt3A_11 = vector.broadcast %gt3A : f32 to vector<1000x1xf32>
    %gt3A_12 = arith.cmpf ogt, %add3A, %gt3A_11 : vector<1000x1xf32>
    %jit3A = arith.constant 1.000000e+00 : f32
    %broadcast_in_dim3A = vector.broadcast %jit3A : f32 to vector<1000x1xf32>
    %select_n3A = arith.select %gt3A_12, %add3A, %broadcast_in_dim3A : vector<1000x1xi1>, vector<1000x1xf32>
    %rsqrt3A = math.rsqrt %select_n3A : vector<1000x1xf32>
    %jit3A_13 = arith.constant 0.000000e+00 : f32
    %broadcast_in_dim3A_14 = vector.broadcast %jit3A_13 : f32 to vector<1000x1xf32>
    %select_n3A_15 = arith.select %gt3A_12, %rsqrt3A, %broadcast_in_dim3A_14 : vector<1000x1xi1>, vector<1000x1xf32>
    %swap3A = arith.constant 0 : index
    %swap3A_16 = arith.constant 0 : index
    %swap3A_17 = vector.load %arg3[%swap3A, %swap3A_16] : memref<1000x1xf32, #tpu.memory_space<vmem>>, vector<1000x1xf32>
    tpu.vector_store %arg3[%swap3A, %swap3A_16], %select_n3A_15 {strides = array<i32>} : memref<1000x1xf32, #tpu.memory_space<vmem>>, vector<1000x1xf32>,
    %get3A_18 = arith.constant 0 : index
    %get3A_19 = arith.constant 0 : index
    %get3A_20 = vector.load %arg2[%get3A_18, %get3A_19] : memref<1000x128xf32, #tpu.memory_space<vmem>>, vector<1000x128xf32>
    %mul3A = vector.broadcast %select_n3A_15 : vector<1000x1xf32> to vector<1000x128xf32>
    %mul3A_21 = arith.mulf %mul3A, %get3A_20 : vector<1000x128xf32>
    %slice3A = vector.extract_strided_slice %mul3A_21 {offsets = [0, 0], sizes = [1000, 64], strides = [1, 1]} : vector<1000x128xf32> to vector<1000x64xf32>
    %swap3A_22 = arith.constant 0 : index
    %swap3A_23 = arith.constant 0 : index
    %swap3A_24 = arith.constant 0 : index
    %swap3A_25 = vector.load %arg4[%swap3A_22, %swap3A_23, %swap3A_24] : memref<2x1000x64xf32, #tpu.memory_space<vmem>>, vector<1x1000x64xf32>
    %swap3A_26 = vector.shape_cast %swap3A_25 : vector<1x1000x64xf32> to vector<1000x64xf32>
    %swap3A_27 = vector.shape_cast %slice3A : vector<1000x64xf32> to vector<1x1000x64xf32>
    tpu.vector_store %arg4[%swap3A_22, %swap3A_23, %swap3A_24], %swap3A_27 {strides = array<i32>} : memref<2x1000x64xf32, #tpu.memory_space<vmem>>, vector<1x1000x64xf32>,
    %slice3A_28 = vector.extract_strided_slice %mul3A_21 {offsets = [0, 64], sizes = [1000, 64], strides = [1, 1]} : vector<1000x128xf32> to vector<1000x64xf32>
    %swap3A_29 = arith.constant 1 : index
    %swap3A_30 = arith.constant 0 : index
    %swap3A_31 = arith.constant 0 : index
    %swap3A_32 = vector.load %arg4[%swap3A_29, %swap3A_30, %swap3A_31] : memref<2x1000x64xf32, #tpu.memory_space<vmem>>, vector<1x1000x64xf32>
    %swap3A_33 = vector.shape_cast %swap3A_32 : vector<1x1000x64xf32> to vector<1000x64xf32>
    %swap3A_34 = vector.shape_cast %slice3A_28 : vector<1000x64xf32> to vector<1x1000x64xf32>
    tpu.vector_store %arg4[%swap3A_29, %swap3A_30, %swap3A_31], %swap3A_34 {strides = array<i32>} : memref<2x1000x64xf32, #tpu.memory_space<vmem>>, vector<1x1000x64xf32>,
    return
  }
  func.func @transform_0(%arg0: i32) -> (i32, i32, i32, i32) {
    %c0_i32 = arith.constant 0 : i32
    %c0_i32_0 = arith.constant 0 : i32
    %c0_i32_1 = arith.constant 0 : i32
    %c0_i32_2 = arith.constant 0 : i32
    return %c0_i32, %arg0, %c0_i32_0, %c0_i32_1 : i32, i32, i32, i32
  }
  func.func @transform_1(%arg0: i32) -> (i32, i32) {
    %c0_i32 = arith.constant 0 : i32
    %c0_i32_0 = arith.constant 0 : i32
    return %arg0, %c0_i32 : i32, i32
  }
  func.func @transform_2(%arg0: i32) -> (i32, i32) {
    %c0_i32 = arith.constant 0 : i32
    %c0_i32_0 = arith.constant 0 : i32
    return %arg0, %c0_i32 : i32, i32
  }
  func.func @transform_3(%arg0: i32) -> (i32, i32, i32) {
    %c0_i32 = arith.constant 0 : i32
    %c0_i32_0 = arith.constant 0 : i32
    %c0_i32_1 = arith.constant 0 : i32
    return %c0_i32, %arg0, %c0_i32_0 : i32, i32, i32
  }
}

module attributes {stable_mosaic.version = 14 : i64} {
  func.func @_xw0_body(%arg0: i32, %arg1: memref<1000x128xf32, #tpu.memory_space<vmem>>, %arg2: memref<128x128xf32, #tpu.memory_space<vmem>>, %arg3: memref<1x128xf32, #tpu.memory_space<vmem>>, %arg4: memref<1000x128xf32, #tpu.memory_space<vmem>>) attributes {dimension_semantics = [#tpu.dimension_semantics<arbitrary>], iteration_bounds = array<i64: 10>, scalar_prefetch = 0 : i64, scratch_operands = 0 : i64, tpu.core_type = #tpu.core_type<tc>, window_params = [{transform_indices = @transform_0, window_bounds = array<i64: 1000, 128>}, {pipeline_mode = #tpu.pipeline_mode<synchronous>, transform_indices = @transform_1, window_bounds = array<i64: 128, 128>}, {pipeline_mode = #tpu.pipeline_mode<synchronous>, transform_indices = @transform_2, window_bounds = array<i64: 1, 128>}, {transform_indices = @transform_3, window_bounds = array<i64: 1000, 128>}]} {
    %get3A = arith.constant 0 : index
    %get3A_0 = arith.constant 0 : index
    %get3A_1 = vector.load %arg1[%get3A, %get3A_0] : memref<1000x128xf32, #tpu.memory_space<vmem>>, vector<1000x128xf32>
    %get3A_2 = arith.constant 0 : index
    %get3A_3 = arith.constant 0 : index
    %get3A_4 = vector.load %arg2[%get3A_2, %get3A_3] : memref<128x128xf32, #tpu.memory_space<vmem>>, vector<128x128xf32>
    %dot_general3A = arith.constant dense<0.000000e+00> : vector<1000x128xf32>
    %dot_general3A_5 = tpu.matmul %get3A_1, %get3A_4, %dot_general3A {dimension_numbers = #tpu.dot_dimension_numbers<[1], [0], [0], [1], [0, 0, 1, 1], [], []>, transpose_lhs_hint = false} : vector<1000x128xf32>, vector<128x128xf32>, vector<1000x128xf32> -> vector<1000x128xf32>
    %get3A_6 = arith.constant 0 : index
    %get3A_7 = arith.constant 0 : index
    %get3A_8 = vector.load %arg3[%get3A_6, %get3A_7] : memref<1x128xf32, #tpu.memory_space<vmem>>, vector<1x128xf32>
    %add3A = vector.broadcast %get3A_8 : vector<1x128xf32> to vector<1000x128xf32>
    %add3A_9 = arith.addf %dot_general3A_5, %add3A : vector<1000x128xf32>
    %swap3A = arith.constant 0 : index
    %swap3A_10 = arith.constant 0 : index
    %swap3A_11 = vector.load %arg4[%swap3A, %swap3A_10] : memref<1000x128xf32, #tpu.memory_space<vmem>>, vector<1000x128xf32>
    tpu.vector_store %arg4[%swap3A, %swap3A_10], %add3A_9 {strides = array<i32>} : memref<1000x128xf32, #tpu.memory_space<vmem>>, vector<1000x128xf32>,
    return
  }
  func.func @transform_0(%arg0: i32) -> (i32, i32) {
    %c0_i32 = arith.constant 0 : i32
    %c0_i32_0 = arith.constant 0 : i32
    return %arg0, %c0_i32 : i32, i32
  }
  func.func @transform_1(%arg0: i32) -> (i32, i32) {
    %c0_i32 = arith.constant 0 : i32
    %c0_i32_0 = arith.constant 0 : i32
    %c0_i32_1 = arith.constant 0 : i32
    return %c0_i32, %c0_i32_0 : i32, i32
  }
  func.func @transform_2(%arg0: i32) -> (i32, i32) {
    %c0_i32 = arith.constant 0 : i32
    %c0_i32_0 = arith.constant 0 : i32
    %c0_i32_1 = arith.constant 0 : i32
    return %c0_i32, %c0_i32_0 : i32, i32
  }
  func.func @transform_3(%arg0: i32) -> (i32, i32) {
    %c0_i32 = arith.constant 0 : i32
    %c0_i32_0 = arith.constant 0 : i32
    return %arg0, %c0_i32 : i32, i32
  }
}

module attributes {stable_mosaic.version = 14 : i64} {
  func.func @_mid1_body(%arg0: i32, %arg1: memref<2x1000x64xf32, #tpu.memory_space<vmem>>, %arg2: memref<1000x1xf32, #tpu.memory_space<vmem>>, %arg3: memref<1000x128xf32, #tpu.memory_space<vmem>>, %arg4: memref<128x128xf32, #tpu.memory_space<vmem>>, %arg5: memref<1000x128xf32, #tpu.memory_space<vmem>>, %arg6: memref<2x128xf32, #tpu.memory_space<vmem>>, %arg7: memref<1x128xf32, #tpu.memory_space<vmem>>, %arg8: memref<1x128xf32, #tpu.memory_space<vmem>>) attributes {dimension_semantics = [#tpu.dimension_semantics<arbitrary>], iteration_bounds = array<i64: 10>, scalar_prefetch = 0 : i64, scratch_operands = 2 : i64, tpu.core_type = #tpu.core_type<tc>, window_params = [{transform_indices = @transform_0, window_bounds = array<i64: 2, 1000, 64>}, {transform_indices = @transform_1, window_bounds = array<i64: 1000, 1>}, {transform_indices = @transform_2, window_bounds = array<i64: 1000, 128>}, {pipeline_mode = #tpu.pipeline_mode<synchronous>, transform_indices = @transform_3, window_bounds = array<i64: 128, 128>}, {transform_indices = @transform_4, window_bounds = array<i64: 1000, 128>}, {pipeline_mode = #tpu.pipeline_mode<synchronous>, transform_indices = @transform_5, window_bounds = array<i64: 2, 128>}]} {
    %get3A = arith.constant 0 : index
    %get3A_0 = arith.constant 0 : index
    %get3A_1 = vector.load %arg2[%get3A, %get3A_0] : memref<1000x1xf32, #tpu.memory_space<vmem>>, vector<1000x1xf32>
    %neg3A = arith.constant 0.000000e+00 : f32
    %neg3A_2 = vector.broadcast %neg3A : f32 to vector<1000x1xf32>
    %neg3A_3 = arith.subf %neg3A_2, %get3A_1 : vector<1000x1xf32>
    %get3A_4 = arith.constant 0 : index
    %get3A_5 = arith.constant 0 : index
    %get3A_6 = arith.constant 0 : index
    %get3A_7 = vector.load %arg1[%get3A_4, %get3A_5, %get3A_6] : memref<2x1000x64xf32, #tpu.memory_space<vmem>>, vector<1x1000x64xf32>
    %get3A_8 = vector.shape_cast %get3A_7 : vector<1x1000x64xf32> to vector<1000x64xf32>
    %get3A_9 = arith.constant 1 : index
    %get3A_10 = arith.constant 0 : index
    %get3A_11 = arith.constant 0 : index
    %get3A_12 = vector.load %arg1[%get3A_9, %get3A_10, %get3A_11] : memref<2x1000x64xf32, #tpu.memory_space<vmem>>, vector<1x1000x64xf32>
    %get3A_13 = vector.shape_cast %get3A_12 : vector<1x1000x64xf32> to vector<1000x64xf32>
    %concatenate3A = tpu.concatenate %get3A_8, %get3A_13 in 1 : vector<1000x64xf32>, vector<1000x64xf32> -> vector<1000x128xf32>
    %mul3A = vector.broadcast %neg3A_3 : vector<1000x1xf32> to vector<1000x128xf32>
    %mul3A_14 = arith.mulf %mul3A, %concatenate3A : vector<1000x128xf32>
    %get3A_15 = arith.constant 0 : index
    %get3A_16 = arith.constant 0 : index
    %get3A_17 = vector.load %arg3[%get3A_15, %get3A_16] : memref<1000x128xf32, #tpu.memory_space<vmem>>, vector<1000x128xf32>
    %get3A_18 = arith.constant 0 : index
    %get3A_19 = arith.constant 0 : index
    %get3A_20 = vector.load %arg4[%get3A_18, %get3A_19] : memref<128x128xf32, #tpu.memory_space<vmem>>, vector<128x128xf32>
    %dot_general3A = arith.constant dense<0.000000e+00> : vector<1000x128xf32>
    %dot_general3A_21 = tpu.matmul %mul3A_14, %get3A_20, %dot_general3A {dimension_numbers = #tpu.dot_dimension_numbers<[1], [0], [0], [1], [0, 0, 1, 1], [], []>, transpose_lhs_hint = false} : vector<1000x128xf32>, vector<128x128xf32>, vector<1000x128xf32> -> vector<1000x128xf32>
    %add3A = arith.addf %get3A_17, %dot_general3A_21 : vector<1000x128xf32>
    %swap3A = arith.constant 0 : index
    %swap3A_22 = arith.constant 0 : index
    %swap3A_23 = vector.load %arg5[%swap3A, %swap3A_22] : memref<1000x128xf32, #tpu.memory_space<vmem>>, vector<1000x128xf32>
    tpu.vector_store %arg5[%swap3A, %swap3A_22], %add3A {strides = array<i32>} : memref<1000x128xf32, #tpu.memory_space<vmem>>, vector<1000x128xf32>,
    %eq3A = arith.constant 0 : i32
    %eq3A_24 = arith.cmpi eq, %arg0, %eq3A : i32
    %convert_element_type3A = arith.extui %eq3A_24 : i1 to i32
    %cond3A = arith.constant 0 : i32
    %cond3A_25 = arith.cmpi ne, %convert_element_type3A, %cond3A : i32
    scf.if %cond3A_25 {
      %broadcast_in_dim3A_50 = arith.constant 0.000000e+00 : f32
      %broadcast_in_dim3A_51 = vector.broadcast %broadcast_in_dim3A_50 : f32 to vector<1x128xf32>
      %swap3A_52 = arith.constant 0 : index
      %swap3A_53 = arith.constant 0 : index
      %swap3A_54 = vector.load %arg7[%swap3A_52, %swap3A_53] : memref<1x128xf32, #tpu.memory_space<vmem>>, vector<1x128xf32>
      tpu.vector_store %arg7[%swap3A_52, %swap3A_53], %broadcast_in_dim3A_51 {strides = array<i32>} : memref<1x128xf32, #tpu.memory_space<vmem>>, vector<1x128xf32>,
      %broadcast_in_dim3A_55 = arith.constant 0.000000e+00 : f32
      %broadcast_in_dim3A_56 = vector.broadcast %broadcast_in_dim3A_55 : f32 to vector<1x128xf32>
      %swap3A_57 = arith.constant 0 : index
      %swap3A_58 = arith.constant 0 : index
      %swap3A_59 = vector.load %arg8[%swap3A_57, %swap3A_58] : memref<1x128xf32, #tpu.memory_space<vmem>>, vector<1x128xf32>
      tpu.vector_store %arg8[%swap3A_57, %swap3A_58], %broadcast_in_dim3A_56 {strides = array<i32>} : memref<1x128xf32, #tpu.memory_space<vmem>>, vector<1x128xf32>,
    } else {
    }
    %get3A_26 = arith.constant 0 : index
    %get3A_27 = arith.constant 0 : index
    %get3A_28 = vector.load %arg7[%get3A_26, %get3A_27] : memref<1x128xf32, #tpu.memory_space<vmem>>, vector<1x128xf32>
    %reduce_sum3A = arith.constant dense<0.000000e+00> : vector<128xf32>
    %reduce_sum3A_29 = vector.multi_reduction <add>, %add3A, %reduce_sum3A [0] : vector<1000x128xf32> to vector<128xf32>
    %broadcast_in_dim3A = vector.shape_cast %reduce_sum3A_29 : vector<128xf32> to vector<1x128xf32>
    %add3A_30 = arith.addf %get3A_28, %broadcast_in_dim3A : vector<1x128xf32>
    %swap3A_31 = arith.constant 0 : index
    %swap3A_32 = arith.constant 0 : index
    %swap3A_33 = vector.load %arg7[%swap3A_31, %swap3A_32] : memref<1x128xf32, #tpu.memory_space<vmem>>, vector<1x128xf32>
    tpu.vector_store %arg7[%swap3A_31, %swap3A_32], %add3A_30 {strides = array<i32>} : memref<1x128xf32, #tpu.memory_space<vmem>>, vector<1x128xf32>,
    %get3A_34 = arith.constant 0 : index
    %get3A_35 = arith.constant 0 : index
    %get3A_36 = vector.load %arg8[%get3A_34, %get3A_35] : memref<1x128xf32, #tpu.memory_space<vmem>>, vector<1x128xf32>
    %mul3A_37 = arith.mulf %add3A, %add3A : vector<1000x128xf32>
    %reduce_sum3A_38 = arith.constant dense<0.000000e+00> : vector<128xf32>
    %reduce_sum3A_39 = vector.multi_reduction <add>, %mul3A_37, %reduce_sum3A_38 [0] : vector<1000x128xf32> to vector<128xf32>
    %broadcast_in_dim3A_40 = vector.shape_cast %reduce_sum3A_39 : vector<128xf32> to vector<1x128xf32>
    %add3A_41 = arith.addf %get3A_36, %broadcast_in_dim3A_40 : vector<1x128xf32>
    %swap3A_42 = arith.constant 0 : index
    %swap3A_43 = arith.constant 0 : index
    %swap3A_44 = vector.load %arg8[%swap3A_42, %swap3A_43] : memref<1x128xf32, #tpu.memory_space<vmem>>, vector<1x128xf32>
    tpu.vector_store %arg8[%swap3A_42, %swap3A_43], %add3A_41 {strides = array<i32>} : memref<1x128xf32, #tpu.memory_space<vmem>>, vector<1x128xf32>,
    %eq3A_45 = arith.constant 9 : i32
    %eq3A_46 = arith.cmpi eq, %arg0, %eq3A_45 : i32
    %convert_element_type3A_47 = arith.extui %eq3A_46 : i1 to i32
    %cond3A_48 = arith.constant 0 : i32
    %cond3A_49 = arith.cmpi ne, %convert_element_type3A_47, %cond3A_48 : i32
    scf.if %cond3A_49 {
      %get3A_50 = arith.constant 0 : index
      %get3A_51 = arith.constant 0 : index
      %get3A_52 = vector.load %arg7[%get3A_50, %get3A_51] : memref<1x128xf32, #tpu.memory_space<vmem>>, vector<1x128xf32>
      %get3A_53 = arith.constant 0 : index
      %get3A_54 = arith.constant 0 : index
      %get3A_55 = vector.load %arg8[%get3A_53, %get3A_54] : memref<1x128xf32, #tpu.memory_space<vmem>>, vector<1x128xf32>
      %concatenate3A_56 = tpu.concatenate %get3A_52, %get3A_55 in 0 : vector<1x128xf32>, vector<1x128xf32> -> vector<2x128xf32>
      %swap3A_57 = arith.constant 0 : index
      %swap3A_58 = arith.constant 0 : index
      %swap3A_59 = vector.load %arg6[%swap3A_57, %swap3A_58] : memref<2x128xf32, #tpu.memory_space<vmem>>, vector<2x128xf32>
      tpu.vector_store %arg6[%swap3A_57, %swap3A_58], %concatenate3A_56 {strides = array<i32>} : memref<2x128xf32, #tpu.memory_space<vmem>>, vector<2x128xf32>,
    } else {
    }
    return
  }
  func.func @transform_0(%arg0: i32) -> (i32, i32, i32) {
    %c0_i32 = arith.constant 0 : i32
    %c0_i32_0 = arith.constant 0 : i32
    %c0_i32_1 = arith.constant 0 : i32
    return %c0_i32, %arg0, %c0_i32_0 : i32, i32, i32
  }
  func.func @transform_1(%arg0: i32) -> (i32, i32) {
    %c0_i32 = arith.constant 0 : i32
    %c0_i32_0 = arith.constant 0 : i32
    return %arg0, %c0_i32 : i32, i32
  }
  func.func @transform_2(%arg0: i32) -> (i32, i32) {
    %c0_i32 = arith.constant 0 : i32
    %c0_i32_0 = arith.constant 0 : i32
    return %arg0, %c0_i32 : i32, i32
  }
  func.func @transform_3(%arg0: i32) -> (i32, i32) {
    %c0_i32 = arith.constant 0 : i32
    %c0_i32_0 = arith.constant 0 : i32
    %c0_i32_1 = arith.constant 0 : i32
    return %c0_i32, %c0_i32_0 : i32, i32
  }
  func.func @transform_4(%arg0: i32) -> (i32, i32) {
    %c0_i32 = arith.constant 0 : i32
    %c0_i32_0 = arith.constant 0 : i32
    return %arg0, %c0_i32 : i32, i32
  }
  func.func @transform_5(%arg0: i32) -> (i32, i32) {
    %c0_i32 = arith.constant 0 : i32
    %c0_i32_0 = arith.constant 0 : i32
    %c0_i32_1 = arith.constant 0 : i32
    return %c0_i32, %c0_i32_0 : i32, i32
  }
}

module attributes {stable_mosaic.version = 14 : i64} {
  func.func @_bn_body(%arg0: i32, %arg1: memref<1000x128xf32, #tpu.memory_space<vmem>>, %arg2: memref<2x128xf32, #tpu.memory_space<vmem>>, %arg3: memref<1000x1xf32, #tpu.memory_space<vmem>>, %arg4: memref<1x128xf32, #tpu.memory_space<vmem>>, %arg5: memref<1x128xf32, #tpu.memory_space<vmem>>, %arg6: memref<2x1000x64xf32, #tpu.memory_space<vmem>>) attributes {dimension_semantics = [#tpu.dimension_semantics<arbitrary>], iteration_bounds = array<i64: 10>, scalar_prefetch = 0 : i64, scratch_operands = 0 : i64, tpu.core_type = #tpu.core_type<tc>, window_params = [{transform_indices = @transform_0, window_bounds = array<i64: 1000, 128>}, {pipeline_mode = #tpu.pipeline_mode<synchronous>, transform_indices = @transform_1, window_bounds = array<i64: 2, 128>}, {transform_indices = @transform_2, window_bounds = array<i64: 1000, 1>}, {pipeline_mode = #tpu.pipeline_mode<synchronous>, transform_indices = @transform_3, window_bounds = array<i64: 1, 128>}, {pipeline_mode = #tpu.pipeline_mode<synchronous>, transform_indices = @transform_4, window_bounds = array<i64: 1, 128>}, {transform_indices = @transform_5, window_bounds = array<i64: 2, 1000, 64>}]} {
    %get3A = arith.constant 0 : index
    %get3A_0 = arith.constant 0 : index
    %get3A_1 = vector.load %arg3[%get3A, %get3A_0] : memref<1000x1xf32, #tpu.memory_space<vmem>>, vector<1000x1xf32>
    %get3A_2 = arith.constant 0 : index
    %get3A_3 = arith.constant 0 : index
    %get3A_4 = vector.load %arg2[%get3A_2, %get3A_3] : memref<2x128xf32, #tpu.memory_space<vmem>>, vector<1x128xf32>
    %mul3A = arith.constant 9.99999974E-5 : f32
    %mul3A_5 = vector.broadcast %mul3A : f32 to vector<1x128xf32>
    %mul3A_6 = arith.mulf %get3A_4, %mul3A_5 : vector<1x128xf32>
    %get3A_7 = arith.constant 1 : index
    %get3A_8 = arith.constant 0 : index
    %get3A_9 = vector.load %arg2[%get3A_7, %get3A_8] : memref<2x128xf32, #tpu.memory_space<vmem>>, vector<1x128xf32>
    %mul3A_10 = arith.constant 9.99999974E-5 : f32
    %mul3A_11 = vector.broadcast %mul3A_10 : f32 to vector<1x128xf32>
    %mul3A_12 = arith.mulf %get3A_9, %mul3A_11 : vector<1x128xf32>
    %mul3A_13 = arith.mulf %mul3A_6, %mul3A_6 : vector<1x128xf32>
    %sub3A = arith.subf %mul3A_12, %mul3A_13 : vector<1x128xf32>
    %add3A = arith.constant 9.99999974E-6 : f32
    %add3A_14 = vector.broadcast %add3A : f32 to vector<1x128xf32>
    %add3A_15 = arith.addf %sub3A, %add3A_14 : vector<1x128xf32>
    %rsqrt3A = math.rsqrt %add3A_15 : vector<1x128xf32>
    %get3A_16 = arith.constant 0 : index
    %get3A_17 = arith.constant 0 : index
    %get3A_18 = vector.load %arg1[%get3A_16, %get3A_17] : memref<1000x128xf32, #tpu.memory_space<vmem>>, vector<1000x128xf32>
    %sub3A_19 = vector.broadcast %mul3A_6 : vector<1x128xf32> to vector<1000x128xf32>
    %sub3A_20 = arith.subf %get3A_18, %sub3A_19 : vector<1000x128xf32>
    %mul3A_21 = vector.broadcast %rsqrt3A : vector<1x128xf32> to vector<1000x128xf32>
    %mul3A_22 = arith.mulf %sub3A_20, %mul3A_21 : vector<1000x128xf32>
    %get3A_23 = arith.constant 0 : index
    %get3A_24 = arith.constant 0 : index
    %get3A_25 = vector.load %arg4[%get3A_23, %get3A_24] : memref<1x128xf32, #tpu.memory_space<vmem>>, vector<1x128xf32>
    %mul3A_26 = vector.broadcast %get3A_25 : vector<1x128xf32> to vector<1000x128xf32>
    %mul3A_27 = arith.mulf %mul3A_22, %mul3A_26 : vector<1000x128xf32>
    %get3A_28 = arith.constant 0 : index
    %get3A_29 = arith.constant 0 : index
    %get3A_30 = vector.load %arg5[%get3A_28, %get3A_29] : memref<1x128xf32, #tpu.memory_space<vmem>>, vector<1x128xf32>
    %add3A_31 = vector.broadcast %get3A_30 : vector<1x128xf32> to vector<1000x128xf32>
    %add3A_32 = arith.addf %mul3A_27, %add3A_31 : vector<1000x128xf32>
    %max3A = arith.constant 0.000000e+00 : f32
    %max3A_33 = vector.broadcast %max3A : f32 to vector<1000x128xf32>
    %max3A_34 = arith.maximumf %add3A_32, %max3A_33 : vector<1000x128xf32>
    %mul3A_35 = vector.broadcast %get3A_1 : vector<1000x1xf32> to vector<1000x128xf32>
    %mul3A_36 = arith.mulf %mul3A_35, %max3A_34 : vector<1000x128xf32>
    %slice3A = vector.extract_strided_slice %mul3A_36 {offsets = [0, 0], sizes = [1000, 64], strides = [1, 1]} : vector<1000x128xf32> to vector<1000x64xf32>
    %swap3A = arith.constant 0 : index
    %swap3A_37 = arith.constant 0 : index
    %swap3A_38 = arith.constant 0 : index
    %swap3A_39 = vector.load %arg6[%swap3A, %swap3A_37, %swap3A_38] : memref<2x1000x64xf32, #tpu.memory_space<vmem>>, vector<1x1000x64xf32>
    %swap3A_40 = vector.shape_cast %swap3A_39 : vector<1x1000x64xf32> to vector<1000x64xf32>
    %swap3A_41 = vector.shape_cast %slice3A : vector<1000x64xf32> to vector<1x1000x64xf32>
    tpu.vector_store %arg6[%swap3A, %swap3A_37, %swap3A_38], %swap3A_41 {strides = array<i32>} : memref<2x1000x64xf32, #tpu.memory_space<vmem>>, vector<1x1000x64xf32>,
    %slice3A_42 = vector.extract_strided_slice %mul3A_36 {offsets = [0, 64], sizes = [1000, 64], strides = [1, 1]} : vector<1000x128xf32> to vector<1000x64xf32>
    %swap3A_43 = arith.constant 1 : index
    %swap3A_44 = arith.constant 0 : index
    %swap3A_45 = arith.constant 0 : index
    %swap3A_46 = vector.load %arg6[%swap3A_43, %swap3A_44, %swap3A_45] : memref<2x1000x64xf32, #tpu.memory_space<vmem>>, vector<1x1000x64xf32>
    %swap3A_47 = vector.shape_cast %swap3A_46 : vector<1x1000x64xf32> to vector<1000x64xf32>
    %swap3A_48 = vector.shape_cast %slice3A_42 : vector<1000x64xf32> to vector<1x1000x64xf32>
    tpu.vector_store %arg6[%swap3A_43, %swap3A_44, %swap3A_45], %swap3A_48 {strides = array<i32>} : memref<2x1000x64xf32, #tpu.memory_space<vmem>>, vector<1x1000x64xf32>,
    return
  }
  func.func @transform_0(%arg0: i32) -> (i32, i32) {
    %c0_i32 = arith.constant 0 : i32
    %c0_i32_0 = arith.constant 0 : i32
    return %arg0, %c0_i32 : i32, i32
  }
  func.func @transform_1(%arg0: i32) -> (i32, i32) {
    %c0_i32 = arith.constant 0 : i32
    %c0_i32_0 = arith.constant 0 : i32
    %c0_i32_1 = arith.constant 0 : i32
    return %c0_i32, %c0_i32_0 : i32, i32
  }
  func.func @transform_2(%arg0: i32) -> (i32, i32) {
    %c0_i32 = arith.constant 0 : i32
    %c0_i32_0 = arith.constant 0 : i32
    return %arg0, %c0_i32 : i32, i32
  }
  func.func @transform_3(%arg0: i32) -> (i32, i32) {
    %c0_i32 = arith.constant 0 : i32
    %c0_i32_0 = arith.constant 0 : i32
    %c0_i32_1 = arith.constant 0 : i32
    return %c0_i32, %c0_i32_0 : i32, i32
  }
  func.func @transform_4(%arg0: i32) -> (i32, i32) {
    %c0_i32 = arith.constant 0 : i32
    %c0_i32_0 = arith.constant 0 : i32
    %c0_i32_1 = arith.constant 0 : i32
    return %c0_i32, %c0_i32_0 : i32, i32
  }
  func.func @transform_5(%arg0: i32) -> (i32, i32, i32) {
    %c0_i32 = arith.constant 0 : i32
    %c0_i32_0 = arith.constant 0 : i32
    %c0_i32_1 = arith.constant 0 : i32
    return %c0_i32, %arg0, %c0_i32_0 : i32, i32, i32
  }
}

module attributes {stable_mosaic.version = 14 : i64} {
  func.func @_hw_body(%arg0: i32, %arg1: memref<1000x128xf32, #tpu.memory_space<vmem>>, %arg2: memref<2x128xf32, #tpu.memory_space<vmem>>, %arg3: memref<1x128xf32, #tpu.memory_space<vmem>>, %arg4: memref<1x128xf32, #tpu.memory_space<vmem>>, %arg5: memref<128x128xf32, #tpu.memory_space<vmem>>, %arg6: memref<1x128xf32, #tpu.memory_space<vmem>>, %arg7: memref<1000x128xf32, #tpu.memory_space<vmem>>) attributes {dimension_semantics = [#tpu.dimension_semantics<arbitrary>], iteration_bounds = array<i64: 10>, scalar_prefetch = 0 : i64, scratch_operands = 0 : i64, tpu.core_type = #tpu.core_type<tc>, window_params = [{transform_indices = @transform_0, window_bounds = array<i64: 1000, 128>}, {pipeline_mode = #tpu.pipeline_mode<synchronous>, transform_indices = @transform_1, window_bounds = array<i64: 2, 128>}, {pipeline_mode = #tpu.pipeline_mode<synchronous>, transform_indices = @transform_2, window_bounds = array<i64: 1, 128>}, {pipeline_mode = #tpu.pipeline_mode<synchronous>, transform_indices = @transform_3, window_bounds = array<i64: 1, 128>}, {pipeline_mode = #tpu.pipeline_mode<synchronous>, transform_indices = @transform_4, window_bounds = array<i64: 128, 128>}, {pipeline_mode = #tpu.pipeline_mode<synchronous>, transform_indices = @transform_5, window_bounds = array<i64: 1, 128>}, {transform_indices = @transform_6, window_bounds = array<i64: 1000, 128>}]} {
    %get3A = arith.constant 0 : index
    %get3A_0 = arith.constant 0 : index
    %get3A_1 = vector.load %arg2[%get3A, %get3A_0] : memref<2x128xf32, #tpu.memory_space<vmem>>, vector<1x128xf32>
    %mul3A = arith.constant 9.99999974E-5 : f32
    %mul3A_2 = vector.broadcast %mul3A : f32 to vector<1x128xf32>
    %mul3A_3 = arith.mulf %get3A_1, %mul3A_2 : vector<1x128xf32>
    %get3A_4 = arith.constant 1 : index
    %get3A_5 = arith.constant 0 : index
    %get3A_6 = vector.load %arg2[%get3A_4, %get3A_5] : memref<2x128xf32, #tpu.memory_space<vmem>>, vector<1x128xf32>
    %mul3A_7 = arith.constant 9.99999974E-5 : f32
    %mul3A_8 = vector.broadcast %mul3A_7 : f32 to vector<1x128xf32>
    %mul3A_9 = arith.mulf %get3A_6, %mul3A_8 : vector<1x128xf32>
    %mul3A_10 = arith.mulf %mul3A_3, %mul3A_3 : vector<1x128xf32>
    %sub3A = arith.subf %mul3A_9, %mul3A_10 : vector<1x128xf32>
    %add3A = arith.constant 9.99999974E-6 : f32
    %add3A_11 = vector.broadcast %add3A : f32 to vector<1x128xf32>
    %add3A_12 = arith.addf %sub3A, %add3A_11 : vector<1x128xf32>
    %rsqrt3A = math.rsqrt %add3A_12 : vector<1x128xf32>
    %get3A_13 = arith.constant 0 : index
    %get3A_14 = arith.constant 0 : index
    %get3A_15 = vector.load %arg1[%get3A_13, %get3A_14] : memref<1000x128xf32, #tpu.memory_space<vmem>>, vector<1000x128xf32>
    %sub3A_16 = vector.broadcast %mul3A_3 : vector<1x128xf32> to vector<1000x128xf32>
    %sub3A_17 = arith.subf %get3A_15, %sub3A_16 : vector<1000x128xf32>
    %mul3A_18 = vector.broadcast %rsqrt3A : vector<1x128xf32> to vector<1000x128xf32>
    %mul3A_19 = arith.mulf %sub3A_17, %mul3A_18 : vector<1000x128xf32>
    %get3A_20 = arith.constant 0 : index
    %get3A_21 = arith.constant 0 : index
    %get3A_22 = vector.load %arg3[%get3A_20, %get3A_21] : memref<1x128xf32, #tpu.memory_space<vmem>>, vector<1x128xf32>
    %mul3A_23 = vector.broadcast %get3A_22 : vector<1x128xf32> to vector<1000x128xf32>
    %mul3A_24 = arith.mulf %mul3A_19, %mul3A_23 : vector<1000x128xf32>
    %get3A_25 = arith.constant 0 : index
    %get3A_26 = arith.constant 0 : index
    %get3A_27 = vector.load %arg4[%get3A_25, %get3A_26] : memref<1x128xf32, #tpu.memory_space<vmem>>, vector<1x128xf32>
    %add3A_28 = vector.broadcast %get3A_27 : vector<1x128xf32> to vector<1000x128xf32>
    %add3A_29 = arith.addf %mul3A_24, %add3A_28 : vector<1000x128xf32>
    %max3A = arith.constant 0.000000e+00 : f32
    %max3A_30 = vector.broadcast %max3A : f32 to vector<1000x128xf32>
    %max3A_31 = arith.maximumf %add3A_29, %max3A_30 : vector<1000x128xf32>
    %get3A_32 = arith.constant 0 : index
    %get3A_33 = arith.constant 0 : index
    %get3A_34 = vector.load %arg5[%get3A_32, %get3A_33] : memref<128x128xf32, #tpu.memory_space<vmem>>, vector<128x128xf32>
    %dot_general3A = arith.constant dense<0.000000e+00> : vector<1000x128xf32>
    %dot_general3A_35 = tpu.matmul %max3A_31, %get3A_34, %dot_general3A {dimension_numbers = #tpu.dot_dimension_numbers<[1], [0], [0], [1], [0, 0, 1, 1], [], []>, transpose_lhs_hint = false} : vector<1000x128xf32>, vector<128x128xf32>, vector<1000x128xf32> -> vector<1000x128xf32>
    %get3A_36 = arith.constant 0 : index
    %get3A_37 = arith.constant 0 : index
    %get3A_38 = vector.load %arg6[%get3A_36, %get3A_37] : memref<1x128xf32, #tpu.memory_space<vmem>>, vector<1x128xf32>
    %add3A_39 = vector.broadcast %get3A_38 : vector<1x128xf32> to vector<1000x128xf32>
    %add3A_40 = arith.addf %dot_general3A_35, %add3A_39 : vector<1000x128xf32>
    %swap3A = arith.constant 0 : index
    %swap3A_41 = arith.constant 0 : index
    %swap3A_42 = vector.load %arg7[%swap3A, %swap3A_41] : memref<1000x128xf32, #tpu.memory_space<vmem>>, vector<1000x128xf32>
    tpu.vector_store %arg7[%swap3A, %swap3A_41], %add3A_40 {strides = array<i32>} : memref<1000x128xf32, #tpu.memory_space<vmem>>, vector<1000x128xf32>,
    return
  }
  func.func @transform_0(%arg0: i32) -> (i32, i32) {
    %c0_i32 = arith.constant 0 : i32
    %c0_i32_0 = arith.constant 0 : i32
    return %arg0, %c0_i32 : i32, i32
  }
  func.func @transform_1(%arg0: i32) -> (i32, i32) {
    %c0_i32 = arith.constant 0 : i32
    %c0_i32_0 = arith.constant 0 : i32
    %c0_i32_1 = arith.constant 0 : i32
    return %c0_i32, %c0_i32_0 : i32, i32
  }
  func.func @transform_2(%arg0: i32) -> (i32, i32) {
    %c0_i32 = arith.constant 0 : i32
    %c0_i32_0 = arith.constant 0 : i32
    %c0_i32_1 = arith.constant 0 : i32
    return %c0_i32, %c0_i32_0 : i32, i32
  }
  func.func @transform_3(%arg0: i32) -> (i32, i32) {
    %c0_i32 = arith.constant 0 : i32
    %c0_i32_0 = arith.constant 0 : i32
    %c0_i32_1 = arith.constant 0 : i32
    return %c0_i32, %c0_i32_0 : i32, i32
  }
  func.func @transform_4(%arg0: i32) -> (i32, i32) {
    %c0_i32 = arith.constant 0 : i32
    %c0_i32_0 = arith.constant 0 : i32
    %c0_i32_1 = arith.constant 0 : i32
    return %c0_i32, %c0_i32_0 : i32, i32
  }
  func.func @transform_5(%arg0: i32) -> (i32, i32) {
    %c0_i32 = arith.constant 0 : i32
    %c0_i32_0 = arith.constant 0 : i32
    %c0_i32_1 = arith.constant 0 : i32
    return %c0_i32, %c0_i32_0 : i32, i32
  }
  func.func @transform_6(%arg0: i32) -> (i32, i32) {
    %c0_i32 = arith.constant 0 : i32
    %c0_i32_0 = arith.constant 0 : i32
    return %arg0, %c0_i32 : i32, i32
  }
}

module attributes {stable_mosaic.version = 14 : i64} {
  func.func @_fin_body(%arg0: i32, %arg1: memref<2x1000x64xf32, #tpu.memory_space<vmem>>, %arg2: memref<1000x1xf32, #tpu.memory_space<vmem>>, %arg3: memref<1000x128xf32, #tpu.memory_space<vmem>>, %arg4: memref<128x128xf32, #tpu.memory_space<vmem>>, %arg5: memref<1000x64xf32, #tpu.memory_space<vmem>>, %arg6: memref<1000x64xf32, #tpu.memory_space<vmem>>) attributes {dimension_semantics = [#tpu.dimension_semantics<arbitrary>], iteration_bounds = array<i64: 10>, scalar_prefetch = 0 : i64, scratch_operands = 0 : i64, tpu.core_type = #tpu.core_type<tc>, window_params = [{transform_indices = @transform_0, window_bounds = array<i64: 2, 1000, 64>}, {transform_indices = @transform_1, window_bounds = array<i64: 1000, 1>}, {transform_indices = @transform_2, window_bounds = array<i64: 1000, 128>}, {pipeline_mode = #tpu.pipeline_mode<synchronous>, transform_indices = @transform_3, window_bounds = array<i64: 128, 128>}, {transform_indices = @transform_4, window_bounds = array<i64: 1000, 64>}, {transform_indices = @transform_5, window_bounds = array<i64: 1000, 64>}]} {
    %get3A = arith.constant 0 : index
    %get3A_0 = arith.constant 0 : index
    %get3A_1 = vector.load %arg2[%get3A, %get3A_0] : memref<1000x1xf32, #tpu.memory_space<vmem>>, vector<1000x1xf32>
    %neg3A = arith.constant 0.000000e+00 : f32
    %neg3A_2 = vector.broadcast %neg3A : f32 to vector<1000x1xf32>
    %neg3A_3 = arith.subf %neg3A_2, %get3A_1 : vector<1000x1xf32>
    %get3A_4 = arith.constant 0 : index
    %get3A_5 = arith.constant 0 : index
    %get3A_6 = arith.constant 0 : index
    %get3A_7 = vector.load %arg1[%get3A_4, %get3A_5, %get3A_6] : memref<2x1000x64xf32, #tpu.memory_space<vmem>>, vector<1x1000x64xf32>
    %get3A_8 = vector.shape_cast %get3A_7 : vector<1x1000x64xf32> to vector<1000x64xf32>
    %get3A_9 = arith.constant 1 : index
    %get3A_10 = arith.constant 0 : index
    %get3A_11 = arith.constant 0 : index
    %get3A_12 = vector.load %arg1[%get3A_9, %get3A_10, %get3A_11] : memref<2x1000x64xf32, #tpu.memory_space<vmem>>, vector<1x1000x64xf32>
    %get3A_13 = vector.shape_cast %get3A_12 : vector<1x1000x64xf32> to vector<1000x64xf32>
    %concatenate3A = tpu.concatenate %get3A_8, %get3A_13 in 1 : vector<1000x64xf32>, vector<1000x64xf32> -> vector<1000x128xf32>
    %mul3A = vector.broadcast %neg3A_3 : vector<1000x1xf32> to vector<1000x128xf32>
    %mul3A_14 = arith.mulf %mul3A, %concatenate3A : vector<1000x128xf32>
    %get3A_15 = arith.constant 0 : index
    %get3A_16 = arith.constant 0 : index
    %get3A_17 = vector.load %arg3[%get3A_15, %get3A_16] : memref<1000x128xf32, #tpu.memory_space<vmem>>, vector<1000x128xf32>
    %get3A_18 = arith.constant 0 : index
    %get3A_19 = arith.constant 0 : index
    %get3A_20 = vector.load %arg4[%get3A_18, %get3A_19] : memref<128x128xf32, #tpu.memory_space<vmem>>, vector<128x128xf32>
    %dot_general3A = arith.constant dense<0.000000e+00> : vector<1000x128xf32>
    %dot_general3A_21 = tpu.matmul %mul3A_14, %get3A_20, %dot_general3A {dimension_numbers = #tpu.dot_dimension_numbers<[1], [0], [0], [1], [0, 0, 1, 1], [], []>, transpose_lhs_hint = false} : vector<1000x128xf32>, vector<128x128xf32>, vector<1000x128xf32> -> vector<1000x128xf32>
    %add3A = arith.addf %get3A_17, %dot_general3A_21 : vector<1000x128xf32>
    %slice3A = vector.extract_strided_slice %add3A {offsets = [0, 0], sizes = [1000, 64], strides = [1, 1]} : vector<1000x128xf32> to vector<1000x64xf32>
    %swap3A = arith.constant 0 : index
    %swap3A_22 = arith.constant 0 : index
    %swap3A_23 = vector.load %arg5[%swap3A, %swap3A_22] : memref<1000x64xf32, #tpu.memory_space<vmem>>, vector<1000x64xf32>
    tpu.vector_store %arg5[%swap3A, %swap3A_22], %slice3A {strides = array<i32>} : memref<1000x64xf32, #tpu.memory_space<vmem>>, vector<1000x64xf32>,
    %slice3A_24 = vector.extract_strided_slice %add3A {offsets = [0, 64], sizes = [1000, 64], strides = [1, 1]} : vector<1000x128xf32> to vector<1000x64xf32>
    %swap3A_25 = arith.constant 0 : index
    %swap3A_26 = arith.constant 0 : index
    %swap3A_27 = vector.load %arg6[%swap3A_25, %swap3A_26] : memref<1000x64xf32, #tpu.memory_space<vmem>>, vector<1000x64xf32>
    tpu.vector_store %arg6[%swap3A_25, %swap3A_26], %slice3A_24 {strides = array<i32>} : memref<1000x64xf32, #tpu.memory_space<vmem>>, vector<1000x64xf32>,
    return
  }
  func.func @transform_0(%arg0: i32) -> (i32, i32, i32) {
    %c0_i32 = arith.constant 0 : i32
    %c0_i32_0 = arith.constant 0 : i32
    %c0_i32_1 = arith.constant 0 : i32
    return %c0_i32, %arg0, %c0_i32_0 : i32, i32, i32
  }
  func.func @transform_1(%arg0: i32) -> (i32, i32) {
    %c0_i32 = arith.constant 0 : i32
    %c0_i32_0 = arith.constant 0 : i32
    return %arg0, %c0_i32 : i32, i32
  }
  func.func @transform_2(%arg0: i32) -> (i32, i32) {
    %c0_i32 = arith.constant 0 : i32
    %c0_i32_0 = arith.constant 0 : i32
    return %arg0, %c0_i32 : i32, i32
  }
  func.func @transform_3(%arg0: i32) -> (i32, i32) {
    %c0_i32 = arith.constant 0 : i32
    %c0_i32_0 = arith.constant 0 : i32
    %c0_i32_1 = arith.constant 0 : i32
    return %c0_i32, %c0_i32_0 : i32, i32
  }
  func.func @transform_4(%arg0: i32) -> (i32, i32) {
    %c0_i32 = arith.constant 0 : i32
    %c0_i32_0 = arith.constant 0 : i32
    return %arg0, %c0_i32 : i32, i32
  }
  func.func @transform_5(%arg0: i32) -> (i32, i32) {
    %c0_i32 = arith.constant 0 : i32
    %c0_i32_0 = arith.constant 0 : i32
    return %arg0, %c0_i32 : i32, i32
  }
}

</mosaic_0001>

<sc_bundles>
// kernel: kernel.11.cloned.1.call-start
scs
__scs_entry_jumppad:
0x0: {  	(pc) =	sbr.rel $0x88, $3  }
0x1: {  	(tag) =	ssettag $0x0;
	lr =	simm.s32 $0x1  }
0x2: {  	[smem:$0x3F94] =	sst lr;
	_ =	strace $0xD0000000  }
0x3: {  	_ = 	snop  }
0x4: {  	_ = 	snop  }
0x5: {  	_ = 	snop  }
0x6: {  	_ = 	snop  }
0x7: {  	_ = 	snop  }
__scs_overlays_trampoline_lowered:
0x8: {  	[smem:$0x3FA3] =	sst s0  }
0x9: {  	[smem:$0x3FA4] =	sst s1  }
0xa: {  	[smem:$0x3FA5] =	sst s2  }
0xb: {  	[smem:$0x3FA6] =	sst s3  }
0xc: {  	[smem:$0x3FA7] =	sst s4  }
0xd: {  	[smem:$0x3FA8] =	sst s5  }
0xe: {  	[smem:$0x3FA9] =	sst s6  }
0xf: {  	[smem:$0x3FAA] =	sst s7  }
0x10: {  	[smem:$0x3FAB] =	sst s8  }
0x11: {  	[smem:$0x3FAC] =	sst s9;
	s0 =	simm.s32 @!p0 $0x0  }
0x12: {  	s1 =	sld [smem:$0x3F92];
	s0 =	simm.s32 @p0 $0x1  }
0x13: {  	[smem:$0x3FAD] =	sst s0;
	s0 =	simm.s32 @!p1 $0x0  }
0x14: {  	s2 =	sld [smem:$0x3F91];
	s0 =	simm.s32 @p1 $0x1  }
0x15: {  	[smem:$0x3FAE] =	sst s0;
	s0 =	simm.s32 @!p2 $0x0  }
0x16: {  	s3 =	sld [smem:$0x3FDB];
	s0 =	simm.s32 @p2 $0x1  }
0x17: {  	s4 =	simm.s32 $0x1BF5;
	[smem:$0x3FB0] =	sst s0  }
0x18: {  	s0 =	sld [smem:$0x3F93];
	_ =	swait.ge [sflag:s4], $0x0  }
0x19: {  	s7 =	sld [smem:$0x3F94]  }
0x1a: {  	s8 =	sadd.s32 $0xFFFFE003, lr  }
0x1b: {  	s9 =	sadd.s32 $0xFFFFFEF7, lr;
	s5 =	simm.s32 $0xFFFFFFFF;
	p2 =	slt.u32 s8, $0xFFFFF086  }
0x1c: {  	p1 =	slt.u32 s9, $0xF7A;
	s5 =	simm.s32 @!p2 $0x0  }
0x1d: {  	s5 =	simm.s32 @p1 $0x1;
	p0 =	seq.s32 s7, s2  }
0x1e: {  	s7 =	smul.u32 @!p0 $0xF7A, s2;
	p2 =	seq.s32 @!p0 s5, $0x0  }
0x1f: {  	s9 =	smul.u32 $0xF7A, s1;
	s8 =	simm.s32 @!p0 $0x1BF5;
	p2 =	por !p2, p0  }
0x20: {  	[sflag:s8] =	ssyncset.s32 @!p0 $0xFFFFF086;
	s6 =	sadd.s32 @!p0 s3, s7;
	s7 =	simm.s32 @!p0 $0x108  }
0x21: {  	s3 =	sadd.s32 s3, s9;
	s6 =	sadd.s32 @!p0 $0x88, s6;
	s7 =	simm.s32 @p2 $0x1082  }
0x22: {  	[simem:s7], [sflag:s8] =	dma.local @!p0 [hbm:s6], $0xF7A  }
0x23: {  	s9 =	sor.u32 $0xD0000000, s2;
	s6 =	simm.s32 $0x108;
	_ =	swait.ge @!p0 [sflag:s8], $0x0  }
0x24: {  	s3 =	sadd.s32 $0x88, s3;
	s6 =	simm.s32 @!p1 $0x1082;
	[sflag:s4] =	ssyncset.s32 $0xFFFFF086  }
0x25: {  	[simem:s6], [sflag:s4] =	dma.local [hbm:s3], $0xF7A  }
0x26: {  	[smem:$0x3F94] =	sst s1;
	(tag) =	ssettag s2;
	_ =	strace s9  }
0x27: {  	s1 =	sld [smem:$0x3FA4]  }
0x28: {  	s2 =	sld [smem:$0x3FA5]  }
0x29: {  	s4 =	sld [smem:$0x3FA7]  }
0x2a: {  	p0 =	seq.s32 s5, $0x0;
	s5 =	sld [smem:$0x3FA8]  }
0x2b: {  	s6 =	sld [smem:$0x3FA9]  }
0x2c: {  	s7 =	sld [smem:$0x3FAA]  }
0x2d: {  	s3 =	simm.s32 $0x108;
	s8 =	sld [smem:$0x3FAB]  }
0x2e: {  	s3 =	simm.s32 @!p0 $0x1082;
	s9 =	sld [smem:$0x3FAC]  }
0x2f: {  	lr =	sadd.s32 s0, s3;
	s0 =	sld [smem:$0x3FA3]  }
0x30: {  	s3 =	sld [smem:$0x3FA6]  }
0x31: {  	[smem:$0x3FAF] =	sst s10  }
0x32: {  	s10 =	sld [smem:$0x3FAD];
	_ =	sdelay $0x3  }
0x33: {  	p0 =	seq.s32 s10, $0x1;
	s10 =	sld [smem:$0x3FAF];
	_ =	sdelay $0x3  }
0x34: {  	[smem:$0x3FAF] =	sst s10  }
0x35: {  	s10 =	sld [smem:$0x3FAE];
	_ =	sdelay $0x3  }
0x36: {  	p1 =	seq.s32 s10, $0x1;
	s10 =	sld [smem:$0x3FAF];
	_ =	sdelay $0x3  }
0x37: {  	[smem:$0x3FAF] =	sst s10  }
0x38: {  	s10 =	sld [smem:$0x3FB0]  }
0x39: {  	_ = 	snop;
	(pc) =	sbr.ind lr, $3  }
0x3a: {  	_ = 	snop  }
0x3b: {  	_ = 	snop  }
0x3c: {  	p2 =	seq.s32 s10, $0x1;
	s10 =	sld [smem:$0x3FAF]  }
0x3d: {  	_ =	shalt  }
0x3e: {  	_ =	shalt  }
0x3f: {  	_ =	shalt  }
0x40: {  	_ =	shalt  }
0x41: {  	_ =	shalt  }
0x42: {  	_ =	shalt  }
0x43: {  	_ =	shalt  }
0x44: {  	_ =	shalt  }
0x45: {  	_ =	shalt  }
0x46: {  	_ =	shalt  }
0x47: {  	_ =	shalt  }
0x48: {  	_ =	shalt  }
0x49: {  	_ =	shalt  }
0x4a: {  	_ =	shalt  }
0x4b: {  	_ =	shalt  }
0x4c: {  	_ =	shalt  }
0x4d: {  	_ =	shalt  }
0x4e: {  	_ =	shalt  }
0x4f: {  	_ =	shalt  }
0x50: {  	_ =	shalt  }
0x51: {  	_ =	shalt  }
0x52: {  	_ =	shalt  }
0x53: {  	_ =	shalt  }
0x54: {  	_ =	shalt  }
0x55: {  	_ =	shalt  }
0x56: {  	_ =	shalt  }
0x57: {  	_ =	shalt  }
0x58: {  	_ =	shalt  }
0x59: {  	_ =	shalt  }
0x5a: {  	_ =	shalt  }
0x5b: {  	_ =	shalt  }
0x5c: {  	_ =	shalt  }
0x5d: {  	_ =	shalt  }
0x5e: {  	_ =	shalt  }
0x5f: {  	_ =	shalt  }
0x60: {  	_ =	shalt  }
0x61: {  	_ =	shalt  }
0x62: {  	_ =	shalt  }
0x63: {  	_ =	shalt  }
0x64: {  	_ =	shalt  }
0x65: {  	_ =	shalt  }
0x66: {  	_ =	shalt  }
0x67: {  	_ =	shalt  }
0x68: {  	_ =	shalt  }
0x69: {  	_ =	shalt  }
0x6a: {  	_ =	shalt  }
0x6b: {  	_ =	shalt  }
0x6c: {  	_ =	shalt  }
0x6d: {  	_ =	shalt  }
0x6e: {  	_ =	shalt  }
0x6f: {  	_ =	shalt  }
0x70: {  	_ =	shalt  }
0x71: {  	_ =	shalt  }
0x72: {  	_ =	shalt  }
0x73: {  	_ =	shalt  }
0x74: {  	_ =	shalt  }
0x75: {  	_ =	shalt  }
0x76: {  	_ =	shalt  }
0x77: {  	_ =	shalt  }
0x78: {  	_ =	shalt  }
0x79: {  	_ =	shalt  }
0x7a: {  	_ =	shalt  }
0x7b: {  	_ =	shalt  }
0x7c: {  	_ =	shalt  }
0x7d: {  	_ =	shalt  }
0x7e: {  	_ =	shalt  }
0x7f: {  	_ =	shalt  }
0x80: {  	_ =	shalt  }
0x81: {  	_ =	shalt  }
0x82: {  	_ =	shalt  }
0x83: {  	_ =	shalt  }
0x84: {  	_ =	shalt  }
0x85: {  	_ =	shalt  }
0x86: {  	_ =	shalt  }
0x87: {  	_ =	shalt  }
.Lfunc_end0:
.L_simem_size_0:
called_computation_lowered:
.L_overlay_start_0:
0x88: {  	s2 =	sld [smem:$0x3FD9]  }
0x89: {  	s3 =	sld [smem:$0x3FFE];
	_ =	sdelay $0x1  }
0x8a: {  	s1 =	srdreg.scid  }
0x8b: {  	s0 =	sand.u32 $0x1, s1  }
0x8c: {  	s14 =	sshll.u32 s0, $0xA;
	s2 =	sadd.s32 s3, s2  }
0x8d: {  	s2 =	sadd.s32 s2, s14  }
0x8e: {  	[smem:$0x3FBB] =	sst s2  }
0x8f: {  	_ = 	snop  }
0x90: {  	s2 =	sld [smem:$0x3FD0];
	_ =	sdelay $0x2  }
0x91: {  	s15 =	simm.s32 $0xA;
	s4 =	simm.s32 $0x10  }
0x92: {  	[smem:s4], [sflag:s15] =	dma.local [hbm:s2], $0x1  }
0x93: {  	_ =	swait.eq [sflag:s15], $0x1  }
0x94: {  	[sflag:s15] =	ssyncset.done $0x0  }
0x95: {  	[sflag:s15] =	ssyncadd.s32 $0xFFFFFFFF  }
0x96: {  	s16 =	sld [smem:$0x11];
	(tm) =	ssettm $0x1  }
0x97: {  	s17 =	sld [smem:$0x3FFB];
	_ =	sdelay $0x3  }
0x98: {  	_ =	strace s17  }
0x99: {  	s3 =	sld [smem:$0x3FFC];
	_ =	sdelay $0x3  }
0x9a: {  	_ =	strace s3  }
0x9b: {  	s3 =	sld [smem:$0x3FFD];
	_ =	sdelay $0x3  }
0x9c: {  	_ =	strace s3  }
0x9d: {  	_ =	strace $0x8FFFFFFF  }
0x9e: {  	s18 =	sld [smem:$0x3FDB];
	_ =	sdelay $0x1  }
0x9f: {  	s19 =	simm.s32 $_scs_section_size  }
0xa0: {  	s5 =	simm.s32 $_size__tile_overlayer_lowered;
	s6 =	simm.s32 $_tile_overlayer_lowered  }
0xa1: {  	s22 =	simm.s32 $0x1BFF;
	s21 =	sshll.u32 s6, $0x1;
	s3 =	sadd.s32 s19, s18  }
0xa2: {  	s7 =	simm.s32 $0x0;
	s20 =	sshll.u32 s5, $0x1;
	s5 =	sadd.s32 s21, s3  }
0xa3: {  	[timem:s7], [sflag:s22] =	dma.local [hbm:s5], s20  }
0xa4: {  	_ =	swait.ge [sflag:s22], s20  }
0xa5: {  	s4 =	ssub.s32 $0x0, s20;
	[sflag:s22] =	ssyncset.done $0x0  }
0xa6: {  	[sflag:s22] =	ssyncadd.s32 s4;
	_ =	sdelay $0x1  }
0xa7: {  	s23 =	simm.s32 $0x1B8B  }
0xa8: {  	_ =	swait.ge [sflag:s23], $0x1  }
0xa9: {  	[sflag:s23] =	ssyncset.done $0x0  }
0xaa: {  	s25 =	simm.s32 $0x1B8E;
	s24 =	sld [smem:$0x3FFE];
	[sflag:s23] =	ssyncadd.s32 $0xFFFFFFFF  }
0xab: {  	s26 =	simm.s32 $execute0_lowered;
	[smem:$0x3FD2] =	sst s25  }
0xac: {  	s5 =	sshll.u32 s26, $0x1;
	_ =	strace $0x80000046;
	[dreg:$0x1] =	wrdreg $0xFFFFFFFF  }
0xad: {  	s28 =	simm.s32 $_size_execute0_lowered;
	s3 =	sadd.s32 s3, s5;
	[dreg:$0x0] =	wrdreg $0x0  }
0xae: {  	s5 =	sshll.u32 s28, $0x1;
	[dreg:$0x2] =	wrdreg s3  }
0xaf: {  	[dreg:$0x3] =	wrdreg s5  }
0xb0: {  	[dreg:$0x4] =	wrdreg $0xC0  }
0xb1: {  	_ =	task [dreg:s7], $0x5FFFF  }
0xb2: {  	[dreg:$0x1] =	wrdreg $0xFFFFFFFF  }
0xb3: {  	[dreg:$0x0] =	wrdreg $0x60  }
0xb4: {  	[dreg:$0x2] =	wrdreg s24  }
0xb5: {  	[dreg:$0x3] =	wrdreg s16  }
0xb6: {  	[dreg:$0x4] =	wrdreg $0x2B000  }
0xb7: {  	[dreg:$0x5] =	wrdreg $0x9  }
0xb8: {  	_ =	task.clear_ibuf [dreg:s7], $0x6FFFF;
	_ =	strace $0x90000046  }
0xb9: {  	s29 =	simm.s32 $0x9;
	_ =	strace $0x80000048  }
0xba: {  	_ =	swait.ge [sflag:s29], $0x1  }
0xbb: {  	[sflag:s29] =	ssyncadd.s32 $0xFFFFFFFF  }
0xbc: {  	_ =	strace $0x90000048  }
0xbd: {  	_ =	sfence  }
0xbe: {  	s30 =	sld [smem:$0x0];
	_ =	sdelay $0x2  }
0xbf: {  	s31 =	sshll.u32 s1, $0xD;
	s1 =	sshrl.u32 s1, $0x2  }
0xc0: {  	s3 =	sand.u32 $0x4000, s31;
	s1 =	sadd.s32 s1, s30  }
0xc1: {  	s0 =	sor.u32 s3, s0;
	s1 =	sshll.u32 s1, $0x11  }
0xc2: {  	s0 =	sor.u32 s1, s0  }
0xc3: {  	s0 =	sadd.s32 $0x8F2B, s0  }
0xc4: {  	[sflag:s0] =	ssyncadd.remote.s32 $0x1  }
0xc5: {  	_ =	sfence.sel $0xFFFF  }
0xc6: {  	[dreg:$0x0] =	wrdreg $0xFFFFFFFF;
	(pc) =	sbr.abs _section_cstart, $3  }
0xc7: {  	[dreg:$0x1] =	wrdreg $0xFFFFFFFF  }
0xc8: {  	_ =	task.clear_ibuf [dreg:s7], $0x2FFFF;
	_ =	strace $0x9FFFFFFF  }
0xc9: {  	(tm) =	ssettm $0x7FFFFFFF  }
tec
execute0_lowered:
.L_overlay_start_1:
0x0: {  	(tag) =	ssettag $0x1  }
0x1: {  	s4 =	rddreg [dreg:$0x0]  }
0x2: {  	s6 =	rddreg [dreg:$0x1];
	s1 =	srdreg.scid  }
0x3: {  	s0 =	stileid.u32;
	s2 =	rddreg [dreg:$0x2];
	s3 =	simm.s32 $0x0  }
0x4: {  	s11 =	simm.s32 $0x2800;
	s5 =	sand.u32 $0x1, s1;
	s7 =	smul.u32 $0x5000, s0  }
0x5: {  	s12 =	simm.s32 $0x0;
	s1 =	rddreg [dreg:$0x3];
	s8 =	smul.u32 $0x2800, s5  }
0x6: {  	[smem:$0x7FF] =	sst s3;
	s9 =	smul.u32 $0x280, s0;
	s5 =	ssub.s32 $0x2, s5  }
0x7: {  	_ =	strace $0x80000047;
	s10 =	sshrl.u32 s5, $0x1;
	s7 =	sadd.s32 s8, s7  }
0x8: {  	s8 =	sadd.s32 s9, s8;
	s31 =	ssub.s32 s5, s10;
	s5 =	sadd.s32 s9, s2  }
0x9: {  	s9 =	simm.s32 $0x2880;
	s7 =	sshrl.u32 s7, $0x3;
	s8 =	sshrl.u32 s8, $0x3  }
0xa: {  	s10 =	simm.s32 $0x80;
	s4 =	sadd.s32 s7, s4;
	s6 =	sadd.s32 s6, s8  }
0xb: {  	v0 =	vimm.f32 $1.000000000e+00;
	v1 =	vimm.f32 $0.0e+00;
	s7 =	smax.u32 s31, $0x1;
	s8 =	simm.s32 $0x1;
	s4 =	sadd.s32 $0x3000, s4  }
.LBB2_1:
0xc: {  	[tilespmem:s3], [sflag:$0x1] =	stream.linear.gather [hbm4b:s4+s3], $0x2800, $0x38;
	[tilespmem:$0x2D80] =	vst v63  }
0xd: {  	_ =	swait.ge [sflag:s8], $0x2800  }
0xe: {  	[sflag:s8] =	ssyncset.done $0x0  }
0xf: {  	[sflag:s8] =	ssyncadd.s32 $0xFFFFD800  }
0x10: {  	[tilespmem:$0x2800] =	vst v0  }
0x11: {  	[tilespmem:$0x2810] =	vst v0  }
0x12: {  	[tilespmem:$0x2820] =	vst v0  }
0x13: {  	[tilespmem:$0x2830] =	vst v0  }
0x14: {  	[tilespmem:$0x2840] =	vst v0  }
0x15: {  	[tilespmem:$0x2850] =	vst v0  }
0x16: {  	[tilespmem:$0x2860] =	vst v0  }
0x17: {  	[tilespmem:$0x2870] =	vst v0  }
0x18: {  	[tilespmem:$0x2880] =	vst v1  }
0x19: {  	[tilespmem:$0x2890] =	vst v1  }
0x1a: {  	[tilespmem:$0x28A0] =	vst v1  }
0x1b: {  	[tilespmem:$0x28B0] =	vst v1  }
0x1c: {  	[tilespmem:$0x28C0] =	vst v1  }
0x1d: {  	[tilespmem:$0x28D0] =	vst v1  }
0x1e: {  	[tilespmem:$0x28E0] =	vst v1  }
0x1f: {  	[tilespmem:$0x28F0] =	vst v1  }
0x20: {  	[tilespmem:$0x2900] =	vst v1  }
0x21: {  	[tilespmem:$0x2910] =	vst v1  }
0x22: {  	[tilespmem:$0x2920] =	vst v1  }
0x23: {  	[tilespmem:$0x2930] =	vst v1  }
0x24: {  	[tilespmem:$0x2940] =	vst v1  }
0x25: {  	[tilespmem:$0x2950] =	vst v1  }
0x26: {  	[tilespmem:$0x2960] =	vst v1  }
0x27: {  	[tilespmem:$0x2970] =	vst v1  }
0x28: {  	[tilespmem:$0x2980] =	vst v1  }
0x29: {  	[tilespmem:$0x2990] =	vst v1  }
0x2a: {  	[tilespmem:$0x29A0] =	vst v1  }
0x2b: {  	[tilespmem:$0x29B0] =	vst v1  }
0x2c: {  	[tilespmem:$0x29C0] =	vst v1  }
0x2d: {  	[tilespmem:$0x29D0] =	vst v1  }
0x2e: {  	[tilespmem:$0x29E0] =	vst v1  }
0x2f: {  	[tilespmem:$0x29F0] =	vst v1  }
0x30: {  	[tilespmem:$0x2A00] =	vst v1  }
0x31: {  	[tilespmem:$0x2A10] =	vst v1  }
0x32: {  	[tilespmem:$0x2A20] =	vst v1  }
0x33: {  	[tilespmem:$0x2A30] =	vst v1  }
0x34: {  	[tilespmem:$0x2A40] =	vst v1  }
0x35: {  	[tilespmem:$0x2A50] =	vst v1  }
0x36: {  	[tilespmem:$0x2A60] =	vst v1  }
0x37: {  	[tilespmem:$0x2A70] =	vst v1  }
0x38: {  	[tilespmem:$0x2A80] =	vst v1  }
0x39: {  	[tilespmem:$0x2A90] =	vst v1  }
0x3a: {  	[tilespmem:$0x2AA0] =	vst v1  }
0x3b: {  	[tilespmem:$0x2AB0] =	vst v1  }
0x3c: {  	[tilespmem:$0x2AC0] =	vst v1  }
0x3d: {  	[tilespmem:$0x2AD0] =	vst v1  }
0x3e: {  	[tilespmem:$0x2AE0] =	vst v1  }
0x3f: {  	[tilespmem:$0x2AF0] =	vst v1  }
0x40: {  	[spmem:s5] =	stream.linear.scatter [tilespmem:s9], [sflag:$0x1], $0x280, $0x38;
	[tilespmem:$0x2D80] =	vst v63  }
0x41: {  	_ =	swait.ge [sflag:s8], $0x280  }
0x42: {  	[sflag:s8] =	ssyncset.done $0x0  }
0x43: {  	[sflag:s8] =	ssyncadd.s32 $0xFFFFFD80  }
0x44: {  	s13 =	simm.s32 $0x0;
	[bflag:$0x0] =	sbarrier.arrive $0xFFFF  }
0x45: {  	[spmem:s2] =	stream.indirect.scatter.add.f32 [tilespmem:s11], [sflag:$0x1], $0x1, s13, s10, $0xb8;
	[tilespmem:$0x2D80] =	vst v63  }
0x46: {  	_ =	swait.ge [sflag:s8], $0x80  }
0x47: {  	s13 =	simm.s32 $0x200;
	[sflag:s8] =	ssyncset.done $0x0  }
.LBB2_2:
0x48: {  	s14 =	sshra.s32 s13, $0x2;
	[sflag:s8] =	ssyncadd.s32 $0xFFFFFF80;
	p0 =	sne.s32 s13, $0x9E00  }
0x49: {  	[spmem:s2] =	stream.indirect.scatter.add.f32 [tilespmem:s11], [sflag:$0x1], $0x1, s14, s10, $0xb8;
	[tilespmem:$0x2D80] =	vst v63  }
.Ltmp0:
0x4a: {  	_ = 	snop;
	(pc) =	sbr.rel @p0 .LBB2_2-.Ltmp0, $4  }
0x4b: {  	_ = 	snop  }
0x4c: {  	s13 =	sadd.s32 $0x200, s13  }
0x4d: {  	_ =	swait.ge [sflag:s8], $0x80  }
0x4e: {  	[sflag:s8] =	ssyncset.done $0x0  }
0x4f: {  	[sflag:s8] =	ssyncadd.s32 $0xFFFFFF80  }
0x50: {  	[bflag:$0x0] =	sbarrier.arrive $0xFFFF  }
0x51: {  	[tilespmem:s9], [sflag:$0x1] =	stream.linear.gather [spmem:s5], $0x280, $0x38;
	[tilespmem:$0x2D80] =	vst v63  }
0x52: {  	s12 =	sadd.s32 $0x1, s12;
	_ =	swait.ge [sflag:s8], $0x280  }
0x53: {  	p0 =	sne.s32 s12, s7;
	[sflag:s8] =	ssyncset.done $0x0  }
.Ltmp1:
0x54: {  	[sflag:s8] =	ssyncadd.s32 $0xFFFFFD80;
	(pc) =	sbr.rel @p0 .LBB2_1-.Ltmp1, $4  }
0x55: {  	[hbm4b:s6+s3] =	stream.linear.scatter [tilespmem:s9], [sflag:$0x1], $0x280, $0x38;
	[tilespmem:$0x2D80] =	vst v63  }
0x56: {  	_ =	swait.ge [sflag:s8], $0x280  }
0x57: {  	[sflag:s8] =	ssyncset.done $0x0  }
0x58: {  	[sflag:s8] =	ssyncadd.s32 $0xFFFFFD80  }
0x59: {  	_ =	sfence.sel $0x180000  }
0x5a: {  	[bflag:$0x0] =	sbarrier.arrive $0xFFFF  }
0x5b: {  	p0 =	sne.s32 s0, $0x0;
	_ =	strace $0x90000047  }
0x5c: {  	s0 =	sadd.s32 @!p0 $0x100000, s1;
	[bflag:$0x2] =	sbarrier.arrive $0xFFFF  }
0x5d: {  	[sflag:s0] =	ssyncadd.tile.s32 @!p0 $0x1;
	_ =	shalt  }
.Lfunc_end2:
_tile_overlayer_lowered:
.L_overlay_start_2:
0x5e: {  	(tag) =	ssettag $0x2  }
0x5f: {  	s0 =	rddreg [dreg:$0x0];
	s2 =	stileid.u32  }
0x60: {  	s1 =	rddreg [dreg:$0x1];
	p0 =	sne.s32 s2, $0x0  }
0x61: {  	s3 =	rddreg [dreg:$0x2];
	[bflag:$0x3] =	sbarrier.arrive $0xFFFF;
	s2 =	simm.s32 @!p0 $0x1C01  }
0x62: {  	[timem:s3], [sflag:s2] =	dma.local @!p0 [hbm:s0], s1  }
0x63: {  	s0 =	simm.s32 @!p0 $0x1  }
0x64: {  	_ =	swait.ge @!p0 [sflag:s0], s1  }
0x65: {  	s1 =	ssub.s32 @!p0 $0x0, s1;
	[sflag:s0] =	ssyncset.done @!p0 $0x0  }
0x66: {  	[sflag:s0] =	ssyncadd.s32 @!p0 s1  }
0x67: {  	[bflag:$0x3] =	sbarrier.arrive $0xFFFF  }
0x68: {  	_ =	shalt  }

// kernel: kernel.14.cloned.1.call-start
scs
__scs_entry_jumppad:
0x0: {  	(pc) =	sbr.rel $0x88, $3  }
0x1: {  	(tag) =	ssettag $0x0;
	lr =	simm.s32 $0x1  }
0x2: {  	[smem:$0x3F94] =	sst lr;
	_ =	strace $0xD0000000  }
0x3: {  	_ = 	snop  }
0x4: {  	_ = 	snop  }
0x5: {  	_ = 	snop  }
0x6: {  	_ = 	snop  }
0x7: {  	_ = 	snop  }
__scs_overlays_trampoline_lowered:
0x8: {  	[smem:$0x3FA3] =	sst s0  }
0x9: {  	[smem:$0x3FA4] =	sst s1  }
0xa: {  	[smem:$0x3FA5] =	sst s2  }
0xb: {  	[smem:$0x3FA6] =	sst s3  }
0xc: {  	[smem:$0x3FA7] =	sst s4  }
0xd: {  	[smem:$0x3FA8] =	sst s5  }
0xe: {  	[smem:$0x3FA9] =	sst s6  }
0xf: {  	[smem:$0x3FAA] =	sst s7  }
0x10: {  	[smem:$0x3FAB] =	sst s8  }
0x11: {  	[smem:$0x3FAC] =	sst s9;
	s0 =	simm.s32 @!p0 $0x0  }
0x12: {  	s1 =	sld [smem:$0x3F92];
	s0 =	simm.s32 @p0 $0x1  }
0x13: {  	[smem:$0x3FAD] =	sst s0;
	s0 =	simm.s32 @!p1 $0x0  }
0x14: {  	s2 =	sld [smem:$0x3F91];
	s0 =	simm.s32 @p1 $0x1  }
0x15: {  	[smem:$0x3FAE] =	sst s0;
	s0 =	simm.s32 @!p2 $0x0  }
0x16: {  	s3 =	sld [smem:$0x3FDB];
	s0 =	simm.s32 @p2 $0x1  }
0x17: {  	s4 =	simm.s32 $0x1BF5;
	[smem:$0x3FB0] =	sst s0  }
0x18: {  	s0 =	sld [smem:$0x3F93];
	_ =	swait.ge [sflag:s4], $0x0  }
0x19: {  	s7 =	sld [smem:$0x3F94]  }
0x1a: {  	s8 =	sadd.s32 $0xFFFFE003, lr  }
0x1b: {  	s9 =	sadd.s32 $0xFFFFFEF7, lr;
	s5 =	simm.s32 $0xFFFFFFFF;
	p2 =	slt.u32 s8, $0xFFFFF086  }
0x1c: {  	p1 =	slt.u32 s9, $0xF7A;
	s5 =	simm.s32 @!p2 $0x0  }
0x1d: {  	s5 =	simm.s32 @p1 $0x1;
	p0 =	seq.s32 s7, s2  }
0x1e: {  	s7 =	smul.u32 @!p0 $0xF7A, s2;
	p2 =	seq.s32 @!p0 s5, $0x0  }
0x1f: {  	s9 =	smul.u32 $0xF7A, s1;
	s8 =	simm.s32 @!p0 $0x1BF5;
	p2 =	por !p2, p0  }
0x20: {  	[sflag:s8] =	ssyncset.s32 @!p0 $0xFFFFF086;
	s6 =	sadd.s32 @!p0 s3, s7;
	s7 =	simm.s32 @!p0 $0x108  }
0x21: {  	s3 =	sadd.s32 s3, s9;
	s6 =	sadd.s32 @!p0 $0x88, s6;
	s7 =	simm.s32 @p2 $0x1082  }
0x22: {  	[simem:s7], [sflag:s8] =	dma.local @!p0 [hbm:s6], $0xF7A  }
0x23: {  	s9 =	sor.u32 $0xD0000000, s2;
	s6 =	simm.s32 $0x108;
	_ =	swait.ge @!p0 [sflag:s8], $0x0  }
0x24: {  	s3 =	sadd.s32 $0x88, s3;
	s6 =	simm.s32 @!p1 $0x1082;
	[sflag:s4] =	ssyncset.s32 $0xFFFFF086  }
0x25: {  	[simem:s6], [sflag:s4] =	dma.local [hbm:s3], $0xF7A  }
0x26: {  	[smem:$0x3F94] =	sst s1;
	(tag) =	ssettag s2;
	_ =	strace s9  }
0x27: {  	s1 =	sld [smem:$0x3FA4]  }
0x28: {  	s2 =	sld [smem:$0x3FA5]  }
0x29: {  	s4 =	sld [smem:$0x3FA7]  }
0x2a: {  	p0 =	seq.s32 s5, $0x0;
	s5 =	sld [smem:$0x3FA8]  }
0x2b: {  	s6 =	sld [smem:$0x3FA9]  }
0x2c: {  	s7 =	sld [smem:$0x3FAA]  }
0x2d: {  	s3 =	simm.s32 $0x108;
	s8 =	sld [smem:$0x3FAB]  }
0x2e: {  	s3 =	simm.s32 @!p0 $0x1082;
	s9 =	sld [smem:$0x3FAC]  }
0x2f: {  	lr =	sadd.s32 s0, s3;
	s0 =	sld [smem:$0x3FA3]  }
0x30: {  	s3 =	sld [smem:$0x3FA6]  }
0x31: {  	[smem:$0x3FAF] =	sst s10  }
0x32: {  	s10 =	sld [smem:$0x3FAD];
	_ =	sdelay $0x3  }
0x33: {  	p0 =	seq.s32 s10, $0x1;
	s10 =	sld [smem:$0x3FAF];
	_ =	sdelay $0x3  }
0x34: {  	[smem:$0x3FAF] =	sst s10  }
0x35: {  	s10 =	sld [smem:$0x3FAE];
	_ =	sdelay $0x3  }
0x36: {  	p1 =	seq.s32 s10, $0x1;
	s10 =	sld [smem:$0x3FAF];
	_ =	sdelay $0x3  }
0x37: {  	[smem:$0x3FAF] =	sst s10  }
0x38: {  	s10 =	sld [smem:$0x3FB0]  }
0x39: {  	_ = 	snop;
	(pc) =	sbr.ind lr, $3  }
0x3a: {  	_ = 	snop  }
0x3b: {  	_ = 	snop  }
0x3c: {  	p2 =	seq.s32 s10, $0x1;
	s10 =	sld [smem:$0x3FAF]  }
0x3d: {  	_ =	shalt  }
0x3e: {  	_ =	shalt  }
0x3f: {  	_ =	shalt  }
0x40: {  	_ =	shalt  }
0x41: {  	_ =	shalt  }
0x42: {  	_ =	shalt  }
0x43: {  	_ =	shalt  }
0x44: {  	_ =	shalt  }
0x45: {  	_ =	shalt  }
0x46: {  	_ =	shalt  }
0x47: {  	_ =	shalt  }
0x48: {  	_ =	shalt  }
0x49: {  	_ =	shalt  }
0x4a: {  	_ =	shalt  }
0x4b: {  	_ =	shalt  }
0x4c: {  	_ =	shalt  }
0x4d: {  	_ =	shalt  }
0x4e: {  	_ =	shalt  }
0x4f: {  	_ =	shalt  }
0x50: {  	_ =	shalt  }
0x51: {  	_ =	shalt  }
0x52: {  	_ =	shalt  }
0x53: {  	_ =	shalt  }
0x54: {  	_ =	shalt  }
0x55: {  	_ =	shalt  }
0x56: {  	_ =	shalt  }
0x57: {  	_ =	shalt  }
0x58: {  	_ =	shalt  }
0x59: {  	_ =	shalt  }
0x5a: {  	_ =	shalt  }
0x5b: {  	_ =	shalt  }
0x5c: {  	_ =	shalt  }
0x5d: {  	_ =	shalt  }
0x5e: {  	_ =	shalt  }
0x5f: {  	_ =	shalt  }
0x60: {  	_ =	shalt  }
0x61: {  	_ =	shalt  }
0x62: {  	_ =	shalt  }
0x63: {  	_ =	shalt  }
0x64: {  	_ =	shalt  }
0x65: {  	_ =	shalt  }
0x66: {  	_ =	shalt  }
0x67: {  	_ =	shalt  }
0x68: {  	_ =	shalt  }
0x69: {  	_ =	shalt  }
0x6a: {  	_ =	shalt  }
0x6b: {  	_ =	shalt  }
0x6c: {  	_ =	shalt  }
0x6d: {  	_ =	shalt  }
0x6e: {  	_ =	shalt  }
0x6f: {  	_ =	shalt  }
0x70: {  	_ =	shalt  }
0x71: {  	_ =	shalt  }
0x72: {  	_ =	shalt  }
0x73: {  	_ =	shalt  }
0x74: {  	_ =	shalt  }
0x75: {  	_ =	shalt  }
0x76: {  	_ =	shalt  }
0x77: {  	_ =	shalt  }
0x78: {  	_ =	shalt  }
0x79: {  	_ =	shalt  }
0x7a: {  	_ =	shalt  }
0x7b: {  	_ =	shalt  }
0x7c: {  	_ =	shalt  }
0x7d: {  	_ =	shalt  }
0x7e: {  	_ =	shalt  }
0x7f: {  	_ =	shalt  }
0x80: {  	_ =	shalt  }
0x81: {  	_ =	shalt  }
0x82: {  	_ =	shalt  }
0x83: {  	_ =	shalt  }
0x84: {  	_ =	shalt  }
0x85: {  	_ =	shalt  }
0x86: {  	_ =	shalt  }
0x87: {  	_ =	shalt  }
.Lfunc_end0:
.L_simem_size_0:
called_computation.1_lowered:
.L_overlay_start_0:
0x88: {  	s2 =	sld [smem:$0x3FD9]  }
0x89: {  	s3 =	sld [smem:$0x3FFE];
	_ =	sdelay $0x1  }
0x8a: {  	s1 =	srdreg.scid  }
0x8b: {  	s0 =	sand.u32 $0x1, s1  }
0x8c: {  	s16 =	sshll.u32 s0, $0xA;
	s2 =	sadd.s32 s3, s2  }
0x8d: {  	s2 =	sadd.s32 s2, s16  }
0x8e: {  	[smem:$0x3FBB] =	sst s2  }
0x8f: {  	_ = 	snop  }
0x90: {  	(tm) =	ssettm $0x1  }
0x91: {  	s17 =	sld [smem:$0x3FFB];
	_ =	sdelay $0x3  }
0x92: {  	_ =	strace s17  }
0x93: {  	s2 =	sld [smem:$0x3FFC];
	_ =	sdelay $0x3  }
0x94: {  	_ =	strace s2  }
0x95: {  	s2 =	sld [smem:$0x3FFD];
	_ =	sdelay $0x3  }
0x96: {  	_ =	strace s2  }
0x97: {  	_ =	strace $0x8FFFFFFF  }
0x98: {  	s18 =	sld [smem:$0x3FDB];
	_ =	sdelay $0x1  }
0x99: {  	s19 =	simm.s32 $_scs_section_size  }
0x9a: {  	s4 =	simm.s32 $_size__tile_overlayer_lowered;
	s5 =	simm.s32 $_tile_overlayer_lowered  }
0x9b: {  	s22 =	simm.s32 $0x1BFF;
	s21 =	sshll.u32 s5, $0x1;
	s2 =	sadd.s32 s19, s18  }
0x9c: {  	s6 =	simm.s32 $0x0;
	s20 =	sshll.u32 s4, $0x1;
	s4 =	sadd.s32 s21, s2  }
0x9d: {  	[timem:s6], [sflag:s22] =	dma.local [hbm:s4], s20  }
0x9e: {  	_ =	swait.ge [sflag:s22], s20  }
0x9f: {  	s3 =	ssub.s32 $0x0, s20;
	[sflag:s22] =	ssyncset.done $0x0  }
0xa0: {  	[sflag:s22] =	ssyncadd.s32 s3;
	_ =	sdelay $0x1  }
0xa1: {  	s23 =	simm.s32 $0x1B8B  }
0xa2: {  	_ =	swait.ge [sflag:s23], $0x1  }
0xa3: {  	[sflag:s23] =	ssyncset.done $0x0  }
0xa4: {  	s25 =	simm.s32 $0x1B8E;
	s24 =	sld [smem:$0x3FFE];
	[sflag:s23] =	ssyncadd.s32 $0xFFFFFFFF  }
0xa5: {  	s26 =	simm.s32 $execute0_lowered;
	[smem:$0x3FD2] =	sst s25  }
0xa6: {  	s4 =	sshll.u32 s26, $0x1;
	_ =	strace $0x80000049;
	[dreg:$0x1] =	wrdreg $0xFFFFFFFF  }
0xa7: {  	s28 =	simm.s32 $_size_execute0_lowered;
	s2 =	sadd.s32 s2, s4;
	[dreg:$0x0] =	wrdreg $0x0  }
0xa8: {  	s4 =	sshll.u32 s28, $0x1;
	[dreg:$0x2] =	wrdreg s2  }
0xa9: {  	[dreg:$0x3] =	wrdreg s4  }
0xaa: {  	[dreg:$0x4] =	wrdreg $0xC0  }
0xab: {  	_ =	task [dreg:s6], $0x5FFFF  }
0xac: {  	[dreg:$0x1] =	wrdreg $0xFFFFFFFF  }
0xad: {  	[dreg:$0x0] =	wrdreg $0x60  }
0xae: {  	[dreg:$0x2] =	wrdreg s24  }
0xaf: {  	[dreg:$0x3] =	wrdreg $0x150000  }
0xb0: {  	[dreg:$0x4] =	wrdreg $0x9  }
0xb1: {  	_ =	task.clear_ibuf [dreg:s6], $0x5FFFF;
	_ =	strace $0x90000049  }
0xb2: {  	s29 =	simm.s32 $0x9;
	_ =	strace $0x8000004B  }
0xb3: {  	_ =	swait.ge [sflag:s29], $0x1  }
0xb4: {  	[sflag:s29] =	ssyncadd.s32 $0xFFFFFFFF  }
0xb5: {  	_ =	strace $0x9000004B  }
0xb6: {  	_ =	sfence  }
0xb7: {  	s30 =	sld [smem:$0x0];
	_ =	sdelay $0x2  }
0xb8: {  	s31 =	sshll.u32 s1, $0xD;
	s1 =	sshrl.u32 s1, $0x2  }
0xb9: {  	s3 =	sand.u32 $0x4000, s31;
	s1 =	sadd.s32 s1, s30  }
0xba: {  	s0 =	sor.u32 s3, s0;
	s1 =	sshll.u32 s1, $0x11  }
0xbb: {  	s0 =	sor.u32 s1, s0  }
0xbc: {  	s0 =	sadd.s32 $0x8F2B, s0  }
0xbd: {  	[sflag:s0] =	ssyncadd.remote.s32 $0x1  }
0xbe: {  	_ =	sfence.sel $0xFFFF  }
0xbf: {  	[dreg:$0x0] =	wrdreg $0xFFFFFFFF;
	(pc) =	sbr.abs _section_cstart, $3  }
0xc0: {  	[dreg:$0x1] =	wrdreg $0xFFFFFFFF  }
0xc1: {  	_ =	task.clear_ibuf [dreg:s6], $0x2FFFF;
	_ =	strace $0x9FFFFFFF  }
0xc2: {  	(tm) =	ssettm $0x7FFFFFFF  }
0xc3: {  	_ =	shalt  }
tec
execute0_lowered:
.L_overlay_start_1:
0x0: {  	(tag) =	ssettag $0x1  }
0x1: {  	s0 =	srdreg.scid  }
0x2: {  	s3 =	rddreg [dreg:$0x0];
	s7 =	stileid.u32  }
0x3: {  	s1 =	simm.s32 $0x0;
	s29 =	simm.s32 $0xB;
	s31 =	simm.s32 $0x14000  }
0x4: {  	s30 =	simm.s32 $0xC000;
	s28 =	simm.s32 $0xA;
	s5 =	smul.u32 $0x5000, s7  }
0x5: {  	s0 =	sand.u32 $0x1, s0;
	[smem:$0x7FF] =	sst s1;
	s7 =	smul.u32 $0xA000, s7  }
0x6: {  	s2 =	smul.u32 $0xA0000, s0;
	s0 =	ssub.s32 $0x2, s0;
	s5 =	sshrl.u32 s5, $0x3  }
0x7: {  	s6 =	sshrl.u32 s0, $0x1;
	s8 =	sadd.s32 $0x2000, s7;
	s9 =	sadd.s32 $0x3000, s7  }
0x8: {  	s10 =	sadd.s32 $0x4000, s7;
	s12 =	sadd.s32 $0x5000, s7;
	s13 =	sadd.s32 $0x6000, s7  }
0x9: {  	s14 =	sadd.s32 $0x7000, s7;
	s16 =	sadd.s32 $0x8000, s7;
	s17 =	sadd.s32 $0x9000, s7  }
0xa: {  	s4 =	sshrl.u32 s2, $0x3;
	s5 =	sadd.s32 s5, s3;
	s0 =	ssub.s32 s0, s6  }
0xb: {  	s6 =	sor.u32 $0x1000, s7;
	s11 =	sadd.s32 s7, s2;
	s20 =	sadd.s32 s2, s8  }
0xc: {  	s21 =	sadd.s32 s2, s9;
	s18 =	sadd.s32 s2, s10;
	s24 =	sadd.s32 s2, s12  }
0xd: {  	s25 =	sadd.s32 s2, s13;
	s26 =	sadd.s32 s2, s14;
	s4 =	sadd.s32 s4, s3  }
0xe: {  	s3 =	sadd.s32 $0x17000, s3;
	s15 =	sadd.s32 s2, s6;
	s11 =	sshrl.u32 s11, $0x3  }
0xf: {  	s18 =	sshrl.u32 s18, $0x3;
	s0 =	smax.u32 s0, $0x1;
	s15 =	sshrl.u32 s15, $0x3  }
0x10: {  	s11 =	sadd.s32 s3, s11;
	s23 =	sadd.s32 s3, s18;
	s18 =	sshrl.u32 s26, $0x3  }
0x11: {  	[dreg:$0x3] =	wrdreg s11;
	s19 =	sadd.s32 s3, s15;
	s11 =	sshrl.u32 s20, $0x3  }
0x12: {  	s15 =	sshrl.u32 s21, $0x3;
	[dreg:$0x7] =	wrdreg s23;
	s20 =	sadd.s32 s2, s16  }
0x13: {  	s2 =	sadd.s32 s2, s17;
	[dreg:$0x4] =	wrdreg s19;
	s11 =	sadd.s32 s3, s11  }
0x14: {  	s21 =	sadd.s32 $0x3000, s5;
	s22 =	sadd.s32 s3, s15;
	[dreg:$0x5] =	wrdreg s11  }
0x15: {  	s15 =	sshrl.u32 s25, $0x3;
	s19 =	sadd.s32 s3, s18;
	[dreg:$0x6] =	wrdreg s22  }
0x16: {  	s2 =	sshrl.u32 s2, $0x3;
	s15 =	sadd.s32 s3, s15;
	[dreg:$0xa] =	wrdreg s19  }
0x17: {  	s11 =	sshrl.u32 s24, $0x3;
	s2 =	sadd.s32 s3, s2;
	[dreg:$0x9] =	wrdreg s15  }
0x18: {  	s22 =	sadd.s32 $0xD000, s5;
	s11 =	sadd.s32 s3, s11;
	[dreg:$0xc] =	wrdreg s2  }
0x19: {  	s5 =	simm.s32 $0x1;
	s15 =	sshrl.u32 s20, $0x3;
	[dreg:$0x8] =	wrdreg s11  }
0x1a: {  	s2 =	simm.s32 $0xE000;
	s11 =	rddreg [dreg:$0x1];
	s15 =	sadd.s32 s3, s15  }
0x1b: {  	s3 =	simm.s32 $0x10000;
	[dreg:$0xb] =	wrdreg s15;
	s23 =	sadd.s32 s7, s11  }
0x1c: {  	s24 =	sadd.s32 s6, s11;
	_ =	strace $0x8000004A;
	[dreg:$0xd] =	wrdreg s21  }
0x1d: {  	s25 =	sadd.s32 s8, s11;
	s26 =	sadd.s32 s9, s11;
	[dreg:$0xe] =	wrdreg s22  }
0x1e: {  	s20 =	sadd.s32 s10, s11;
	s9 =	simm.s32 $0x80;
	[dreg:$0xf] =	wrdreg s23  }
0x1f: {  	s6 =	simm.s32 $0x2;
	s7 =	simm.s32 $0x3;
	[dreg:$0x10] =	wrdreg s24  }
0x20: {  	s8 =	simm.s32 $0x4;
	s10 =	simm.s32 $0x5;
	[dreg:$0x11] =	wrdreg s25  }
0x21: {  	s15 =	simm.s32 $0x9;
	[dreg:$0x12] =	wrdreg s26;
	s21 =	sadd.s32 s12, s11  }
0x22: {  	s22 =	sadd.s32 s13, s11;
	s23 =	sadd.s32 s14, s11;
	s24 =	sadd.s32 s16, s11  }
0x23: {  	s25 =	sadd.s32 s17, s11;
	s26 =	sadd.s32 $0x67000, s4;
	[dreg:$0x13] =	wrdreg s0  }
0x24: {  	s0 =	simm.s32 $0xA000;
	s4 =	simm.s32 $0x12000;
	s12 =	simm.s32 $0x6  }
0x25: {  	v0 =	vimm.f32 $0.0e+00;
	s13 =	simm.s32 $0x7;
	s14 =	simm.s32 $0x8;
	s16 =	simm.s32 $0x0  }
.LBB2_1:
0x26: {  	s17 =	rddreg [dreg:$0xd]  }
0x27: {  	[tilespmem:s1], [sflag:$0xB] =	stream.linear.gather [hbm4b:s17+s1], $0x5000, $0x38;
	[tilespmem:$0x1F000] =	vst v63  }
0x28: {  	_ =	swait.ge [sflag:s29], $0x5000  }
0x29: {  	[sflag:s29] =	ssyncset.done $0x0  }
0x2a: {  	s18 =	simm.s32 $0x5000;
	s19 =	rddreg [dreg:$0xe];
	[sflag:s29] =	ssyncadd.s32 $0xFFFFB000  }
0x2b: {  	[tilespmem:s18], [sflag:$0xB] =	stream.linear.gather [hbm4b:s19+s1], $0x5000, $0x38;
	[tilespmem:$0x1F000] =	vst v63  }
0x2c: {  	_ =	swait.ge [sflag:s29], $0x5000  }
0x2d: {  	[sflag:s29] =	ssyncset.done $0x0  }
0x2e: {  	s17 =	simm.s32 $0x0;
	s18 =	simm.s32 $0x100;
	[sflag:s29] =	ssyncadd.s32 $0xFFFFB000  }
.LBB2_2:
0x2f: {  	p0 =	sne.s32 s18, $0x3F00;
	[tilespmem:s17+$0x14030] =	vst v0;
	s19 =	smov.u32 s18;
	s18 =	sadd.s32 $0x100, s18  }
.Ltmp0:
0x30: {  	[tilespmem:s17+$0x14020] =	vst v0;
	(pc) =	sbr.rel @p0 .LBB2_2-.Ltmp0, $3  }
0x31: {  	[tilespmem:s17+$0x14000] =	vst v0  }
0x32: {  	[tilespmem:s17+$0x14010] =	vst v0;
	_ =	sdelay $0x1  }
0x33: {  	s17 =	sshra.s32 s19, $0x2  }
0x34: {  	[tilespmem:s17+$0x14030] =	vst v0  }
0x35: {  	[tilespmem:s17+$0x14020] =	vst v0  }
0x36: {  	[tilespmem:s17+$0x14000] =	vst v0  }
0x37: {  	[tilespmem:s17+$0x14010] =	vst v0;
	s19 =	rddreg [dreg:$0xf]  }
0x38: {  	[spmem:s19] =	stream.linear.scatter [tilespmem:s31], [sflag:$0xB], $0x1000, $0x38;
	[tilespmem:$0x1F000] =	vst v63  }
0x39: {  	_ =	swait.ge [sflag:s29], $0x1000  }
0x3a: {  	[sflag:s29] =	ssyncset.done $0x0  }
0x3b: {  	s18 =	rddreg [dreg:$0x10];
	[sflag:s29] =	ssyncadd.s32 $0xFFFFF000  }
0x3c: {  	[spmem:s18] =	stream.linear.scatter [tilespmem:s31], [sflag:$0xB], $0x1000, $0x38;
	[tilespmem:$0x1F000] =	vst v63  }
0x3d: {  	_ =	swait.ge [sflag:s29], $0x1000  }
0x3e: {  	[sflag:s29] =	ssyncset.done $0x0  }
0x3f: {  	s19 =	rddreg [dreg:$0x11];
	[sflag:s29] =	ssyncadd.s32 $0xFFFFF000  }
0x40: {  	[spmem:s19] =	stream.linear.scatter [tilespmem:s31], [sflag:$0xB], $0x1000, $0x38;
	[tilespmem:$0x1F000] =	vst v63  }
0x41: {  	_ =	swait.ge [sflag:s29], $0x1000  }
0x42: {  	[sflag:s29] =	ssyncset.done $0x0  }
0x43: {  	s18 =	rddreg [dreg:$0x12];
	[sflag:s29] =	ssyncadd.s32 $0xFFFFF000  }
0x44: {  	[spmem:s18] =	stream.linear.scatter [tilespmem:s31], [sflag:$0xB], $0x1000, $0x38;
	[tilespmem:$0x1F000] =	vst v63  }
0x45: {  	_ =	swait.ge [sflag:s29], $0x1000  }
0x46: {  	[sflag:s29] =	ssyncset.done $0x0  }
0x47: {  	[sflag:s29] =	ssyncadd.s32 $0xFFFFF000  }
0x48: {  	[spmem:s20] =	stream.linear.scatter [tilespmem:s31], [sflag:$0xB], $0x1000, $0x38;
	[tilespmem:$0x1F000] =	vst v63  }
0x49: {  	_ =	swait.ge [sflag:s29], $0x1000  }
0x4a: {  	[sflag:s29] =	ssyncset.done $0x0  }
0x4b: {  	[sflag:s29] =	ssyncadd.s32 $0xFFFFF000  }
0x4c: {  	[spmem:s21] =	stream.linear.scatter [tilespmem:s31], [sflag:$0xB], $0x1000, $0x38;
	[tilespmem:$0x1F000] =	vst v63  }
0x4d: {  	_ =	swait.ge [sflag:s29], $0x1000  }
0x4e: {  	[sflag:s29] =	ssyncset.done $0x0  }
0x4f: {  	[sflag:s29] =	ssyncadd.s32 $0xFFFFF000  }
0x50: {  	[spmem:s22] =	stream.linear.scatter [tilespmem:s31], [sflag:$0xB], $0x1000, $0x38;
	[tilespmem:$0x1F000] =	vst v63  }
0x51: {  	_ =	swait.ge [sflag:s29], $0x1000  }
0x52: {  	[sflag:s29] =	ssyncset.done $0x0  }
0x53: {  	[sflag:s29] =	ssyncadd.s32 $0xFFFFF000  }
0x54: {  	[spmem:s23] =	stream.linear.scatter [tilespmem:s31], [sflag:$0xB], $0x1000, $0x38;
	[tilespmem:$0x1F000] =	vst v63  }
0x55: {  	_ =	swait.ge [sflag:s29], $0x1000  }
0x56: {  	[sflag:s29] =	ssyncset.done $0x0  }
0x57: {  	[sflag:s29] =	ssyncadd.s32 $0xFFFFF000  }
0x58: {  	[spmem:s24] =	stream.linear.scatter [tilespmem:s31], [sflag:$0xB], $0x1000, $0x38;
	[tilespmem:$0x1F000] =	vst v63  }
0x59: {  	_ =	swait.ge [sflag:s29], $0x1000  }
0x5a: {  	[sflag:s29] =	ssyncset.done $0x0  }
0x5b: {  	[sflag:s29] =	ssyncadd.s32 $0xFFFFF000  }
0x5c: {  	[spmem:s25] =	stream.linear.scatter [tilespmem:s31], [sflag:$0xB], $0x1000, $0x38;
	[tilespmem:$0x1F000] =	vst v63  }
0x5d: {  	_ =	swait.ge [sflag:s29], $0x1000  }
0x5e: {  	[sflag:s29] =	ssyncset.done $0x0  }
0x5f: {  	[sflag:s29] =	ssyncadd.s32 $0xFFFFF000  }
0x60: {  	s19 =	simm.s32 $0x0;
	[bflag:$0x0] =	sbarrier.arrive $0xFFFF  }
0x61: {  	[tilespmem:s0], [sflag:$0x1] =	stream.indirect.gather [hbm4b:s26+s9], $0x40, s19, s9, $0xb8;
	[tilespmem:$0x1F000] =	vst v63  }
0x62: {  	_ = 	snop  }
0x63: {  	[tilespmem:s30], [sflag:$0x2] =	stream.indirect.gather [hbm4b:s26+s9], $0x40, s9, s9, $0xb8;
	[tilespmem:$0x1F000] =	vst v63  }
0x64: {  	s18 =	simm.s32 $0x100  }
0x65: {  	[tilespmem:s2], [sflag:$0x3] =	stream.indirect.gather [hbm4b:s26+s9], $0x40, s18, s9, $0xb8;
	[tilespmem:$0x1F000] =	vst v63  }
0x66: {  	s19 =	simm.s32 $0x180  }
0x67: {  	[tilespmem:s3], [sflag:$0x4] =	stream.indirect.gather [hbm4b:s26+s9], $0x40, s19, s9, $0xb8;
	[tilespmem:$0x1F000] =	vst v63  }
0x68: {  	s18 =	simm.s32 $0x200  }
0x69: {  	[tilespmem:s4], [sflag:$0x5] =	stream.indirect.gather [hbm4b:s26+s9], $0x40, s18, s9, $0xb8;
	[tilespmem:$0x1F000] =	vst v63  }
0x6a: {  	_ =	swait.ge [sflag:s5], $0x2000  }
0x6b: {  	[sflag:s5] =	ssyncset.done $0x0  }
0x6c: {  	s19 =	simm.s32 $0x5000;
	[sflag:s5] =	ssyncadd.s32 $0xFFFFE000  }
0x6d: {  	[spmem:s11] =	stream.indirect.scatter.add.f32 [tilespmem:s0], [sflag:$0x6], $0x40, s19, s9, $0xb8;
	[tilespmem:$0x1F000] =	vst v63  }
0x6e: {  	_ =	swait.ge [sflag:s6], $0x2000  }
0x6f: {  	[sflag:s6] =	ssyncset.done $0x0  }
0x70: {  	s18 =	simm.s32 $0x5080;
	[sflag:s6] =	ssyncadd.s32 $0xFFFFE000  }
0x71: {  	[spmem:s11] =	stream.indirect.scatter.add.f32 [tilespmem:s30], [sflag:$0x7], $0x40, s18, s9, $0xb8;
	[tilespmem:$0x1F000] =	vst v63  }
0x72: {  	_ =	swait.ge [sflag:s7], $0x2000  }
0x73: {  	[sflag:s7] =	ssyncset.done $0x0  }
0x74: {  	s19 =	simm.s32 $0x5100;
	[sflag:s7] =	ssyncadd.s32 $0xFFFFE000  }
0x75: {  	[spmem:s11] =	stream.indirect.scatter.add.f32 [tilespmem:s2], [sflag:$0x8], $0x40, s19, s9, $0xb8;
	[tilespmem:$0x1F000] =	vst v63  }
0x76: {  	_ =	swait.ge [sflag:s8], $0x2000  }
0x77: {  	[sflag:s8] =	ssyncset.done $0x0  }
0x78: {  	s18 =	simm.s32 $0x5180;
	[sflag:s8] =	ssyncadd.s32 $0xFFFFE000  }
0x79: {  	[spmem:s11] =	stream.indirect.scatter.add.f32 [tilespmem:s3], [sflag:$0x9], $0x40, s18, s9, $0xb8;
	[tilespmem:$0x1F000] =	vst v63  }
0x7a: {  	_ =	swait.ge [sflag:s10], $0x2000  }
0x7b: {  	[sflag:s10] =	ssyncset.done $0x0  }
0x7c: {  	s19 =	simm.s32 $0x5200;
	[sflag:s10] =	ssyncadd.s32 $0xFFFFE000  }
0x7d: {  	[spmem:s11] =	stream.indirect.scatter.add.f32 [tilespmem:s4], [sflag:$0xA], $0x40, s19, s9, $0xb8;
	[tilespmem:$0x1F000] =	vst v63  }
0x7e: {  	_ =	swait.ge [sflag:s12], $0x2000  }
0x7f: {  	[sflag:s12] =	ssyncset.done $0x0  }
0x80: {  	s18 =	simm.s32 $0x280;
	[sflag:s12] =	ssyncadd.s32 $0xFFFFE000  }
0x81: {  	[tilespmem:s0], [sflag:$0x1] =	stream.indirect.gather [hbm4b:s26+s9], $0x40, s18, s9, $0xb8;
	[tilespmem:$0x1F000] =	vst v63  }
0x82: {  	_ =	swait.ge [sflag:s13], $0x2000  }
0x83: {  	[sflag:s13] =	ssyncset.done $0x0  }
0x84: {  	s19 =	simm.s32 $0x300;
	[sflag:s13] =	ssyncadd.s32 $0xFFFFE000  }
0x85: {  	[tilespmem:s30], [sflag:$0x2] =	stream.indirect.gather [hbm4b:s26+s9], $0x40, s19, s9, $0xb8;
	[tilespmem:$0x1F000] =	vst v63  }
0x86: {  	_ =	swait.ge [sflag:s14], $0x2000  }
0x87: {  	[sflag:s14] =	ssyncset.done $0x0  }
0x88: {  	s18 =	simm.s32 $0x380;
	[sflag:s14] =	ssyncadd.s32 $0xFFFFE000  }
0x89: {  	[tilespmem:s2], [sflag:$0x3] =	stream.indirect.gather [hbm4b:s26+s9], $0x40, s18, s9, $0xb8;
	[tilespmem:$0x1F000] =	vst v63  }
0x8a: {  	_ =	swait.ge [sflag:s15], $0x2000  }
0x8b: {  	[sflag:s15] =	ssyncset.done $0x0  }
0x8c: {  	s19 =	simm.s32 $0x400;
	[sflag:s15] =	ssyncadd.s32 $0xFFFFE000  }
0x8d: {  	[tilespmem:s3], [sflag:$0x4] =	stream.indirect.gather [hbm4b:s26+s9], $0x40, s19, s9, $0xb8;
	[tilespmem:$0x1F000] =	vst v63  }
0x8e: {  	_ =	swait.ge [sflag:s28], $0x2000  }
0x8f: {  	[sflag:s28] =	ssyncset.done $0x0  }
0x90: {  	s17 =	simm.s32 $0xA00;
	s18 =	simm.s32 $0x480;
	[sflag:s28] =	ssyncadd.s32 $0xFFFFE000  }
.LBB2_4:
0x91: {  	[tilespmem:s4], [sflag:$0x5] =	stream.indirect.gather [hbm4b:s26+s9], $0x40, s18, s9, $0xb8;
	[tilespmem:$0x1F000] =	vst v63  }
0x92: {  	s18 =	smov.u32 s17  }
0x93: {  	p0 =	sne.s32 s17, $0x12C00;
	s17 =	sadd.s32 $0xA00, s17;
	_ =	swait.ge [sflag:s5], $0x2000  }
0x94: {  	s18 =	sshra.s32 s18, $0x2;
	[sflag:s5] =	ssyncset.done $0x0  }
0x95: {  	s19 =	sadd.s32 $0x5000, s18;
	[sflag:s5] =	ssyncadd.s32 $0xFFFFE000  }
0x96: {  	[spmem:s11] =	stream.indirect.scatter.add.f32 [tilespmem:s0], [sflag:$0x6], $0x40, s19, s9, $0xb8;
	[tilespmem:$0x1F000] =	vst v63  }
0x97: {  	_ =	swait.ge [sflag:s6], $0x2000  }
0x98: {  	[sflag:s6] =	ssyncset.done $0x0  }
0x99: {  	s19 =	sadd.s32 $0x5080, s18;
	[sflag:s6] =	ssyncadd.s32 $0xFFFFE000  }
0x9a: {  	[spmem:s11] =	stream.indirect.scatter.add.f32 [tilespmem:s30], [sflag:$0x7], $0x40, s19, s9, $0xb8;
	[tilespmem:$0x1F000] =	vst v63  }
0x9b: {  	_ =	swait.ge [sflag:s7], $0x2000  }
0x9c: {  	[sflag:s7] =	ssyncset.done $0x0  }
0x9d: {  	s19 =	sadd.s32 $0x5100, s18;
	[sflag:s7] =	ssyncadd.s32 $0xFFFFE000  }
0x9e: {  	[spmem:s11] =	stream.indirect.scatter.add.f32 [tilespmem:s2], [sflag:$0x8], $0x40, s19, s9, $0xb8;
	[tilespmem:$0x1F000] =	vst v63  }
0x9f: {  	_ =	swait.ge [sflag:s8], $0x2000  }
0xa0: {  	[sflag:s8] =	ssyncset.done $0x0  }
0xa1: {  	s19 =	sadd.s32 $0x5180, s18;
	[sflag:s8] =	ssyncadd.s32 $0xFFFFE000  }
0xa2: {  	[spmem:s11] =	stream.indirect.scatter.add.f32 [tilespmem:s3], [sflag:$0x9], $0x40, s19, s9, $0xb8;
	[tilespmem:$0x1F000] =	vst v63  }
0xa3: {  	_ =	swait.ge [sflag:s10], $0x2000  }
0xa4: {  	[sflag:s10] =	ssyncset.done $0x0  }
0xa5: {  	s19 =	sadd.s32 $0x5200, s18;
	[sflag:s10] =	ssyncadd.s32 $0xFFFFE000  }
0xa6: {  	[spmem:s11] =	stream.indirect.scatter.add.f32 [tilespmem:s4], [sflag:$0xA], $0x40, s19, s9, $0xb8;
	[tilespmem:$0x1F000] =	vst v63  }
0xa7: {  	_ =	swait.ge [sflag:s12], $0x2000  }
0xa8: {  	[sflag:s12] =	ssyncset.done $0x0  }
0xa9: {  	s19 =	sadd.s32 $0x280, s18;
	[sflag:s12] =	ssyncadd.s32 $0xFFFFE000  }
0xaa: {  	[tilespmem:s0], [sflag:$0x1] =	stream.indirect.gather [hbm4b:s26+s9], $0x40, s19, s9, $0xb8;
	[tilespmem:$0x1F000] =	vst v63  }
0xab: {  	_ =	swait.ge [sflag:s13], $0x2000  }
0xac: {  	[sflag:s13] =	ssyncset.done $0x0  }
0xad: {  	s19 =	sadd.s32 $0x300, s18;
	[sflag:s13] =	ssyncadd.s32 $0xFFFFE000  }
0xae: {  	[tilespmem:s30], [sflag:$0x2] =	stream.indirect.gather [hbm4b:s26+s9], $0x40, s19, s9, $0xb8;
	[tilespmem:$0x1F000] =	vst v63  }
0xaf: {  	_ =	swait.ge [sflag:s14], $0x2000  }
0xb0: {  	[sflag:s14] =	ssyncset.done $0x0  }
0xb1: {  	s19 =	sadd.s32 $0x380, s18;
	[sflag:s14] =	ssyncadd.s32 $0xFFFFE000  }
0xb2: {  	[tilespmem:s2], [sflag:$0x3] =	stream.indirect.gather [hbm4b:s26+s9], $0x40, s19, s9, $0xb8;
	[tilespmem:$0x1F000] =	vst v63  }
0xb3: {  	_ =	swait.ge [sflag:s15], $0x2000  }
0xb4: {  	[sflag:s15] =	ssyncset.done $0x0  }
.Ltmp1:
0xb5: {  	s19 =	sadd.s32 $0x400, s18;
	[sflag:s15] =	ssyncadd.s32 $0xFFFFE000;
	(pc) =	sbr.rel @p0 .LBB2_4-.Ltmp1, $4  }
0xb6: {  	[tilespmem:s3], [sflag:$0x4] =	stream.indirect.gather [hbm4b:s26+s9], $0x40, s19, s9, $0xb8;
	[tilespmem:$0x1F000] =	vst v63  }
0xb7: {  	_ =	swait.ge [sflag:s28], $0x2000  }
0xb8: {  	[sflag:s28] =	ssyncset.done $0x0  }
0xb9: {  	s18 =	sadd.s32 $0x480, s18;
	[sflag:s28] =	ssyncadd.s32 $0xFFFFE000  }
0xba: {  	[tilespmem:s4], [sflag:$0x5] =	stream.indirect.gather [hbm4b:s26+s9], $0x40, s18, s9, $0xb8;
	[tilespmem:$0x1F000] =	vst v63  }
0xbb: {  	_ =	swait.ge [sflag:s5], $0x2000  }
0xbc: {  	[sflag:s5] =	ssyncset.done $0x0  }
0xbd: {  	s17 =	simm.s32 $0x9D80;
	[sflag:s5] =	ssyncadd.s32 $0xFFFFE000  }
0xbe: {  	[spmem:s11] =	stream.indirect.scatter.add.f32 [tilespmem:s0], [sflag:$0x6], $0x40, s17, s9, $0xb8;
	[tilespmem:$0x1F000] =	vst v63  }
0xbf: {  	_ =	swait.ge [sflag:s6], $0x2000  }
0xc0: {  	[sflag:s6] =	ssyncset.done $0x0  }
0xc1: {  	s19 =	simm.s32 $0x9E00;
	[sflag:s6] =	ssyncadd.s32 $0xFFFFE000  }
0xc2: {  	[spmem:s11] =	stream.indirect.scatter.add.f32 [tilespmem:s30], [sflag:$0x7], $0x40, s19, s9, $0xb8;
	[tilespmem:$0x1F000] =	vst v63  }
0xc3: {  	_ =	swait.ge [sflag:s7], $0x2000  }
0xc4: {  	[sflag:s7] =	ssyncset.done $0x0  }
0xc5: {  	s18 =	simm.s32 $0x9E80;
	[sflag:s7] =	ssyncadd.s32 $0xFFFFE000  }
0xc6: {  	[spmem:s11] =	stream.indirect.scatter.add.f32 [tilespmem:s2], [sflag:$0x8], $0x40, s18, s9, $0xb8;
	[tilespmem:$0x1F000] =	vst v63  }
0xc7: {  	_ =	swait.ge [sflag:s8], $0x2000  }
0xc8: {  	[sflag:s8] =	ssyncset.done $0x0  }
0xc9: {  	s19 =	simm.s32 $0x9F00;
	[sflag:s8] =	ssyncadd.s32 $0xFFFFE000  }
0xca: {  	[spmem:s11] =	stream.indirect.scatter.add.f32 [tilespmem:s3], [sflag:$0x9], $0x40, s19, s9, $0xb8;
	[tilespmem:$0x1F000] =	vst v63  }
0xcb: {  	_ =	swait.ge [sflag:s10], $0x2000  }
0xcc: {  	[sflag:s10] =	ssyncset.done $0x0  }
0xcd: {  	s18 =	simm.s32 $0x9F80;
	[sflag:s10] =	ssyncadd.s32 $0xFFFFE000  }
0xce: {  	[spmem:s11] =	stream.indirect.scatter.add.f32 [tilespmem:s4], [sflag:$0xA], $0x40, s18, s9, $0xb8;
	[tilespmem:$0x1F000] =	vst v63  }
0xcf: {  	_ =	swait.ge [sflag:s12], $0x2000  }
0xd0: {  	[sflag:s12] =	ssyncset.done $0x0  }
0xd1: {  	[sflag:s12] =	ssyncadd.s32 $0xFFFFE000  }
0xd2: {  	_ =	swait.ge [sflag:s13], $0x2000  }
0xd3: {  	[sflag:s13] =	ssyncset.done $0x0  }
0xd4: {  	[sflag:s13] =	ssyncadd.s32 $0xFFFFE000  }
0xd5: {  	_ =	swait.ge [sflag:s14], $0x2000  }
0xd6: {  	[sflag:s14] =	ssyncset.done $0x0  }
0xd7: {  	[sflag:s14] =	ssyncadd.s32 $0xFFFFE000  }
0xd8: {  	_ =	swait.ge [sflag:s15], $0x2000  }
0xd9: {  	[sflag:s15] =	ssyncset.done $0x0  }
0xda: {  	[sflag:s15] =	ssyncadd.s32 $0xFFFFE000  }
0xdb: {  	_ =	swait.ge [sflag:s28], $0x2000  }
0xdc: {  	[sflag:s28] =	ssyncset.done $0x0  }
0xdd: {  	[sflag:s28] =	ssyncadd.s32 $0xFFFFE000  }
0xde: {  	[bflag:$0x0] =	sbarrier.arrive $0xFFFF  }
0xdf: {  	s19 =	rddreg [dreg:$0xf]  }
0xe0: {  	[tilespmem:s31], [sflag:$0xB] =	stream.linear.gather [spmem:s19], $0x1000, $0x38;
	[tilespmem:$0x1F000] =	vst v63  }
0xe1: {  	_ =	swait.ge [sflag:s29], $0x1000  }
0xe2: {  	[sflag:s29] =	ssyncset.done $0x0  }
0xe3: {  	s18 =	rddreg [dreg:$0x3];
	[sflag:s29] =	ssyncadd.s32 $0xFFFFF000  }
0xe4: {  	[hbm4b:s18+s1] =	stream.linear.scatter [tilespmem:s31], [sflag:$0xB], $0x1000, $0x38;
	[tilespmem:$0x1F000] =	vst v63  }
0xe5: {  	_ =	swait.ge [sflag:s29], $0x1000  }
0xe6: {  	[sflag:s29] =	ssyncset.done $0x0  }
0xe7: {  	s19 =	rddreg [dreg:$0x10];
	[sflag:s29] =	ssyncadd.s32 $0xFFFFF000  }
0xe8: {  	[tilespmem:s31], [sflag:$0xB] =	stream.linear.gather [spmem:s19], $0x1000, $0x38;
	[tilespmem:$0x1F000] =	vst v63  }
0xe9: {  	_ =	swait.ge [sflag:s29], $0x1000  }
0xea: {  	[sflag:s29] =	ssyncset.done $0x0  }
0xeb: {  	s18 =	rddreg [dreg:$0x4];
	[sflag:s29] =	ssyncadd.s32 $0xFFFFF000  }
0xec: {  	[hbm4b:s18+s1] =	stream.linear.scatter [tilespmem:s31], [sflag:$0xB], $0x1000, $0x38;
	[tilespmem:$0x1F000] =	vst v63  }
0xed: {  	_ =	swait.ge [sflag:s29], $0x1000  }
0xee: {  	[sflag:s29] =	ssyncset.done $0x0  }
0xef: {  	s19 =	rddreg [dreg:$0x11];
	[sflag:s29] =	ssyncadd.s32 $0xFFFFF000  }
0xf0: {  	[tilespmem:s31], [sflag:$0xB] =	stream.linear.gather [spmem:s19], $0x1000, $0x38;
	[tilespmem:$0x1F000] =	vst v63  }
0xf1: {  	_ =	swait.ge [sflag:s29], $0x1000  }
0xf2: {  	[sflag:s29] =	ssyncset.done $0x0  }
0xf3: {  	s18 =	rddreg [dreg:$0x5];
	[sflag:s29] =	ssyncadd.s32 $0xFFFFF000  }
0xf4: {  	[hbm4b:s18+s1] =	stream.linear.scatter [tilespmem:s31], [sflag:$0xB], $0x1000, $0x38;
	[tilespmem:$0x1F000] =	vst v63  }
0xf5: {  	_ =	swait.ge [sflag:s29], $0x1000  }
0xf6: {  	[sflag:s29] =	ssyncset.done $0x0  }
0xf7: {  	s19 =	rddreg [dreg:$0x12];
	[sflag:s29] =	ssyncadd.s32 $0xFFFFF000  }
0xf8: {  	[tilespmem:s31], [sflag:$0xB] =	stream.linear.gather [spmem:s19], $0x1000, $0x38;
	[tilespmem:$0x1F000] =	vst v63  }
0xf9: {  	_ =	swait.ge [sflag:s29], $0x1000  }
0xfa: {  	[sflag:s29] =	ssyncset.done $0x0  }
0xfb: {  	s18 =	rddreg [dreg:$0x6];
	[sflag:s29] =	ssyncadd.s32 $0xFFFFF000  }
0xfc: {  	[hbm4b:s18+s1] =	stream.linear.scatter [tilespmem:s31], [sflag:$0xB], $0x1000, $0x38;
	[tilespmem:$0x1F000] =	vst v63  }
0xfd: {  	_ =	swait.ge [sflag:s29], $0x1000  }
0xfe: {  	[sflag:s29] =	ssyncset.done $0x0  }
0xff: {  	[sflag:s29] =	ssyncadd.s32 $0xFFFFF000  }
0x100: {  	[tilespmem:s31], [sflag:$0xB] =	stream.linear.gather [spmem:s20], $0x1000, $0x38;
	[tilespmem:$0x1F000] =	vst v63  }
0x101: {  	_ =	swait.ge [sflag:s29], $0x1000  }
0x102: {  	[sflag:s29] =	ssyncset.done $0x0  }
0x103: {  	s19 =	rddreg [dreg:$0x7];
	[sflag:s29] =	ssyncadd.s32 $0xFFFFF000  }
0x104: {  	[hbm4b:s19+s1] =	stream.linear.scatter [tilespmem:s31], [sflag:$0xB], $0x1000, $0x38;
	[tilespmem:$0x1F000] =	vst v63  }
0x105: {  	_ =	swait.ge [sflag:s29], $0x1000  }
0x106: {  	[sflag:s29] =	ssyncset.done $0x0  }
0x107: {  	[sflag:s29] =	ssyncadd.s32 $0xFFFFF000  }
0x108: {  	[tilespmem:s31], [sflag:$0xB] =	stream.linear.gather [spmem:s21], $0x1000, $0x38;
	[tilespmem:$0x1F000] =	vst v63  }
0x109: {  	_ =	swait.ge [sflag:s29], $0x1000  }
0x10a: {  	[sflag:s29] =	ssyncset.done $0x0  }
0x10b: {  	s18 =	rddreg [dreg:$0x8];
	[sflag:s29] =	ssyncadd.s32 $0xFFFFF000  }
0x10c: {  	[hbm4b:s18+s1] =	stream.linear.scatter [tilespmem:s31], [sflag:$0xB], $0x1000, $0x38;
	[tilespmem:$0x1F000] =	vst v63  }
0x10d: {  	_ =	swait.ge [sflag:s29], $0x1000  }
0x10e: {  	[sflag:s29] =	ssyncset.done $0x0  }
0x10f: {  	[sflag:s29] =	ssyncadd.s32 $0xFFFFF000  }
0x110: {  	[tilespmem:s31], [sflag:$0xB] =	stream.linear.gather [spmem:s22], $0x1000, $0x38;
	[tilespmem:$0x1F000] =	vst v63  }
0x111: {  	_ =	swait.ge [sflag:s29], $0x1000  }
0x112: {  	[sflag:s29] =	ssyncset.done $0x0  }
0x113: {  	s19 =	rddreg [dreg:$0x9];
	[sflag:s29] =	ssyncadd.s32 $0xFFFFF000  }
0x114: {  	[hbm4b:s19+s1] =	stream.linear.scatter [tilespmem:s31], [sflag:$0xB], $0x1000, $0x38;
	[tilespmem:$0x1F000] =	vst v63  }
0x115: {  	_ =	swait.ge [sflag:s29], $0x1000  }
0x116: {  	[sflag:s29] =	ssyncset.done $0x0  }
0x117: {  	[sflag:s29] =	ssyncadd.s32 $0xFFFFF000  }
0x118: {  	[tilespmem:s31], [sflag:$0xB] =	stream.linear.gather [spmem:s23], $0x1000, $0x38;
	[tilespmem:$0x1F000] =	vst v63  }
0x119: {  	_ =	swait.ge [sflag:s29], $0x1000  }
0x11a: {  	[sflag:s29] =	ssyncset.done $0x0  }
0x11b: {  	s18 =	rddreg [dreg:$0xa];
	[sflag:s29] =	ssyncadd.s32 $0xFFFFF000  }
0x11c: {  	[hbm4b:s18+s1] =	stream.linear.scatter [tilespmem:s31], [sflag:$0xB], $0x1000, $0x38;
	[tilespmem:$0x1F000] =	vst v63  }
0x11d: {  	_ =	swait.ge [sflag:s29], $0x1000  }
0x11e: {  	[sflag:s29] =	ssyncset.done $0x0  }
0x11f: {  	[sflag:s29] =	ssyncadd.s32 $0xFFFFF000  }
0x120: {  	[tilespmem:s31], [sflag:$0xB] =	stream.linear.gather [spmem:s24], $0x1000, $0x38;
	[tilespmem:$0x1F000] =	vst v63  }
0x121: {  	_ =	swait.ge [sflag:s29], $0x1000  }
0x122: {  	[sflag:s29] =	ssyncset.done $0x0  }
0x123: {  	s19 =	rddreg [dreg:$0xb];
	[sflag:s29] =	ssyncadd.s32 $0xFFFFF000  }
0x124: {  	[hbm4b:s19+s1] =	stream.linear.scatter [tilespmem:s31], [sflag:$0xB], $0x1000, $0x38;
	[tilespmem:$0x1F000] =	vst v63  }
0x125: {  	_ =	swait.ge [sflag:s29], $0x1000  }
0x126: {  	[sflag:s29] =	ssyncset.done $0x0  }
0x127: {  	[sflag:s29] =	ssyncadd.s32 $0xFFFFF000  }
0x128: {  	[tilespmem:s31], [sflag:$0xB] =	stream.linear.gather [spmem:s25], $0x1000, $0x38;
	[tilespmem:$0x1F000] =	vst v63  }
0x129: {  	_ =	swait.ge [sflag:s29], $0x1000  }
0x12a: {  	[sflag:s29] =	ssyncset.done $0x0  }
0x12b: {  	s18 =	rddreg [dreg:$0xc];
	[sflag:s29] =	ssyncadd.s32 $0xFFFFF000  }
0x12c: {  	[hbm4b:s18+s1] =	stream.linear.scatter [tilespmem:s31], [sflag:$0xB], $0x1000, $0x38;
	[tilespmem:$0x1F000] =	vst v63  }
0x12d: {  	_ =	swait.ge [sflag:s29], $0x1000  }
0x12e: {  	s16 =	sadd.s32 $0x1, s16;
	s19 =	rddreg [dreg:$0x13]  }
0x12f: {  	p0 =	sne.s32 s16, s19  }
.Ltmp2:
0x130: {  	_ = 	snop;
	(pc) =	sbr.rel @p0 .LBB2_1-.Ltmp2, $3  }
0x131: {  	_ =	sdelay $0x1  }
0x132: {  	[sflag:s29] =	ssyncset.done $0x0  }
0x133: {  	[sflag:s29] =	ssyncadd.s32 $0xFFFFF000  }
0x134: {  	_ =	sfence.sel $0x180000  }
0x135: {  	[bflag:$0x0] =	sbarrier.arrive $0xFFFF  }
0x136: {  	_ =	strace $0x9000004A  }
0x137: {  	s0 =	stileid.u32;
	[bflag:$0x2] =	sbarrier.arrive $0xFFFF  }
0x138: {  	p0 =	sne.s32 s0, $0x0;
	s0 =	rddreg [dreg:$0x2]  }
0x139: {  	s0 =	sadd.s32 @!p0 $0x100000, s0  }
0x13a: {  	[sflag:s0] =	ssyncadd.tile.s32 @!p0 $0x1;
	_ =	shalt  }
.Lfunc_end2:
_tile_overlayer_lowered:
.L_overlay_start_2:
0x13b: {  	(tag) =	ssettag $0x2  }
0x13c: {  	s0 =	rddreg [dreg:$0x0];
	s2 =	stileid.u32  }
0x13d: {  	s1 =	rddreg [dreg:$0x1];
	p0 =	sne.s32 s2, $0x0  }
0x13e: {  	s3 =	rddreg [dreg:$0x2];
	[bflag:$0x3] =	sbarrier.arrive $0xFFFF;
	s2 =	simm.s32 @!p0 $0x1C0B  }
0x13f: {  	[timem:s3], [sflag:s2] =	dma.local @!p0 [hbm:s0], s1  }
0x140: {  	s0 =	simm.s32 @!p0 $0xB  }
0x141: {  	_ =	swait.ge @!p0 [sflag:s0], s1  }
0x142: {  	s1 =	ssub.s32 @!p0 $0x0, s1;
	[sflag:s0] =	ssyncset.done @!p0 $0x0  }
0x143: {  	[sflag:s0] =	ssyncadd.s32 @!p0 s1  }
0x144: {  	[bflag:$0x3] =	sbarrier.arrive $0xFFFF  }
0x145: {  	_ =	shalt  }

// kernel: kernel.17.cloned.1.call-start
scs
__scs_entry_jumppad:
0x0: {  	(pc) =	sbr.rel $0x88, $3  }
0x1: {  	(tag) =	ssettag $0x0;
	lr =	simm.s32 $0x1  }
0x2: {  	[smem:$0x3F94] =	sst lr;
	_ =	strace $0xD0000000  }
0x3: {  	_ = 	snop  }
0x4: {  	_ = 	snop  }
0x5: {  	_ = 	snop  }
0x6: {  	_ = 	snop  }
0x7: {  	_ = 	snop  }
__scs_overlays_trampoline_lowered:
0x8: {  	[smem:$0x3FA3] =	sst s0  }
0x9: {  	[smem:$0x3FA4] =	sst s1  }
0xa: {  	[smem:$0x3FA5] =	sst s2  }
0xb: {  	[smem:$0x3FA6] =	sst s3  }
0xc: {  	[smem:$0x3FA7] =	sst s4  }
0xd: {  	[smem:$0x3FA8] =	sst s5  }
0xe: {  	[smem:$0x3FA9] =	sst s6  }
0xf: {  	[smem:$0x3FAA] =	sst s7  }
0x10: {  	[smem:$0x3FAB] =	sst s8  }
0x11: {  	[smem:$0x3FAC] =	sst s9;
	s0 =	simm.s32 @!p0 $0x0  }
0x12: {  	s1 =	sld [smem:$0x3F92];
	s0 =	simm.s32 @p0 $0x1  }
0x13: {  	[smem:$0x3FAD] =	sst s0;
	s0 =	simm.s32 @!p1 $0x0  }
0x14: {  	s2 =	sld [smem:$0x3F91];
	s0 =	simm.s32 @p1 $0x1  }
0x15: {  	[smem:$0x3FAE] =	sst s0;
	s0 =	simm.s32 @!p2 $0x0  }
0x16: {  	s3 =	sld [smem:$0x3FDB];
	s0 =	simm.s32 @p2 $0x1  }
0x17: {  	s4 =	simm.s32 $0x1BF5;
	[smem:$0x3FB0] =	sst s0  }
0x18: {  	s0 =	sld [smem:$0x3F93];
	_ =	swait.ge [sflag:s4], $0x0  }
0x19: {  	s7 =	sld [smem:$0x3F94]  }
0x1a: {  	s8 =	sadd.s32 $0xFFFFE003, lr  }
0x1b: {  	s9 =	sadd.s32 $0xFFFFFEF7, lr;
	s5 =	simm.s32 $0xFFFFFFFF;
	p2 =	slt.u32 s8, $0xFFFFF086  }
0x1c: {  	p1 =	slt.u32 s9, $0xF7A;
	s5 =	simm.s32 @!p2 $0x0  }
0x1d: {  	s5 =	simm.s32 @p1 $0x1;
	p0 =	seq.s32 s7, s2  }
0x1e: {  	s7 =	smul.u32 @!p0 $0xF7A, s2;
	p2 =	seq.s32 @!p0 s5, $0x0  }
0x1f: {  	s9 =	smul.u32 $0xF7A, s1;
	s8 =	simm.s32 @!p0 $0x1BF5;
	p2 =	por !p2, p0  }
0x20: {  	[sflag:s8] =	ssyncset.s32 @!p0 $0xFFFFF086;
	s6 =	sadd.s32 @!p0 s3, s7;
	s7 =	simm.s32 @!p0 $0x108  }
0x21: {  	s3 =	sadd.s32 s3, s9;
	s6 =	sadd.s32 @!p0 $0x88, s6;
	s7 =	simm.s32 @p2 $0x1082  }
0x22: {  	[simem:s7], [sflag:s8] =	dma.local @!p0 [hbm:s6], $0xF7A  }
0x23: {  	s9 =	sor.u32 $0xD0000000, s2;
	s6 =	simm.s32 $0x108;
	_ =	swait.ge @!p0 [sflag:s8], $0x0  }
0x24: {  	s3 =	sadd.s32 $0x88, s3;
	s6 =	simm.s32 @!p1 $0x1082;
	[sflag:s4] =	ssyncset.s32 $0xFFFFF086  }
0x25: {  	[simem:s6], [sflag:s4] =	dma.local [hbm:s3], $0xF7A  }
0x26: {  	[smem:$0x3F94] =	sst s1;
	(tag) =	ssettag s2;
	_ =	strace s9  }
0x27: {  	s1 =	sld [smem:$0x3FA4]  }
0x28: {  	s2 =	sld [smem:$0x3FA5]  }
0x29: {  	s4 =	sld [smem:$0x3FA7]  }
0x2a: {  	p0 =	seq.s32 s5, $0x0;
	s5 =	sld [smem:$0x3FA8]  }
0x2b: {  	s6 =	sld [smem:$0x3FA9]  }
0x2c: {  	s7 =	sld [smem:$0x3FAA]  }
0x2d: {  	s3 =	simm.s32 $0x108;
	s8 =	sld [smem:$0x3FAB]  }
0x2e: {  	s3 =	simm.s32 @!p0 $0x1082;
	s9 =	sld [smem:$0x3FAC]  }
0x2f: {  	lr =	sadd.s32 s0, s3;
	s0 =	sld [smem:$0x3FA3]  }
0x30: {  	s3 =	sld [smem:$0x3FA6]  }
0x31: {  	[smem:$0x3FAF] =	sst s10  }
0x32: {  	s10 =	sld [smem:$0x3FAD];
	_ =	sdelay $0x3  }
0x33: {  	p0 =	seq.s32 s10, $0x1;
	s10 =	sld [smem:$0x3FAF];
	_ =	sdelay $0x3  }
0x34: {  	[smem:$0x3FAF] =	sst s10  }
0x35: {  	s10 =	sld [smem:$0x3FAE];
	_ =	sdelay $0x3  }
0x36: {  	p1 =	seq.s32 s10, $0x1;
	s10 =	sld [smem:$0x3FAF];
	_ =	sdelay $0x3  }
0x37: {  	[smem:$0x3FAF] =	sst s10  }
0x38: {  	s10 =	sld [smem:$0x3FB0]  }
0x39: {  	_ = 	snop;
	(pc) =	sbr.ind lr, $3  }
0x3a: {  	_ = 	snop  }
0x3b: {  	_ = 	snop  }
0x3c: {  	p2 =	seq.s32 s10, $0x1;
	s10 =	sld [smem:$0x3FAF]  }
0x3d: {  	_ =	shalt  }
0x3e: {  	_ =	shalt  }
0x3f: {  	_ =	shalt  }
0x40: {  	_ =	shalt  }
0x41: {  	_ =	shalt  }
0x42: {  	_ =	shalt  }
0x43: {  	_ =	shalt  }
0x44: {  	_ =	shalt  }
0x45: {  	_ =	shalt  }
0x46: {  	_ =	shalt  }
0x47: {  	_ =	shalt  }
0x48: {  	_ =	shalt  }
0x49: {  	_ =	shalt  }
0x4a: {  	_ =	shalt  }
0x4b: {  	_ =	shalt  }
0x4c: {  	_ =	shalt  }
0x4d: {  	_ =	shalt  }
0x4e: {  	_ =	shalt  }
0x4f: {  	_ =	shalt  }
0x50: {  	_ =	shalt  }
0x51: {  	_ =	shalt  }
0x52: {  	_ =	shalt  }
0x53: {  	_ =	shalt  }
0x54: {  	_ =	shalt  }
0x55: {  	_ =	shalt  }
0x56: {  	_ =	shalt  }
0x57: {  	_ =	shalt  }
0x58: {  	_ =	shalt  }
0x59: {  	_ =	shalt  }
0x5a: {  	_ =	shalt  }
0x5b: {  	_ =	shalt  }
0x5c: {  	_ =	shalt  }
0x5d: {  	_ =	shalt  }
0x5e: {  	_ =	shalt  }
0x5f: {  	_ =	shalt  }
0x60: {  	_ =	shalt  }
0x61: {  	_ =	shalt  }
0x62: {  	_ =	shalt  }
0x63: {  	_ =	shalt  }
0x64: {  	_ =	shalt  }
0x65: {  	_ =	shalt  }
0x66: {  	_ =	shalt  }
0x67: {  	_ =	shalt  }
0x68: {  	_ =	shalt  }
0x69: {  	_ =	shalt  }
0x6a: {  	_ =	shalt  }
0x6b: {  	_ =	shalt  }
0x6c: {  	_ =	shalt  }
0x6d: {  	_ =	shalt  }
0x6e: {  	_ =	shalt  }
0x6f: {  	_ =	shalt  }
0x70: {  	_ =	shalt  }
0x71: {  	_ =	shalt  }
0x72: {  	_ =	shalt  }
0x73: {  	_ =	shalt  }
0x74: {  	_ =	shalt  }
0x75: {  	_ =	shalt  }
0x76: {  	_ =	shalt  }
0x77: {  	_ =	shalt  }
0x78: {  	_ =	shalt  }
0x79: {  	_ =	shalt  }
0x7a: {  	_ =	shalt  }
0x7b: {  	_ =	shalt  }
0x7c: {  	_ =	shalt  }
0x7d: {  	_ =	shalt  }
0x7e: {  	_ =	shalt  }
0x7f: {  	_ =	shalt  }
0x80: {  	_ =	shalt  }
0x81: {  	_ =	shalt  }
0x82: {  	_ =	shalt  }
0x83: {  	_ =	shalt  }
0x84: {  	_ =	shalt  }
0x85: {  	_ =	shalt  }
0x86: {  	_ =	shalt  }
0x87: {  	_ =	shalt  }
.Lfunc_end0:
.L_simem_size_0:
called_computation.2_lowered:
.L_overlay_start_0:
0x88: {  	s2 =	sld [smem:$0x3FD9]  }
0x89: {  	s3 =	sld [smem:$0x3FFE];
	_ =	sdelay $0x1  }
0x8a: {  	s1 =	srdreg.scid  }
0x8b: {  	s0 =	sand.u32 $0x1, s1  }
0x8c: {  	s16 =	sshll.u32 s0, $0xA;
	s2 =	sadd.s32 s3, s2  }
0x8d: {  	s2 =	sadd.s32 s2, s16  }
0x8e: {  	[smem:$0x3FBB] =	sst s2  }
0x8f: {  	_ = 	snop  }
0x90: {  	(tm) =	ssettm $0x1  }
0x91: {  	s17 =	sld [smem:$0x3FFB];
	_ =	sdelay $0x3  }
0x92: {  	_ =	strace s17  }
0x93: {  	s2 =	sld [smem:$0x3FFC];
	_ =	sdelay $0x3  }
0x94: {  	_ =	strace s2  }
0x95: {  	s2 =	sld [smem:$0x3FFD];
	_ =	sdelay $0x3  }
0x96: {  	_ =	strace s2  }
0x97: {  	_ =	strace $0x8FFFFFFF  }
0x98: {  	s18 =	sld [smem:$0x3FDB];
	_ =	sdelay $0x1  }
0x99: {  	s19 =	simm.s32 $_scs_section_size  }
0x9a: {  	s4 =	simm.s32 $_size__tile_overlayer_lowered;
	s5 =	simm.s32 $_tile_overlayer_lowered  }
0x9b: {  	s22 =	simm.s32 $0x1BFF;
	s21 =	sshll.u32 s5, $0x1;
	s2 =	sadd.s32 s19, s18  }
0x9c: {  	s6 =	simm.s32 $0x0;
	s20 =	sshll.u32 s4, $0x1;
	s4 =	sadd.s32 s21, s2  }
0x9d: {  	[timem:s6], [sflag:s22] =	dma.local [hbm:s4], s20  }
0x9e: {  	_ =	swait.ge [sflag:s22], s20  }
0x9f: {  	s3 =	ssub.s32 $0x0, s20;
	[sflag:s22] =	ssyncset.done $0x0  }
0xa0: {  	[sflag:s22] =	ssyncadd.s32 s3;
	_ =	sdelay $0x1  }
0xa1: {  	s23 =	simm.s32 $0x1B8B  }
0xa2: {  	_ =	swait.ge [sflag:s23], $0x1  }
0xa3: {  	[sflag:s23] =	ssyncset.done $0x0  }
0xa4: {  	s25 =	simm.s32 $0x1B8E;
	s24 =	sld [smem:$0x3FFE];
	[sflag:s23] =	ssyncadd.s32 $0xFFFFFFFF  }
0xa5: {  	s26 =	simm.s32 $execute0_lowered;
	[smem:$0x3FD2] =	sst s25  }
0xa6: {  	s4 =	sshll.u32 s26, $0x1;
	_ =	strace $0x8000004C;
	[dreg:$0x1] =	wrdreg $0xFFFFFFFF  }
0xa7: {  	s28 =	simm.s32 $_size_execute0_lowered;
	s2 =	sadd.s32 s2, s4;
	[dreg:$0x0] =	wrdreg $0x0  }
0xa8: {  	s4 =	sshll.u32 s28, $0x1;
	[dreg:$0x2] =	wrdreg s2  }
0xa9: {  	[dreg:$0x3] =	wrdreg s4  }
0xaa: {  	[dreg:$0x4] =	wrdreg $0xC0  }
0xab: {  	_ =	task [dreg:s6], $0x5FFFF  }
0xac: {  	[dreg:$0x1] =	wrdreg $0xFFFFFFFF  }
0xad: {  	[dreg:$0x0] =	wrdreg $0x60  }
0xae: {  	[dreg:$0x2] =	wrdreg s24  }
0xaf: {  	[dreg:$0x3] =	wrdreg $0x150000  }
0xb0: {  	[dreg:$0x4] =	wrdreg $0x9  }
0xb1: {  	_ =	task.clear_ibuf [dreg:s6], $0x5FFFF;
	_ =	strace $0x9000004C  }
0xb2: {  	s29 =	simm.s32 $0x9;
	_ =	strace $0x8000004E  }
0xb3: {  	_ =	swait.ge [sflag:s29], $0x1  }
0xb4: {  	[sflag:s29] =	ssyncadd.s32 $0xFFFFFFFF  }
0xb5: {  	_ =	strace $0x9000004E  }
0xb6: {  	_ =	sfence  }
0xb7: {  	s30 =	sld [smem:$0x0];
	_ =	sdelay $0x2  }
0xb8: {  	s31 =	sshll.u32 s1, $0xD;
	s1 =	sshrl.u32 s1, $0x2  }
0xb9: {  	s3 =	sand.u32 $0x4000, s31;
	s1 =	sadd.s32 s1, s30  }
0xba: {  	s0 =	sor.u32 s3, s0;
	s1 =	sshll.u32 s1, $0x11  }
0xbb: {  	s0 =	sor.u32 s1, s0  }
0xbc: {  	s0 =	sadd.s32 $0x8F2B, s0  }
0xbd: {  	[sflag:s0] =	ssyncadd.remote.s32 $0x1  }
0xbe: {  	_ =	sfence.sel $0xFFFF  }
0xbf: {  	[dreg:$0x0] =	wrdreg $0xFFFFFFFF;
	(pc) =	sbr.abs _section_cstart, $3  }
0xc0: {  	[dreg:$0x1] =	wrdreg $0xFFFFFFFF  }
0xc1: {  	_ =	task.clear_ibuf [dreg:s6], $0x2FFFF;
	_ =	strace $0x9FFFFFFF  }
0xc2: {  	(tm) =	ssettm $0x7FFFFFFF  }
0xc3: {  	_ =	shalt  }
tec
execute0_lowered:
.L_overlay_start_1:
0x0: {  	(tag) =	ssettag $0x1  }
0x1: {  	s0 =	srdreg.scid  }
0x2: {  	s3 =	rddreg [dreg:$0x0];
	s7 =	stileid.u32  }
0x3: {  	s1 =	simm.s32 $0x0;
	s29 =	simm.s32 $0xB;
	s31 =	simm.s32 $0x14000  }
0x4: {  	s30 =	simm.s32 $0xC000;
	s28 =	simm.s32 $0xA;
	s5 =	smul.u32 $0x5000, s7  }
0x5: {  	s0 =	sand.u32 $0x1, s0;
	[smem:$0x7FF] =	sst s1;
	s7 =	smul.u32 $0xA000, s7  }
0x6: {  	s2 =	smul.u32 $0xA0000, s0;
	s0 =	ssub.s32 $0x2, s0;
	s5 =	sshrl.u32 s5, $0x3  }
0x7: {  	s6 =	sshrl.u32 s0, $0x1;
	s8 =	sadd.s32 $0x2000, s7;
	s9 =	sadd.s32 $0x3000, s7  }
0x8: {  	s10 =	sadd.s32 $0x4000, s7;
	s12 =	sadd.s32 $0x5000, s7;
	s13 =	sadd.s32 $0x6000, s7  }
0x9: {  	s14 =	sadd.s32 $0x7000, s7;
	s16 =	sadd.s32 $0x8000, s7;
	s17 =	sadd.s32 $0x9000, s7  }
0xa: {  	s4 =	sshrl.u32 s2, $0x3;
	s5 =	sadd.s32 s5, s3;
	s0 =	ssub.s32 s0, s6  }
0xb: {  	s6 =	sor.u32 $0x1000, s7;
	s11 =	sadd.s32 s7, s2;
	s20 =	sadd.s32 s2, s8  }
0xc: {  	s21 =	sadd.s32 s2, s9;
	s18 =	sadd.s32 s2, s10;
	s24 =	sadd.s32 s2, s12  }
0xd: {  	s25 =	sadd.s32 s2, s13;
	s26 =	sadd.s32 s2, s14;
	s4 =	sadd.s32 s4, s3  }
0xe: {  	s3 =	sadd.s32 $0x3F000, s3;
	s15 =	sadd.s32 s2, s6;
	s11 =	sshrl.u32 s11, $0x3  }
0xf: {  	s18 =	sshrl.u32 s18, $0x3;
	s0 =	smax.u32 s0, $0x1;
	s15 =	sshrl.u32 s15, $0x3  }
0x10: {  	s11 =	sadd.s32 s3, s11;
	s23 =	sadd.s32 s3, s18;
	s18 =	sshrl.u32 s26, $0x3  }
0x11: {  	[dreg:$0x3] =	wrdreg s11;
	s19 =	sadd.s32 s3, s15;
	s11 =	sshrl.u32 s20, $0x3  }
0x12: {  	s15 =	sshrl.u32 s21, $0x3;
	[dreg:$0x7] =	wrdreg s23;
	s20 =	sadd.s32 s2, s16  }
0x13: {  	s2 =	sadd.s32 s2, s17;
	[dreg:$0x4] =	wrdreg s19;
	s11 =	sadd.s32 s3, s11  }
0x14: {  	s21 =	sadd.s32 $0x3000, s5;
	s22 =	sadd.s32 s3, s15;
	[dreg:$0x5] =	wrdreg s11  }
0x15: {  	s15 =	sshrl.u32 s25, $0x3;
	s19 =	sadd.s32 s3, s18;
	[dreg:$0x6] =	wrdreg s22  }
0x16: {  	s2 =	sshrl.u32 s2, $0x3;
	s15 =	sadd.s32 s3, s15;
	[dreg:$0xa] =	wrdreg s19  }
0x17: {  	s11 =	sshrl.u32 s24, $0x3;
	s2 =	sadd.s32 s3, s2;
	[dreg:$0x9] =	wrdreg s15  }
0x18: {  	s22 =	sadd.s32 $0xD000, s5;
	s11 =	sadd.s32 s3, s11;
	[dreg:$0xc] =	wrdreg s2  }
0x19: {  	s5 =	simm.s32 $0x1;
	s15 =	sshrl.u32 s20, $0x3;
	[dreg:$0x8] =	wrdreg s11  }
0x1a: {  	s2 =	simm.s32 $0xE000;
	s11 =	rddreg [dreg:$0x1];
	s15 =	sadd.s32 s3, s15  }
0x1b: {  	s3 =	simm.s32 $0x10000;
	[dreg:$0xb] =	wrdreg s15;
	s23 =	sadd.s32 s7, s11  }
0x1c: {  	s24 =	sadd.s32 s6, s11;
	_ =	strace $0x8000004D;
	[dreg:$0xd] =	wrdreg s21  }
0x1d: {  	s25 =	sadd.s32 s8, s11;
	s26 =	sadd.s32 s9, s11;
	[dreg:$0xe] =	wrdreg s22  }
0x1e: {  	s20 =	sadd.s32 s10, s11;
	s9 =	simm.s32 $0x80;
	[dreg:$0xf] =	wrdreg s23  }
0x1f: {  	s6 =	simm.s32 $0x2;
	s7 =	simm.s32 $0x3;
	[dreg:$0x10] =	wrdreg s24  }
0x20: {  	s8 =	simm.s32 $0x4;
	s10 =	simm.s32 $0x5;
	[dreg:$0x11] =	wrdreg s25  }
0x21: {  	s15 =	simm.s32 $0x9;
	[dreg:$0x12] =	wrdreg s26;
	s21 =	sadd.s32 s12, s11  }
0x22: {  	s22 =	sadd.s32 s13, s11;
	s23 =	sadd.s32 s14, s11;
	s24 =	sadd.s32 s16, s11  }
0x23: {  	s25 =	sadd.s32 s17, s11;
	s26 =	sadd.s32 $0x17000, s4;
	[dreg:$0x13] =	wrdreg s0  }
0x24: {  	s0 =	simm.s32 $0xA000;
	s4 =	simm.s32 $0x12000;
	s12 =	simm.s32 $0x6  }
0x25: {  	v0 =	vimm.f32 $0.0e+00;
	s13 =	simm.s32 $0x7;
	s14 =	simm.s32 $0x8;
	s16 =	simm.s32 $0x0  }
.LBB2_1:
0x26: {  	s17 =	rddreg [dreg:$0xd]  }
0x27: {  	[tilespmem:s1], [sflag:$0xB] =	stream.linear.gather [hbm4b:s17+s1], $0x5000, $0x38;
	[tilespmem:$0x1F000] =	vst v63  }
0x28: {  	_ =	swait.ge [sflag:s29], $0x5000  }
0x29: {  	[sflag:s29] =	ssyncset.done $0x0  }
0x2a: {  	s18 =	simm.s32 $0x5000;
	s19 =	rddreg [dreg:$0xe];
	[sflag:s29] =	ssyncadd.s32 $0xFFFFB000  }
0x2b: {  	[tilespmem:s18], [sflag:$0xB] =	stream.linear.gather [hbm4b:s19+s1], $0x5000, $0x38;
	[tilespmem:$0x1F000] =	vst v63  }
0x2c: {  	_ =	swait.ge [sflag:s29], $0x5000  }
0x2d: {  	[sflag:s29] =	ssyncset.done $0x0  }
0x2e: {  	s17 =	simm.s32 $0x0;
	s18 =	simm.s32 $0x100;
	[sflag:s29] =	ssyncadd.s32 $0xFFFFB000  }
.LBB2_2:
0x2f: {  	p0 =	sne.s32 s18, $0x3F00;
	[tilespmem:s17+$0x14030] =	vst v0;
	s19 =	smov.u32 s18;
	s18 =	sadd.s32 $0x100, s18  }
.Ltmp0:
0x30: {  	[tilespmem:s17+$0x14020] =	vst v0;
	(pc) =	sbr.rel @p0 .LBB2_2-.Ltmp0, $3  }
0x31: {  	[tilespmem:s17+$0x14000] =	vst v0  }
0x32: {  	[tilespmem:s17+$0x14010] =	vst v0;
	_ =	sdelay $0x1  }
0x33: {  	s17 =	sshra.s32 s19, $0x2  }
0x34: {  	[tilespmem:s17+$0x14030] =	vst v0  }
0x35: {  	[tilespmem:s17+$0x14020] =	vst v0  }
0x36: {  	[tilespmem:s17+$0x14000] =	vst v0  }
0x37: {  	[tilespmem:s17+$0x14010] =	vst v0;
	s19 =	rddreg [dreg:$0xf]  }
0x38: {  	[spmem:s19] =	stream.linear.scatter [tilespmem:s31], [sflag:$0xB], $0x1000, $0x38;
	[tilespmem:$0x1F000] =	vst v63  }
0x39: {  	_ =	swait.ge [sflag:s29], $0x1000  }
0x3a: {  	[sflag:s29] =	ssyncset.done $0x0  }
0x3b: {  	s18 =	rddreg [dreg:$0x10];
	[sflag:s29] =	ssyncadd.s32 $0xFFFFF000  }
0x3c: {  	[spmem:s18] =	stream.linear.scatter [tilespmem:s31], [sflag:$0xB], $0x1000, $0x38;
	[tilespmem:$0x1F000] =	vst v63  }
0x3d: {  	_ =	swait.ge [sflag:s29], $0x1000  }
0x3e: {  	[sflag:s29] =	ssyncset.done $0x0  }
0x3f: {  	s19 =	rddreg [dreg:$0x11];
	[sflag:s29] =	ssyncadd.s32 $0xFFFFF000  }
0x40: {  	[spmem:s19] =	stream.linear.scatter [tilespmem:s31], [sflag:$0xB], $0x1000, $0x38;
	[tilespmem:$0x1F000] =	vst v63  }
0x41: {  	_ =	swait.ge [sflag:s29], $0x1000  }
0x42: {  	[sflag:s29] =	ssyncset.done $0x0  }
0x43: {  	s18 =	rddreg [dreg:$0x12];
	[sflag:s29] =	ssyncadd.s32 $0xFFFFF000  }
0x44: {  	[spmem:s18] =	stream.linear.scatter [tilespmem:s31], [sflag:$0xB], $0x1000, $0x38;
	[tilespmem:$0x1F000] =	vst v63  }
0x45: {  	_ =	swait.ge [sflag:s29], $0x1000  }
0x46: {  	[sflag:s29] =	ssyncset.done $0x0  }
0x47: {  	[sflag:s29] =	ssyncadd.s32 $0xFFFFF000  }
0x48: {  	[spmem:s20] =	stream.linear.scatter [tilespmem:s31], [sflag:$0xB], $0x1000, $0x38;
	[tilespmem:$0x1F000] =	vst v63  }
0x49: {  	_ =	swait.ge [sflag:s29], $0x1000  }
0x4a: {  	[sflag:s29] =	ssyncset.done $0x0  }
0x4b: {  	[sflag:s29] =	ssyncadd.s32 $0xFFFFF000  }
0x4c: {  	[spmem:s21] =	stream.linear.scatter [tilespmem:s31], [sflag:$0xB], $0x1000, $0x38;
	[tilespmem:$0x1F000] =	vst v63  }
0x4d: {  	_ =	swait.ge [sflag:s29], $0x1000  }
0x4e: {  	[sflag:s29] =	ssyncset.done $0x0  }
0x4f: {  	[sflag:s29] =	ssyncadd.s32 $0xFFFFF000  }
0x50: {  	[spmem:s22] =	stream.linear.scatter [tilespmem:s31], [sflag:$0xB], $0x1000, $0x38;
	[tilespmem:$0x1F000] =	vst v63  }
0x51: {  	_ =	swait.ge [sflag:s29], $0x1000  }
0x52: {  	[sflag:s29] =	ssyncset.done $0x0  }
0x53: {  	[sflag:s29] =	ssyncadd.s32 $0xFFFFF000  }
0x54: {  	[spmem:s23] =	stream.linear.scatter [tilespmem:s31], [sflag:$0xB], $0x1000, $0x38;
	[tilespmem:$0x1F000] =	vst v63  }
0x55: {  	_ =	swait.ge [sflag:s29], $0x1000  }
0x56: {  	[sflag:s29] =	ssyncset.done $0x0  }
0x57: {  	[sflag:s29] =	ssyncadd.s32 $0xFFFFF000  }
0x58: {  	[spmem:s24] =	stream.linear.scatter [tilespmem:s31], [sflag:$0xB], $0x1000, $0x38;
	[tilespmem:$0x1F000] =	vst v63  }
0x59: {  	_ =	swait.ge [sflag:s29], $0x1000  }
0x5a: {  	[sflag:s29] =	ssyncset.done $0x0  }
0x5b: {  	[sflag:s29] =	ssyncadd.s32 $0xFFFFF000  }
0x5c: {  	[spmem:s25] =	stream.linear.scatter [tilespmem:s31], [sflag:$0xB], $0x1000, $0x38;
	[tilespmem:$0x1F000] =	vst v63  }
0x5d: {  	_ =	swait.ge [sflag:s29], $0x1000  }
0x5e: {  	[sflag:s29] =	ssyncset.done $0x0  }
0x5f: {  	[sflag:s29] =	ssyncadd.s32 $0xFFFFF000  }
0x60: {  	s19 =	simm.s32 $0x0;
	[bflag:$0x0] =	sbarrier.arrive $0xFFFF  }
0x61: {  	[tilespmem:s0], [sflag:$0x1] =	stream.indirect.gather [hbm4b:s26+s9], $0x40, s19, s9, $0xb8;
	[tilespmem:$0x1F000] =	vst v63  }
0x62: {  	_ = 	snop  }
0x63: {  	[tilespmem:s30], [sflag:$0x2] =	stream.indirect.gather [hbm4b:s26+s9], $0x40, s9, s9, $0xb8;
	[tilespmem:$0x1F000] =	vst v63  }
0x64: {  	s18 =	simm.s32 $0x100  }
0x65: {  	[tilespmem:s2], [sflag:$0x3] =	stream.indirect.gather [hbm4b:s26+s9], $0x40, s18, s9, $0xb8;
	[tilespmem:$0x1F000] =	vst v63  }
0x66: {  	s19 =	simm.s32 $0x180  }
0x67: {  	[tilespmem:s3], [sflag:$0x4] =	stream.indirect.gather [hbm4b:s26+s9], $0x40, s19, s9, $0xb8;
	[tilespmem:$0x1F000] =	vst v63  }
0x68: {  	s18 =	simm.s32 $0x200  }
0x69: {  	[tilespmem:s4], [sflag:$0x5] =	stream.indirect.gather [hbm4b:s26+s9], $0x40, s18, s9, $0xb8;
	[tilespmem:$0x1F000] =	vst v63  }
0x6a: {  	_ =	swait.ge [sflag:s5], $0x2000  }
0x6b: {  	[sflag:s5] =	ssyncset.done $0x0  }
0x6c: {  	s19 =	simm.s32 $0x5000;
	[sflag:s5] =	ssyncadd.s32 $0xFFFFE000  }
0x6d: {  	[spmem:s11] =	stream.indirect.scatter.add.f32 [tilespmem:s0], [sflag:$0x6], $0x40, s19, s9, $0xb8;
	[tilespmem:$0x1F000] =	vst v63  }
0x6e: {  	_ =	swait.ge [sflag:s6], $0x2000  }
0x6f: {  	[sflag:s6] =	ssyncset.done $0x0  }
0x70: {  	s18 =	simm.s32 $0x5080;
	[sflag:s6] =	ssyncadd.s32 $0xFFFFE000  }
0x71: {  	[spmem:s11] =	stream.indirect.scatter.add.f32 [tilespmem:s30], [sflag:$0x7], $0x40, s18, s9, $0xb8;
	[tilespmem:$0x1F000] =	vst v63  }
0x72: {  	_ =	swait.ge [sflag:s7], $0x2000  }
0x73: {  	[sflag:s7] =	ssyncset.done $0x0  }
0x74: {  	s19 =	simm.s32 $0x5100;
	[sflag:s7] =	ssyncadd.s32 $0xFFFFE000  }
0x75: {  	[spmem:s11] =	stream.indirect.scatter.add.f32 [tilespmem:s2], [sflag:$0x8], $0x40, s19, s9, $0xb8;
	[tilespmem:$0x1F000] =	vst v63  }
0x76: {  	_ =	swait.ge [sflag:s8], $0x2000  }
0x77: {  	[sflag:s8] =	ssyncset.done $0x0  }
0x78: {  	s18 =	simm.s32 $0x5180;
	[sflag:s8] =	ssyncadd.s32 $0xFFFFE000  }
0x79: {  	[spmem:s11] =	stream.indirect.scatter.add.f32 [tilespmem:s3], [sflag:$0x9], $0x40, s18, s9, $0xb8;
	[tilespmem:$0x1F000] =	vst v63  }
0x7a: {  	_ =	swait.ge [sflag:s10], $0x2000  }
0x7b: {  	[sflag:s10] =	ssyncset.done $0x0  }
0x7c: {  	s19 =	simm.s32 $0x5200;
	[sflag:s10] =	ssyncadd.s32 $0xFFFFE000  }
0x7d: {  	[spmem:s11] =	stream.indirect.scatter.add.f32 [tilespmem:s4], [sflag:$0xA], $0x40, s19, s9, $0xb8;
	[tilespmem:$0x1F000] =	vst v63  }
0x7e: {  	_ =	swait.ge [sflag:s12], $0x2000  }
0x7f: {  	[sflag:s12] =	ssyncset.done $0x0  }
0x80: {  	s18 =	simm.s32 $0x280;
	[sflag:s12] =	ssyncadd.s32 $0xFFFFE000  }
0x81: {  	[tilespmem:s0], [sflag:$0x1] =	stream.indirect.gather [hbm4b:s26+s9], $0x40, s18, s9, $0xb8;
	[tilespmem:$0x1F000] =	vst v63  }
0x82: {  	_ =	swait.ge [sflag:s13], $0x2000  }
0x83: {  	[sflag:s13] =	ssyncset.done $0x0  }
0x84: {  	s19 =	simm.s32 $0x300;
	[sflag:s13] =	ssyncadd.s32 $0xFFFFE000  }
0x85: {  	[tilespmem:s30], [sflag:$0x2] =	stream.indirect.gather [hbm4b:s26+s9], $0x40, s19, s9, $0xb8;
	[tilespmem:$0x1F000] =	vst v63  }
0x86: {  	_ =	swait.ge [sflag:s14], $0x2000  }
0x87: {  	[sflag:s14] =	ssyncset.done $0x0  }
0x88: {  	s18 =	simm.s32 $0x380;
	[sflag:s14] =	ssyncadd.s32 $0xFFFFE000  }
0x89: {  	[tilespmem:s2], [sflag:$0x3] =	stream.indirect.gather [hbm4b:s26+s9], $0x40, s18, s9, $0xb8;
	[tilespmem:$0x1F000] =	vst v63  }
0x8a: {  	_ =	swait.ge [sflag:s15], $0x2000  }
0x8b: {  	[sflag:s15] =	ssyncset.done $0x0  }
0x8c: {  	s19 =	simm.s32 $0x400;
	[sflag:s15] =	ssyncadd.s32 $0xFFFFE000  }
0x8d: {  	[tilespmem:s3], [sflag:$0x4] =	stream.indirect.gather [hbm4b:s26+s9], $0x40, s19, s9, $0xb8;
	[tilespmem:$0x1F000] =	vst v63  }
0x8e: {  	_ =	swait.ge [sflag:s28], $0x2000  }
0x8f: {  	[sflag:s28] =	ssyncset.done $0x0  }
0x90: {  	s17 =	simm.s32 $0xA00;
	s18 =	simm.s32 $0x480;
	[sflag:s28] =	ssyncadd.s32 $0xFFFFE000  }
.LBB2_4:
0x91: {  	[tilespmem:s4], [sflag:$0x5] =	stream.indirect.gather [hbm4b:s26+s9], $0x40, s18, s9, $0xb8;
	[tilespmem:$0x1F000] =	vst v63  }
0x92: {  	s18 =	smov.u32 s17  }
0x93: {  	p0 =	sne.s32 s17, $0x12C00;
	s17 =	sadd.s32 $0xA00, s17;
	_ =	swait.ge [sflag:s5], $0x2000  }
0x94: {  	s18 =	sshra.s32 s18, $0x2;
	[sflag:s5] =	ssyncset.done $0x0  }
0x95: {  	s19 =	sadd.s32 $0x5000, s18;
	[sflag:s5] =	ssyncadd.s32 $0xFFFFE000  }
0x96: {  	[spmem:s11] =	stream.indirect.scatter.add.f32 [tilespmem:s0], [sflag:$0x6], $0x40, s19, s9, $0xb8;
	[tilespmem:$0x1F000] =	vst v63  }
0x97: {  	_ =	swait.ge [sflag:s6], $0x2000  }
0x98: {  	[sflag:s6] =	ssyncset.done $0x0  }
0x99: {  	s19 =	sadd.s32 $0x5080, s18;
	[sflag:s6] =	ssyncadd.s32 $0xFFFFE000  }
0x9a: {  	[spmem:s11] =	stream.indirect.scatter.add.f32 [tilespmem:s30], [sflag:$0x7], $0x40, s19, s9, $0xb8;
	[tilespmem:$0x1F000] =	vst v63  }
0x9b: {  	_ =	swait.ge [sflag:s7], $0x2000  }
0x9c: {  	[sflag:s7] =	ssyncset.done $0x0  }
0x9d: {  	s19 =	sadd.s32 $0x5100, s18;
	[sflag:s7] =	ssyncadd.s32 $0xFFFFE000  }
0x9e: {  	[spmem:s11] =	stream.indirect.scatter.add.f32 [tilespmem:s2], [sflag:$0x8], $0x40, s19, s9, $0xb8;
	[tilespmem:$0x1F000] =	vst v63  }
0x9f: {  	_ =	swait.ge [sflag:s8], $0x2000  }
0xa0: {  	[sflag:s8] =	ssyncset.done $0x0  }
0xa1: {  	s19 =	sadd.s32 $0x5180, s18;
	[sflag:s8] =	ssyncadd.s32 $0xFFFFE000  }
0xa2: {  	[spmem:s11] =	stream.indirect.scatter.add.f32 [tilespmem:s3], [sflag:$0x9], $0x40, s19, s9, $0xb8;
	[tilespmem:$0x1F000] =	vst v63  }
0xa3: {  	_ =	swait.ge [sflag:s10], $0x2000  }
0xa4: {  	[sflag:s10] =	ssyncset.done $0x0  }
0xa5: {  	s19 =	sadd.s32 $0x5200, s18;
	[sflag:s10] =	ssyncadd.s32 $0xFFFFE000  }
0xa6: {  	[spmem:s11] =	stream.indirect.scatter.add.f32 [tilespmem:s4], [sflag:$0xA], $0x40, s19, s9, $0xb8;
	[tilespmem:$0x1F000] =	vst v63  }
0xa7: {  	_ =	swait.ge [sflag:s12], $0x2000  }
0xa8: {  	[sflag:s12] =	ssyncset.done $0x0  }
0xa9: {  	s19 =	sadd.s32 $0x280, s18;
	[sflag:s12] =	ssyncadd.s32 $0xFFFFE000  }
0xaa: {  	[tilespmem:s0], [sflag:$0x1] =	stream.indirect.gather [hbm4b:s26+s9], $0x40, s19, s9, $0xb8;
	[tilespmem:$0x1F000] =	vst v63  }
0xab: {  	_ =	swait.ge [sflag:s13], $0x2000  }
0xac: {  	[sflag:s13] =	ssyncset.done $0x0  }
0xad: {  	s19 =	sadd.s32 $0x300, s18;
	[sflag:s13] =	ssyncadd.s32 $0xFFFFE000  }
0xae: {  	[tilespmem:s30], [sflag:$0x2] =	stream.indirect.gather [hbm4b:s26+s9], $0x40, s19, s9, $0xb8;
	[tilespmem:$0x1F000] =	vst v63  }
0xaf: {  	_ =	swait.ge [sflag:s14], $0x2000  }
0xb0: {  	[sflag:s14] =	ssyncset.done $0x0  }
0xb1: {  	s19 =	sadd.s32 $0x380, s18;
	[sflag:s14] =	ssyncadd.s32 $0xFFFFE000  }
0xb2: {  	[tilespmem:s2], [sflag:$0x3] =	stream.indirect.gather [hbm4b:s26+s9], $0x40, s19, s9, $0xb8;
	[tilespmem:$0x1F000] =	vst v63  }
0xb3: {  	_ =	swait.ge [sflag:s15], $0x2000  }
0xb4: {  	[sflag:s15] =	ssyncset.done $0x0  }
.Ltmp1:
0xb5: {  	s19 =	sadd.s32 $0x400, s18;
	[sflag:s15] =	ssyncadd.s32 $0xFFFFE000;
	(pc) =	sbr.rel @p0 .LBB2_4-.Ltmp1, $4  }
0xb6: {  	[tilespmem:s3], [sflag:$0x4] =	stream.indirect.gather [hbm4b:s26+s9], $0x40, s19, s9, $0xb8;
	[tilespmem:$0x1F000] =	vst v63  }
0xb7: {  	_ =	swait.ge [sflag:s28], $0x2000  }
0xb8: {  	[sflag:s28] =	ssyncset.done $0x0  }
0xb9: {  	s18 =	sadd.s32 $0x480, s18;
	[sflag:s28] =	ssyncadd.s32 $0xFFFFE000  }
0xba: {  	[tilespmem:s4], [sflag:$0x5] =	stream.indirect.gather [hbm4b:s26+s9], $0x40, s18, s9, $0xb8;
	[tilespmem:$0x1F000] =	vst v63  }
0xbb: {  	_ =	swait.ge [sflag:s5], $0x2000  }
0xbc: {  	[sflag:s5] =	ssyncset.done $0x0  }
0xbd: {  	s17 =	simm.s32 $0x9D80;
	[sflag:s5] =	ssyncadd.s32 $0xFFFFE000  }
0xbe: {  	[spmem:s11] =	stream.indirect.scatter.add.f32 [tilespmem:s0], [sflag:$0x6], $0x40, s17, s9, $0xb8;
	[tilespmem:$0x1F000] =	vst v63  }
0xbf: {  	_ =	swait.ge [sflag:s6], $0x2000  }
0xc0: {  	[sflag:s6] =	ssyncset.done $0x0  }
0xc1: {  	s19 =	simm.s32 $0x9E00;
	[sflag:s6] =	ssyncadd.s32 $0xFFFFE000  }
0xc2: {  	[spmem:s11] =	stream.indirect.scatter.add.f32 [tilespmem:s30], [sflag:$0x7], $0x40, s19, s9, $0xb8;
	[tilespmem:$0x1F000] =	vst v63  }
0xc3: {  	_ =	swait.ge [sflag:s7], $0x2000  }
0xc4: {  	[sflag:s7] =	ssyncset.done $0x0  }
0xc5: {  	s18 =	simm.s32 $0x9E80;
	[sflag:s7] =	ssyncadd.s32 $0xFFFFE000  }
0xc6: {  	[spmem:s11] =	stream.indirect.scatter.add.f32 [tilespmem:s2], [sflag:$0x8], $0x40, s18, s9, $0xb8;
	[tilespmem:$0x1F000] =	vst v63  }
0xc7: {  	_ =	swait.ge [sflag:s8], $0x2000  }
0xc8: {  	[sflag:s8] =	ssyncset.done $0x0  }
0xc9: {  	s19 =	simm.s32 $0x9F00;
	[sflag:s8] =	ssyncadd.s32 $0xFFFFE000  }
0xca: {  	[spmem:s11] =	stream.indirect.scatter.add.f32 [tilespmem:s3], [sflag:$0x9], $0x40, s19, s9, $0xb8;
	[tilespmem:$0x1F000] =	vst v63  }
0xcb: {  	_ =	swait.ge [sflag:s10], $0x2000  }
0xcc: {  	[sflag:s10] =	ssyncset.done $0x0  }
0xcd: {  	s18 =	simm.s32 $0x9F80;
	[sflag:s10] =	ssyncadd.s32 $0xFFFFE000  }
0xce: {  	[spmem:s11] =	stream.indirect.scatter.add.f32 [tilespmem:s4], [sflag:$0xA], $0x40, s18, s9, $0xb8;
	[tilespmem:$0x1F000] =	vst v63  }
0xcf: {  	_ =	swait.ge [sflag:s12], $0x2000  }
0xd0: {  	[sflag:s12] =	ssyncset.done $0x0  }
0xd1: {  	[sflag:s12] =	ssyncadd.s32 $0xFFFFE000  }
0xd2: {  	_ =	swait.ge [sflag:s13], $0x2000  }
0xd3: {  	[sflag:s13] =	ssyncset.done $0x0  }
0xd4: {  	[sflag:s13] =	ssyncadd.s32 $0xFFFFE000  }
0xd5: {  	_ =	swait.ge [sflag:s14], $0x2000  }
0xd6: {  	[sflag:s14] =	ssyncset.done $0x0  }
0xd7: {  	[sflag:s14] =	ssyncadd.s32 $0xFFFFE000  }
0xd8: {  	_ =	swait.ge [sflag:s15], $0x2000  }
0xd9: {  	[sflag:s15] =	ssyncset.done $0x0  }
0xda: {  	[sflag:s15] =	ssyncadd.s32 $0xFFFFE000  }
0xdb: {  	_ =	swait.ge [sflag:s28], $0x2000  }
0xdc: {  	[sflag:s28] =	ssyncset.done $0x0  }
0xdd: {  	[sflag:s28] =	ssyncadd.s32 $0xFFFFE000  }
0xde: {  	[bflag:$0x0] =	sbarrier.arrive $0xFFFF  }
0xdf: {  	s19 =	rddreg [dreg:$0xf]  }
0xe0: {  	[tilespmem:s31], [sflag:$0xB] =	stream.linear.gather [spmem:s19], $0x1000, $0x38;
	[tilespmem:$0x1F000] =	vst v63  }
0xe1: {  	_ =	swait.ge [sflag:s29], $0x1000  }
0xe2: {  	[sflag:s29] =	ssyncset.done $0x0  }
0xe3: {  	s18 =	rddreg [dreg:$0x3];
	[sflag:s29] =	ssyncadd.s32 $0xFFFFF000  }
0xe4: {  	[hbm4b:s18+s1] =	stream.linear.scatter [tilespmem:s31], [sflag:$0xB], $0x1000, $0x38;
	[tilespmem:$0x1F000] =	vst v63  }
0xe5: {  	_ =	swait.ge [sflag:s29], $0x1000  }
0xe6: {  	[sflag:s29] =	ssyncset.done $0x0  }
0xe7: {  	s19 =	rddreg [dreg:$0x10];
	[sflag:s29] =	ssyncadd.s32 $0xFFFFF000  }
0xe8: {  	[tilespmem:s31], [sflag:$0xB] =	stream.linear.gather [spmem:s19], $0x1000, $0x38;
	[tilespmem:$0x1F000] =	vst v63  }
0xe9: {  	_ =	swait.ge [sflag:s29], $0x1000  }
0xea: {  	[sflag:s29] =	ssyncset.done $0x0  }
0xeb: {  	s18 =	rddreg [dreg:$0x4];
	[sflag:s29] =	ssyncadd.s32 $0xFFFFF000  }
0xec: {  	[hbm4b:s18+s1] =	stream.linear.scatter [tilespmem:s31], [sflag:$0xB], $0x1000, $0x38;
	[tilespmem:$0x1F000] =	vst v63  }
0xed: {  	_ =	swait.ge [sflag:s29], $0x1000  }
0xee: {  	[sflag:s29] =	ssyncset.done $0x0  }
0xef: {  	s19 =	rddreg [dreg:$0x11];
	[sflag:s29] =	ssyncadd.s32 $0xFFFFF000  }
0xf0: {  	[tilespmem:s31], [sflag:$0xB] =	stream.linear.gather [spmem:s19], $0x1000, $0x38;
	[tilespmem:$0x1F000] =	vst v63  }
0xf1: {  	_ =	swait.ge [sflag:s29], $0x1000  }
0xf2: {  	[sflag:s29] =	ssyncset.done $0x0  }
0xf3: {  	s18 =	rddreg [dreg:$0x5];
	[sflag:s29] =	ssyncadd.s32 $0xFFFFF000  }
0xf4: {  	[hbm4b:s18+s1] =	stream.linear.scatter [tilespmem:s31], [sflag:$0xB], $0x1000, $0x38;
	[tilespmem:$0x1F000] =	vst v63  }
0xf5: {  	_ =	swait.ge [sflag:s29], $0x1000  }
0xf6: {  	[sflag:s29] =	ssyncset.done $0x0  }
0xf7: {  	s19 =	rddreg [dreg:$0x12];
	[sflag:s29] =	ssyncadd.s32 $0xFFFFF000  }
0xf8: {  	[tilespmem:s31], [sflag:$0xB] =	stream.linear.gather [spmem:s19], $0x1000, $0x38;
	[tilespmem:$0x1F000] =	vst v63  }
0xf9: {  	_ =	swait.ge [sflag:s29], $0x1000  }
0xfa: {  	[sflag:s29] =	ssyncset.done $0x0  }
0xfb: {  	s18 =	rddreg [dreg:$0x6];
	[sflag:s29] =	ssyncadd.s32 $0xFFFFF000  }
0xfc: {  	[hbm4b:s18+s1] =	stream.linear.scatter [tilespmem:s31], [sflag:$0xB], $0x1000, $0x38;
	[tilespmem:$0x1F000] =	vst v63  }
0xfd: {  	_ =	swait.ge [sflag:s29], $0x1000  }
0xfe: {  	[sflag:s29] =	ssyncset.done $0x0  }
0xff: {  	[sflag:s29] =	ssyncadd.s32 $0xFFFFF000  }
0x100: {  	[tilespmem:s31], [sflag:$0xB] =	stream.linear.gather [spmem:s20], $0x1000, $0x38;
	[tilespmem:$0x1F000] =	vst v63  }
0x101: {  	_ =	swait.ge [sflag:s29], $0x1000  }
0x102: {  	[sflag:s29] =	ssyncset.done $0x0  }
0x103: {  	s19 =	rddreg [dreg:$0x7];
	[sflag:s29] =	ssyncadd.s32 $0xFFFFF000  }
0x104: {  	[hbm4b:s19+s1] =	stream.linear.scatter [tilespmem:s31], [sflag:$0xB], $0x1000, $0x38;
	[tilespmem:$0x1F000] =	vst v63  }
0x105: {  	_ =	swait.ge [sflag:s29], $0x1000  }
0x106: {  	[sflag:s29] =	ssyncset.done $0x0  }
0x107: {  	[sflag:s29] =	ssyncadd.s32 $0xFFFFF000  }
0x108: {  	[tilespmem:s31], [sflag:$0xB] =	stream.linear.gather [spmem:s21], $0x1000, $0x38;
	[tilespmem:$0x1F000] =	vst v63  }
0x109: {  	_ =	swait.ge [sflag:s29], $0x1000  }
0x10a: {  	[sflag:s29] =	ssyncset.done $0x0  }
0x10b: {  	s18 =	rddreg [dreg:$0x8];
	[sflag:s29] =	ssyncadd.s32 $0xFFFFF000  }
0x10c: {  	[hbm4b:s18+s1] =	stream.linear.scatter [tilespmem:s31], [sflag:$0xB], $0x1000, $0x38;
	[tilespmem:$0x1F000] =	vst v63  }
0x10d: {  	_ =	swait.ge [sflag:s29], $0x1000  }
0x10e: {  	[sflag:s29] =	ssyncset.done $0x0  }
0x10f: {  	[sflag:s29] =	ssyncadd.s32 $0xFFFFF000  }
0x110: {  	[tilespmem:s31], [sflag:$0xB] =	stream.linear.gather [spmem:s22], $0x1000, $0x38;
	[tilespmem:$0x1F000] =	vst v63  }
0x111: {  	_ =	swait.ge [sflag:s29], $0x1000  }
0x112: {  	[sflag:s29] =	ssyncset.done $0x0  }
0x113: {  	s19 =	rddreg [dreg:$0x9];
	[sflag:s29] =	ssyncadd.s32 $0xFFFFF000  }
0x114: {  	[hbm4b:s19+s1] =	stream.linear.scatter [tilespmem:s31], [sflag:$0xB], $0x1000, $0x38;
	[tilespmem:$0x1F000] =	vst v63  }
0x115: {  	_ =	swait.ge [sflag:s29], $0x1000  }
0x116: {  	[sflag:s29] =	ssyncset.done $0x0  }
0x117: {  	[sflag:s29] =	ssyncadd.s32 $0xFFFFF000  }
0x118: {  	[tilespmem:s31], [sflag:$0xB] =	stream.linear.gather [spmem:s23], $0x1000, $0x38;
	[tilespmem:$0x1F000] =	vst v63  }
0x119: {  	_ =	swait.ge [sflag:s29], $0x1000  }
0x11a: {  	[sflag:s29] =	ssyncset.done $0x0  }
0x11b: {  	s18 =	rddreg [dreg:$0xa];
	[sflag:s29] =	ssyncadd.s32 $0xFFFFF000  }
0x11c: {  	[hbm4b:s18+s1] =	stream.linear.scatter [tilespmem:s31], [sflag:$0xB], $0x1000, $0x38;
	[tilespmem:$0x1F000] =	vst v63  }
0x11d: {  	_ =	swait.ge [sflag:s29], $0x1000  }
0x11e: {  	[sflag:s29] =	ssyncset.done $0x0  }
0x11f: {  	[sflag:s29] =	ssyncadd.s32 $0xFFFFF000  }
0x120: {  	[tilespmem:s31], [sflag:$0xB] =	stream.linear.gather [spmem:s24], $0x1000, $0x38;
	[tilespmem:$0x1F000] =	vst v63  }
0x121: {  	_ =	swait.ge [sflag:s29], $0x1000  }
0x122: {  	[sflag:s29] =	ssyncset.done $0x0  }
0x123: {  	s19 =	rddreg [dreg:$0xb];
	[sflag:s29] =	ssyncadd.s32 $0xFFFFF000  }
0x124: {  	[hbm4b:s19+s1] =	stream.linear.scatter [tilespmem:s31], [sflag:$0xB], $0x1000, $0x38;
	[tilespmem:$0x1F000] =	vst v63  }
0x125: {  	_ =	swait.ge [sflag:s29], $0x1000  }
0x126: {  	[sflag:s29] =	ssyncset.done $0x0  }
0x127: {  	[sflag:s29] =	ssyncadd.s32 $0xFFFFF000  }
0x128: {  	[tilespmem:s31], [sflag:$0xB] =	stream.linear.gather [spmem:s25], $0x1000, $0x38;
	[tilespmem:$0x1F000] =	vst v63  }
0x129: {  	_ =	swait.ge [sflag:s29], $0x1000  }
0x12a: {  	[sflag:s29] =	ssyncset.done $0x0  }
0x12b: {  	s18 =	rddreg [dreg:$0xc];
	[sflag:s29] =	ssyncadd.s32 $0xFFFFF000  }
0x12c: {  	[hbm4b:s18+s1] =	stream.linear.scatter [tilespmem:s31], [sflag:$0xB], $0x1000, $0x38;
	[tilespmem:$0x1F000] =	vst v63  }
0x12d: {  	_ =	swait.ge [sflag:s29], $0x1000  }
0x12e: {  	s16 =	sadd.s32 $0x1, s16;
	s19 =	rddreg [dreg:$0x13]  }
0x12f: {  	p0 =	sne.s32 s16, s19  }
.Ltmp2:
0x130: {  	_ = 	snop;
	(pc) =	sbr.rel @p0 .LBB2_1-.Ltmp2, $3  }
0x131: {  	_ =	sdelay $0x1  }
0x132: {  	[sflag:s29] =	ssyncset.done $0x0  }
0x133: {  	[sflag:s29] =	ssyncadd.s32 $0xFFFFF000  }
0x134: {  	_ =	sfence.sel $0x180000  }
0x135: {  	[bflag:$0x0] =	sbarrier.arrive $0xFFFF  }
0x136: {  	_ =	strace $0x9000004D  }
0x137: {  	s0 =	stileid.u32;
	[bflag:$0x2] =	sbarrier.arrive $0xFFFF  }
0x138: {  	p0 =	sne.s32 s0, $0x0;
	s0 =	rddreg [dreg:$0x2]  }
0x139: {  	s0 =	sadd.s32 @!p0 $0x100000, s0  }
0x13a: {  	[sflag:s0] =	ssyncadd.tile.s32 @!p0 $0x1;
	_ =	shalt  }
.Lfunc_end2:
_tile_overlayer_lowered:
.L_overlay_start_2:
0x13b: {  	(tag) =	ssettag $0x2  }
0x13c: {  	s0 =	rddreg [dreg:$0x0];
	s2 =	stileid.u32  }
0x13d: {  	s1 =	rddreg [dreg:$0x1];
	p0 =	sne.s32 s2, $0x0  }
0x13e: {  	s3 =	rddreg [dreg:$0x2];
	[bflag:$0x3] =	sbarrier.arrive $0xFFFF;
	s2 =	simm.s32 @!p0 $0x1C0B  }
0x13f: {  	[timem:s3], [sflag:s2] =	dma.local @!p0 [hbm:s0], s1  }
0x140: {  	s0 =	simm.s32 @!p0 $0xB  }
0x141: {  	_ =	swait.ge @!p0 [sflag:s0], s1  }
0x142: {  	s1 =	ssub.s32 @!p0 $0x0, s1;
	[sflag:s0] =	ssyncset.done @!p0 $0x0  }
0x143: {  	[sflag:s0] =	ssyncadd.s32 @!p0 s1  }
0x144: {  	[bflag:$0x3] =	sbarrier.arrive $0xFFFF  }
0x145: {  	_ =	shalt  }

</sc_bundles>
